<compile_context>
chip_gen: v7x
topology: tpu7x:2x2x1
jax: 0.10.2.dev20260603
libtpu: 0.0.44.dev20260713+nightly
codegen_flags: <defaults>
</compile_context>

<pallas_src>
import functools

import jax
import jax.numpy as jnp
from jax import lax
from jax.experimental import pallas as pl
from jax.experimental.pallas import tpu as pltpu
from jax.experimental.pallas import tpu_sc as plsc

_B = 65536
_F = 768

_NUM_CORES = 2
_NUM_SUBCORES = 16
_NW = _NUM_CORES * _NUM_SUBCORES
_RCHUNK = 32


def _sc_body(nchunks, l_hbm, r_hbm, o_hbm,
             l0, l1, r0, r1,
             in_l0, in_l1, in_r0, in_r1, out0, out1):
    span = nchunks * _RCHUNK
    wid = lax.axis_index("s") * _NUM_CORES + lax.axis_index("c")
    base = wid * span

    lbuf = (l0, l1)
    rbuf = (r0, r1)
    in_l = (in_l0, in_l1)
    in_r = (in_r0, in_r1)
    out = (out0, out1)

    def l_slice(c):
        return l_hbm.at[pl.ds(base + c * _RCHUNK, _RCHUNK), :]

    def r_slice(c):
        return r_hbm.at[pl.ds(base + c * _RCHUNK, _RCHUNK), :]

    def o_slice(c):
        return o_hbm.at[pl.ds(base + c * _RCHUNK, _RCHUNK), :]

    pltpu.async_copy(l_slice(0), lbuf[0], in_l[0])
    for b in range(2):
        pltpu.async_copy(r_slice(b), rbuf[b], in_r[b])

    @pl.loop(0, nchunks, step=2)
    def _ring(g):
        for b in range(2):
            c = g + b

            @pl.when(c >= 1)
            def _():
                pltpu.make_async_copy(
                    lbuf[1 - b], o_slice(c - 1), out[1 - b]).wait()

            @pl.when(c + 1 < nchunks)
            def _():
                pltpu.async_copy(l_slice(c + 1), lbuf[1 - b], in_l[1 - b])

            pltpu.make_async_copy(l_slice(c), lbuf[b], in_l[b]).wait()
            pltpu.make_async_copy(r_slice(c), rbuf[b], in_r[b]).wait()

            for r in range(_RCHUNK):
                @plsc.parallel_loop(0, _F, step=16, unroll=8)
                def _mul(j):
                    lbuf[b][r, pl.ds(j, 16)] = (
                        lbuf[b][r, pl.ds(j, 16)] * rbuf[b][r, pl.ds(j, 16)]
                    )

            pltpu.async_copy(lbuf[b], o_slice(c), out[b])

            @pl.when(c + 2 < nchunks)
            def _():
                pltpu.async_copy(r_slice(c + 2), rbuf[b], in_r[b])

    pltpu.make_async_copy(lbuf[1], o_slice(nchunks - 1), out[1]).wait()


@functools.cache
def _make_sc_mul(n_rows):
    nchunks = n_rows // (_NW * _RCHUNK)
    assert nchunks * _NW * _RCHUNK == n_rows and nchunks % 2 == 0

    @functools.partial(
        pl.kernel,
        out_type=jax.ShapeDtypeStruct((n_rows, _F), jnp.float32),
        mesh=plsc.VectorSubcoreMesh(core_axis_name="c", subcore_axis_name="s"),
        scratch_types=(
            [pltpu.VMEM((_RCHUNK, _F), jnp.float32)] * 4
            + [pltpu.SemaphoreType.DMA] * 6
        ),
    )
    def sc_mul(l_hbm, r_hbm, o_hbm, *scratch):
        _sc_body(nchunks, l_hbm, r_hbm, o_hbm, *scratch)

    return sc_mul


def kernel(left_input, right_input):
    return _make_sc_mul(_B)(left_input, right_input)

# --- scband reference (transcript-rebuilt; emitter-appended) ---
"""Pipeline reference for scband-white-mul-28406913696449 (READ-ONLY COPY).

The authoritative reference and input builder live on the scoring server;
editing this copy changes nothing except your own understanding.
"""

import jax, jax.numpy as jnp
import numpy as np

B = 65536
IN_FEATURES = 768

def setup_inputs(seed: int = 0) -> dict:
    key = jax.random.key(seed)
    k1, k2 = jax.random.split(key)
    left_input = jax.random.normal(k1, (B, IN_FEATURES), dtype=jnp.float32)
    right_input = jax.random.normal(k2, (B, IN_FEATURES), dtype=jnp.float32)
    return {"left_input": left_input, "right_input": right_input}

def reference(left_input, right_input):
    # Faithful translation of WhiteMul._normal_forward (Forward_Mode.normal):
    # out = left_input * right_input (elementwise)
    out = left_input * right_input
    return out

if __name__ == "__main__":
    import jax
    _d = setup_inputs()
    print(jax.jit(kernel)(*tuple(_d.values())))

</pallas_src>

<mosaic_0001>
#map = affine_map<(d0, d1) -> (0, 0)>
module attributes {stable_mosaic.version = 14 : i64} {
  func.func @sc_mul(%arg0: i32, %arg1: i32, %arg2: memref<65536x768xf32, #tpu.memory_space<hbm>>, %arg3: memref<65536x768xf32, #tpu.memory_space<hbm>>, %arg4: memref<65536x768xf32, #tpu.memory_space<hbm>>, %arg5: memref<32x768xf32, #tpu.memory_space<vmem>>, %arg6: memref<32x768xf32, #tpu.memory_space<vmem>>, %arg7: memref<32x768xf32, #tpu.memory_space<vmem>>, %arg8: memref<32x768xf32, #tpu.memory_space<vmem>>, %arg9: memref<!tpu.dma_semaphore, #tpu.memory_space<semaphore_mem>>, %arg10: memref<!tpu.dma_semaphore, #tpu.memory_space<semaphore_mem>>, %arg11: memref<!tpu.dma_semaphore, #tpu.memory_space<semaphore_mem>>, %arg12: memref<!tpu.dma_semaphore, #tpu.memory_space<semaphore_mem>>, %arg13: memref<!tpu.dma_semaphore, #tpu.memory_space<semaphore_mem>>, %arg14: memref<!tpu.dma_semaphore, #tpu.memory_space<semaphore_mem>>) attributes {dimension_semantics = [#tpu.dimension_semantics<core_parallel>, #tpu.dimension_semantics<subcore_parallel>], iteration_bounds = array<i64: 2, 16>, scalar_prefetch = 0 : i64, scratch_operands = 10 : i64, tpu.core_type = #tpu.core_type<sc_vector_subcore>, window_params = [{transform_indices = #map}, {transform_indices = #map}, {transform_indices = #map}]} {
    %mul3A = arith.constant 2 : i32
    %mul3A_0 = arith.muli %arg1, %mul3A : i32
    %add3A = arith.addi %mul3A_0, %arg0 : i32
    %mul3A_1 = arith.constant 2048 : i32
    %mul3A_2 = arith.muli %add3A, %mul3A_1 : i32
    %add3A_3 = arith.constant 0 : i32
    %add3A_4 = arith.addi %mul3A_2, %add3A_3 : i32
    %dma_start3A = arith.constant 0 : i32
    %dma_start3A_5 = tpu.memref_slice %arg2[%add3A_4, %dma_start3A] : memref<65536x768xf32, #tpu.memory_space<hbm>> -> memref<32x768xf32, #tpu.memory_space<hbm>>
    %dma_start3A_6 = arith.constant 0 : i32
    %dma_start3A_7 = tpu.memref_slice %arg2[%add3A_4, %dma_start3A_6] : memref<65536x768xf32, #tpu.memory_space<hbm>> -> memref<32x768xf32, #tpu.memory_space<hbm>>
    tpu.enqueue_dma source(%dma_start3A_7 : memref<32x768xf32, #tpu.memory_space<hbm>>) target(%arg5 : memref<32x768xf32, #tpu.memory_space<vmem>>) target_semaphore(%arg9 : memref<!tpu.dma_semaphore, #tpu.memory_space<semaphore_mem>>)
    %add3A_8 = arith.constant 0 : i32
    %add3A_9 = arith.addi %mul3A_2, %add3A_8 : i32
    %dma_start3A_10 = arith.constant 0 : i32
    %dma_start3A_11 = tpu.memref_slice %arg3[%add3A_9, %dma_start3A_10] : memref<65536x768xf32, #tpu.memory_space<hbm>> -> memref<32x768xf32, #tpu.memory_space<hbm>>
    %dma_start3A_12 = arith.constant 0 : i32
    %dma_start3A_13 = tpu.memref_slice %arg3[%add3A_9, %dma_start3A_12] : memref<65536x768xf32, #tpu.memory_space<hbm>> -> memref<32x768xf32, #tpu.memory_space<hbm>>
    tpu.enqueue_dma source(%dma_start3A_13 : memref<32x768xf32, #tpu.memory_space<hbm>>) target(%arg7 : memref<32x768xf32, #tpu.memory_space<vmem>>) target_semaphore(%arg11 : memref<!tpu.dma_semaphore, #tpu.memory_space<semaphore_mem>>)
    %add3A_14 = arith.constant 32 : i32
    %add3A_15 = arith.addi %mul3A_2, %add3A_14 : i32
    %dma_start3A_16 = arith.constant 0 : i32
    %dma_start3A_17 = tpu.memref_slice %arg3[%add3A_15, %dma_start3A_16] : memref<65536x768xf32, #tpu.memory_space<hbm>> -> memref<32x768xf32, #tpu.memory_space<hbm>>
    %dma_start3A_18 = arith.constant 0 : i32
    %dma_start3A_19 = tpu.memref_slice %arg3[%add3A_15, %dma_start3A_18] : memref<65536x768xf32, #tpu.memory_space<hbm>> -> memref<32x768xf32, #tpu.memory_space<hbm>>
    tpu.enqueue_dma source(%dma_start3A_19 : memref<32x768xf32, #tpu.memory_space<hbm>>) target(%arg8 : memref<32x768xf32, #tpu.memory_space<vmem>>) target_semaphore(%arg12 : memref<!tpu.dma_semaphore, #tpu.memory_space<semaphore_mem>>)
    %scan3A = arith.constant 0 : i32
    %scan3A_20 = arith.constant 32 : i32
    %scan3A_21 = arith.addi %scan3A, %scan3A_20 : i32
    %scan3A_22 = arith.constant 1 : i32
    scf.for %scan3A_29 = %scan3A to %scan3A_21 step %scan3A_22  : i32 {
      %mul3A_30 = arith.constant 2 : i32
      %mul3A_31 = arith.muli %scan3A_29, %mul3A_30 : i32
      %add3A_32 = arith.constant 0 : i32
      %add3A_33 = arith.addi %add3A_32, %mul3A_31 : i32
      %add3A_34 = arith.constant 0 : i32
      %add3A_35 = arith.addi %add3A_33, %add3A_34 : i32
      %ge3A = arith.constant 1 : i32
      %ge3A_36 = arith.cmpi sge, %add3A_35, %ge3A : i32
      %convert_element_type3A = arith.extui %ge3A_36 : i1 to i32
      %cond3A = arith.constant 0 : i32
      %cond3A_37 = arith.cmpi ne, %convert_element_type3A, %cond3A : i32
      scf.if %cond3A_37 {
        %sub3A = arith.constant 1 : i32
        %sub3A_305 = arith.subi %add3A_35, %sub3A : i32
        %mul3A_306 = arith.constant 32 : i32
        %mul3A_307 = arith.muli %sub3A_305, %mul3A_306 : i32
        %add3A_308 = arith.addi %mul3A_2, %mul3A_307 : i32
        %dma_wait3A_309 = arith.constant 0 : i32
        %dma_wait3A_310 = tpu.memref_slice %arg4[%add3A_308, %dma_wait3A_309] : memref<65536x768xf32, #tpu.memory_space<hbm>> -> memref<32x768xf32, #tpu.memory_space<hbm>>
        %dma_wait3A_311 = arith.constant 0 : i32
        %dma_wait3A_312 = tpu.memref_slice %arg4[%add3A_308, %dma_wait3A_311] : memref<65536x768xf32, #tpu.memory_space<hbm>> -> memref<32x768xf32, #tpu.memory_space<hbm>>
        tpu.wait_dma2 semaphore(%arg14 : memref<!tpu.dma_semaphore, #tpu.memory_space<semaphore_mem>>) src(%arg6 : memref<32x768xf32, #tpu.memory_space<vmem>>) dst(%dma_wait3A_312 : memref<32x768xf32, #tpu.memory_space<hbm>>)
      } else {
      }
      %add3A_38 = arith.constant 1 : i32
      %add3A_39 = arith.addi %add3A_35, %add3A_38 : i32
      %lt3A = arith.constant 64 : i32
      %lt3A_40 = arith.cmpi slt, %add3A_39, %lt3A : i32
      %convert_element_type3A_41 = arith.extui %lt3A_40 : i1 to i32
      %cond3A_42 = arith.constant 0 : i32
      %cond3A_43 = arith.cmpi ne, %convert_element_type3A_41, %cond3A_42 : i32
      scf.if %cond3A_43 {
        %add3A_305 = arith.constant 1 : i32
        %add3A_306 = arith.addi %add3A_35, %add3A_305 : i32
        %mul3A_307 = arith.constant 32 : i32
        %mul3A_308 = arith.muli %add3A_306, %mul3A_307 : i32
        %add3A_309 = arith.addi %mul3A_2, %mul3A_308 : i32
        %dma_start3A_310 = arith.constant 0 : i32
        %dma_start3A_311 = tpu.memref_slice %arg2[%add3A_309, %dma_start3A_310] : memref<65536x768xf32, #tpu.memory_space<hbm>> -> memref<32x768xf32, #tpu.memory_space<hbm>>
        %dma_start3A_312 = arith.constant 0 : i32
        %dma_start3A_313 = tpu.memref_slice %arg2[%add3A_309, %dma_start3A_312] : memref<65536x768xf32, #tpu.memory_space<hbm>> -> memref<32x768xf32, #tpu.memory_space<hbm>>
        tpu.enqueue_dma source(%dma_start3A_313 : memref<32x768xf32, #tpu.memory_space<hbm>>) target(%arg6 : memref<32x768xf32, #tpu.memory_space<vmem>>) target_semaphore(%arg10 : memref<!tpu.dma_semaphore, #tpu.memory_space<semaphore_mem>>)
      } else {
      }
      %mul3A_44 = arith.constant 32 : i32
      %mul3A_45 = arith.muli %add3A_35, %mul3A_44 : i32
      %add3A_46 = arith.addi %mul3A_2, %mul3A_45 : i32
      %dma_wait3A_47 = arith.constant 0 : i32
      %dma_wait3A_48 = tpu.memref_slice %arg2[%add3A_46, %dma_wait3A_47] : memref<65536x768xf32, #tpu.memory_space<hbm>> -> memref<32x768xf32, #tpu.memory_space<hbm>>
      %dma_wait3A_49 = arith.constant 0 : i32
      %dma_wait3A_50 = tpu.memref_slice %arg2[%add3A_46, %dma_wait3A_49] : memref<65536x768xf32, #tpu.memory_space<hbm>> -> memref<32x768xf32, #tpu.memory_space<hbm>>
      tpu.wait_dma2 semaphore(%arg9 : memref<!tpu.dma_semaphore, #tpu.memory_space<semaphore_mem>>) src(%dma_wait3A_50 : memref<32x768xf32, #tpu.memory_space<hbm>>) dst(%arg5 : memref<32x768xf32, #tpu.memory_space<vmem>>)
      %mul3A_51 = arith.constant 32 : i32
      %mul3A_52 = arith.muli %add3A_35, %mul3A_51 : i32
      %add3A_53 = arith.addi %mul3A_2, %mul3A_52 : i32
      %dma_wait3A_54 = arith.constant 0 : i32
      %dma_wait3A_55 = tpu.memref_slice %arg3[%add3A_53, %dma_wait3A_54] : memref<65536x768xf32, #tpu.memory_space<hbm>> -> memref<32x768xf32, #tpu.memory_space<hbm>>
      %dma_wait3A_56 = arith.constant 0 : i32
      %dma_wait3A_57 = tpu.memref_slice %arg3[%add3A_53, %dma_wait3A_56] : memref<65536x768xf32, #tpu.memory_space<hbm>> -> memref<32x768xf32, #tpu.memory_space<hbm>>
      tpu.wait_dma2 semaphore(%arg11 : memref<!tpu.dma_semaphore, #tpu.memory_space<semaphore_mem>>) src(%dma_wait3A_57 : memref<32x768xf32, #tpu.memory_space<hbm>>) dst(%arg7 : memref<32x768xf32, #tpu.memory_space<vmem>>)
      %parallel_loop3A = arith.constant 0 : i32
      %parallel_loop3A_58 = arith.constant 768 : i32
      %parallel_loop3A_59 = arith.constant 16 : i32
      scf.for %parallel_loop3A_305 = %parallel_loop3A to %parallel_loop3A_58 step %parallel_loop3A_59  : i32 {
        %parallel_loop3A_306 = arith.constant 0 : i32
        %parallel_loop3A_307 = arith.index_cast %parallel_loop3A_306 : i32 to index
        %parallel_loop3A_308 = arith.index_cast %parallel_loop3A_305 : i32 to index
        %parallel_loop3A_309 = tpu.vector_load %arg5[%parallel_loop3A_307, %parallel_loop3A_308] {strides = array<i32>} : memref<32x768xf32, #tpu.memory_space<vmem>>, vector<1x16xf32>,
        %parallel_loop3A_310 = vector.shape_cast %parallel_loop3A_309 : vector<1x16xf32> to vector<16xf32>
        %parallel_loop3A_311 = arith.constant 0 : i32
        %parallel_loop3A_312 = arith.index_cast %parallel_loop3A_311 : i32 to index
        %parallel_loop3A_313 = arith.index_cast %parallel_loop3A_305 : i32 to index
        %parallel_loop3A_314 = tpu.vector_load %arg7[%parallel_loop3A_312, %parallel_loop3A_313] {strides = array<i32>} : memref<32x768xf32, #tpu.memory_space<vmem>>, vector<1x16xf32>,
        %parallel_loop3A_315 = vector.shape_cast %parallel_loop3A_314 : vector<1x16xf32> to vector<16xf32>
        %parallel_loop3A_316 = arith.mulf %parallel_loop3A_310, %parallel_loop3A_315 : vector<16xf32>
        %parallel_loop3A_317 = arith.constant 0 : i32
        %parallel_loop3A_318 = arith.index_cast %parallel_loop3A_317 : i32 to index
        %parallel_loop3A_319 = arith.index_cast %parallel_loop3A_305 : i32 to index
        %parallel_loop3A_320 = tpu.vector_load %arg5[%parallel_loop3A_318, %parallel_loop3A_319] {strides = array<i32>} : memref<32x768xf32, #tpu.memory_space<vmem>>, vector<1x16xf32>,
        %parallel_loop3A_321 = vector.shape_cast %parallel_loop3A_320 : vector<1x16xf32> to vector<16xf32>
        %parallel_loop3A_322 = vector.shape_cast %parallel_loop3A_316 : vector<16xf32> to vector<1x16xf32>
        tpu.vector_store %arg5[%parallel_loop3A_318, %parallel_loop3A_319], %parallel_loop3A_322 {strides = array<i32>} : memref<32x768xf32, #tpu.memory_space<vmem>>, vector<1x16xf32>,
      } {sc.loop_unroll_factor = 8 : i64, sc.parallel_access}
      %parallel_loop3A_60 = arith.constant 0 : i32
      %parallel_loop3A_61 = arith.constant 768 : i32
      %parallel_loop3A_62 = arith.constant 16 : i32
      scf.for %parallel_loop3A_305 = %parallel_loop3A_60 to %parallel_loop3A_61 step %parallel_loop3A_62  : i32 {
        %parallel_loop3A_306 = arith.constant 1 : i32
        %parallel_loop3A_307 = arith.index_cast %parallel_loop3A_306 : i32 to index
        %parallel_loop3A_308 = arith.index_cast %parallel_loop3A_305 : i32 to index
        %parallel_loop3A_309 = tpu.vector_load %arg5[%parallel_loop3A_307, %parallel_loop3A_308] {strides = array<i32>} : memref<32x768xf32, #tpu.memory_space<vmem>>, vector<1x16xf32>,
        %parallel_loop3A_310 = vector.shape_cast %parallel_loop3A_309 : vector<1x16xf32> to vector<16xf32>
        %parallel_loop3A_311 = arith.constant 1 : i32
        %parallel_loop3A_312 = arith.index_cast %parallel_loop3A_311 : i32 to index
        %parallel_loop3A_313 = arith.index_cast %parallel_loop3A_305 : i32 to index
        %parallel_loop3A_314 = tpu.vector_load %arg7[%parallel_loop3A_312, %parallel_loop3A_313] {strides = array<i32>} : memref<32x768xf32, #tpu.memory_space<vmem>>, vector<1x16xf32>,
        %parallel_loop3A_315 = vector.shape_cast %parallel_loop3A_314 : vector<1x16xf32> to vector<16xf32>
        %parallel_loop3A_316 = arith.mulf %parallel_loop3A_310, %parallel_loop3A_315 : vector<16xf32>
        %parallel_loop3A_317 = arith.constant 1 : i32
        %parallel_loop3A_318 = arith.index_cast %parallel_loop3A_317 : i32 to index
        %parallel_loop3A_319 = arith.index_cast %parallel_loop3A_305 : i32 to index
        %parallel_loop3A_320 = tpu.vector_load %arg5[%parallel_loop3A_318, %parallel_loop3A_319] {strides = array<i32>} : memref<32x768xf32, #tpu.memory_space<vmem>>, vector<1x16xf32>,
        %parallel_loop3A_321 = vector.shape_cast %parallel_loop3A_320 : vector<1x16xf32> to vector<16xf32>
        %parallel_loop3A_322 = vector.shape_cast %parallel_loop3A_316 : vector<16xf32> to vector<1x16xf32>
        tpu.vector_store %arg5[%parallel_loop3A_318, %parallel_loop3A_319], %parallel_loop3A_322 {strides = array<i32>} : memref<32x768xf32, #tpu.memory_space<vmem>>, vector<1x16xf32>,
      } {sc.loop_unroll_factor = 8 : i64, sc.parallel_access}
      %parallel_loop3A_63 = arith.constant 0 : i32
      %parallel_loop3A_64 = arith.constant 768 : i32
      %parallel_loop3A_65 = arith.constant 16 : i32
      scf.for %parallel_loop3A_305 = %parallel_loop3A_63 to %parallel_loop3A_64 step %parallel_loop3A_65  : i32 {
        %parallel_loop3A_306 = arith.constant 2 : i32
        %parallel_loop3A_307 = arith.index_cast %parallel_loop3A_306 : i32 to index
        %parallel_loop3A_308 = arith.index_cast %parallel_loop3A_305 : i32 to index
        %parallel_loop3A_309 = tpu.vector_load %arg5[%parallel_loop3A_307, %parallel_loop3A_308] {strides = array<i32>} : memref<32x768xf32, #tpu.memory_space<vmem>>, vector<1x16xf32>,
        %parallel_loop3A_310 = vector.shape_cast %parallel_loop3A_309 : vector<1x16xf32> to vector<16xf32>
        %parallel_loop3A_311 = arith.constant 2 : i32
        %parallel_loop3A_312 = arith.index_cast %parallel_loop3A_311 : i32 to index
        %parallel_loop3A_313 = arith.index_cast %parallel_loop3A_305 : i32 to index
        %parallel_loop3A_314 = tpu.vector_load %arg7[%parallel_loop3A_312, %parallel_loop3A_313] {strides = array<i32>} : memref<32x768xf32, #tpu.memory_space<vmem>>, vector<1x16xf32>,
        %parallel_loop3A_315 = vector.shape_cast %parallel_loop3A_314 : vector<1x16xf32> to vector<16xf32>
        %parallel_loop3A_316 = arith.mulf %parallel_loop3A_310, %parallel_loop3A_315 : vector<16xf32>
        %parallel_loop3A_317 = arith.constant 2 : i32
        %parallel_loop3A_318 = arith.index_cast %parallel_loop3A_317 : i32 to index
        %parallel_loop3A_319 = arith.index_cast %parallel_loop3A_305 : i32 to index
        %parallel_loop3A_320 = tpu.vector_load %arg5[%parallel_loop3A_318, %parallel_loop3A_319] {strides = array<i32>} : memref<32x768xf32, #tpu.memory_space<vmem>>, vector<1x16xf32>,
        %parallel_loop3A_321 = vector.shape_cast %parallel_loop3A_320 : vector<1x16xf32> to vector<16xf32>
        %parallel_loop3A_322 = vector.shape_cast %parallel_loop3A_316 : vector<16xf32> to vector<1x16xf32>
        tpu.vector_store %arg5[%parallel_loop3A_318, %parallel_loop3A_319], %parallel_loop3A_322 {strides = array<i32>} : memref<32x768xf32, #tpu.memory_space<vmem>>, vector<1x16xf32>,
      } {sc.loop_unroll_factor = 8 : i64, sc.parallel_access}
      %parallel_loop3A_66 = arith.constant 0 : i32
      %parallel_loop3A_67 = arith.constant 768 : i32
      %parallel_loop3A_68 = arith.constant 16 : i32
      scf.for %parallel_loop3A_305 = %parallel_loop3A_66 to %parallel_loop3A_67 step %parallel_loop3A_68  : i32 {
        %parallel_loop3A_306 = arith.constant 3 : i32
        %parallel_loop3A_307 = arith.index_cast %parallel_loop3A_306 : i32 to index
        %parallel_loop3A_308 = arith.index_cast %parallel_loop3A_305 : i32 to index
        %parallel_loop3A_309 = tpu.vector_load %arg5[%parallel_loop3A_307, %parallel_loop3A_308] {strides = array<i32>} : memref<32x768xf32, #tpu.memory_space<vmem>>, vector<1x16xf32>,
        %parallel_loop3A_310 = vector.shape_cast %parallel_loop3A_309 : vector<1x16xf32> to vector<16xf32>
        %parallel_loop3A_311 = arith.constant 3 : i32
        %parallel_loop3A_312 = arith.index_cast %parallel_loop3A_311 : i32 to index
        %parallel_loop3A_313 = arith.index_cast %parallel_loop3A_305 : i32 to index
        %parallel_loop3A_314 = tpu.vector_load %arg7[%parallel_loop3A_312, %parallel_loop3A_313] {strides = array<i32>} : memref<32x768xf32, #tpu.memory_space<vmem>>, vector<1x16xf32>,
        %parallel_loop3A_315 = vector.shape_cast %parallel_loop3A_314 : vector<1x16xf32> to vector<16xf32>
        %parallel_loop3A_316 = arith.mulf %parallel_loop3A_310, %parallel_loop3A_315 : vector<16xf32>
        %parallel_loop3A_317 = arith.constant 3 : i32
        %parallel_loop3A_318 = arith.index_cast %parallel_loop3A_317 : i32 to index
        %parallel_loop3A_319 = arith.index_cast %parallel_loop3A_305 : i32 to index
        %parallel_loop3A_320 = tpu.vector_load %arg5[%parallel_loop3A_318, %parallel_loop3A_319] {strides = array<i32>} : memref<32x768xf32, #tpu.memory_space<vmem>>, vector<1x16xf32>,
        %parallel_loop3A_321 = vector.shape_cast %parallel_loop3A_320 : vector<1x16xf32> to vector<16xf32>
        %parallel_loop3A_322 = vector.shape_cast %parallel_loop3A_316 : vector<16xf32> to vector<1x16xf32>
        tpu.vector_store %arg5[%parallel_loop3A_318, %parallel_loop3A_319], %parallel_loop3A_322 {strides = array<i32>} : memref<32x768xf32, #tpu.memory_space<vmem>>, vector<1x16xf32>,
      } {sc.loop_unroll_factor = 8 : i64, sc.parallel_access}
      %parallel_loop3A_69 = arith.constant 0 : i32
      %parallel_loop3A_70 = arith.constant 768 : i32
      %parallel_loop3A_71 = arith.constant 16 : i32
      scf.for %parallel_loop3A_305 = %parallel_loop3A_69 to %parallel_loop3A_70 step %parallel_loop3A_71  : i32 {
        %parallel_loop3A_306 = arith.constant 4 : i32
        %parallel_loop3A_307 = arith.index_cast %parallel_loop3A_306 : i32 to index
        %parallel_loop3A_308 = arith.index_cast %parallel_loop3A_305 : i32 to index
        %parallel_loop3A_309 = tpu.vector_load %arg5[%parallel_loop3A_307, %parallel_loop3A_308] {strides = array<i32>} : memref<32x768xf32, #tpu.memory_space<vmem>>, vector<1x16xf32>,
        %parallel_loop3A_310 = vector.shape_cast %parallel_loop3A_309 : vector<1x16xf32> to vector<16xf32>
        %parallel_loop3A_311 = arith.constant 4 : i32
        %parallel_loop3A_312 = arith.index_cast %parallel_loop3A_311 : i32 to index
        %parallel_loop3A_313 = arith.index_cast %parallel_loop3A_305 : i32 to index
        %parallel_loop3A_314 = tpu.vector_load %arg7[%parallel_loop3A_312, %parallel_loop3A_313] {strides = array<i32>} : memref<32x768xf32, #tpu.memory_space<vmem>>, vector<1x16xf32>,
        %parallel_loop3A_315 = vector.shape_cast %parallel_loop3A_314 : vector<1x16xf32> to vector<16xf32>
        %parallel_loop3A_316 = arith.mulf %parallel_loop3A_310, %parallel_loop3A_315 : vector<16xf32>
        %parallel_loop3A_317 = arith.constant 4 : i32
        %parallel_loop3A_318 = arith.index_cast %parallel_loop3A_317 : i32 to index
        %parallel_loop3A_319 = arith.index_cast %parallel_loop3A_305 : i32 to index
        %parallel_loop3A_320 = tpu.vector_load %arg5[%parallel_loop3A_318, %parallel_loop3A_319] {strides = array<i32>} : memref<32x768xf32, #tpu.memory_space<vmem>>, vector<1x16xf32>,
        %parallel_loop3A_321 = vector.shape_cast %parallel_loop3A_320 : vector<1x16xf32> to vector<16xf32>
        %parallel_loop3A_322 = vector.shape_cast %parallel_loop3A_316 : vector<16xf32> to vector<1x16xf32>
        tpu.vector_store %arg5[%parallel_loop3A_318, %parallel_loop3A_319], %parallel_loop3A_322 {strides = array<i32>} : memref<32x768xf32, #tpu.memory_space<vmem>>, vector<1x16xf32>,
      } {sc.loop_unroll_factor = 8 : i64, sc.parallel_access}
      %parallel_loop3A_72 = arith.constant 0 : i32
      %parallel_loop3A_73 = arith.constant 768 : i32
      %parallel_loop3A_74 = arith.constant 16 : i32
      scf.for %parallel_loop3A_305 = %parallel_loop3A_72 to %parallel_loop3A_73 step %parallel_loop3A_74  : i32 {
        %parallel_loop3A_306 = arith.constant 5 : i32
        %parallel_loop3A_307 = arith.index_cast %parallel_loop3A_306 : i32 to index
        %parallel_loop3A_308 = arith.index_cast %parallel_loop3A_305 : i32 to index
        %parallel_loop3A_309 = tpu.vector_load %arg5[%parallel_loop3A_307, %parallel_loop3A_308] {strides = array<i32>} : memref<32x768xf32, #tpu.memory_space<vmem>>, vector<1x16xf32>,
        %parallel_loop3A_310 = vector.shape_cast %parallel_loop3A_309 : vector<1x16xf32> to vector<16xf32>
        %parallel_loop3A_311 = arith.constant 5 : i32
        %parallel_loop3A_312 = arith.index_cast %parallel_loop3A_311 : i32 to index
        %parallel_loop3A_313 = arith.index_cast %parallel_loop3A_305 : i32 to index
        %parallel_loop3A_314 = tpu.vector_load %arg7[%parallel_loop3A_312, %parallel_loop3A_313] {strides = array<i32>} : memref<32x768xf32, #tpu.memory_space<vmem>>, vector<1x16xf32>,
        %parallel_loop3A_315 = vector.shape_cast %parallel_loop3A_314 : vector<1x16xf32> to vector<16xf32>
        %parallel_loop3A_316 = arith.mulf %parallel_loop3A_310, %parallel_loop3A_315 : vector<16xf32>
        %parallel_loop3A_317 = arith.constant 5 : i32
        %parallel_loop3A_318 = arith.index_cast %parallel_loop3A_317 : i32 to index
        %parallel_loop3A_319 = arith.index_cast %parallel_loop3A_305 : i32 to index
        %parallel_loop3A_320 = tpu.vector_load %arg5[%parallel_loop3A_318, %parallel_loop3A_319] {strides = array<i32>} : memref<32x768xf32, #tpu.memory_space<vmem>>, vector<1x16xf32>,
        %parallel_loop3A_321 = vector.shape_cast %parallel_loop3A_320 : vector<1x16xf32> to vector<16xf32>
        %parallel_loop3A_322 = vector.shape_cast %parallel_loop3A_316 : vector<16xf32> to vector<1x16xf32>
        tpu.vector_store %arg5[%parallel_loop3A_318, %parallel_loop3A_319], %parallel_loop3A_322 {strides = array<i32>} : memref<32x768xf32, #tpu.memory_space<vmem>>, vector<1x16xf32>,
      } {sc.loop_unroll_factor = 8 : i64, sc.parallel_access}
      %parallel_loop3A_75 = arith.constant 0 : i32
      %parallel_loop3A_76 = arith.constant 768 : i32
      %parallel_loop3A_77 = arith.constant 16 : i32
      scf.for %parallel_loop3A_305 = %parallel_loop3A_75 to %parallel_loop3A_76 step %parallel_loop3A_77  : i32 {
        %parallel_loop3A_306 = arith.constant 6 : i32
        %parallel_loop3A_307 = arith.index_cast %parallel_loop3A_306 : i32 to index
        %parallel_loop3A_308 = arith.index_cast %parallel_loop3A_305 : i32 to index
        %parallel_loop3A_309 = tpu.vector_load %arg5[%parallel_loop3A_307, %parallel_loop3A_308] {strides = array<i32>} : memref<32x768xf32, #tpu.memory_space<vmem>>, vector<1x16xf32>,
        %parallel_loop3A_310 = vector.shape_cast %parallel_loop3A_309 : vector<1x16xf32> to vector<16xf32>
        %parallel_loop3A_311 = arith.constant 6 : i32
        %parallel_loop3A_312 = arith.index_cast %parallel_loop3A_311 : i32 to index
        %parallel_loop3A_313 = arith.index_cast %parallel_loop3A_305 : i32 to index
        %parallel_loop3A_314 = tpu.vector_load %arg7[%parallel_loop3A_312, %parallel_loop3A_313] {strides = array<i32>} : memref<32x768xf32, #tpu.memory_space<vmem>>, vector<1x16xf32>,
        %parallel_loop3A_315 = vector.shape_cast %parallel_loop3A_314 : vector<1x16xf32> to vector<16xf32>
        %parallel_loop3A_316 = arith.mulf %parallel_loop3A_310, %parallel_loop3A_315 : vector<16xf32>
        %parallel_loop3A_317 = arith.constant 6 : i32
        %parallel_loop3A_318 = arith.index_cast %parallel_loop3A_317 : i32 to index
        %parallel_loop3A_319 = arith.index_cast %parallel_loop3A_305 : i32 to index
        %parallel_loop3A_320 = tpu.vector_load %arg5[%parallel_loop3A_318, %parallel_loop3A_319] {strides = array<i32>} : memref<32x768xf32, #tpu.memory_space<vmem>>, vector<1x16xf32>,
        %parallel_loop3A_321 = vector.shape_cast %parallel_loop3A_320 : vector<1x16xf32> to vector<16xf32>
        %parallel_loop3A_322 = vector.shape_cast %parallel_loop3A_316 : vector<16xf32> to vector<1x16xf32>
        tpu.vector_store %arg5[%parallel_loop3A_318, %parallel_loop3A_319], %parallel_loop3A_322 {strides = array<i32>} : memref<32x768xf32, #tpu.memory_space<vmem>>, vector<1x16xf32>,
      } {sc.loop_unroll_factor = 8 : i64, sc.parallel_access}
      %parallel_loop3A_78 = arith.constant 0 : i32
      %parallel_loop3A_79 = arith.constant 768 : i32
      %parallel_loop3A_80 = arith.constant 16 : i32
      scf.for %parallel_loop3A_305 = %parallel_loop3A_78 to %parallel_loop3A_79 step %parallel_loop3A_80  : i32 {
        %parallel_loop3A_306 = arith.constant 7 : i32
        %parallel_loop3A_307 = arith.index_cast %parallel_loop3A_306 : i32 to index
        %parallel_loop3A_308 = arith.index_cast %parallel_loop3A_305 : i32 to index
        %parallel_loop3A_309 = tpu.vector_load %arg5[%parallel_loop3A_307, %parallel_loop3A_308] {strides = array<i32>} : memref<32x768xf32, #tpu.memory_space<vmem>>, vector<1x16xf32>,
        %parallel_loop3A_310 = vector.shape_cast %parallel_loop3A_309 : vector<1x16xf32> to vector<16xf32>
        %parallel_loop3A_311 = arith.constant 7 : i32
        %parallel_loop3A_312 = arith.index_cast %parallel_loop3A_311 : i32 to index
        %parallel_loop3A_313 = arith.index_cast %parallel_loop3A_305 : i32 to index
        %parallel_loop3A_314 = tpu.vector_load %arg7[%parallel_loop3A_312, %parallel_loop3A_313] {strides = array<i32>} : memref<32x768xf32, #tpu.memory_space<vmem>>, vector<1x16xf32>,
        %parallel_loop3A_315 = vector.shape_cast %parallel_loop3A_314 : vector<1x16xf32> to vector<16xf32>
        %parallel_loop3A_316 = arith.mulf %parallel_loop3A_310, %parallel_loop3A_315 : vector<16xf32>
        %parallel_loop3A_317 = arith.constant 7 : i32
        %parallel_loop3A_318 = arith.index_cast %parallel_loop3A_317 : i32 to index
        %parallel_loop3A_319 = arith.index_cast %parallel_loop3A_305 : i32 to index
        %parallel_loop3A_320 = tpu.vector_load %arg5[%parallel_loop3A_318, %parallel_loop3A_319] {strides = array<i32>} : memref<32x768xf32, #tpu.memory_space<vmem>>, vector<1x16xf32>,
        %parallel_loop3A_321 = vector.shape_cast %parallel_loop3A_320 : vector<1x16xf32> to vector<16xf32>
        %parallel_loop3A_322 = vector.shape_cast %parallel_loop3A_316 : vector<16xf32> to vector<1x16xf32>
        tpu.vector_store %arg5[%parallel_loop3A_318, %parallel_loop3A_319], %parallel_loop3A_322 {strides = array<i32>} : memref<32x768xf32, #tpu.memory_space<vmem>>, vector<1x16xf32>,
      } {sc.loop_unroll_factor = 8 : i64, sc.parallel_access}
      %parallel_loop3A_81 = arith.constant 0 : i32
      %parallel_loop3A_82 = arith.constant 768 : i32
      %parallel_loop3A_83 = arith.constant 16 : i32
      scf.for %parallel_loop3A_305 = %parallel_loop3A_81 to %parallel_loop3A_82 step %parallel_loop3A_83  : i32 {
        %parallel_loop3A_306 = arith.constant 8 : i32
        %parallel_loop3A_307 = arith.index_cast %parallel_loop3A_306 : i32 to index
        %parallel_loop3A_308 = arith.index_cast %parallel_loop3A_305 : i32 to index
        %parallel_loop3A_309 = tpu.vector_load %arg5[%parallel_loop3A_307, %parallel_loop3A_308] {strides = array<i32>} : memref<32x768xf32, #tpu.memory_space<vmem>>, vector<1x16xf32>,
        %parallel_loop3A_310 = vector.shape_cast %parallel_loop3A_309 : vector<1x16xf32> to vector<16xf32>
        %parallel_loop3A_311 = arith.constant 8 : i32
        %parallel_loop3A_312 = arith.index_cast %parallel_loop3A_311 : i32 to index
        %parallel_loop3A_313 = arith.index_cast %parallel_loop3A_305 : i32 to index
        %parallel_loop3A_314 = tpu.vector_load %arg7[%parallel_loop3A_312, %parallel_loop3A_313] {strides = array<i32>} : memref<32x768xf32, #tpu.memory_space<vmem>>, vector<1x16xf32>,
        %parallel_loop3A_315 = vector.shape_cast %parallel_loop3A_314 : vector<1x16xf32> to vector<16xf32>
        %parallel_loop3A_316 = arith.mulf %parallel_loop3A_310, %parallel_loop3A_315 : vector<16xf32>
        %parallel_loop3A_317 = arith.constant 8 : i32
        %parallel_loop3A_318 = arith.index_cast %parallel_loop3A_317 : i32 to index
        %parallel_loop3A_319 = arith.index_cast %parallel_loop3A_305 : i32 to index
        %parallel_loop3A_320 = tpu.vector_load %arg5[%parallel_loop3A_318, %parallel_loop3A_319] {strides = array<i32>} : memref<32x768xf32, #tpu.memory_space<vmem>>, vector<1x16xf32>,
        %parallel_loop3A_321 = vector.shape_cast %parallel_loop3A_320 : vector<1x16xf32> to vector<16xf32>
        %parallel_loop3A_322 = vector.shape_cast %parallel_loop3A_316 : vector<16xf32> to vector<1x16xf32>
        tpu.vector_store %arg5[%parallel_loop3A_318, %parallel_loop3A_319], %parallel_loop3A_322 {strides = array<i32>} : memref<32x768xf32, #tpu.memory_space<vmem>>, vector<1x16xf32>,
      } {sc.loop_unroll_factor = 8 : i64, sc.parallel_access}
      %parallel_loop3A_84 = arith.constant 0 : i32
      %parallel_loop3A_85 = arith.constant 768 : i32
      %parallel_loop3A_86 = arith.constant 16 : i32
      scf.for %parallel_loop3A_305 = %parallel_loop3A_84 to %parallel_loop3A_85 step %parallel_loop3A_86  : i32 {
        %parallel_loop3A_306 = arith.constant 9 : i32
        %parallel_loop3A_307 = arith.index_cast %parallel_loop3A_306 : i32 to index
        %parallel_loop3A_308 = arith.index_cast %parallel_loop3A_305 : i32 to index
        %parallel_loop3A_309 = tpu.vector_load %arg5[%parallel_loop3A_307, %parallel_loop3A_308] {strides = array<i32>} : memref<32x768xf32, #tpu.memory_space<vmem>>, vector<1x16xf32>,
        %parallel_loop3A_310 = vector.shape_cast %parallel_loop3A_309 : vector<1x16xf32> to vector<16xf32>
        %parallel_loop3A_311 = arith.constant 9 : i32
        %parallel_loop3A_312 = arith.index_cast %parallel_loop3A_311 : i32 to index
        %parallel_loop3A_313 = arith.index_cast %parallel_loop3A_305 : i32 to index
        %parallel_loop3A_314 = tpu.vector_load %arg7[%parallel_loop3A_312, %parallel_loop3A_313] {strides = array<i32>} : memref<32x768xf32, #tpu.memory_space<vmem>>, vector<1x16xf32>,
        %parallel_loop3A_315 = vector.shape_cast %parallel_loop3A_314 : vector<1x16xf32> to vector<16xf32>
        %parallel_loop3A_316 = arith.mulf %parallel_loop3A_310, %parallel_loop3A_315 : vector<16xf32>
        %parallel_loop3A_317 = arith.constant 9 : i32
        %parallel_loop3A_318 = arith.index_cast %parallel_loop3A_317 : i32 to index
        %parallel_loop3A_319 = arith.index_cast %parallel_loop3A_305 : i32 to index
        %parallel_loop3A_320 = tpu.vector_load %arg5[%parallel_loop3A_318, %parallel_loop3A_319] {strides = array<i32>} : memref<32x768xf32, #tpu.memory_space<vmem>>, vector<1x16xf32>,
        %parallel_loop3A_321 = vector.shape_cast %parallel_loop3A_320 : vector<1x16xf32> to vector<16xf32>
        %parallel_loop3A_322 = vector.shape_cast %parallel_loop3A_316 : vector<16xf32> to vector<1x16xf32>
        tpu.vector_store %arg5[%parallel_loop3A_318, %parallel_loop3A_319], %parallel_loop3A_322 {strides = array<i32>} : memref<32x768xf32, #tpu.memory_space<vmem>>, vector<1x16xf32>,
      } {sc.loop_unroll_factor = 8 : i64, sc.parallel_access}
      %parallel_loop3A_87 = arith.constant 0 : i32
      %parallel_loop3A_88 = arith.constant 768 : i32
      %parallel_loop3A_89 = arith.constant 16 : i32
      scf.for %parallel_loop3A_305 = %parallel_loop3A_87 to %parallel_loop3A_88 step %parallel_loop3A_89  : i32 {
        %parallel_loop3A_306 = arith.constant 10 : i32
        %parallel_loop3A_307 = arith.index_cast %parallel_loop3A_306 : i32 to index
        %parallel_loop3A_308 = arith.index_cast %parallel_loop3A_305 : i32 to index
        %parallel_loop3A_309 = tpu.vector_load %arg5[%parallel_loop3A_307, %parallel_loop3A_308] {strides = array<i32>} : memref<32x768xf32, #tpu.memory_space<vmem>>, vector<1x16xf32>,
        %parallel_loop3A_310 = vector.shape_cast %parallel_loop3A_309 : vector<1x16xf32> to vector<16xf32>
        %parallel_loop3A_311 = arith.constant 10 : i32
        %parallel_loop3A_312 = arith.index_cast %parallel_loop3A_311 : i32 to index
        %parallel_loop3A_313 = arith.index_cast %parallel_loop3A_305 : i32 to index
        %parallel_loop3A_314 = tpu.vector_load %arg7[%parallel_loop3A_312, %parallel_loop3A_313] {strides = array<i32>} : memref<32x768xf32, #tpu.memory_space<vmem>>, vector<1x16xf32>,
        %parallel_loop3A_315 = vector.shape_cast %parallel_loop3A_314 : vector<1x16xf32> to vector<16xf32>
        %parallel_loop3A_316 = arith.mulf %parallel_loop3A_310, %parallel_loop3A_315 : vector<16xf32>
        %parallel_loop3A_317 = arith.constant 10 : i32
        %parallel_loop3A_318 = arith.index_cast %parallel_loop3A_317 : i32 to index
        %parallel_loop3A_319 = arith.index_cast %parallel_loop3A_305 : i32 to index
        %parallel_loop3A_320 = tpu.vector_load %arg5[%parallel_loop3A_318, %parallel_loop3A_319] {strides = array<i32>} : memref<32x768xf32, #tpu.memory_space<vmem>>, vector<1x16xf32>,
        %parallel_loop3A_321 = vector.shape_cast %parallel_loop3A_320 : vector<1x16xf32> to vector<16xf32>
        %parallel_loop3A_322 = vector.shape_cast %parallel_loop3A_316 : vector<16xf32> to vector<1x16xf32>
        tpu.vector_store %arg5[%parallel_loop3A_318, %parallel_loop3A_319], %parallel_loop3A_322 {strides = array<i32>} : memref<32x768xf32, #tpu.memory_space<vmem>>, vector<1x16xf32>,
      } {sc.loop_unroll_factor = 8 : i64, sc.parallel_access}
      %parallel_loop3A_90 = arith.constant 0 : i32
      %parallel_loop3A_91 = arith.constant 768 : i32
      %parallel_loop3A_92 = arith.constant 16 : i32
      scf.for %parallel_loop3A_305 = %parallel_loop3A_90 to %parallel_loop3A_91 step %parallel_loop3A_92  : i32 {
        %parallel_loop3A_306 = arith.constant 11 : i32
        %parallel_loop3A_307 = arith.index_cast %parallel_loop3A_306 : i32 to index
        %parallel_loop3A_308 = arith.index_cast %parallel_loop3A_305 : i32 to index
        %parallel_loop3A_309 = tpu.vector_load %arg5[%parallel_loop3A_307, %parallel_loop3A_308] {strides = array<i32>} : memref<32x768xf32, #tpu.memory_space<vmem>>, vector<1x16xf32>,
        %parallel_loop3A_310 = vector.shape_cast %parallel_loop3A_309 : vector<1x16xf32> to vector<16xf32>
        %parallel_loop3A_311 = arith.constant 11 : i32
        %parallel_loop3A_312 = arith.index_cast %parallel_loop3A_311 : i32 to index
        %parallel_loop3A_313 = arith.index_cast %parallel_loop3A_305 : i32 to index
        %parallel_loop3A_314 = tpu.vector_load %arg7[%parallel_loop3A_312, %parallel_loop3A_313] {strides = array<i32>} : memref<32x768xf32, #tpu.memory_space<vmem>>, vector<1x16xf32>,
        %parallel_loop3A_315 = vector.shape_cast %parallel_loop3A_314 : vector<1x16xf32> to vector<16xf32>
        %parallel_loop3A_316 = arith.mulf %parallel_loop3A_310, %parallel_loop3A_315 : vector<16xf32>
        %parallel_loop3A_317 = arith.constant 11 : i32
        %parallel_loop3A_318 = arith.index_cast %parallel_loop3A_317 : i32 to index
        %parallel_loop3A_319 = arith.index_cast %parallel_loop3A_305 : i32 to index
        %parallel_loop3A_320 = tpu.vector_load %arg5[%parallel_loop3A_318, %parallel_loop3A_319] {strides = array<i32>} : memref<32x768xf32, #tpu.memory_space<vmem>>, vector<1x16xf32>,
        %parallel_loop3A_321 = vector.shape_cast %parallel_loop3A_320 : vector<1x16xf32> to vector<16xf32>
        %parallel_loop3A_322 = vector.shape_cast %parallel_loop3A_316 : vector<16xf32> to vector<1x16xf32>
        tpu.vector_store %arg5[%parallel_loop3A_318, %parallel_loop3A_319], %parallel_loop3A_322 {strides = array<i32>} : memref<32x768xf32, #tpu.memory_space<vmem>>, vector<1x16xf32>,
      } {sc.loop_unroll_factor = 8 : i64, sc.parallel_access}
      %parallel_loop3A_93 = arith.constant 0 : i32
      %parallel_loop3A_94 = arith.constant 768 : i32
      %parallel_loop3A_95 = arith.constant 16 : i32
      scf.for %parallel_loop3A_305 = %parallel_loop3A_93 to %parallel_loop3A_94 step %parallel_loop3A_95  : i32 {
        %parallel_loop3A_306 = arith.constant 12 : i32
        %parallel_loop3A_307 = arith.index_cast %parallel_loop3A_306 : i32 to index
        %parallel_loop3A_308 = arith.index_cast %parallel_loop3A_305 : i32 to index
        %parallel_loop3A_309 = tpu.vector_load %arg5[%parallel_loop3A_307, %parallel_loop3A_308] {strides = array<i32>} : memref<32x768xf32, #tpu.memory_space<vmem>>, vector<1x16xf32>,
        %parallel_loop3A_310 = vector.shape_cast %parallel_loop3A_309 : vector<1x16xf32> to vector<16xf32>
        %parallel_loop3A_311 = arith.constant 12 : i32
        %parallel_loop3A_312 = arith.index_cast %parallel_loop3A_311 : i32 to index
        %parallel_loop3A_313 = arith.index_cast %parallel_loop3A_305 : i32 to index
        %parallel_loop3A_314 = tpu.vector_load %arg7[%parallel_loop3A_312, %parallel_loop3A_313] {strides = array<i32>} : memref<32x768xf32, #tpu.memory_space<vmem>>, vector<1x16xf32>,
        %parallel_loop3A_315 = vector.shape_cast %parallel_loop3A_314 : vector<1x16xf32> to vector<16xf32>
        %parallel_loop3A_316 = arith.mulf %parallel_loop3A_310, %parallel_loop3A_315 : vector<16xf32>
        %parallel_loop3A_317 = arith.constant 12 : i32
        %parallel_loop3A_318 = arith.index_cast %parallel_loop3A_317 : i32 to index
        %parallel_loop3A_319 = arith.index_cast %parallel_loop3A_305 : i32 to index
        %parallel_loop3A_320 = tpu.vector_load %arg5[%parallel_loop3A_318, %parallel_loop3A_319] {strides = array<i32>} : memref<32x768xf32, #tpu.memory_space<vmem>>, vector<1x16xf32>,
        %parallel_loop3A_321 = vector.shape_cast %parallel_loop3A_320 : vector<1x16xf32> to vector<16xf32>
        %parallel_loop3A_322 = vector.shape_cast %parallel_loop3A_316 : vector<16xf32> to vector<1x16xf32>
        tpu.vector_store %arg5[%parallel_loop3A_318, %parallel_loop3A_319], %parallel_loop3A_322 {strides = array<i32>} : memref<32x768xf32, #tpu.memory_space<vmem>>, vector<1x16xf32>,
      } {sc.loop_unroll_factor = 8 : i64, sc.parallel_access}
      %parallel_loop3A_96 = arith.constant 0 : i32
      %parallel_loop3A_97 = arith.constant 768 : i32
      %parallel_loop3A_98 = arith.constant 16 : i32
      scf.for %parallel_loop3A_305 = %parallel_loop3A_96 to %parallel_loop3A_97 step %parallel_loop3A_98  : i32 {
        %parallel_loop3A_306 = arith.constant 13 : i32
        %parallel_loop3A_307 = arith.index_cast %parallel_loop3A_306 : i32 to index
        %parallel_loop3A_308 = arith.index_cast %parallel_loop3A_305 : i32 to index
        %parallel_loop3A_309 = tpu.vector_load %arg5[%parallel_loop3A_307, %parallel_loop3A_308] {strides = array<i32>} : memref<32x768xf32, #tpu.memory_space<vmem>>, vector<1x16xf32>,
        %parallel_loop3A_310 = vector.shape_cast %parallel_loop3A_309 : vector<1x16xf32> to vector<16xf32>
        %parallel_loop3A_311 = arith.constant 13 : i32
        %parallel_loop3A_312 = arith.index_cast %parallel_loop3A_311 : i32 to index
        %parallel_loop3A_313 = arith.index_cast %parallel_loop3A_305 : i32 to index
        %parallel_loop3A_314 = tpu.vector_load %arg7[%parallel_loop3A_312, %parallel_loop3A_313] {strides = array<i32>} : memref<32x768xf32, #tpu.memory_space<vmem>>, vector<1x16xf32>,
        %parallel_loop3A_315 = vector.shape_cast %parallel_loop3A_314 : vector<1x16xf32> to vector<16xf32>
        %parallel_loop3A_316 = arith.mulf %parallel_loop3A_310, %parallel_loop3A_315 : vector<16xf32>
        %parallel_loop3A_317 = arith.constant 13 : i32
        %parallel_loop3A_318 = arith.index_cast %parallel_loop3A_317 : i32 to index
        %parallel_loop3A_319 = arith.index_cast %parallel_loop3A_305 : i32 to index
        %parallel_loop3A_320 = tpu.vector_load %arg5[%parallel_loop3A_318, %parallel_loop3A_319] {strides = array<i32>} : memref<32x768xf32, #tpu.memory_space<vmem>>, vector<1x16xf32>,
        %parallel_loop3A_321 = vector.shape_cast %parallel_loop3A_320 : vector<1x16xf32> to vector<16xf32>
        %parallel_loop3A_322 = vector.shape_cast %parallel_loop3A_316 : vector<16xf32> to vector<1x16xf32>
        tpu.vector_store %arg5[%parallel_loop3A_318, %parallel_loop3A_319], %parallel_loop3A_322 {strides = array<i32>} : memref<32x768xf32, #tpu.memory_space<vmem>>, vector<1x16xf32>,
      } {sc.loop_unroll_factor = 8 : i64, sc.parallel_access}
      %parallel_loop3A_99 = arith.constant 0 : i32
      %parallel_loop3A_100 = arith.constant 768 : i32
      %parallel_loop3A_101 = arith.constant 16 : i32
      scf.for %parallel_loop3A_305 = %parallel_loop3A_99 to %parallel_loop3A_100 step %parallel_loop3A_101  : i32 {
        %parallel_loop3A_306 = arith.constant 14 : i32
        %parallel_loop3A_307 = arith.index_cast %parallel_loop3A_306 : i32 to index
        %parallel_loop3A_308 = arith.index_cast %parallel_loop3A_305 : i32 to index
        %parallel_loop3A_309 = tpu.vector_load %arg5[%parallel_loop3A_307, %parallel_loop3A_308] {strides = array<i32>} : memref<32x768xf32, #tpu.memory_space<vmem>>, vector<1x16xf32>,
        %parallel_loop3A_310 = vector.shape_cast %parallel_loop3A_309 : vector<1x16xf32> to vector<16xf32>
        %parallel_loop3A_311 = arith.constant 14 : i32
        %parallel_loop3A_312 = arith.index_cast %parallel_loop3A_311 : i32 to index
        %parallel_loop3A_313 = arith.index_cast %parallel_loop3A_305 : i32 to index
        %parallel_loop3A_314 = tpu.vector_load %arg7[%parallel_loop3A_312, %parallel_loop3A_313] {strides = array<i32>} : memref<32x768xf32, #tpu.memory_space<vmem>>, vector<1x16xf32>,
        %parallel_loop3A_315 = vector.shape_cast %parallel_loop3A_314 : vector<1x16xf32> to vector<16xf32>
        %parallel_loop3A_316 = arith.mulf %parallel_loop3A_310, %parallel_loop3A_315 : vector<16xf32>
        %parallel_loop3A_317 = arith.constant 14 : i32
        %parallel_loop3A_318 = arith.index_cast %parallel_loop3A_317 : i32 to index
        %parallel_loop3A_319 = arith.index_cast %parallel_loop3A_305 : i32 to index
        %parallel_loop3A_320 = tpu.vector_load %arg5[%parallel_loop3A_318, %parallel_loop3A_319] {strides = array<i32>} : memref<32x768xf32, #tpu.memory_space<vmem>>, vector<1x16xf32>,
        %parallel_loop3A_321 = vector.shape_cast %parallel_loop3A_320 : vector<1x16xf32> to vector<16xf32>
        %parallel_loop3A_322 = vector.shape_cast %parallel_loop3A_316 : vector<16xf32> to vector<1x16xf32>
        tpu.vector_store %arg5[%parallel_loop3A_318, %parallel_loop3A_319], %parallel_loop3A_322 {strides = array<i32>} : memref<32x768xf32, #tpu.memory_space<vmem>>, vector<1x16xf32>,
      } {sc.loop_unroll_factor = 8 : i64, sc.parallel_access}
      %parallel_loop3A_102 = arith.constant 0 : i32
      %parallel_loop3A_103 = arith.constant 768 : i32
      %parallel_loop3A_104 = arith.constant 16 : i32
      scf.for %parallel_loop3A_305 = %parallel_loop3A_102 to %parallel_loop3A_103 step %parallel_loop3A_104  : i32 {
        %parallel_loop3A_306 = arith.constant 15 : i32
        %parallel_loop3A_307 = arith.index_cast %parallel_loop3A_306 : i32 to index
        %parallel_loop3A_308 = arith.index_cast %parallel_loop3A_305 : i32 to index
        %parallel_loop3A_309 = tpu.vector_load %arg5[%parallel_loop3A_307, %parallel_loop3A_308] {strides = array<i32>} : memref<32x768xf32, #tpu.memory_space<vmem>>, vector<1x16xf32>,
        %parallel_loop3A_310 = vector.shape_cast %parallel_loop3A_309 : vector<1x16xf32> to vector<16xf32>
        %parallel_loop3A_311 = arith.constant 15 : i32
        %parallel_loop3A_312 = arith.index_cast %parallel_loop3A_311 : i32 to index
        %parallel_loop3A_313 = arith.index_cast %parallel_loop3A_305 : i32 to index
        %parallel_loop3A_314 = tpu.vector_load %arg7[%parallel_loop3A_312, %parallel_loop3A_313] {strides = array<i32>} : memref<32x768xf32, #tpu.memory_space<vmem>>, vector<1x16xf32>,
        %parallel_loop3A_315 = vector.shape_cast %parallel_loop3A_314 : vector<1x16xf32> to vector<16xf32>
        %parallel_loop3A_316 = arith.mulf %parallel_loop3A_310, %parallel_loop3A_315 : vector<16xf32>
        %parallel_loop3A_317 = arith.constant 15 : i32
        %parallel_loop3A_318 = arith.index_cast %parallel_loop3A_317 : i32 to index
        %parallel_loop3A_319 = arith.index_cast %parallel_loop3A_305 : i32 to index
        %parallel_loop3A_320 = tpu.vector_load %arg5[%parallel_loop3A_318, %parallel_loop3A_319] {strides = array<i32>} : memref<32x768xf32, #tpu.memory_space<vmem>>, vector<1x16xf32>,
        %parallel_loop3A_321 = vector.shape_cast %parallel_loop3A_320 : vector<1x16xf32> to vector<16xf32>
        %parallel_loop3A_322 = vector.shape_cast %parallel_loop3A_316 : vector<16xf32> to vector<1x16xf32>
        tpu.vector_store %arg5[%parallel_loop3A_318, %parallel_loop3A_319], %parallel_loop3A_322 {strides = array<i32>} : memref<32x768xf32, #tpu.memory_space<vmem>>, vector<1x16xf32>,
      } {sc.loop_unroll_factor = 8 : i64, sc.parallel_access}
      %parallel_loop3A_105 = arith.constant 0 : i32
      %parallel_loop3A_106 = arith.constant 768 : i32
      %parallel_loop3A_107 = arith.constant 16 : i32
      scf.for %parallel_loop3A_305 = %parallel_loop3A_105 to %parallel_loop3A_106 step %parallel_loop3A_107  : i32 {
        %parallel_loop3A_306 = arith.constant 16 : i32
        %parallel_loop3A_307 = arith.index_cast %parallel_loop3A_306 : i32 to index
        %parallel_loop3A_308 = arith.index_cast %parallel_loop3A_305 : i32 to index
        %parallel_loop3A_309 = tpu.vector_load %arg5[%parallel_loop3A_307, %parallel_loop3A_308] {strides = array<i32>} : memref<32x768xf32, #tpu.memory_space<vmem>>, vector<1x16xf32>,
        %parallel_loop3A_310 = vector.shape_cast %parallel_loop3A_309 : vector<1x16xf32> to vector<16xf32>
        %parallel_loop3A_311 = arith.constant 16 : i32
        %parallel_loop3A_312 = arith.index_cast %parallel_loop3A_311 : i32 to index
        %parallel_loop3A_313 = arith.index_cast %parallel_loop3A_305 : i32 to index
        %parallel_loop3A_314 = tpu.vector_load %arg7[%parallel_loop3A_312, %parallel_loop3A_313] {strides = array<i32>} : memref<32x768xf32, #tpu.memory_space<vmem>>, vector<1x16xf32>,
        %parallel_loop3A_315 = vector.shape_cast %parallel_loop3A_314 : vector<1x16xf32> to vector<16xf32>
        %parallel_loop3A_316 = arith.mulf %parallel_loop3A_310, %parallel_loop3A_315 : vector<16xf32>
        %parallel_loop3A_317 = arith.constant 16 : i32
        %parallel_loop3A_318 = arith.index_cast %parallel_loop3A_317 : i32 to index
        %parallel_loop3A_319 = arith.index_cast %parallel_loop3A_305 : i32 to index
        %parallel_loop3A_320 = tpu.vector_load %arg5[%parallel_loop3A_318, %parallel_loop3A_319] {strides = array<i32>} : memref<32x768xf32, #tpu.memory_space<vmem>>, vector<1x16xf32>,
        %parallel_loop3A_321 = vector.shape_cast %parallel_loop3A_320 : vector<1x16xf32> to vector<16xf32>
        %parallel_loop3A_322 = vector.shape_cast %parallel_loop3A_316 : vector<16xf32> to vector<1x16xf32>
        tpu.vector_store %arg5[%parallel_loop3A_318, %parallel_loop3A_319], %parallel_loop3A_322 {strides = array<i32>} : memref<32x768xf32, #tpu.memory_space<vmem>>, vector<1x16xf32>,
      } {sc.loop_unroll_factor = 8 : i64, sc.parallel_access}
      %parallel_loop3A_108 = arith.constant 0 : i32
      %parallel_loop3A_109 = arith.constant 768 : i32
      %parallel_loop3A_110 = arith.constant 16 : i32
      scf.for %parallel_loop3A_305 = %parallel_loop3A_108 to %parallel_loop3A_109 step %parallel_loop3A_110  : i32 {
        %parallel_loop3A_306 = arith.constant 17 : i32
        %parallel_loop3A_307 = arith.index_cast %parallel_loop3A_306 : i32 to index
        %parallel_loop3A_308 = arith.index_cast %parallel_loop3A_305 : i32 to index
        %parallel_loop3A_309 = tpu.vector_load %arg5[%parallel_loop3A_307, %parallel_loop3A_308] {strides = array<i32>} : memref<32x768xf32, #tpu.memory_space<vmem>>, vector<1x16xf32>,
        %parallel_loop3A_310 = vector.shape_cast %parallel_loop3A_309 : vector<1x16xf32> to vector<16xf32>
        %parallel_loop3A_311 = arith.constant 17 : i32
        %parallel_loop3A_312 = arith.index_cast %parallel_loop3A_311 : i32 to index
        %parallel_loop3A_313 = arith.index_cast %parallel_loop3A_305 : i32 to index
        %parallel_loop3A_314 = tpu.vector_load %arg7[%parallel_loop3A_312, %parallel_loop3A_313] {strides = array<i32>} : memref<32x768xf32, #tpu.memory_space<vmem>>, vector<1x16xf32>,
        %parallel_loop3A_315 = vector.shape_cast %parallel_loop3A_314 : vector<1x16xf32> to vector<16xf32>
        %parallel_loop3A_316 = arith.mulf %parallel_loop3A_310, %parallel_loop3A_315 : vector<16xf32>
        %parallel_loop3A_317 = arith.constant 17 : i32
        %parallel_loop3A_318 = arith.index_cast %parallel_loop3A_317 : i32 to index
        %parallel_loop3A_319 = arith.index_cast %parallel_loop3A_305 : i32 to index
        %parallel_loop3A_320 = tpu.vector_load %arg5[%parallel_loop3A_318, %parallel_loop3A_319] {strides = array<i32>} : memref<32x768xf32, #tpu.memory_space<vmem>>, vector<1x16xf32>,
        %parallel_loop3A_321 = vector.shape_cast %parallel_loop3A_320 : vector<1x16xf32> to vector<16xf32>
        %parallel_loop3A_322 = vector.shape_cast %parallel_loop3A_316 : vector<16xf32> to vector<1x16xf32>
        tpu.vector_store %arg5[%parallel_loop3A_318, %parallel_loop3A_319], %parallel_loop3A_322 {strides = array<i32>} : memref<32x768xf32, #tpu.memory_space<vmem>>, vector<1x16xf32>,
      } {sc.loop_unroll_factor = 8 : i64, sc.parallel_access}
      %parallel_loop3A_111 = arith.constant 0 : i32
      %parallel_loop3A_112 = arith.constant 768 : i32
      %parallel_loop3A_113 = arith.constant 16 : i32
      scf.for %parallel_loop3A_305 = %parallel_loop3A_111 to %parallel_loop3A_112 step %parallel_loop3A_113  : i32 {
        %parallel_loop3A_306 = arith.constant 18 : i32
        %parallel_loop3A_307 = arith.index_cast %parallel_loop3A_306 : i32 to index
        %parallel_loop3A_308 = arith.index_cast %parallel_loop3A_305 : i32 to index
        %parallel_loop3A_309 = tpu.vector_load %arg5[%parallel_loop3A_307, %parallel_loop3A_308] {strides = array<i32>} : memref<32x768xf32, #tpu.memory_space<vmem>>, vector<1x16xf32>,
        %parallel_loop3A_310 = vector.shape_cast %parallel_loop3A_309 : vector<1x16xf32> to vector<16xf32>
        %parallel_loop3A_311 = arith.constant 18 : i32
        %parallel_loop3A_312 = arith.index_cast %parallel_loop3A_311 : i32 to index
        %parallel_loop3A_313 = arith.index_cast %parallel_loop3A_305 : i32 to index
        %parallel_loop3A_314 = tpu.vector_load %arg7[%parallel_loop3A_312, %parallel_loop3A_313] {strides = array<i32>} : memref<32x768xf32, #tpu.memory_space<vmem>>, vector<1x16xf32>,
        %parallel_loop3A_315 = vector.shape_cast %parallel_loop3A_314 : vector<1x16xf32> to vector<16xf32>
        %parallel_loop3A_316 = arith.mulf %parallel_loop3A_310, %parallel_loop3A_315 : vector<16xf32>
        %parallel_loop3A_317 = arith.constant 18 : i32
        %parallel_loop3A_318 = arith.index_cast %parallel_loop3A_317 : i32 to index
        %parallel_loop3A_319 = arith.index_cast %parallel_loop3A_305 : i32 to index
        %parallel_loop3A_320 = tpu.vector_load %arg5[%parallel_loop3A_318, %parallel_loop3A_319] {strides = array<i32>} : memref<32x768xf32, #tpu.memory_space<vmem>>, vector<1x16xf32>,
        %parallel_loop3A_321 = vector.shape_cast %parallel_loop3A_320 : vector<1x16xf32> to vector<16xf32>
        %parallel_loop3A_322 = vector.shape_cast %parallel_loop3A_316 : vector<16xf32> to vector<1x16xf32>
        tpu.vector_store %arg5[%parallel_loop3A_318, %parallel_loop3A_319], %parallel_loop3A_322 {strides = array<i32>} : memref<32x768xf32, #tpu.memory_space<vmem>>, vector<1x16xf32>,
      } {sc.loop_unroll_factor = 8 : i64, sc.parallel_access}
      %parallel_loop3A_114 = arith.constant 0 : i32
      %parallel_loop3A_115 = arith.constant 768 : i32
      %parallel_loop3A_116 = arith.constant 16 : i32
      scf.for %parallel_loop3A_305 = %parallel_loop3A_114 to %parallel_loop3A_115 step %parallel_loop3A_116  : i32 {
        %parallel_loop3A_306 = arith.constant 19 : i32
        %parallel_loop3A_307 = arith.index_cast %parallel_loop3A_306 : i32 to index
        %parallel_loop3A_308 = arith.index_cast %parallel_loop3A_305 : i32 to index
        %parallel_loop3A_309 = tpu.vector_load %arg5[%parallel_loop3A_307, %parallel_loop3A_308] {strides = array<i32>} : memref<32x768xf32, #tpu.memory_space<vmem>>, vector<1x16xf32>,
        %parallel_loop3A_310 = vector.shape_cast %parallel_loop3A_309 : vector<1x16xf32> to vector<16xf32>
        %parallel_loop3A_311 = arith.constant 19 : i32
        %parallel_loop3A_312 = arith.index_cast %parallel_loop3A_311 : i32 to index
        %parallel_loop3A_313 = arith.index_cast %parallel_loop3A_305 : i32 to index
        %parallel_loop3A_314 = tpu.vector_load %arg7[%parallel_loop3A_312, %parallel_loop3A_313] {strides = array<i32>} : memref<32x768xf32, #tpu.memory_space<vmem>>, vector<1x16xf32>,
        %parallel_loop3A_315 = vector.shape_cast %parallel_loop3A_314 : vector<1x16xf32> to vector<16xf32>
        %parallel_loop3A_316 = arith.mulf %parallel_loop3A_310, %parallel_loop3A_315 : vector<16xf32>
        %parallel_loop3A_317 = arith.constant 19 : i32
        %parallel_loop3A_318 = arith.index_cast %parallel_loop3A_317 : i32 to index
        %parallel_loop3A_319 = arith.index_cast %parallel_loop3A_305 : i32 to index
        %parallel_loop3A_320 = tpu.vector_load %arg5[%parallel_loop3A_318, %parallel_loop3A_319] {strides = array<i32>} : memref<32x768xf32, #tpu.memory_space<vmem>>, vector<1x16xf32>,
        %parallel_loop3A_321 = vector.shape_cast %parallel_loop3A_320 : vector<1x16xf32> to vector<16xf32>
        %parallel_loop3A_322 = vector.shape_cast %parallel_loop3A_316 : vector<16xf32> to vector<1x16xf32>
        tpu.vector_store %arg5[%parallel_loop3A_318, %parallel_loop3A_319], %parallel_loop3A_322 {strides = array<i32>} : memref<32x768xf32, #tpu.memory_space<vmem>>, vector<1x16xf32>,
      } {sc.loop_unroll_factor = 8 : i64, sc.parallel_access}
      %parallel_loop3A_117 = arith.constant 0 : i32
      %parallel_loop3A_118 = arith.constant 768 : i32
      %parallel_loop3A_119 = arith.constant 16 : i32
      scf.for %parallel_loop3A_305 = %parallel_loop3A_117 to %parallel_loop3A_118 step %parallel_loop3A_119  : i32 {
        %parallel_loop3A_306 = arith.constant 20 : i32
        %parallel_loop3A_307 = arith.index_cast %parallel_loop3A_306 : i32 to index
        %parallel_loop3A_308 = arith.index_cast %parallel_loop3A_305 : i32 to index
        %parallel_loop3A_309 = tpu.vector_load %arg5[%parallel_loop3A_307, %parallel_loop3A_308] {strides = array<i32>} : memref<32x768xf32, #tpu.memory_space<vmem>>, vector<1x16xf32>,
        %parallel_loop3A_310 = vector.shape_cast %parallel_loop3A_309 : vector<1x16xf32> to vector<16xf32>
        %parallel_loop3A_311 = arith.constant 20 : i32
        %parallel_loop3A_312 = arith.index_cast %parallel_loop3A_311 : i32 to index
        %parallel_loop3A_313 = arith.index_cast %parallel_loop3A_305 : i32 to index
        %parallel_loop3A_314 = tpu.vector_load %arg7[%parallel_loop3A_312, %parallel_loop3A_313] {strides = array<i32>} : memref<32x768xf32, #tpu.memory_space<vmem>>, vector<1x16xf32>,
        %parallel_loop3A_315 = vector.shape_cast %parallel_loop3A_314 : vector<1x16xf32> to vector<16xf32>
        %parallel_loop3A_316 = arith.mulf %parallel_loop3A_310, %parallel_loop3A_315 : vector<16xf32>
        %parallel_loop3A_317 = arith.constant 20 : i32
        %parallel_loop3A_318 = arith.index_cast %parallel_loop3A_317 : i32 to index
        %parallel_loop3A_319 = arith.index_cast %parallel_loop3A_305 : i32 to index
        %parallel_loop3A_320 = tpu.vector_load %arg5[%parallel_loop3A_318, %parallel_loop3A_319] {strides = array<i32>} : memref<32x768xf32, #tpu.memory_space<vmem>>, vector<1x16xf32>,
        %parallel_loop3A_321 = vector.shape_cast %parallel_loop3A_320 : vector<1x16xf32> to vector<16xf32>
        %parallel_loop3A_322 = vector.shape_cast %parallel_loop3A_316 : vector<16xf32> to vector<1x16xf32>
        tpu.vector_store %arg5[%parallel_loop3A_318, %parallel_loop3A_319], %parallel_loop3A_322 {strides = array<i32>} : memref<32x768xf32, #tpu.memory_space<vmem>>, vector<1x16xf32>,
      } {sc.loop_unroll_factor = 8 : i64, sc.parallel_access}
      %parallel_loop3A_120 = arith.constant 0 : i32
      %parallel_loop3A_121 = arith.constant 768 : i32
      %parallel_loop3A_122 = arith.constant 16 : i32
      scf.for %parallel_loop3A_305 = %parallel_loop3A_120 to %parallel_loop3A_121 step %parallel_loop3A_122  : i32 {
        %parallel_loop3A_306 = arith.constant 21 : i32
        %parallel_loop3A_307 = arith.index_cast %parallel_loop3A_306 : i32 to index
        %parallel_loop3A_308 = arith.index_cast %parallel_loop3A_305 : i32 to index
        %parallel_loop3A_309 = tpu.vector_load %arg5[%parallel_loop3A_307, %parallel_loop3A_308] {strides = array<i32>} : memref<32x768xf32, #tpu.memory_space<vmem>>, vector<1x16xf32>,
        %parallel_loop3A_310 = vector.shape_cast %parallel_loop3A_309 : vector<1x16xf32> to vector<16xf32>
        %parallel_loop3A_311 = arith.constant 21 : i32
        %parallel_loop3A_312 = arith.index_cast %parallel_loop3A_311 : i32 to index
        %parallel_loop3A_313 = arith.index_cast %parallel_loop3A_305 : i32 to index
        %parallel_loop3A_314 = tpu.vector_load %arg7[%parallel_loop3A_312, %parallel_loop3A_313] {strides = array<i32>} : memref<32x768xf32, #tpu.memory_space<vmem>>, vector<1x16xf32>,
        %parallel_loop3A_315 = vector.shape_cast %parallel_loop3A_314 : vector<1x16xf32> to vector<16xf32>
        %parallel_loop3A_316 = arith.mulf %parallel_loop3A_310, %parallel_loop3A_315 : vector<16xf32>
        %parallel_loop3A_317 = arith.constant 21 : i32
        %parallel_loop3A_318 = arith.index_cast %parallel_loop3A_317 : i32 to index
        %parallel_loop3A_319 = arith.index_cast %parallel_loop3A_305 : i32 to index
        %parallel_loop3A_320 = tpu.vector_load %arg5[%parallel_loop3A_318, %parallel_loop3A_319] {strides = array<i32>} : memref<32x768xf32, #tpu.memory_space<vmem>>, vector<1x16xf32>,
        %parallel_loop3A_321 = vector.shape_cast %parallel_loop3A_320 : vector<1x16xf32> to vector<16xf32>
        %parallel_loop3A_322 = vector.shape_cast %parallel_loop3A_316 : vector<16xf32> to vector<1x16xf32>
        tpu.vector_store %arg5[%parallel_loop3A_318, %parallel_loop3A_319], %parallel_loop3A_322 {strides = array<i32>} : memref<32x768xf32, #tpu.memory_space<vmem>>, vector<1x16xf32>,
      } {sc.loop_unroll_factor = 8 : i64, sc.parallel_access}
      %parallel_loop3A_123 = arith.constant 0 : i32
      %parallel_loop3A_124 = arith.constant 768 : i32
      %parallel_loop3A_125 = arith.constant 16 : i32
      scf.for %parallel_loop3A_305 = %parallel_loop3A_123 to %parallel_loop3A_124 step %parallel_loop3A_125  : i32 {
        %parallel_loop3A_306 = arith.constant 22 : i32
        %parallel_loop3A_307 = arith.index_cast %parallel_loop3A_306 : i32 to index
        %parallel_loop3A_308 = arith.index_cast %parallel_loop3A_305 : i32 to index
        %parallel_loop3A_309 = tpu.vector_load %arg5[%parallel_loop3A_307, %parallel_loop3A_308] {strides = array<i32>} : memref<32x768xf32, #tpu.memory_space<vmem>>, vector<1x16xf32>,
        %parallel_loop3A_310 = vector.shape_cast %parallel_loop3A_309 : vector<1x16xf32> to vector<16xf32>
        %parallel_loop3A_311 = arith.constant 22 : i32
        %parallel_loop3A_312 = arith.index_cast %parallel_loop3A_311 : i32 to index
        %parallel_loop3A_313 = arith.index_cast %parallel_loop3A_305 : i32 to index
        %parallel_loop3A_314 = tpu.vector_load %arg7[%parallel_loop3A_312, %parallel_loop3A_313] {strides = array<i32>} : memref<32x768xf32, #tpu.memory_space<vmem>>, vector<1x16xf32>,
        %parallel_loop3A_315 = vector.shape_cast %parallel_loop3A_314 : vector<1x16xf32> to vector<16xf32>
        %parallel_loop3A_316 = arith.mulf %parallel_loop3A_310, %parallel_loop3A_315 : vector<16xf32>
        %parallel_loop3A_317 = arith.constant 22 : i32
        %parallel_loop3A_318 = arith.index_cast %parallel_loop3A_317 : i32 to index
        %parallel_loop3A_319 = arith.index_cast %parallel_loop3A_305 : i32 to index
        %parallel_loop3A_320 = tpu.vector_load %arg5[%parallel_loop3A_318, %parallel_loop3A_319] {strides = array<i32>} : memref<32x768xf32, #tpu.memory_space<vmem>>, vector<1x16xf32>,
        %parallel_loop3A_321 = vector.shape_cast %parallel_loop3A_320 : vector<1x16xf32> to vector<16xf32>
        %parallel_loop3A_322 = vector.shape_cast %parallel_loop3A_316 : vector<16xf32> to vector<1x16xf32>
        tpu.vector_store %arg5[%parallel_loop3A_318, %parallel_loop3A_319], %parallel_loop3A_322 {strides = array<i32>} : memref<32x768xf32, #tpu.memory_space<vmem>>, vector<1x16xf32>,
      } {sc.loop_unroll_factor = 8 : i64, sc.parallel_access}
      %parallel_loop3A_126 = arith.constant 0 : i32
      %parallel_loop3A_127 = arith.constant 768 : i32
      %parallel_loop3A_128 = arith.constant 16 : i32
      scf.for %parallel_loop3A_305 = %parallel_loop3A_126 to %parallel_loop3A_127 step %parallel_loop3A_128  : i32 {
        %parallel_loop3A_306 = arith.constant 23 : i32
        %parallel_loop3A_307 = arith.index_cast %parallel_loop3A_306 : i32 to index
        %parallel_loop3A_308 = arith.index_cast %parallel_loop3A_305 : i32 to index
        %parallel_loop3A_309 = tpu.vector_load %arg5[%parallel_loop3A_307, %parallel_loop3A_308] {strides = array<i32>} : memref<32x768xf32, #tpu.memory_space<vmem>>, vector<1x16xf32>,
        %parallel_loop3A_310 = vector.shape_cast %parallel_loop3A_309 : vector<1x16xf32> to vector<16xf32>
        %parallel_loop3A_311 = arith.constant 23 : i32
        %parallel_loop3A_312 = arith.index_cast %parallel_loop3A_311 : i32 to index
        %parallel_loop3A_313 = arith.index_cast %parallel_loop3A_305 : i32 to index
        %parallel_loop3A_314 = tpu.vector_load %arg7[%parallel_loop3A_312, %parallel_loop3A_313] {strides = array<i32>} : memref<32x768xf32, #tpu.memory_space<vmem>>, vector<1x16xf32>,
        %parallel_loop3A_315 = vector.shape_cast %parallel_loop3A_314 : vector<1x16xf32> to vector<16xf32>
        %parallel_loop3A_316 = arith.mulf %parallel_loop3A_310, %parallel_loop3A_315 : vector<16xf32>
        %parallel_loop3A_317 = arith.constant 23 : i32
        %parallel_loop3A_318 = arith.index_cast %parallel_loop3A_317 : i32 to index
        %parallel_loop3A_319 = arith.index_cast %parallel_loop3A_305 : i32 to index
        %parallel_loop3A_320 = tpu.vector_load %arg5[%parallel_loop3A_318, %parallel_loop3A_319] {strides = array<i32>} : memref<32x768xf32, #tpu.memory_space<vmem>>, vector<1x16xf32>,
        %parallel_loop3A_321 = vector.shape_cast %parallel_loop3A_320 : vector<1x16xf32> to vector<16xf32>
        %parallel_loop3A_322 = vector.shape_cast %parallel_loop3A_316 : vector<16xf32> to vector<1x16xf32>
        tpu.vector_store %arg5[%parallel_loop3A_318, %parallel_loop3A_319], %parallel_loop3A_322 {strides = array<i32>} : memref<32x768xf32, #tpu.memory_space<vmem>>, vector<1x16xf32>,
      } {sc.loop_unroll_factor = 8 : i64, sc.parallel_access}
      %parallel_loop3A_129 = arith.constant 0 : i32
      %parallel_loop3A_130 = arith.constant 768 : i32
      %parallel_loop3A_131 = arith.constant 16 : i32
      scf.for %parallel_loop3A_305 = %parallel_loop3A_129 to %parallel_loop3A_130 step %parallel_loop3A_131  : i32 {
        %parallel_loop3A_306 = arith.constant 24 : i32
        %parallel_loop3A_307 = arith.index_cast %parallel_loop3A_306 : i32 to index
        %parallel_loop3A_308 = arith.index_cast %parallel_loop3A_305 : i32 to index
        %parallel_loop3A_309 = tpu.vector_load %arg5[%parallel_loop3A_307, %parallel_loop3A_308] {strides = array<i32>} : memref<32x768xf32, #tpu.memory_space<vmem>>, vector<1x16xf32>,
        %parallel_loop3A_310 = vector.shape_cast %parallel_loop3A_309 : vector<1x16xf32> to vector<16xf32>
        %parallel_loop3A_311 = arith.constant 24 : i32
        %parallel_loop3A_312 = arith.index_cast %parallel_loop3A_311 : i32 to index
        %parallel_loop3A_313 = arith.index_cast %parallel_loop3A_305 : i32 to index
        %parallel_loop3A_314 = tpu.vector_load %arg7[%parallel_loop3A_312, %parallel_loop3A_313] {strides = array<i32>} : memref<32x768xf32, #tpu.memory_space<vmem>>, vector<1x16xf32>,
        %parallel_loop3A_315 = vector.shape_cast %parallel_loop3A_314 : vector<1x16xf32> to vector<16xf32>
        %parallel_loop3A_316 = arith.mulf %parallel_loop3A_310, %parallel_loop3A_315 : vector<16xf32>
        %parallel_loop3A_317 = arith.constant 24 : i32
        %parallel_loop3A_318 = arith.index_cast %parallel_loop3A_317 : i32 to index
        %parallel_loop3A_319 = arith.index_cast %parallel_loop3A_305 : i32 to index
        %parallel_loop3A_320 = tpu.vector_load %arg5[%parallel_loop3A_318, %parallel_loop3A_319] {strides = array<i32>} : memref<32x768xf32, #tpu.memory_space<vmem>>, vector<1x16xf32>,
        %parallel_loop3A_321 = vector.shape_cast %parallel_loop3A_320 : vector<1x16xf32> to vector<16xf32>
        %parallel_loop3A_322 = vector.shape_cast %parallel_loop3A_316 : vector<16xf32> to vector<1x16xf32>
        tpu.vector_store %arg5[%parallel_loop3A_318, %parallel_loop3A_319], %parallel_loop3A_322 {strides = array<i32>} : memref<32x768xf32, #tpu.memory_space<vmem>>, vector<1x16xf32>,
      } {sc.loop_unroll_factor = 8 : i64, sc.parallel_access}
      %parallel_loop3A_132 = arith.constant 0 : i32
      %parallel_loop3A_133 = arith.constant 768 : i32
      %parallel_loop3A_134 = arith.constant 16 : i32
      scf.for %parallel_loop3A_305 = %parallel_loop3A_132 to %parallel_loop3A_133 step %parallel_loop3A_134  : i32 {
        %parallel_loop3A_306 = arith.constant 25 : i32
        %parallel_loop3A_307 = arith.index_cast %parallel_loop3A_306 : i32 to index
        %parallel_loop3A_308 = arith.index_cast %parallel_loop3A_305 : i32 to index
        %parallel_loop3A_309 = tpu.vector_load %arg5[%parallel_loop3A_307, %parallel_loop3A_308] {strides = array<i32>} : memref<32x768xf32, #tpu.memory_space<vmem>>, vector<1x16xf32>,
        %parallel_loop3A_310 = vector.shape_cast %parallel_loop3A_309 : vector<1x16xf32> to vector<16xf32>
        %parallel_loop3A_311 = arith.constant 25 : i32
        %parallel_loop3A_312 = arith.index_cast %parallel_loop3A_311 : i32 to index
        %parallel_loop3A_313 = arith.index_cast %parallel_loop3A_305 : i32 to index
        %parallel_loop3A_314 = tpu.vector_load %arg7[%parallel_loop3A_312, %parallel_loop3A_313] {strides = array<i32>} : memref<32x768xf32, #tpu.memory_space<vmem>>, vector<1x16xf32>,
        %parallel_loop3A_315 = vector.shape_cast %parallel_loop3A_314 : vector<1x16xf32> to vector<16xf32>
        %parallel_loop3A_316 = arith.mulf %parallel_loop3A_310, %parallel_loop3A_315 : vector<16xf32>
        %parallel_loop3A_317 = arith.constant 25 : i32
        %parallel_loop3A_318 = arith.index_cast %parallel_loop3A_317 : i32 to index
        %parallel_loop3A_319 = arith.index_cast %parallel_loop3A_305 : i32 to index
        %parallel_loop3A_320 = tpu.vector_load %arg5[%parallel_loop3A_318, %parallel_loop3A_319] {strides = array<i32>} : memref<32x768xf32, #tpu.memory_space<vmem>>, vector<1x16xf32>,
        %parallel_loop3A_321 = vector.shape_cast %parallel_loop3A_320 : vector<1x16xf32> to vector<16xf32>
        %parallel_loop3A_322 = vector.shape_cast %parallel_loop3A_316 : vector<16xf32> to vector<1x16xf32>
        tpu.vector_store %arg5[%parallel_loop3A_318, %parallel_loop3A_319], %parallel_loop3A_322 {strides = array<i32>} : memref<32x768xf32, #tpu.memory_space<vmem>>, vector<1x16xf32>,
      } {sc.loop_unroll_factor = 8 : i64, sc.parallel_access}
      %parallel_loop3A_135 = arith.constant 0 : i32
      %parallel_loop3A_136 = arith.constant 768 : i32
      %parallel_loop3A_137 = arith.constant 16 : i32
      scf.for %parallel_loop3A_305 = %parallel_loop3A_135 to %parallel_loop3A_136 step %parallel_loop3A_137  : i32 {
        %parallel_loop3A_306 = arith.constant 26 : i32
        %parallel_loop3A_307 = arith.index_cast %parallel_loop3A_306 : i32 to index
        %parallel_loop3A_308 = arith.index_cast %parallel_loop3A_305 : i32 to index
        %parallel_loop3A_309 = tpu.vector_load %arg5[%parallel_loop3A_307, %parallel_loop3A_308] {strides = array<i32>} : memref<32x768xf32, #tpu.memory_space<vmem>>, vector<1x16xf32>,
        %parallel_loop3A_310 = vector.shape_cast %parallel_loop3A_309 : vector<1x16xf32> to vector<16xf32>
        %parallel_loop3A_311 = arith.constant 26 : i32
        %parallel_loop3A_312 = arith.index_cast %parallel_loop3A_311 : i32 to index
        %parallel_loop3A_313 = arith.index_cast %parallel_loop3A_305 : i32 to index
        %parallel_loop3A_314 = tpu.vector_load %arg7[%parallel_loop3A_312, %parallel_loop3A_313] {strides = array<i32>} : memref<32x768xf32, #tpu.memory_space<vmem>>, vector<1x16xf32>,
        %parallel_loop3A_315 = vector.shape_cast %parallel_loop3A_314 : vector<1x16xf32> to vector<16xf32>
        %parallel_loop3A_316 = arith.mulf %parallel_loop3A_310, %parallel_loop3A_315 : vector<16xf32>
        %parallel_loop3A_317 = arith.constant 26 : i32
        %parallel_loop3A_318 = arith.index_cast %parallel_loop3A_317 : i32 to index
        %parallel_loop3A_319 = arith.index_cast %parallel_loop3A_305 : i32 to index
        %parallel_loop3A_320 = tpu.vector_load %arg5[%parallel_loop3A_318, %parallel_loop3A_319] {strides = array<i32>} : memref<32x768xf32, #tpu.memory_space<vmem>>, vector<1x16xf32>,
        %parallel_loop3A_321 = vector.shape_cast %parallel_loop3A_320 : vector<1x16xf32> to vector<16xf32>
        %parallel_loop3A_322 = vector.shape_cast %parallel_loop3A_316 : vector<16xf32> to vector<1x16xf32>
        tpu.vector_store %arg5[%parallel_loop3A_318, %parallel_loop3A_319], %parallel_loop3A_322 {strides = array<i32>} : memref<32x768xf32, #tpu.memory_space<vmem>>, vector<1x16xf32>,
      } {sc.loop_unroll_factor = 8 : i64, sc.parallel_access}
      %parallel_loop3A_138 = arith.constant 0 : i32
      %parallel_loop3A_139 = arith.constant 768 : i32
      %parallel_loop3A_140 = arith.constant 16 : i32
      scf.for %parallel_loop3A_305 = %parallel_loop3A_138 to %parallel_loop3A_139 step %parallel_loop3A_140  : i32 {
        %parallel_loop3A_306 = arith.constant 27 : i32
        %parallel_loop3A_307 = arith.index_cast %parallel_loop3A_306 : i32 to index
        %parallel_loop3A_308 = arith.index_cast %parallel_loop3A_305 : i32 to index
        %parallel_loop3A_309 = tpu.vector_load %arg5[%parallel_loop3A_307, %parallel_loop3A_308] {strides = array<i32>} : memref<32x768xf32, #tpu.memory_space<vmem>>, vector<1x16xf32>,
        %parallel_loop3A_310 = vector.shape_cast %parallel_loop3A_309 : vector<1x16xf32> to vector<16xf32>
        %parallel_loop3A_311 = arith.constant 27 : i32
        %parallel_loop3A_312 = arith.index_cast %parallel_loop3A_311 : i32 to index
        %parallel_loop3A_313 = arith.index_cast %parallel_loop3A_305 : i32 to index
        %parallel_loop3A_314 = tpu.vector_load %arg7[%parallel_loop3A_312, %parallel_loop3A_313] {strides = array<i32>} : memref<32x768xf32, #tpu.memory_space<vmem>>, vector<1x16xf32>,
        %parallel_loop3A_315 = vector.shape_cast %parallel_loop3A_314 : vector<1x16xf32> to vector<16xf32>
        %parallel_loop3A_316 = arith.mulf %parallel_loop3A_310, %parallel_loop3A_315 : vector<16xf32>
        %parallel_loop3A_317 = arith.constant 27 : i32
        %parallel_loop3A_318 = arith.index_cast %parallel_loop3A_317 : i32 to index
        %parallel_loop3A_319 = arith.index_cast %parallel_loop3A_305 : i32 to index
        %parallel_loop3A_320 = tpu.vector_load %arg5[%parallel_loop3A_318, %parallel_loop3A_319] {strides = array<i32>} : memref<32x768xf32, #tpu.memory_space<vmem>>, vector<1x16xf32>,
        %parallel_loop3A_321 = vector.shape_cast %parallel_loop3A_320 : vector<1x16xf32> to vector<16xf32>
        %parallel_loop3A_322 = vector.shape_cast %parallel_loop3A_316 : vector<16xf32> to vector<1x16xf32>
        tpu.vector_store %arg5[%parallel_loop3A_318, %parallel_loop3A_319], %parallel_loop3A_322 {strides = array<i32>} : memref<32x768xf32, #tpu.memory_space<vmem>>, vector<1x16xf32>,
      } {sc.loop_unroll_factor = 8 : i64, sc.parallel_access}
      %parallel_loop3A_141 = arith.constant 0 : i32
      %parallel_loop3A_142 = arith.constant 768 : i32
      %parallel_loop3A_143 = arith.constant 16 : i32
      scf.for %parallel_loop3A_305 = %parallel_loop3A_141 to %parallel_loop3A_142 step %parallel_loop3A_143  : i32 {
        %parallel_loop3A_306 = arith.constant 28 : i32
        %parallel_loop3A_307 = arith.index_cast %parallel_loop3A_306 : i32 to index
        %parallel_loop3A_308 = arith.index_cast %parallel_loop3A_305 : i32 to index
        %parallel_loop3A_309 = tpu.vector_load %arg5[%parallel_loop3A_307, %parallel_loop3A_308] {strides = array<i32>} : memref<32x768xf32, #tpu.memory_space<vmem>>, vector<1x16xf32>,
        %parallel_loop3A_310 = vector.shape_cast %parallel_loop3A_309 : vector<1x16xf32> to vector<16xf32>
        %parallel_loop3A_311 = arith.constant 28 : i32
        %parallel_loop3A_312 = arith.index_cast %parallel_loop3A_311 : i32 to index
        %parallel_loop3A_313 = arith.index_cast %parallel_loop3A_305 : i32 to index
        %parallel_loop3A_314 = tpu.vector_load %arg7[%parallel_loop3A_312, %parallel_loop3A_313] {strides = array<i32>} : memref<32x768xf32, #tpu.memory_space<vmem>>, vector<1x16xf32>,
        %parallel_loop3A_315 = vector.shape_cast %parallel_loop3A_314 : vector<1x16xf32> to vector<16xf32>
        %parallel_loop3A_316 = arith.mulf %parallel_loop3A_310, %parallel_loop3A_315 : vector<16xf32>
        %parallel_loop3A_317 = arith.constant 28 : i32
        %parallel_loop3A_318 = arith.index_cast %parallel_loop3A_317 : i32 to index
        %parallel_loop3A_319 = arith.index_cast %parallel_loop3A_305 : i32 to index
        %parallel_loop3A_320 = tpu.vector_load %arg5[%parallel_loop3A_318, %parallel_loop3A_319] {strides = array<i32>} : memref<32x768xf32, #tpu.memory_space<vmem>>, vector<1x16xf32>,
        %parallel_loop3A_321 = vector.shape_cast %parallel_loop3A_320 : vector<1x16xf32> to vector<16xf32>
        %parallel_loop3A_322 = vector.shape_cast %parallel_loop3A_316 : vector<16xf32> to vector<1x16xf32>
        tpu.vector_store %arg5[%parallel_loop3A_318, %parallel_loop3A_319], %parallel_loop3A_322 {strides = array<i32>} : memref<32x768xf32, #tpu.memory_space<vmem>>, vector<1x16xf32>,
      } {sc.loop_unroll_factor = 8 : i64, sc.parallel_access}
      %parallel_loop3A_144 = arith.constant 0 : i32
      %parallel_loop3A_145 = arith.constant 768 : i32
      %parallel_loop3A_146 = arith.constant 16 : i32
      scf.for %parallel_loop3A_305 = %parallel_loop3A_144 to %parallel_loop3A_145 step %parallel_loop3A_146  : i32 {
        %parallel_loop3A_306 = arith.constant 29 : i32
        %parallel_loop3A_307 = arith.index_cast %parallel_loop3A_306 : i32 to index
        %parallel_loop3A_308 = arith.index_cast %parallel_loop3A_305 : i32 to index
        %parallel_loop3A_309 = tpu.vector_load %arg5[%parallel_loop3A_307, %parallel_loop3A_308] {strides = array<i32>} : memref<32x768xf32, #tpu.memory_space<vmem>>, vector<1x16xf32>,
        %parallel_loop3A_310 = vector.shape_cast %parallel_loop3A_309 : vector<1x16xf32> to vector<16xf32>
        %parallel_loop3A_311 = arith.constant 29 : i32
        %parallel_loop3A_312 = arith.index_cast %parallel_loop3A_311 : i32 to index
        %parallel_loop3A_313 = arith.index_cast %parallel_loop3A_305 : i32 to index
        %parallel_loop3A_314 = tpu.vector_load %arg7[%parallel_loop3A_312, %parallel_loop3A_313] {strides = array<i32>} : memref<32x768xf32, #tpu.memory_space<vmem>>, vector<1x16xf32>,
        %parallel_loop3A_315 = vector.shape_cast %parallel_loop3A_314 : vector<1x16xf32> to vector<16xf32>
        %parallel_loop3A_316 = arith.mulf %parallel_loop3A_310, %parallel_loop3A_315 : vector<16xf32>
        %parallel_loop3A_317 = arith.constant 29 : i32
        %parallel_loop3A_318 = arith.index_cast %parallel_loop3A_317 : i32 to index
        %parallel_loop3A_319 = arith.index_cast %parallel_loop3A_305 : i32 to index
        %parallel_loop3A_320 = tpu.vector_load %arg5[%parallel_loop3A_318, %parallel_loop3A_319] {strides = array<i32>} : memref<32x768xf32, #tpu.memory_space<vmem>>, vector<1x16xf32>,
        %parallel_loop3A_321 = vector.shape_cast %parallel_loop3A_320 : vector<1x16xf32> to vector<16xf32>
        %parallel_loop3A_322 = vector.shape_cast %parallel_loop3A_316 : vector<16xf32> to vector<1x16xf32>
        tpu.vector_store %arg5[%parallel_loop3A_318, %parallel_loop3A_319], %parallel_loop3A_322 {strides = array<i32>} : memref<32x768xf32, #tpu.memory_space<vmem>>, vector<1x16xf32>,
      } {sc.loop_unroll_factor = 8 : i64, sc.parallel_access}
      %parallel_loop3A_147 = arith.constant 0 : i32
      %parallel_loop3A_148 = arith.constant 768 : i32
      %parallel_loop3A_149 = arith.constant 16 : i32
      scf.for %parallel_loop3A_305 = %parallel_loop3A_147 to %parallel_loop3A_148 step %parallel_loop3A_149  : i32 {
        %parallel_loop3A_306 = arith.constant 30 : i32
        %parallel_loop3A_307 = arith.index_cast %parallel_loop3A_306 : i32 to index
        %parallel_loop3A_308 = arith.index_cast %parallel_loop3A_305 : i32 to index
        %parallel_loop3A_309 = tpu.vector_load %arg5[%parallel_loop3A_307, %parallel_loop3A_308] {strides = array<i32>} : memref<32x768xf32, #tpu.memory_space<vmem>>, vector<1x16xf32>,
        %parallel_loop3A_310 = vector.shape_cast %parallel_loop3A_309 : vector<1x16xf32> to vector<16xf32>
        %parallel_loop3A_311 = arith.constant 30 : i32
        %parallel_loop3A_312 = arith.index_cast %parallel_loop3A_311 : i32 to index
        %parallel_loop3A_313 = arith.index_cast %parallel_loop3A_305 : i32 to index
        %parallel_loop3A_314 = tpu.vector_load %arg7[%parallel_loop3A_312, %parallel_loop3A_313] {strides = array<i32>} : memref<32x768xf32, #tpu.memory_space<vmem>>, vector<1x16xf32>,
        %parallel_loop3A_315 = vector.shape_cast %parallel_loop3A_314 : vector<1x16xf32> to vector<16xf32>
        %parallel_loop3A_316 = arith.mulf %parallel_loop3A_310, %parallel_loop3A_315 : vector<16xf32>
        %parallel_loop3A_317 = arith.constant 30 : i32
        %parallel_loop3A_318 = arith.index_cast %parallel_loop3A_317 : i32 to index
        %parallel_loop3A_319 = arith.index_cast %parallel_loop3A_305 : i32 to index
        %parallel_loop3A_320 = tpu.vector_load %arg5[%parallel_loop3A_318, %parallel_loop3A_319] {strides = array<i32>} : memref<32x768xf32, #tpu.memory_space<vmem>>, vector<1x16xf32>,
        %parallel_loop3A_321 = vector.shape_cast %parallel_loop3A_320 : vector<1x16xf32> to vector<16xf32>
        %parallel_loop3A_322 = vector.shape_cast %parallel_loop3A_316 : vector<16xf32> to vector<1x16xf32>
        tpu.vector_store %arg5[%parallel_loop3A_318, %parallel_loop3A_319], %parallel_loop3A_322 {strides = array<i32>} : memref<32x768xf32, #tpu.memory_space<vmem>>, vector<1x16xf32>,
      } {sc.loop_unroll_factor = 8 : i64, sc.parallel_access}
      %parallel_loop3A_150 = arith.constant 0 : i32
      %parallel_loop3A_151 = arith.constant 768 : i32
      %parallel_loop3A_152 = arith.constant 16 : i32
      scf.for %parallel_loop3A_305 = %parallel_loop3A_150 to %parallel_loop3A_151 step %parallel_loop3A_152  : i32 {
        %parallel_loop3A_306 = arith.constant 31 : i32
        %parallel_loop3A_307 = arith.index_cast %parallel_loop3A_306 : i32 to index
        %parallel_loop3A_308 = arith.index_cast %parallel_loop3A_305 : i32 to index
        %parallel_loop3A_309 = tpu.vector_load %arg5[%parallel_loop3A_307, %parallel_loop3A_308] {strides = array<i32>} : memref<32x768xf32, #tpu.memory_space<vmem>>, vector<1x16xf32>,
        %parallel_loop3A_310 = vector.shape_cast %parallel_loop3A_309 : vector<1x16xf32> to vector<16xf32>
        %parallel_loop3A_311 = arith.constant 31 : i32
        %parallel_loop3A_312 = arith.index_cast %parallel_loop3A_311 : i32 to index
        %parallel_loop3A_313 = arith.index_cast %parallel_loop3A_305 : i32 to index
        %parallel_loop3A_314 = tpu.vector_load %arg7[%parallel_loop3A_312, %parallel_loop3A_313] {strides = array<i32>} : memref<32x768xf32, #tpu.memory_space<vmem>>, vector<1x16xf32>,
        %parallel_loop3A_315 = vector.shape_cast %parallel_loop3A_314 : vector<1x16xf32> to vector<16xf32>
        %parallel_loop3A_316 = arith.mulf %parallel_loop3A_310, %parallel_loop3A_315 : vector<16xf32>
        %parallel_loop3A_317 = arith.constant 31 : i32
        %parallel_loop3A_318 = arith.index_cast %parallel_loop3A_317 : i32 to index
        %parallel_loop3A_319 = arith.index_cast %parallel_loop3A_305 : i32 to index
        %parallel_loop3A_320 = tpu.vector_load %arg5[%parallel_loop3A_318, %parallel_loop3A_319] {strides = array<i32>} : memref<32x768xf32, #tpu.memory_space<vmem>>, vector<1x16xf32>,
        %parallel_loop3A_321 = vector.shape_cast %parallel_loop3A_320 : vector<1x16xf32> to vector<16xf32>
        %parallel_loop3A_322 = vector.shape_cast %parallel_loop3A_316 : vector<16xf32> to vector<1x16xf32>
        tpu.vector_store %arg5[%parallel_loop3A_318, %parallel_loop3A_319], %parallel_loop3A_322 {strides = array<i32>} : memref<32x768xf32, #tpu.memory_space<vmem>>, vector<1x16xf32>,
      } {sc.loop_unroll_factor = 8 : i64, sc.parallel_access}
      %mul3A_153 = arith.constant 32 : i32
      %mul3A_154 = arith.muli %add3A_35, %mul3A_153 : i32
      %add3A_155 = arith.addi %mul3A_2, %mul3A_154 : i32
      %dma_start3A_156 = arith.constant 0 : i32
      %dma_start3A_157 = tpu.memref_slice %arg4[%add3A_155, %dma_start3A_156] : memref<65536x768xf32, #tpu.memory_space<hbm>> -> memref<32x768xf32, #tpu.memory_space<hbm>>
      %dma_start3A_158 = arith.constant 0 : i32
      %dma_start3A_159 = tpu.memref_slice %arg4[%add3A_155, %dma_start3A_158] : memref<65536x768xf32, #tpu.memory_space<hbm>> -> memref<32x768xf32, #tpu.memory_space<hbm>>
      tpu.enqueue_dma source(%arg5 : memref<32x768xf32, #tpu.memory_space<vmem>>) target(%dma_start3A_159 : memref<32x768xf32, #tpu.memory_space<hbm>>) target_semaphore(%arg13 : memref<!tpu.dma_semaphore, #tpu.memory_space<semaphore_mem>>)
      %add3A_160 = arith.constant 2 : i32
      %add3A_161 = arith.addi %add3A_35, %add3A_160 : i32
      %lt3A_162 = arith.constant 64 : i32
      %lt3A_163 = arith.cmpi slt, %add3A_161, %lt3A_162 : i32
      %convert_element_type3A_164 = arith.extui %lt3A_163 : i1 to i32
      %cond3A_165 = arith.constant 0 : i32
      %cond3A_166 = arith.cmpi ne, %convert_element_type3A_164, %cond3A_165 : i32
      scf.if %cond3A_166 {
        %add3A_305 = arith.constant 2 : i32
        %add3A_306 = arith.addi %add3A_35, %add3A_305 : i32
        %mul3A_307 = arith.constant 32 : i32
        %mul3A_308 = arith.muli %add3A_306, %mul3A_307 : i32
        %add3A_309 = arith.addi %mul3A_2, %mul3A_308 : i32
        %dma_start3A_310 = arith.constant 0 : i32
        %dma_start3A_311 = tpu.memref_slice %arg3[%add3A_309, %dma_start3A_310] : memref<65536x768xf32, #tpu.memory_space<hbm>> -> memref<32x768xf32, #tpu.memory_space<hbm>>
        %dma_start3A_312 = arith.constant 0 : i32
        %dma_start3A_313 = tpu.memref_slice %arg3[%add3A_309, %dma_start3A_312] : memref<65536x768xf32, #tpu.memory_space<hbm>> -> memref<32x768xf32, #tpu.memory_space<hbm>>
        tpu.enqueue_dma source(%dma_start3A_313 : memref<32x768xf32, #tpu.memory_space<hbm>>) target(%arg7 : memref<32x768xf32, #tpu.memory_space<vmem>>) target_semaphore(%arg11 : memref<!tpu.dma_semaphore, #tpu.memory_space<semaphore_mem>>)
      } else {
      }
      %add3A_167 = arith.constant 1 : i32
      %add3A_168 = arith.addi %add3A_33, %add3A_167 : i32
      %ge3A_169 = arith.constant 1 : i32
      %ge3A_170 = arith.cmpi sge, %add3A_168, %ge3A_169 : i32
      %convert_element_type3A_171 = arith.extui %ge3A_170 : i1 to i32
      %cond3A_172 = arith.constant 0 : i32
      %cond3A_173 = arith.cmpi ne, %convert_element_type3A_171, %cond3A_172 : i32
      scf.if %cond3A_173 {
        %sub3A = arith.constant 1 : i32
        %sub3A_305 = arith.subi %add3A_168, %sub3A : i32
        %mul3A_306 = arith.constant 32 : i32
        %mul3A_307 = arith.muli %sub3A_305, %mul3A_306 : i32
        %add3A_308 = arith.addi %mul3A_2, %mul3A_307 : i32
        %dma_wait3A_309 = arith.constant 0 : i32
        %dma_wait3A_310 = tpu.memref_slice %arg4[%add3A_308, %dma_wait3A_309] : memref<65536x768xf32, #tpu.memory_space<hbm>> -> memref<32x768xf32, #tpu.memory_space<hbm>>
        %dma_wait3A_311 = arith.constant 0 : i32
        %dma_wait3A_312 = tpu.memref_slice %arg4[%add3A_308, %dma_wait3A_311] : memref<65536x768xf32, #tpu.memory_space<hbm>> -> memref<32x768xf32, #tpu.memory_space<hbm>>
        tpu.wait_dma2 semaphore(%arg13 : memref<!tpu.dma_semaphore, #tpu.memory_space<semaphore_mem>>) src(%arg5 : memref<32x768xf32, #tpu.memory_space<vmem>>) dst(%dma_wait3A_312 : memref<32x768xf32, #tpu.memory_space<hbm>>)
      } else {
      }
      %add3A_174 = arith.constant 1 : i32
      %add3A_175 = arith.addi %add3A_168, %add3A_174 : i32
      %lt3A_176 = arith.constant 64 : i32
      %lt3A_177 = arith.cmpi slt, %add3A_175, %lt3A_176 : i32
      %convert_element_type3A_178 = arith.extui %lt3A_177 : i1 to i32
      %cond3A_179 = arith.constant 0 : i32
      %cond3A_180 = arith.cmpi ne, %convert_element_type3A_178, %cond3A_179 : i32
      scf.if %cond3A_180 {
        %add3A_305 = arith.constant 1 : i32
        %add3A_306 = arith.addi %add3A_168, %add3A_305 : i32
        %mul3A_307 = arith.constant 32 : i32
        %mul3A_308 = arith.muli %add3A_306, %mul3A_307 : i32
        %add3A_309 = arith.addi %mul3A_2, %mul3A_308 : i32
        %dma_start3A_310 = arith.constant 0 : i32
        %dma_start3A_311 = tpu.memref_slice %arg2[%add3A_309, %dma_start3A_310] : memref<65536x768xf32, #tpu.memory_space<hbm>> -> memref<32x768xf32, #tpu.memory_space<hbm>>
        %dma_start3A_312 = arith.constant 0 : i32
        %dma_start3A_313 = tpu.memref_slice %arg2[%add3A_309, %dma_start3A_312] : memref<65536x768xf32, #tpu.memory_space<hbm>> -> memref<32x768xf32, #tpu.memory_space<hbm>>
        tpu.enqueue_dma source(%dma_start3A_313 : memref<32x768xf32, #tpu.memory_space<hbm>>) target(%arg5 : memref<32x768xf32, #tpu.memory_space<vmem>>) target_semaphore(%arg9 : memref<!tpu.dma_semaphore, #tpu.memory_space<semaphore_mem>>)
      } else {
      }
      %mul3A_181 = arith.constant 32 : i32
      %mul3A_182 = arith.muli %add3A_168, %mul3A_181 : i32
      %add3A_183 = arith.addi %mul3A_2, %mul3A_182 : i32
      %dma_wait3A_184 = arith.constant 0 : i32
      %dma_wait3A_185 = tpu.memref_slice %arg2[%add3A_183, %dma_wait3A_184] : memref<65536x768xf32, #tpu.memory_space<hbm>> -> memref<32x768xf32, #tpu.memory_space<hbm>>
      %dma_wait3A_186 = arith.constant 0 : i32
      %dma_wait3A_187 = tpu.memref_slice %arg2[%add3A_183, %dma_wait3A_186] : memref<65536x768xf32, #tpu.memory_space<hbm>> -> memref<32x768xf32, #tpu.memory_space<hbm>>
      tpu.wait_dma2 semaphore(%arg10 : memref<!tpu.dma_semaphore, #tpu.memory_space<semaphore_mem>>) src(%dma_wait3A_187 : memref<32x768xf32, #tpu.memory_space<hbm>>) dst(%arg6 : memref<32x768xf32, #tpu.memory_space<vmem>>)
      %mul3A_188 = arith.constant 32 : i32
      %mul3A_189 = arith.muli %add3A_168, %mul3A_188 : i32
      %add3A_190 = arith.addi %mul3A_2, %mul3A_189 : i32
      %dma_wait3A_191 = arith.constant 0 : i32
      %dma_wait3A_192 = tpu.memref_slice %arg3[%add3A_190, %dma_wait3A_191] : memref<65536x768xf32, #tpu.memory_space<hbm>> -> memref<32x768xf32, #tpu.memory_space<hbm>>
      %dma_wait3A_193 = arith.constant 0 : i32
      %dma_wait3A_194 = tpu.memref_slice %arg3[%add3A_190, %dma_wait3A_193] : memref<65536x768xf32, #tpu.memory_space<hbm>> -> memref<32x768xf32, #tpu.memory_space<hbm>>
      tpu.wait_dma2 semaphore(%arg12 : memref<!tpu.dma_semaphore, #tpu.memory_space<semaphore_mem>>) src(%dma_wait3A_194 : memref<32x768xf32, #tpu.memory_space<hbm>>) dst(%arg8 : memref<32x768xf32, #tpu.memory_space<vmem>>)
      %parallel_loop3A_195 = arith.constant 0 : i32
      %parallel_loop3A_196 = arith.constant 768 : i32
      %parallel_loop3A_197 = arith.constant 16 : i32
      scf.for %parallel_loop3A_305 = %parallel_loop3A_195 to %parallel_loop3A_196 step %parallel_loop3A_197  : i32 {
        %parallel_loop3A_306 = arith.constant 0 : i32
        %parallel_loop3A_307 = arith.index_cast %parallel_loop3A_306 : i32 to index
        %parallel_loop3A_308 = arith.index_cast %parallel_loop3A_305 : i32 to index
        %parallel_loop3A_309 = tpu.vector_load %arg6[%parallel_loop3A_307, %parallel_loop3A_308] {strides = array<i32>} : memref<32x768xf32, #tpu.memory_space<vmem>>, vector<1x16xf32>,
        %parallel_loop3A_310 = vector.shape_cast %parallel_loop3A_309 : vector<1x16xf32> to vector<16xf32>
        %parallel_loop3A_311 = arith.constant 0 : i32
        %parallel_loop3A_312 = arith.index_cast %parallel_loop3A_311 : i32 to index
        %parallel_loop3A_313 = arith.index_cast %parallel_loop3A_305 : i32 to index
        %parallel_loop3A_314 = tpu.vector_load %arg8[%parallel_loop3A_312, %parallel_loop3A_313] {strides = array<i32>} : memref<32x768xf32, #tpu.memory_space<vmem>>, vector<1x16xf32>,
        %parallel_loop3A_315 = vector.shape_cast %parallel_loop3A_314 : vector<1x16xf32> to vector<16xf32>
        %parallel_loop3A_316 = arith.mulf %parallel_loop3A_310, %parallel_loop3A_315 : vector<16xf32>
        %parallel_loop3A_317 = arith.constant 0 : i32
        %parallel_loop3A_318 = arith.index_cast %parallel_loop3A_317 : i32 to index
        %parallel_loop3A_319 = arith.index_cast %parallel_loop3A_305 : i32 to index
        %parallel_loop3A_320 = tpu.vector_load %arg6[%parallel_loop3A_318, %parallel_loop3A_319] {strides = array<i32>} : memref<32x768xf32, #tpu.memory_space<vmem>>, vector<1x16xf32>,
        %parallel_loop3A_321 = vector.shape_cast %parallel_loop3A_320 : vector<1x16xf32> to vector<16xf32>
        %parallel_loop3A_322 = vector.shape_cast %parallel_loop3A_316 : vector<16xf32> to vector<1x16xf32>
        tpu.vector_store %arg6[%parallel_loop3A_318, %parallel_loop3A_319], %parallel_loop3A_322 {strides = array<i32>} : memref<32x768xf32, #tpu.memory_space<vmem>>, vector<1x16xf32>,
      } {sc.loop_unroll_factor = 8 : i64, sc.parallel_access}
      %parallel_loop3A_198 = arith.constant 0 : i32
      %parallel_loop3A_199 = arith.constant 768 : i32
      %parallel_loop3A_200 = arith.constant 16 : i32
      scf.for %parallel_loop3A_305 = %parallel_loop3A_198 to %parallel_loop3A_199 step %parallel_loop3A_200  : i32 {
        %parallel_loop3A_306 = arith.constant 1 : i32
        %parallel_loop3A_307 = arith.index_cast %parallel_loop3A_306 : i32 to index
        %parallel_loop3A_308 = arith.index_cast %parallel_loop3A_305 : i32 to index
        %parallel_loop3A_309 = tpu.vector_load %arg6[%parallel_loop3A_307, %parallel_loop3A_308] {strides = array<i32>} : memref<32x768xf32, #tpu.memory_space<vmem>>, vector<1x16xf32>,
        %parallel_loop3A_310 = vector.shape_cast %parallel_loop3A_309 : vector<1x16xf32> to vector<16xf32>
        %parallel_loop3A_311 = arith.constant 1 : i32
        %parallel_loop3A_312 = arith.index_cast %parallel_loop3A_311 : i32 to index
        %parallel_loop3A_313 = arith.index_cast %parallel_loop3A_305 : i32 to index
        %parallel_loop3A_314 = tpu.vector_load %arg8[%parallel_loop3A_312, %parallel_loop3A_313] {strides = array<i32>} : memref<32x768xf32, #tpu.memory_space<vmem>>, vector<1x16xf32>,
        %parallel_loop3A_315 = vector.shape_cast %parallel_loop3A_314 : vector<1x16xf32> to vector<16xf32>
        %parallel_loop3A_316 = arith.mulf %parallel_loop3A_310, %parallel_loop3A_315 : vector<16xf32>
        %parallel_loop3A_317 = arith.constant 1 : i32
        %parallel_loop3A_318 = arith.index_cast %parallel_loop3A_317 : i32 to index
        %parallel_loop3A_319 = arith.index_cast %parallel_loop3A_305 : i32 to index
        %parallel_loop3A_320 = tpu.vector_load %arg6[%parallel_loop3A_318, %parallel_loop3A_319] {strides = array<i32>} : memref<32x768xf32, #tpu.memory_space<vmem>>, vector<1x16xf32>,
        %parallel_loop3A_321 = vector.shape_cast %parallel_loop3A_320 : vector<1x16xf32> to vector<16xf32>
        %parallel_loop3A_322 = vector.shape_cast %parallel_loop3A_316 : vector<16xf32> to vector<1x16xf32>
        tpu.vector_store %arg6[%parallel_loop3A_318, %parallel_loop3A_319], %parallel_loop3A_322 {strides = array<i32>} : memref<32x768xf32, #tpu.memory_space<vmem>>, vector<1x16xf32>,
      } {sc.loop_unroll_factor = 8 : i64, sc.parallel_access}
      %parallel_loop3A_201 = arith.constant 0 : i32
      %parallel_loop3A_202 = arith.constant 768 : i32
      %parallel_loop3A_203 = arith.constant 16 : i32
      scf.for %parallel_loop3A_305 = %parallel_loop3A_201 to %parallel_loop3A_202 step %parallel_loop3A_203  : i32 {
        %parallel_loop3A_306 = arith.constant 2 : i32
        %parallel_loop3A_307 = arith.index_cast %parallel_loop3A_306 : i32 to index
        %parallel_loop3A_308 = arith.index_cast %parallel_loop3A_305 : i32 to index
        %parallel_loop3A_309 = tpu.vector_load %arg6[%parallel_loop3A_307, %parallel_loop3A_308] {strides = array<i32>} : memref<32x768xf32, #tpu.memory_space<vmem>>, vector<1x16xf32>,
        %parallel_loop3A_310 = vector.shape_cast %parallel_loop3A_309 : vector<1x16xf32> to vector<16xf32>
        %parallel_loop3A_311 = arith.constant 2 : i32
        %parallel_loop3A_312 = arith.index_cast %parallel_loop3A_311 : i32 to index
        %parallel_loop3A_313 = arith.index_cast %parallel_loop3A_305 : i32 to index
        %parallel_loop3A_314 = tpu.vector_load %arg8[%parallel_loop3A_312, %parallel_loop3A_313] {strides = array<i32>} : memref<32x768xf32, #tpu.memory_space<vmem>>, vector<1x16xf32>,
        %parallel_loop3A_315 = vector.shape_cast %parallel_loop3A_314 : vector<1x16xf32> to vector<16xf32>
        %parallel_loop3A_316 = arith.mulf %parallel_loop3A_310, %parallel_loop3A_315 : vector<16xf32>
        %parallel_loop3A_317 = arith.constant 2 : i32
        %parallel_loop3A_318 = arith.index_cast %parallel_loop3A_317 : i32 to index
        %parallel_loop3A_319 = arith.index_cast %parallel_loop3A_305 : i32 to index
        %parallel_loop3A_320 = tpu.vector_load %arg6[%parallel_loop3A_318, %parallel_loop3A_319] {strides = array<i32>} : memref<32x768xf32, #tpu.memory_space<vmem>>, vector<1x16xf32>,
        %parallel_loop3A_321 = vector.shape_cast %parallel_loop3A_320 : vector<1x16xf32> to vector<16xf32>
        %parallel_loop3A_322 = vector.shape_cast %parallel_loop3A_316 : vector<16xf32> to vector<1x16xf32>
        tpu.vector_store %arg6[%parallel_loop3A_318, %parallel_loop3A_319], %parallel_loop3A_322 {strides = array<i32>} : memref<32x768xf32, #tpu.memory_space<vmem>>, vector<1x16xf32>,
      } {sc.loop_unroll_factor = 8 : i64, sc.parallel_access}
      %parallel_loop3A_204 = arith.constant 0 : i32
      %parallel_loop3A_205 = arith.constant 768 : i32
      %parallel_loop3A_206 = arith.constant 16 : i32
      scf.for %parallel_loop3A_305 = %parallel_loop3A_204 to %parallel_loop3A_205 step %parallel_loop3A_206  : i32 {
        %parallel_loop3A_306 = arith.constant 3 : i32
        %parallel_loop3A_307 = arith.index_cast %parallel_loop3A_306 : i32 to index
        %parallel_loop3A_308 = arith.index_cast %parallel_loop3A_305 : i32 to index
        %parallel_loop3A_309 = tpu.vector_load %arg6[%parallel_loop3A_307, %parallel_loop3A_308] {strides = array<i32>} : memref<32x768xf32, #tpu.memory_space<vmem>>, vector<1x16xf32>,
        %parallel_loop3A_310 = vector.shape_cast %parallel_loop3A_309 : vector<1x16xf32> to vector<16xf32>
        %parallel_loop3A_311 = arith.constant 3 : i32
        %parallel_loop3A_312 = arith.index_cast %parallel_loop3A_311 : i32 to index
        %parallel_loop3A_313 = arith.index_cast %parallel_loop3A_305 : i32 to index
        %parallel_loop3A_314 = tpu.vector_load %arg8[%parallel_loop3A_312, %parallel_loop3A_313] {strides = array<i32>} : memref<32x768xf32, #tpu.memory_space<vmem>>, vector<1x16xf32>,
        %parallel_loop3A_315 = vector.shape_cast %parallel_loop3A_314 : vector<1x16xf32> to vector<16xf32>
        %parallel_loop3A_316 = arith.mulf %parallel_loop3A_310, %parallel_loop3A_315 : vector<16xf32>
        %parallel_loop3A_317 = arith.constant 3 : i32
        %parallel_loop3A_318 = arith.index_cast %parallel_loop3A_317 : i32 to index
        %parallel_loop3A_319 = arith.index_cast %parallel_loop3A_305 : i32 to index
        %parallel_loop3A_320 = tpu.vector_load %arg6[%parallel_loop3A_318, %parallel_loop3A_319] {strides = array<i32>} : memref<32x768xf32, #tpu.memory_space<vmem>>, vector<1x16xf32>,
        %parallel_loop3A_321 = vector.shape_cast %parallel_loop3A_320 : vector<1x16xf32> to vector<16xf32>
        %parallel_loop3A_322 = vector.shape_cast %parallel_loop3A_316 : vector<16xf32> to vector<1x16xf32>
        tpu.vector_store %arg6[%parallel_loop3A_318, %parallel_loop3A_319], %parallel_loop3A_322 {strides = array<i32>} : memref<32x768xf32, #tpu.memory_space<vmem>>, vector<1x16xf32>,
      } {sc.loop_unroll_factor = 8 : i64, sc.parallel_access}
      %parallel_loop3A_207 = arith.constant 0 : i32
      %parallel_loop3A_208 = arith.constant 768 : i32
      %parallel_loop3A_209 = arith.constant 16 : i32
      scf.for %parallel_loop3A_305 = %parallel_loop3A_207 to %parallel_loop3A_208 step %parallel_loop3A_209  : i32 {
        %parallel_loop3A_306 = arith.constant 4 : i32
        %parallel_loop3A_307 = arith.index_cast %parallel_loop3A_306 : i32 to index
        %parallel_loop3A_308 = arith.index_cast %parallel_loop3A_305 : i32 to index
        %parallel_loop3A_309 = tpu.vector_load %arg6[%parallel_loop3A_307, %parallel_loop3A_308] {strides = array<i32>} : memref<32x768xf32, #tpu.memory_space<vmem>>, vector<1x16xf32>,
        %parallel_loop3A_310 = vector.shape_cast %parallel_loop3A_309 : vector<1x16xf32> to vector<16xf32>
        %parallel_loop3A_311 = arith.constant 4 : i32
        %parallel_loop3A_312 = arith.index_cast %parallel_loop3A_311 : i32 to index
        %parallel_loop3A_313 = arith.index_cast %parallel_loop3A_305 : i32 to index
        %parallel_loop3A_314 = tpu.vector_load %arg8[%parallel_loop3A_312, %parallel_loop3A_313] {strides = array<i32>} : memref<32x768xf32, #tpu.memory_space<vmem>>, vector<1x16xf32>,
        %parallel_loop3A_315 = vector.shape_cast %parallel_loop3A_314 : vector<1x16xf32> to vector<16xf32>
        %parallel_loop3A_316 = arith.mulf %parallel_loop3A_310, %parallel_loop3A_315 : vector<16xf32>
        %parallel_loop3A_317 = arith.constant 4 : i32
        %parallel_loop3A_318 = arith.index_cast %parallel_loop3A_317 : i32 to index
        %parallel_loop3A_319 = arith.index_cast %parallel_loop3A_305 : i32 to index
        %parallel_loop3A_320 = tpu.vector_load %arg6[%parallel_loop3A_318, %parallel_loop3A_319] {strides = array<i32>} : memref<32x768xf32, #tpu.memory_space<vmem>>, vector<1x16xf32>,
        %parallel_loop3A_321 = vector.shape_cast %parallel_loop3A_320 : vector<1x16xf32> to vector<16xf32>
        %parallel_loop3A_322 = vector.shape_cast %parallel_loop3A_316 : vector<16xf32> to vector<1x16xf32>
        tpu.vector_store %arg6[%parallel_loop3A_318, %parallel_loop3A_319], %parallel_loop3A_322 {strides = array<i32>} : memref<32x768xf32, #tpu.memory_space<vmem>>, vector<1x16xf32>,
      } {sc.loop_unroll_factor = 8 : i64, sc.parallel_access}
      %parallel_loop3A_210 = arith.constant 0 : i32
      %parallel_loop3A_211 = arith.constant 768 : i32
      %parallel_loop3A_212 = arith.constant 16 : i32
      scf.for %parallel_loop3A_305 = %parallel_loop3A_210 to %parallel_loop3A_211 step %parallel_loop3A_212  : i32 {
        %parallel_loop3A_306 = arith.constant 5 : i32
        %parallel_loop3A_307 = arith.index_cast %parallel_loop3A_306 : i32 to index
        %parallel_loop3A_308 = arith.index_cast %parallel_loop3A_305 : i32 to index
        %parallel_loop3A_309 = tpu.vector_load %arg6[%parallel_loop3A_307, %parallel_loop3A_308] {strides = array<i32>} : memref<32x768xf32, #tpu.memory_space<vmem>>, vector<1x16xf32>,
        %parallel_loop3A_310 = vector.shape_cast %parallel_loop3A_309 : vector<1x16xf32> to vector<16xf32>
        %parallel_loop3A_311 = arith.constant 5 : i32
        %parallel_loop3A_312 = arith.index_cast %parallel_loop3A_311 : i32 to index
        %parallel_loop3A_313 = arith.index_cast %parallel_loop3A_305 : i32 to index
        %parallel_loop3A_314 = tpu.vector_load %arg8[%parallel_loop3A_312, %parallel_loop3A_313] {strides = array<i32>} : memref<32x768xf32, #tpu.memory_space<vmem>>, vector<1x16xf32>,
        %parallel_loop3A_315 = vector.shape_cast %parallel_loop3A_314 : vector<1x16xf32> to vector<16xf32>
        %parallel_loop3A_316 = arith.mulf %parallel_loop3A_310, %parallel_loop3A_315 : vector<16xf32>
        %parallel_loop3A_317 = arith.constant 5 : i32
        %parallel_loop3A_318 = arith.index_cast %parallel_loop3A_317 : i32 to index
        %parallel_loop3A_319 = arith.index_cast %parallel_loop3A_305 : i32 to index
        %parallel_loop3A_320 = tpu.vector_load %arg6[%parallel_loop3A_318, %parallel_loop3A_319] {strides = array<i32>} : memref<32x768xf32, #tpu.memory_space<vmem>>, vector<1x16xf32>,
        %parallel_loop3A_321 = vector.shape_cast %parallel_loop3A_320 : vector<1x16xf32> to vector<16xf32>
        %parallel_loop3A_322 = vector.shape_cast %parallel_loop3A_316 : vector<16xf32> to vector<1x16xf32>
        tpu.vector_store %arg6[%parallel_loop3A_318, %parallel_loop3A_319], %parallel_loop3A_322 {strides = array<i32>} : memref<32x768xf32, #tpu.memory_space<vmem>>, vector<1x16xf32>,
      } {sc.loop_unroll_factor = 8 : i64, sc.parallel_access}
      %parallel_loop3A_213 = arith.constant 0 : i32
      %parallel_loop3A_214 = arith.constant 768 : i32
      %parallel_loop3A_215 = arith.constant 16 : i32
      scf.for %parallel_loop3A_305 = %parallel_loop3A_213 to %parallel_loop3A_214 step %parallel_loop3A_215  : i32 {
        %parallel_loop3A_306 = arith.constant 6 : i32
        %parallel_loop3A_307 = arith.index_cast %parallel_loop3A_306 : i32 to index
        %parallel_loop3A_308 = arith.index_cast %parallel_loop3A_305 : i32 to index
        %parallel_loop3A_309 = tpu.vector_load %arg6[%parallel_loop3A_307, %parallel_loop3A_308] {strides = array<i32>} : memref<32x768xf32, #tpu.memory_space<vmem>>, vector<1x16xf32>,
        %parallel_loop3A_310 = vector.shape_cast %parallel_loop3A_309 : vector<1x16xf32> to vector<16xf32>
        %parallel_loop3A_311 = arith.constant 6 : i32
        %parallel_loop3A_312 = arith.index_cast %parallel_loop3A_311 : i32 to index
        %parallel_loop3A_313 = arith.index_cast %parallel_loop3A_305 : i32 to index
        %parallel_loop3A_314 = tpu.vector_load %arg8[%parallel_loop3A_312, %parallel_loop3A_313] {strides = array<i32>} : memref<32x768xf32, #tpu.memory_space<vmem>>, vector<1x16xf32>,
        %parallel_loop3A_315 = vector.shape_cast %parallel_loop3A_314 : vector<1x16xf32> to vector<16xf32>
        %parallel_loop3A_316 = arith.mulf %parallel_loop3A_310, %parallel_loop3A_315 : vector<16xf32>
        %parallel_loop3A_317 = arith.constant 6 : i32
        %parallel_loop3A_318 = arith.index_cast %parallel_loop3A_317 : i32 to index
        %parallel_loop3A_319 = arith.index_cast %parallel_loop3A_305 : i32 to index
        %parallel_loop3A_320 = tpu.vector_load %arg6[%parallel_loop3A_318, %parallel_loop3A_319] {strides = array<i32>} : memref<32x768xf32, #tpu.memory_space<vmem>>, vector<1x16xf32>,
        %parallel_loop3A_321 = vector.shape_cast %parallel_loop3A_320 : vector<1x16xf32> to vector<16xf32>
        %parallel_loop3A_322 = vector.shape_cast %parallel_loop3A_316 : vector<16xf32> to vector<1x16xf32>
        tpu.vector_store %arg6[%parallel_loop3A_318, %parallel_loop3A_319], %parallel_loop3A_322 {strides = array<i32>} : memref<32x768xf32, #tpu.memory_space<vmem>>, vector<1x16xf32>,
      } {sc.loop_unroll_factor = 8 : i64, sc.parallel_access}
      %parallel_loop3A_216 = arith.constant 0 : i32
      %parallel_loop3A_217 = arith.constant 768 : i32
      %parallel_loop3A_218 = arith.constant 16 : i32
      scf.for %parallel_loop3A_305 = %parallel_loop3A_216 to %parallel_loop3A_217 step %parallel_loop3A_218  : i32 {
        %parallel_loop3A_306 = arith.constant 7 : i32
        %parallel_loop3A_307 = arith.index_cast %parallel_loop3A_306 : i32 to index
        %parallel_loop3A_308 = arith.index_cast %parallel_loop3A_305 : i32 to index
        %parallel_loop3A_309 = tpu.vector_load %arg6[%parallel_loop3A_307, %parallel_loop3A_308] {strides = array<i32>} : memref<32x768xf32, #tpu.memory_space<vmem>>, vector<1x16xf32>,
        %parallel_loop3A_310 = vector.shape_cast %parallel_loop3A_309 : vector<1x16xf32> to vector<16xf32>
        %parallel_loop3A_311 = arith.constant 7 : i32
        %parallel_loop3A_312 = arith.index_cast %parallel_loop3A_311 : i32 to index
        %parallel_loop3A_313 = arith.index_cast %parallel_loop3A_305 : i32 to index
        %parallel_loop3A_314 = tpu.vector_load %arg8[%parallel_loop3A_312, %parallel_loop3A_313] {strides = array<i32>} : memref<32x768xf32, #tpu.memory_space<vmem>>, vector<1x16xf32>,
        %parallel_loop3A_315 = vector.shape_cast %parallel_loop3A_314 : vector<1x16xf32> to vector<16xf32>
        %parallel_loop3A_316 = arith.mulf %parallel_loop3A_310, %parallel_loop3A_315 : vector<16xf32>
        %parallel_loop3A_317 = arith.constant 7 : i32
        %parallel_loop3A_318 = arith.index_cast %parallel_loop3A_317 : i32 to index
        %parallel_loop3A_319 = arith.index_cast %parallel_loop3A_305 : i32 to index
        %parallel_loop3A_320 = tpu.vector_load %arg6[%parallel_loop3A_318, %parallel_loop3A_319] {strides = array<i32>} : memref<32x768xf32, #tpu.memory_space<vmem>>, vector<1x16xf32>,
        %parallel_loop3A_321 = vector.shape_cast %parallel_loop3A_320 : vector<1x16xf32> to vector<16xf32>
        %parallel_loop3A_322 = vector.shape_cast %parallel_loop3A_316 : vector<16xf32> to vector<1x16xf32>
        tpu.vector_store %arg6[%parallel_loop3A_318, %parallel_loop3A_319], %parallel_loop3A_322 {strides = array<i32>} : memref<32x768xf32, #tpu.memory_space<vmem>>, vector<1x16xf32>,
      } {sc.loop_unroll_factor = 8 : i64, sc.parallel_access}
      %parallel_loop3A_219 = arith.constant 0 : i32
      %parallel_loop3A_220 = arith.constant 768 : i32
      %parallel_loop3A_221 = arith.constant 16 : i32
      scf.for %parallel_loop3A_305 = %parallel_loop3A_219 to %parallel_loop3A_220 step %parallel_loop3A_221  : i32 {
        %parallel_loop3A_306 = arith.constant 8 : i32
        %parallel_loop3A_307 = arith.index_cast %parallel_loop3A_306 : i32 to index
        %parallel_loop3A_308 = arith.index_cast %parallel_loop3A_305 : i32 to index
        %parallel_loop3A_309 = tpu.vector_load %arg6[%parallel_loop3A_307, %parallel_loop3A_308] {strides = array<i32>} : memref<32x768xf32, #tpu.memory_space<vmem>>, vector<1x16xf32>,
        %parallel_loop3A_310 = vector.shape_cast %parallel_loop3A_309 : vector<1x16xf32> to vector<16xf32>
        %parallel_loop3A_311 = arith.constant 8 : i32
        %parallel_loop3A_312 = arith.index_cast %parallel_loop3A_311 : i32 to index
        %parallel_loop3A_313 = arith.index_cast %parallel_loop3A_305 : i32 to index
        %parallel_loop3A_314 = tpu.vector_load %arg8[%parallel_loop3A_312, %parallel_loop3A_313] {strides = array<i32>} : memref<32x768xf32, #tpu.memory_space<vmem>>, vector<1x16xf32>,
        %parallel_loop3A_315 = vector.shape_cast %parallel_loop3A_314 : vector<1x16xf32> to vector<16xf32>
        %parallel_loop3A_316 = arith.mulf %parallel_loop3A_310, %parallel_loop3A_315 : vector<16xf32>
        %parallel_loop3A_317 = arith.constant 8 : i32
        %parallel_loop3A_318 = arith.index_cast %parallel_loop3A_317 : i32 to index
        %parallel_loop3A_319 = arith.index_cast %parallel_loop3A_305 : i32 to index
        %parallel_loop3A_320 = tpu.vector_load %arg6[%parallel_loop3A_318, %parallel_loop3A_319] {strides = array<i32>} : memref<32x768xf32, #tpu.memory_space<vmem>>, vector<1x16xf32>,
        %parallel_loop3A_321 = vector.shape_cast %parallel_loop3A_320 : vector<1x16xf32> to vector<16xf32>
        %parallel_loop3A_322 = vector.shape_cast %parallel_loop3A_316 : vector<16xf32> to vector<1x16xf32>
        tpu.vector_store %arg6[%parallel_loop3A_318, %parallel_loop3A_319], %parallel_loop3A_322 {strides = array<i32>} : memref<32x768xf32, #tpu.memory_space<vmem>>, vector<1x16xf32>,
      } {sc.loop_unroll_factor = 8 : i64, sc.parallel_access}
      %parallel_loop3A_222 = arith.constant 0 : i32
      %parallel_loop3A_223 = arith.constant 768 : i32
      %parallel_loop3A_224 = arith.constant 16 : i32
      scf.for %parallel_loop3A_305 = %parallel_loop3A_222 to %parallel_loop3A_223 step %parallel_loop3A_224  : i32 {
        %parallel_loop3A_306 = arith.constant 9 : i32
        %parallel_loop3A_307 = arith.index_cast %parallel_loop3A_306 : i32 to index
        %parallel_loop3A_308 = arith.index_cast %parallel_loop3A_305 : i32 to index
        %parallel_loop3A_309 = tpu.vector_load %arg6[%parallel_loop3A_307, %parallel_loop3A_308] {strides = array<i32>} : memref<32x768xf32, #tpu.memory_space<vmem>>, vector<1x16xf32>,
        %parallel_loop3A_310 = vector.shape_cast %parallel_loop3A_309 : vector<1x16xf32> to vector<16xf32>
        %parallel_loop3A_311 = arith.constant 9 : i32
        %parallel_loop3A_312 = arith.index_cast %parallel_loop3A_311 : i32 to index
        %parallel_loop3A_313 = arith.index_cast %parallel_loop3A_305 : i32 to index
        %parallel_loop3A_314 = tpu.vector_load %arg8[%parallel_loop3A_312, %parallel_loop3A_313] {strides = array<i32>} : memref<32x768xf32, #tpu.memory_space<vmem>>, vector<1x16xf32>,
        %parallel_loop3A_315 = vector.shape_cast %parallel_loop3A_314 : vector<1x16xf32> to vector<16xf32>
        %parallel_loop3A_316 = arith.mulf %parallel_loop3A_310, %parallel_loop3A_315 : vector<16xf32>
        %parallel_loop3A_317 = arith.constant 9 : i32
        %parallel_loop3A_318 = arith.index_cast %parallel_loop3A_317 : i32 to index
        %parallel_loop3A_319 = arith.index_cast %parallel_loop3A_305 : i32 to index
        %parallel_loop3A_320 = tpu.vector_load %arg6[%parallel_loop3A_318, %parallel_loop3A_319] {strides = array<i32>} : memref<32x768xf32, #tpu.memory_space<vmem>>, vector<1x16xf32>,
        %parallel_loop3A_321 = vector.shape_cast %parallel_loop3A_320 : vector<1x16xf32> to vector<16xf32>
        %parallel_loop3A_322 = vector.shape_cast %parallel_loop3A_316 : vector<16xf32> to vector<1x16xf32>
        tpu.vector_store %arg6[%parallel_loop3A_318, %parallel_loop3A_319], %parallel_loop3A_322 {strides = array<i32>} : memref<32x768xf32, #tpu.memory_space<vmem>>, vector<1x16xf32>,
      } {sc.loop_unroll_factor = 8 : i64, sc.parallel_access}
      %parallel_loop3A_225 = arith.constant 0 : i32
      %parallel_loop3A_226 = arith.constant 768 : i32
      %parallel_loop3A_227 = arith.constant 16 : i32
      scf.for %parallel_loop3A_305 = %parallel_loop3A_225 to %parallel_loop3A_226 step %parallel_loop3A_227  : i32 {
        %parallel_loop3A_306 = arith.constant 10 : i32
        %parallel_loop3A_307 = arith.index_cast %parallel_loop3A_306 : i32 to index
        %parallel_loop3A_308 = arith.index_cast %parallel_loop3A_305 : i32 to index
        %parallel_loop3A_309 = tpu.vector_load %arg6[%parallel_loop3A_307, %parallel_loop3A_308] {strides = array<i32>} : memref<32x768xf32, #tpu.memory_space<vmem>>, vector<1x16xf32>,
        %parallel_loop3A_310 = vector.shape_cast %parallel_loop3A_309 : vector<1x16xf32> to vector<16xf32>
        %parallel_loop3A_311 = arith.constant 10 : i32
        %parallel_loop3A_312 = arith.index_cast %parallel_loop3A_311 : i32 to index
        %parallel_loop3A_313 = arith.index_cast %parallel_loop3A_305 : i32 to index
        %parallel_loop3A_314 = tpu.vector_load %arg8[%parallel_loop3A_312, %parallel_loop3A_313] {strides = array<i32>} : memref<32x768xf32, #tpu.memory_space<vmem>>, vector<1x16xf32>,
        %parallel_loop3A_315 = vector.shape_cast %parallel_loop3A_314 : vector<1x16xf32> to vector<16xf32>
        %parallel_loop3A_316 = arith.mulf %parallel_loop3A_310, %parallel_loop3A_315 : vector<16xf32>
        %parallel_loop3A_317 = arith.constant 10 : i32
        %parallel_loop3A_318 = arith.index_cast %parallel_loop3A_317 : i32 to index
        %parallel_loop3A_319 = arith.index_cast %parallel_loop3A_305 : i32 to index
        %parallel_loop3A_320 = tpu.vector_load %arg6[%parallel_loop3A_318, %parallel_loop3A_319] {strides = array<i32>} : memref<32x768xf32, #tpu.memory_space<vmem>>, vector<1x16xf32>,
        %parallel_loop3A_321 = vector.shape_cast %parallel_loop3A_320 : vector<1x16xf32> to vector<16xf32>
        %parallel_loop3A_322 = vector.shape_cast %parallel_loop3A_316 : vector<16xf32> to vector<1x16xf32>
        tpu.vector_store %arg6[%parallel_loop3A_318, %parallel_loop3A_319], %parallel_loop3A_322 {strides = array<i32>} : memref<32x768xf32, #tpu.memory_space<vmem>>, vector<1x16xf32>,
      } {sc.loop_unroll_factor = 8 : i64, sc.parallel_access}
      %parallel_loop3A_228 = arith.constant 0 : i32
      %parallel_loop3A_229 = arith.constant 768 : i32
      %parallel_loop3A_230 = arith.constant 16 : i32
      scf.for %parallel_loop3A_305 = %parallel_loop3A_228 to %parallel_loop3A_229 step %parallel_loop3A_230  : i32 {
        %parallel_loop3A_306 = arith.constant 11 : i32
        %parallel_loop3A_307 = arith.index_cast %parallel_loop3A_306 : i32 to index
        %parallel_loop3A_308 = arith.index_cast %parallel_loop3A_305 : i32 to index
        %parallel_loop3A_309 = tpu.vector_load %arg6[%parallel_loop3A_307, %parallel_loop3A_308] {strides = array<i32>} : memref<32x768xf32, #tpu.memory_space<vmem>>, vector<1x16xf32>,
        %parallel_loop3A_310 = vector.shape_cast %parallel_loop3A_309 : vector<1x16xf32> to vector<16xf32>
        %parallel_loop3A_311 = arith.constant 11 : i32
        %parallel_loop3A_312 = arith.index_cast %parallel_loop3A_311 : i32 to index
        %parallel_loop3A_313 = arith.index_cast %parallel_loop3A_305 : i32 to index
        %parallel_loop3A_314 = tpu.vector_load %arg8[%parallel_loop3A_312, %parallel_loop3A_313] {strides = array<i32>} : memref<32x768xf32, #tpu.memory_space<vmem>>, vector<1x16xf32>,
        %parallel_loop3A_315 = vector.shape_cast %parallel_loop3A_314 : vector<1x16xf32> to vector<16xf32>
        %parallel_loop3A_316 = arith.mulf %parallel_loop3A_310, %parallel_loop3A_315 : vector<16xf32>
        %parallel_loop3A_317 = arith.constant 11 : i32
        %parallel_loop3A_318 = arith.index_cast %parallel_loop3A_317 : i32 to index
        %parallel_loop3A_319 = arith.index_cast %parallel_loop3A_305 : i32 to index
        %parallel_loop3A_320 = tpu.vector_load %arg6[%parallel_loop3A_318, %parallel_loop3A_319] {strides = array<i32>} : memref<32x768xf32, #tpu.memory_space<vmem>>, vector<1x16xf32>,
        %parallel_loop3A_321 = vector.shape_cast %parallel_loop3A_320 : vector<1x16xf32> to vector<16xf32>
        %parallel_loop3A_322 = vector.shape_cast %parallel_loop3A_316 : vector<16xf32> to vector<1x16xf32>
        tpu.vector_store %arg6[%parallel_loop3A_318, %parallel_loop3A_319], %parallel_loop3A_322 {strides = array<i32>} : memref<32x768xf32, #tpu.memory_space<vmem>>, vector<1x16xf32>,
      } {sc.loop_unroll_factor = 8 : i64, sc.parallel_access}
      %parallel_loop3A_231 = arith.constant 0 : i32
      %parallel_loop3A_232 = arith.constant 768 : i32
      %parallel_loop3A_233 = arith.constant 16 : i32
      scf.for %parallel_loop3A_305 = %parallel_loop3A_231 to %parallel_loop3A_232 step %parallel_loop3A_233  : i32 {
        %parallel_loop3A_306 = arith.constant 12 : i32
        %parallel_loop3A_307 = arith.index_cast %parallel_loop3A_306 : i32 to index
        %parallel_loop3A_308 = arith.index_cast %parallel_loop3A_305 : i32 to index
        %parallel_loop3A_309 = tpu.vector_load %arg6[%parallel_loop3A_307, %parallel_loop3A_308] {strides = array<i32>} : memref<32x768xf32, #tpu.memory_space<vmem>>, vector<1x16xf32>,
        %parallel_loop3A_310 = vector.shape_cast %parallel_loop3A_309 : vector<1x16xf32> to vector<16xf32>
        %parallel_loop3A_311 = arith.constant 12 : i32
        %parallel_loop3A_312 = arith.index_cast %parallel_loop3A_311 : i32 to index
        %parallel_loop3A_313 = arith.index_cast %parallel_loop3A_305 : i32 to index
        %parallel_loop3A_314 = tpu.vector_load %arg8[%parallel_loop3A_312, %parallel_loop3A_313] {strides = array<i32>} : memref<32x768xf32, #tpu.memory_space<vmem>>, vector<1x16xf32>,
        %parallel_loop3A_315 = vector.shape_cast %parallel_loop3A_314 : vector<1x16xf32> to vector<16xf32>
        %parallel_loop3A_316 = arith.mulf %parallel_loop3A_310, %parallel_loop3A_315 : vector<16xf32>
        %parallel_loop3A_317 = arith.constant 12 : i32
        %parallel_loop3A_318 = arith.index_cast %parallel_loop3A_317 : i32 to index
        %parallel_loop3A_319 = arith.index_cast %parallel_loop3A_305 : i32 to index
        %parallel_loop3A_320 = tpu.vector_load %arg6[%parallel_loop3A_318, %parallel_loop3A_319] {strides = array<i32>} : memref<32x768xf32, #tpu.memory_space<vmem>>, vector<1x16xf32>,
        %parallel_loop3A_321 = vector.shape_cast %parallel_loop3A_320 : vector<1x16xf32> to vector<16xf32>
        %parallel_loop3A_322 = vector.shape_cast %parallel_loop3A_316 : vector<16xf32> to vector<1x16xf32>
        tpu.vector_store %arg6[%parallel_loop3A_318, %parallel_loop3A_319], %parallel_loop3A_322 {strides = array<i32>} : memref<32x768xf32, #tpu.memory_space<vmem>>, vector<1x16xf32>,
      } {sc.loop_unroll_factor = 8 : i64, sc.parallel_access}
      %parallel_loop3A_234 = arith.constant 0 : i32
      %parallel_loop3A_235 = arith.constant 768 : i32
      %parallel_loop3A_236 = arith.constant 16 : i32
      scf.for %parallel_loop3A_305 = %parallel_loop3A_234 to %parallel_loop3A_235 step %parallel_loop3A_236  : i32 {
        %parallel_loop3A_306 = arith.constant 13 : i32
        %parallel_loop3A_307 = arith.index_cast %parallel_loop3A_306 : i32 to index
        %parallel_loop3A_308 = arith.index_cast %parallel_loop3A_305 : i32 to index
        %parallel_loop3A_309 = tpu.vector_load %arg6[%parallel_loop3A_307, %parallel_loop3A_308] {strides = array<i32>} : memref<32x768xf32, #tpu.memory_space<vmem>>, vector<1x16xf32>,
        %parallel_loop3A_310 = vector.shape_cast %parallel_loop3A_309 : vector<1x16xf32> to vector<16xf32>
        %parallel_loop3A_311 = arith.constant 13 : i32
        %parallel_loop3A_312 = arith.index_cast %parallel_loop3A_311 : i32 to index
        %parallel_loop3A_313 = arith.index_cast %parallel_loop3A_305 : i32 to index
        %parallel_loop3A_314 = tpu.vector_load %arg8[%parallel_loop3A_312, %parallel_loop3A_313] {strides = array<i32>} : memref<32x768xf32, #tpu.memory_space<vmem>>, vector<1x16xf32>,
        %parallel_loop3A_315 = vector.shape_cast %parallel_loop3A_314 : vector<1x16xf32> to vector<16xf32>
        %parallel_loop3A_316 = arith.mulf %parallel_loop3A_310, %parallel_loop3A_315 : vector<16xf32>
        %parallel_loop3A_317 = arith.constant 13 : i32
        %parallel_loop3A_318 = arith.index_cast %parallel_loop3A_317 : i32 to index
        %parallel_loop3A_319 = arith.index_cast %parallel_loop3A_305 : i32 to index
        %parallel_loop3A_320 = tpu.vector_load %arg6[%parallel_loop3A_318, %parallel_loop3A_319] {strides = array<i32>} : memref<32x768xf32, #tpu.memory_space<vmem>>, vector<1x16xf32>,
        %parallel_loop3A_321 = vector.shape_cast %parallel_loop3A_320 : vector<1x16xf32> to vector<16xf32>
        %parallel_loop3A_322 = vector.shape_cast %parallel_loop3A_316 : vector<16xf32> to vector<1x16xf32>
        tpu.vector_store %arg6[%parallel_loop3A_318, %parallel_loop3A_319], %parallel_loop3A_322 {strides = array<i32>} : memref<32x768xf32, #tpu.memory_space<vmem>>, vector<1x16xf32>,
      } {sc.loop_unroll_factor = 8 : i64, sc.parallel_access}
      %parallel_loop3A_237 = arith.constant 0 : i32
      %parallel_loop3A_238 = arith.constant 768 : i32
      %parallel_loop3A_239 = arith.constant 16 : i32
      scf.for %parallel_loop3A_305 = %parallel_loop3A_237 to %parallel_loop3A_238 step %parallel_loop3A_239  : i32 {
        %parallel_loop3A_306 = arith.constant 14 : i32
        %parallel_loop3A_307 = arith.index_cast %parallel_loop3A_306 : i32 to index
        %parallel_loop3A_308 = arith.index_cast %parallel_loop3A_305 : i32 to index
        %parallel_loop3A_309 = tpu.vector_load %arg6[%parallel_loop3A_307, %parallel_loop3A_308] {strides = array<i32>} : memref<32x768xf32, #tpu.memory_space<vmem>>, vector<1x16xf32>,
        %parallel_loop3A_310 = vector.shape_cast %parallel_loop3A_309 : vector<1x16xf32> to vector<16xf32>
        %parallel_loop3A_311 = arith.constant 14 : i32
        %parallel_loop3A_312 = arith.index_cast %parallel_loop3A_311 : i32 to index
        %parallel_loop3A_313 = arith.index_cast %parallel_loop3A_305 : i32 to index
        %parallel_loop3A_314 = tpu.vector_load %arg8[%parallel_loop3A_312, %parallel_loop3A_313] {strides = array<i32>} : memref<32x768xf32, #tpu.memory_space<vmem>>, vector<1x16xf32>,
        %parallel_loop3A_315 = vector.shape_cast %parallel_loop3A_314 : vector<1x16xf32> to vector<16xf32>
        %parallel_loop3A_316 = arith.mulf %parallel_loop3A_310, %parallel_loop3A_315 : vector<16xf32>
        %parallel_loop3A_317 = arith.constant 14 : i32
        %parallel_loop3A_318 = arith.index_cast %parallel_loop3A_317 : i32 to index
        %parallel_loop3A_319 = arith.index_cast %parallel_loop3A_305 : i32 to index
        %parallel_loop3A_320 = tpu.vector_load %arg6[%parallel_loop3A_318, %parallel_loop3A_319] {strides = array<i32>} : memref<32x768xf32, #tpu.memory_space<vmem>>, vector<1x16xf32>,
        %parallel_loop3A_321 = vector.shape_cast %parallel_loop3A_320 : vector<1x16xf32> to vector<16xf32>
        %parallel_loop3A_322 = vector.shape_cast %parallel_loop3A_316 : vector<16xf32> to vector<1x16xf32>
        tpu.vector_store %arg6[%parallel_loop3A_318, %parallel_loop3A_319], %parallel_loop3A_322 {strides = array<i32>} : memref<32x768xf32, #tpu.memory_space<vmem>>, vector<1x16xf32>,
      } {sc.loop_unroll_factor = 8 : i64, sc.parallel_access}
      %parallel_loop3A_240 = arith.constant 0 : i32
      %parallel_loop3A_241 = arith.constant 768 : i32
      %parallel_loop3A_242 = arith.constant 16 : i32
      scf.for %parallel_loop3A_305 = %parallel_loop3A_240 to %parallel_loop3A_241 step %parallel_loop3A_242  : i32 {
        %parallel_loop3A_306 = arith.constant 15 : i32
        %parallel_loop3A_307 = arith.index_cast %parallel_loop3A_306 : i32 to index
        %parallel_loop3A_308 = arith.index_cast %parallel_loop3A_305 : i32 to index
        %parallel_loop3A_309 = tpu.vector_load %arg6[%parallel_loop3A_307, %parallel_loop3A_308] {strides = array<i32>} : memref<32x768xf32, #tpu.memory_space<vmem>>, vector<1x16xf32>,
        %parallel_loop3A_310 = vector.shape_cast %parallel_loop3A_309 : vector<1x16xf32> to vector<16xf32>
        %parallel_loop3A_311 = arith.constant 15 : i32
        %parallel_loop3A_312 = arith.index_cast %parallel_loop3A_311 : i32 to index
        %parallel_loop3A_313 = arith.index_cast %parallel_loop3A_305 : i32 to index
        %parallel_loop3A_314 = tpu.vector_load %arg8[%parallel_loop3A_312, %parallel_loop3A_313] {strides = array<i32>} : memref<32x768xf32, #tpu.memory_space<vmem>>, vector<1x16xf32>,
        %parallel_loop3A_315 = vector.shape_cast %parallel_loop3A_314 : vector<1x16xf32> to vector<16xf32>
        %parallel_loop3A_316 = arith.mulf %parallel_loop3A_310, %parallel_loop3A_315 : vector<16xf32>
        %parallel_loop3A_317 = arith.constant 15 : i32
        %parallel_loop3A_318 = arith.index_cast %parallel_loop3A_317 : i32 to index
        %parallel_loop3A_319 = arith.index_cast %parallel_loop3A_305 : i32 to index
        %parallel_loop3A_320 = tpu.vector_load %arg6[%parallel_loop3A_318, %parallel_loop3A_319] {strides = array<i32>} : memref<32x768xf32, #tpu.memory_space<vmem>>, vector<1x16xf32>,
        %parallel_loop3A_321 = vector.shape_cast %parallel_loop3A_320 : vector<1x16xf32> to vector<16xf32>
        %parallel_loop3A_322 = vector.shape_cast %parallel_loop3A_316 : vector<16xf32> to vector<1x16xf32>
        tpu.vector_store %arg6[%parallel_loop3A_318, %parallel_loop3A_319], %parallel_loop3A_322 {strides = array<i32>} : memref<32x768xf32, #tpu.memory_space<vmem>>, vector<1x16xf32>,
      } {sc.loop_unroll_factor = 8 : i64, sc.parallel_access}
      %parallel_loop3A_243 = arith.constant 0 : i32
      %parallel_loop3A_244 = arith.constant 768 : i32
      %parallel_loop3A_245 = arith.constant 16 : i32
      scf.for %parallel_loop3A_305 = %parallel_loop3A_243 to %parallel_loop3A_244 step %parallel_loop3A_245  : i32 {
        %parallel_loop3A_306 = arith.constant 16 : i32
        %parallel_loop3A_307 = arith.index_cast %parallel_loop3A_306 : i32 to index
        %parallel_loop3A_308 = arith.index_cast %parallel_loop3A_305 : i32 to index
        %parallel_loop3A_309 = tpu.vector_load %arg6[%parallel_loop3A_307, %parallel_loop3A_308] {strides = array<i32>} : memref<32x768xf32, #tpu.memory_space<vmem>>, vector<1x16xf32>,
        %parallel_loop3A_310 = vector.shape_cast %parallel_loop3A_309 : vector<1x16xf32> to vector<16xf32>
        %parallel_loop3A_311 = arith.constant 16 : i32
        %parallel_loop3A_312 = arith.index_cast %parallel_loop3A_311 : i32 to index
        %parallel_loop3A_313 = arith.index_cast %parallel_loop3A_305 : i32 to index
        %parallel_loop3A_314 = tpu.vector_load %arg8[%parallel_loop3A_312, %parallel_loop3A_313] {strides = array<i32>} : memref<32x768xf32, #tpu.memory_space<vmem>>, vector<1x16xf32>,
        %parallel_loop3A_315 = vector.shape_cast %parallel_loop3A_314 : vector<1x16xf32> to vector<16xf32>
        %parallel_loop3A_316 = arith.mulf %parallel_loop3A_310, %parallel_loop3A_315 : vector<16xf32>
        %parallel_loop3A_317 = arith.constant 16 : i32
        %parallel_loop3A_318 = arith.index_cast %parallel_loop3A_317 : i32 to index
        %parallel_loop3A_319 = arith.index_cast %parallel_loop3A_305 : i32 to index
        %parallel_loop3A_320 = tpu.vector_load %arg6[%parallel_loop3A_318, %parallel_loop3A_319] {strides = array<i32>} : memref<32x768xf32, #tpu.memory_space<vmem>>, vector<1x16xf32>,
        %parallel_loop3A_321 = vector.shape_cast %parallel_loop3A_320 : vector<1x16xf32> to vector<16xf32>
        %parallel_loop3A_322 = vector.shape_cast %parallel_loop3A_316 : vector<16xf32> to vector<1x16xf32>
        tpu.vector_store %arg6[%parallel_loop3A_318, %parallel_loop3A_319], %parallel_loop3A_322 {strides = array<i32>} : memref<32x768xf32, #tpu.memory_space<vmem>>, vector<1x16xf32>,
      } {sc.loop_unroll_factor = 8 : i64, sc.parallel_access}
      %parallel_loop3A_246 = arith.constant 0 : i32
      %parallel_loop3A_247 = arith.constant 768 : i32
      %parallel_loop3A_248 = arith.constant 16 : i32
      scf.for %parallel_loop3A_305 = %parallel_loop3A_246 to %parallel_loop3A_247 step %parallel_loop3A_248  : i32 {
        %parallel_loop3A_306 = arith.constant 17 : i32
        %parallel_loop3A_307 = arith.index_cast %parallel_loop3A_306 : i32 to index
        %parallel_loop3A_308 = arith.index_cast %parallel_loop3A_305 : i32 to index
        %parallel_loop3A_309 = tpu.vector_load %arg6[%parallel_loop3A_307, %parallel_loop3A_308] {strides = array<i32>} : memref<32x768xf32, #tpu.memory_space<vmem>>, vector<1x16xf32>,
        %parallel_loop3A_310 = vector.shape_cast %parallel_loop3A_309 : vector<1x16xf32> to vector<16xf32>
        %parallel_loop3A_311 = arith.constant 17 : i32
        %parallel_loop3A_312 = arith.index_cast %parallel_loop3A_311 : i32 to index
        %parallel_loop3A_313 = arith.index_cast %parallel_loop3A_305 : i32 to index
        %parallel_loop3A_314 = tpu.vector_load %arg8[%parallel_loop3A_312, %parallel_loop3A_313] {strides = array<i32>} : memref<32x768xf32, #tpu.memory_space<vmem>>, vector<1x16xf32>,
        %parallel_loop3A_315 = vector.shape_cast %parallel_loop3A_314 : vector<1x16xf32> to vector<16xf32>
        %parallel_loop3A_316 = arith.mulf %parallel_loop3A_310, %parallel_loop3A_315 : vector<16xf32>
        %parallel_loop3A_317 = arith.constant 17 : i32
        %parallel_loop3A_318 = arith.index_cast %parallel_loop3A_317 : i32 to index
        %parallel_loop3A_319 = arith.index_cast %parallel_loop3A_305 : i32 to index
        %parallel_loop3A_320 = tpu.vector_load %arg6[%parallel_loop3A_318, %parallel_loop3A_319] {strides = array<i32>} : memref<32x768xf32, #tpu.memory_space<vmem>>, vector<1x16xf32>,
        %parallel_loop3A_321 = vector.shape_cast %parallel_loop3A_320 : vector<1x16xf32> to vector<16xf32>
        %parallel_loop3A_322 = vector.shape_cast %parallel_loop3A_316 : vector<16xf32> to vector<1x16xf32>
        tpu.vector_store %arg6[%parallel_loop3A_318, %parallel_loop3A_319], %parallel_loop3A_322 {strides = array<i32>} : memref<32x768xf32, #tpu.memory_space<vmem>>, vector<1x16xf32>,
      } {sc.loop_unroll_factor = 8 : i64, sc.parallel_access}
      %parallel_loop3A_249 = arith.constant 0 : i32
      %parallel_loop3A_250 = arith.constant 768 : i32
      %parallel_loop3A_251 = arith.constant 16 : i32
      scf.for %parallel_loop3A_305 = %parallel_loop3A_249 to %parallel_loop3A_250 step %parallel_loop3A_251  : i32 {
        %parallel_loop3A_306 = arith.constant 18 : i32
        %parallel_loop3A_307 = arith.index_cast %parallel_loop3A_306 : i32 to index
        %parallel_loop3A_308 = arith.index_cast %parallel_loop3A_305 : i32 to index
        %parallel_loop3A_309 = tpu.vector_load %arg6[%parallel_loop3A_307, %parallel_loop3A_308] {strides = array<i32>} : memref<32x768xf32, #tpu.memory_space<vmem>>, vector<1x16xf32>,
        %parallel_loop3A_310 = vector.shape_cast %parallel_loop3A_309 : vector<1x16xf32> to vector<16xf32>
        %parallel_loop3A_311 = arith.constant 18 : i32
        %parallel_loop3A_312 = arith.index_cast %parallel_loop3A_311 : i32 to index
        %parallel_loop3A_313 = arith.index_cast %parallel_loop3A_305 : i32 to index
        %parallel_loop3A_314 = tpu.vector_load %arg8[%parallel_loop3A_312, %parallel_loop3A_313] {strides = array<i32>} : memref<32x768xf32, #tpu.memory_space<vmem>>, vector<1x16xf32>,
        %parallel_loop3A_315 = vector.shape_cast %parallel_loop3A_314 : vector<1x16xf32> to vector<16xf32>
        %parallel_loop3A_316 = arith.mulf %parallel_loop3A_310, %parallel_loop3A_315 : vector<16xf32>
        %parallel_loop3A_317 = arith.constant 18 : i32
        %parallel_loop3A_318 = arith.index_cast %parallel_loop3A_317 : i32 to index
        %parallel_loop3A_319 = arith.index_cast %parallel_loop3A_305 : i32 to index
        %parallel_loop3A_320 = tpu.vector_load %arg6[%parallel_loop3A_318, %parallel_loop3A_319] {strides = array<i32>} : memref<32x768xf32, #tpu.memory_space<vmem>>, vector<1x16xf32>,
        %parallel_loop3A_321 = vector.shape_cast %parallel_loop3A_320 : vector<1x16xf32> to vector<16xf32>
        %parallel_loop3A_322 = vector.shape_cast %parallel_loop3A_316 : vector<16xf32> to vector<1x16xf32>
        tpu.vector_store %arg6[%parallel_loop3A_318, %parallel_loop3A_319], %parallel_loop3A_322 {strides = array<i32>} : memref<32x768xf32, #tpu.memory_space<vmem>>, vector<1x16xf32>,
      } {sc.loop_unroll_factor = 8 : i64, sc.parallel_access}
      %parallel_loop3A_252 = arith.constant 0 : i32
      %parallel_loop3A_253 = arith.constant 768 : i32
      %parallel_loop3A_254 = arith.constant 16 : i32
      scf.for %parallel_loop3A_305 = %parallel_loop3A_252 to %parallel_loop3A_253 step %parallel_loop3A_254  : i32 {
        %parallel_loop3A_306 = arith.constant 19 : i32
        %parallel_loop3A_307 = arith.index_cast %parallel_loop3A_306 : i32 to index
        %parallel_loop3A_308 = arith.index_cast %parallel_loop3A_305 : i32 to index
        %parallel_loop3A_309 = tpu.vector_load %arg6[%parallel_loop3A_307, %parallel_loop3A_308] {strides = array<i32>} : memref<32x768xf32, #tpu.memory_space<vmem>>, vector<1x16xf32>,
        %parallel_loop3A_310 = vector.shape_cast %parallel_loop3A_309 : vector<1x16xf32> to vector<16xf32>
        %parallel_loop3A_311 = arith.constant 19 : i32
        %parallel_loop3A_312 = arith.index_cast %parallel_loop3A_311 : i32 to index
        %parallel_loop3A_313 = arith.index_cast %parallel_loop3A_305 : i32 to index
        %parallel_loop3A_314 = tpu.vector_load %arg8[%parallel_loop3A_312, %parallel_loop3A_313] {strides = array<i32>} : memref<32x768xf32, #tpu.memory_space<vmem>>, vector<1x16xf32>,
        %parallel_loop3A_315 = vector.shape_cast %parallel_loop3A_314 : vector<1x16xf32> to vector<16xf32>
        %parallel_loop3A_316 = arith.mulf %parallel_loop3A_310, %parallel_loop3A_315 : vector<16xf32>
        %parallel_loop3A_317 = arith.constant 19 : i32
        %parallel_loop3A_318 = arith.index_cast %parallel_loop3A_317 : i32 to index
        %parallel_loop3A_319 = arith.index_cast %parallel_loop3A_305 : i32 to index
        %parallel_loop3A_320 = tpu.vector_load %arg6[%parallel_loop3A_318, %parallel_loop3A_319] {strides = array<i32>} : memref<32x768xf32, #tpu.memory_space<vmem>>, vector<1x16xf32>,
        %parallel_loop3A_321 = vector.shape_cast %parallel_loop3A_320 : vector<1x16xf32> to vector<16xf32>
        %parallel_loop3A_322 = vector.shape_cast %parallel_loop3A_316 : vector<16xf32> to vector<1x16xf32>
        tpu.vector_store %arg6[%parallel_loop3A_318, %parallel_loop3A_319], %parallel_loop3A_322 {strides = array<i32>} : memref<32x768xf32, #tpu.memory_space<vmem>>, vector<1x16xf32>,
      } {sc.loop_unroll_factor = 8 : i64, sc.parallel_access}
      %parallel_loop3A_255 = arith.constant 0 : i32
      %parallel_loop3A_256 = arith.constant 768 : i32
      %parallel_loop3A_257 = arith.constant 16 : i32
      scf.for %parallel_loop3A_305 = %parallel_loop3A_255 to %parallel_loop3A_256 step %parallel_loop3A_257  : i32 {
        %parallel_loop3A_306 = arith.constant 20 : i32
        %parallel_loop3A_307 = arith.index_cast %parallel_loop3A_306 : i32 to index
        %parallel_loop3A_308 = arith.index_cast %parallel_loop3A_305 : i32 to index
        %parallel_loop3A_309 = tpu.vector_load %arg6[%parallel_loop3A_307, %parallel_loop3A_308] {strides = array<i32>} : memref<32x768xf32, #tpu.memory_space<vmem>>, vector<1x16xf32>,
        %parallel_loop3A_310 = vector.shape_cast %parallel_loop3A_309 : vector<1x16xf32> to vector<16xf32>
        %parallel_loop3A_311 = arith.constant 20 : i32
        %parallel_loop3A_312 = arith.index_cast %parallel_loop3A_311 : i32 to index
        %parallel_loop3A_313 = arith.index_cast %parallel_loop3A_305 : i32 to index
        %parallel_loop3A_314 = tpu.vector_load %arg8[%parallel_loop3A_312, %parallel_loop3A_313] {strides = array<i32>} : memref<32x768xf32, #tpu.memory_space<vmem>>, vector<1x16xf32>,
        %parallel_loop3A_315 = vector.shape_cast %parallel_loop3A_314 : vector<1x16xf32> to vector<16xf32>
        %parallel_loop3A_316 = arith.mulf %parallel_loop3A_310, %parallel_loop3A_315 : vector<16xf32>
        %parallel_loop3A_317 = arith.constant 20 : i32
        %parallel_loop3A_318 = arith.index_cast %parallel_loop3A_317 : i32 to index
        %parallel_loop3A_319 = arith.index_cast %parallel_loop3A_305 : i32 to index
        %parallel_loop3A_320 = tpu.vector_load %arg6[%parallel_loop3A_318, %parallel_loop3A_319] {strides = array<i32>} : memref<32x768xf32, #tpu.memory_space<vmem>>, vector<1x16xf32>,
        %parallel_loop3A_321 = vector.shape_cast %parallel_loop3A_320 : vector<1x16xf32> to vector<16xf32>
        %parallel_loop3A_322 = vector.shape_cast %parallel_loop3A_316 : vector<16xf32> to vector<1x16xf32>
        tpu.vector_store %arg6[%parallel_loop3A_318, %parallel_loop3A_319], %parallel_loop3A_322 {strides = array<i32>} : memref<32x768xf32, #tpu.memory_space<vmem>>, vector<1x16xf32>,
      } {sc.loop_unroll_factor = 8 : i64, sc.parallel_access}
      %parallel_loop3A_258 = arith.constant 0 : i32
      %parallel_loop3A_259 = arith.constant 768 : i32
      %parallel_loop3A_260 = arith.constant 16 : i32
      scf.for %parallel_loop3A_305 = %parallel_loop3A_258 to %parallel_loop3A_259 step %parallel_loop3A_260  : i32 {
        %parallel_loop3A_306 = arith.constant 21 : i32
        %parallel_loop3A_307 = arith.index_cast %parallel_loop3A_306 : i32 to index
        %parallel_loop3A_308 = arith.index_cast %parallel_loop3A_305 : i32 to index
        %parallel_loop3A_309 = tpu.vector_load %arg6[%parallel_loop3A_307, %parallel_loop3A_308] {strides = array<i32>} : memref<32x768xf32, #tpu.memory_space<vmem>>, vector<1x16xf32>,
        %parallel_loop3A_310 = vector.shape_cast %parallel_loop3A_309 : vector<1x16xf32> to vector<16xf32>
        %parallel_loop3A_311 = arith.constant 21 : i32
        %parallel_loop3A_312 = arith.index_cast %parallel_loop3A_311 : i32 to index
        %parallel_loop3A_313 = arith.index_cast %parallel_loop3A_305 : i32 to index
        %parallel_loop3A_314 = tpu.vector_load %arg8[%parallel_loop3A_312, %parallel_loop3A_313] {strides = array<i32>} : memref<32x768xf32, #tpu.memory_space<vmem>>, vector<1x16xf32>,
        %parallel_loop3A_315 = vector.shape_cast %parallel_loop3A_314 : vector<1x16xf32> to vector<16xf32>
        %parallel_loop3A_316 = arith.mulf %parallel_loop3A_310, %parallel_loop3A_315 : vector<16xf32>
        %parallel_loop3A_317 = arith.constant 21 : i32
        %parallel_loop3A_318 = arith.index_cast %parallel_loop3A_317 : i32 to index
        %parallel_loop3A_319 = arith.index_cast %parallel_loop3A_305 : i32 to index
        %parallel_loop3A_320 = tpu.vector_load %arg6[%parallel_loop3A_318, %parallel_loop3A_319] {strides = array<i32>} : memref<32x768xf32, #tpu.memory_space<vmem>>, vector<1x16xf32>,
        %parallel_loop3A_321 = vector.shape_cast %parallel_loop3A_320 : vector<1x16xf32> to vector<16xf32>
        %parallel_loop3A_322 = vector.shape_cast %parallel_loop3A_316 : vector<16xf32> to vector<1x16xf32>
        tpu.vector_store %arg6[%parallel_loop3A_318, %parallel_loop3A_319], %parallel_loop3A_322 {strides = array<i32>} : memref<32x768xf32, #tpu.memory_space<vmem>>, vector<1x16xf32>,
      } {sc.loop_unroll_factor = 8 : i64, sc.parallel_access}
      %parallel_loop3A_261 = arith.constant 0 : i32
      %parallel_loop3A_262 = arith.constant 768 : i32
      %parallel_loop3A_263 = arith.constant 16 : i32
      scf.for %parallel_loop3A_305 = %parallel_loop3A_261 to %parallel_loop3A_262 step %parallel_loop3A_263  : i32 {
        %parallel_loop3A_306 = arith.constant 22 : i32
        %parallel_loop3A_307 = arith.index_cast %parallel_loop3A_306 : i32 to index
        %parallel_loop3A_308 = arith.index_cast %parallel_loop3A_305 : i32 to index
        %parallel_loop3A_309 = tpu.vector_load %arg6[%parallel_loop3A_307, %parallel_loop3A_308] {strides = array<i32>} : memref<32x768xf32, #tpu.memory_space<vmem>>, vector<1x16xf32>,
        %parallel_loop3A_310 = vector.shape_cast %parallel_loop3A_309 : vector<1x16xf32> to vector<16xf32>
        %parallel_loop3A_311 = arith.constant 22 : i32
        %parallel_loop3A_312 = arith.index_cast %parallel_loop3A_311 : i32 to index
        %parallel_loop3A_313 = arith.index_cast %parallel_loop3A_305 : i32 to index
        %parallel_loop3A_314 = tpu.vector_load %arg8[%parallel_loop3A_312, %parallel_loop3A_313] {strides = array<i32>} : memref<32x768xf32, #tpu.memory_space<vmem>>, vector<1x16xf32>,
        %parallel_loop3A_315 = vector.shape_cast %parallel_loop3A_314 : vector<1x16xf32> to vector<16xf32>
        %parallel_loop3A_316 = arith.mulf %parallel_loop3A_310, %parallel_loop3A_315 : vector<16xf32>
        %parallel_loop3A_317 = arith.constant 22 : i32
        %parallel_loop3A_318 = arith.index_cast %parallel_loop3A_317 : i32 to index
        %parallel_loop3A_319 = arith.index_cast %parallel_loop3A_305 : i32 to index
        %parallel_loop3A_320 = tpu.vector_load %arg6[%parallel_loop3A_318, %parallel_loop3A_319] {strides = array<i32>} : memref<32x768xf32, #tpu.memory_space<vmem>>, vector<1x16xf32>,
        %parallel_loop3A_321 = vector.shape_cast %parallel_loop3A_320 : vector<1x16xf32> to vector<16xf32>
        %parallel_loop3A_322 = vector.shape_cast %parallel_loop3A_316 : vector<16xf32> to vector<1x16xf32>
        tpu.vector_store %arg6[%parallel_loop3A_318, %parallel_loop3A_319], %parallel_loop3A_322 {strides = array<i32>} : memref<32x768xf32, #tpu.memory_space<vmem>>, vector<1x16xf32>,
      } {sc.loop_unroll_factor = 8 : i64, sc.parallel_access}
      %parallel_loop3A_264 = arith.constant 0 : i32
      %parallel_loop3A_265 = arith.constant 768 : i32
      %parallel_loop3A_266 = arith.constant 16 : i32
      scf.for %parallel_loop3A_305 = %parallel_loop3A_264 to %parallel_loop3A_265 step %parallel_loop3A_266  : i32 {
        %parallel_loop3A_306 = arith.constant 23 : i32
        %parallel_loop3A_307 = arith.index_cast %parallel_loop3A_306 : i32 to index
        %parallel_loop3A_308 = arith.index_cast %parallel_loop3A_305 : i32 to index
        %parallel_loop3A_309 = tpu.vector_load %arg6[%parallel_loop3A_307, %parallel_loop3A_308] {strides = array<i32>} : memref<32x768xf32, #tpu.memory_space<vmem>>, vector<1x16xf32>,
        %parallel_loop3A_310 = vector.shape_cast %parallel_loop3A_309 : vector<1x16xf32> to vector<16xf32>
        %parallel_loop3A_311 = arith.constant 23 : i32
        %parallel_loop3A_312 = arith.index_cast %parallel_loop3A_311 : i32 to index
        %parallel_loop3A_313 = arith.index_cast %parallel_loop3A_305 : i32 to index
        %parallel_loop3A_314 = tpu.vector_load %arg8[%parallel_loop3A_312, %parallel_loop3A_313] {strides = array<i32>} : memref<32x768xf32, #tpu.memory_space<vmem>>, vector<1x16xf32>,
        %parallel_loop3A_315 = vector.shape_cast %parallel_loop3A_314 : vector<1x16xf32> to vector<16xf32>
        %parallel_loop3A_316 = arith.mulf %parallel_loop3A_310, %parallel_loop3A_315 : vector<16xf32>
        %parallel_loop3A_317 = arith.constant 23 : i32
        %parallel_loop3A_318 = arith.index_cast %parallel_loop3A_317 : i32 to index
        %parallel_loop3A_319 = arith.index_cast %parallel_loop3A_305 : i32 to index
        %parallel_loop3A_320 = tpu.vector_load %arg6[%parallel_loop3A_318, %parallel_loop3A_319] {strides = array<i32>} : memref<32x768xf32, #tpu.memory_space<vmem>>, vector<1x16xf32>,
        %parallel_loop3A_321 = vector.shape_cast %parallel_loop3A_320 : vector<1x16xf32> to vector<16xf32>
        %parallel_loop3A_322 = vector.shape_cast %parallel_loop3A_316 : vector<16xf32> to vector<1x16xf32>
        tpu.vector_store %arg6[%parallel_loop3A_318, %parallel_loop3A_319], %parallel_loop3A_322 {strides = array<i32>} : memref<32x768xf32, #tpu.memory_space<vmem>>, vector<1x16xf32>,
      } {sc.loop_unroll_factor = 8 : i64, sc.parallel_access}
      %parallel_loop3A_267 = arith.constant 0 : i32
      %parallel_loop3A_268 = arith.constant 768 : i32
      %parallel_loop3A_269 = arith.constant 16 : i32
      scf.for %parallel_loop3A_305 = %parallel_loop3A_267 to %parallel_loop3A_268 step %parallel_loop3A_269  : i32 {
        %parallel_loop3A_306 = arith.constant 24 : i32
        %parallel_loop3A_307 = arith.index_cast %parallel_loop3A_306 : i32 to index
        %parallel_loop3A_308 = arith.index_cast %parallel_loop3A_305 : i32 to index
        %parallel_loop3A_309 = tpu.vector_load %arg6[%parallel_loop3A_307, %parallel_loop3A_308] {strides = array<i32>} : memref<32x768xf32, #tpu.memory_space<vmem>>, vector<1x16xf32>,
        %parallel_loop3A_310 = vector.shape_cast %parallel_loop3A_309 : vector<1x16xf32> to vector<16xf32>
        %parallel_loop3A_311 = arith.constant 24 : i32
        %parallel_loop3A_312 = arith.index_cast %parallel_loop3A_311 : i32 to index
        %parallel_loop3A_313 = arith.index_cast %parallel_loop3A_305 : i32 to index
        %parallel_loop3A_314 = tpu.vector_load %arg8[%parallel_loop3A_312, %parallel_loop3A_313] {strides = array<i32>} : memref<32x768xf32, #tpu.memory_space<vmem>>, vector<1x16xf32>,
        %parallel_loop3A_315 = vector.shape_cast %parallel_loop3A_314 : vector<1x16xf32> to vector<16xf32>
        %parallel_loop3A_316 = arith.mulf %parallel_loop3A_310, %parallel_loop3A_315 : vector<16xf32>
        %parallel_loop3A_317 = arith.constant 24 : i32
        %parallel_loop3A_318 = arith.index_cast %parallel_loop3A_317 : i32 to index
        %parallel_loop3A_319 = arith.index_cast %parallel_loop3A_305 : i32 to index
        %parallel_loop3A_320 = tpu.vector_load %arg6[%parallel_loop3A_318, %parallel_loop3A_319] {strides = array<i32>} : memref<32x768xf32, #tpu.memory_space<vmem>>, vector<1x16xf32>,
        %parallel_loop3A_321 = vector.shape_cast %parallel_loop3A_320 : vector<1x16xf32> to vector<16xf32>
        %parallel_loop3A_322 = vector.shape_cast %parallel_loop3A_316 : vector<16xf32> to vector<1x16xf32>
        tpu.vector_store %arg6[%parallel_loop3A_318, %parallel_loop3A_319], %parallel_loop3A_322 {strides = array<i32>} : memref<32x768xf32, #tpu.memory_space<vmem>>, vector<1x16xf32>,
      } {sc.loop_unroll_factor = 8 : i64, sc.parallel_access}
      %parallel_loop3A_270 = arith.constant 0 : i32
      %parallel_loop3A_271 = arith.constant 768 : i32
      %parallel_loop3A_272 = arith.constant 16 : i32
      scf.for %parallel_loop3A_305 = %parallel_loop3A_270 to %parallel_loop3A_271 step %parallel_loop3A_272  : i32 {
        %parallel_loop3A_306 = arith.constant 25 : i32
        %parallel_loop3A_307 = arith.index_cast %parallel_loop3A_306 : i32 to index
        %parallel_loop3A_308 = arith.index_cast %parallel_loop3A_305 : i32 to index
        %parallel_loop3A_309 = tpu.vector_load %arg6[%parallel_loop3A_307, %parallel_loop3A_308] {strides = array<i32>} : memref<32x768xf32, #tpu.memory_space<vmem>>, vector<1x16xf32>,
        %parallel_loop3A_310 = vector.shape_cast %parallel_loop3A_309 : vector<1x16xf32> to vector<16xf32>
        %parallel_loop3A_311 = arith.constant 25 : i32
        %parallel_loop3A_312 = arith.index_cast %parallel_loop3A_311 : i32 to index
        %parallel_loop3A_313 = arith.index_cast %parallel_loop3A_305 : i32 to index
        %parallel_loop3A_314 = tpu.vector_load %arg8[%parallel_loop3A_312, %parallel_loop3A_313] {strides = array<i32>} : memref<32x768xf32, #tpu.memory_space<vmem>>, vector<1x16xf32>,
        %parallel_loop3A_315 = vector.shape_cast %parallel_loop3A_314 : vector<1x16xf32> to vector<16xf32>
        %parallel_loop3A_316 = arith.mulf %parallel_loop3A_310, %parallel_loop3A_315 : vector<16xf32>
        %parallel_loop3A_317 = arith.constant 25 : i32
        %parallel_loop3A_318 = arith.index_cast %parallel_loop3A_317 : i32 to index
        %parallel_loop3A_319 = arith.index_cast %parallel_loop3A_305 : i32 to index
        %parallel_loop3A_320 = tpu.vector_load %arg6[%parallel_loop3A_318, %parallel_loop3A_319] {strides = array<i32>} : memref<32x768xf32, #tpu.memory_space<vmem>>, vector<1x16xf32>,
        %parallel_loop3A_321 = vector.shape_cast %parallel_loop3A_320 : vector<1x16xf32> to vector<16xf32>
        %parallel_loop3A_322 = vector.shape_cast %parallel_loop3A_316 : vector<16xf32> to vector<1x16xf32>
        tpu.vector_store %arg6[%parallel_loop3A_318, %parallel_loop3A_319], %parallel_loop3A_322 {strides = array<i32>} : memref<32x768xf32, #tpu.memory_space<vmem>>, vector<1x16xf32>,
      } {sc.loop_unroll_factor = 8 : i64, sc.parallel_access}
      %parallel_loop3A_273 = arith.constant 0 : i32
      %parallel_loop3A_274 = arith.constant 768 : i32
      %parallel_loop3A_275 = arith.constant 16 : i32
      scf.for %parallel_loop3A_305 = %parallel_loop3A_273 to %parallel_loop3A_274 step %parallel_loop3A_275  : i32 {
        %parallel_loop3A_306 = arith.constant 26 : i32
        %parallel_loop3A_307 = arith.index_cast %parallel_loop3A_306 : i32 to index
        %parallel_loop3A_308 = arith.index_cast %parallel_loop3A_305 : i32 to index
        %parallel_loop3A_309 = tpu.vector_load %arg6[%parallel_loop3A_307, %parallel_loop3A_308] {strides = array<i32>} : memref<32x768xf32, #tpu.memory_space<vmem>>, vector<1x16xf32>,
        %parallel_loop3A_310 = vector.shape_cast %parallel_loop3A_309 : vector<1x16xf32> to vector<16xf32>
        %parallel_loop3A_311 = arith.constant 26 : i32
        %parallel_loop3A_312 = arith.index_cast %parallel_loop3A_311 : i32 to index
        %parallel_loop3A_313 = arith.index_cast %parallel_loop3A_305 : i32 to index
        %parallel_loop3A_314 = tpu.vector_load %arg8[%parallel_loop3A_312, %parallel_loop3A_313] {strides = array<i32>} : memref<32x768xf32, #tpu.memory_space<vmem>>, vector<1x16xf32>,
        %parallel_loop3A_315 = vector.shape_cast %parallel_loop3A_314 : vector<1x16xf32> to vector<16xf32>
        %parallel_loop3A_316 = arith.mulf %parallel_loop3A_310, %parallel_loop3A_315 : vector<16xf32>
        %parallel_loop3A_317 = arith.constant 26 : i32
        %parallel_loop3A_318 = arith.index_cast %parallel_loop3A_317 : i32 to index
        %parallel_loop3A_319 = arith.index_cast %parallel_loop3A_305 : i32 to index
        %parallel_loop3A_320 = tpu.vector_load %arg6[%parallel_loop3A_318, %parallel_loop3A_319] {strides = array<i32>} : memref<32x768xf32, #tpu.memory_space<vmem>>, vector<1x16xf32>,
        %parallel_loop3A_321 = vector.shape_cast %parallel_loop3A_320 : vector<1x16xf32> to vector<16xf32>
        %parallel_loop3A_322 = vector.shape_cast %parallel_loop3A_316 : vector<16xf32> to vector<1x16xf32>
        tpu.vector_store %arg6[%parallel_loop3A_318, %parallel_loop3A_319], %parallel_loop3A_322 {strides = array<i32>} : memref<32x768xf32, #tpu.memory_space<vmem>>, vector<1x16xf32>,
      } {sc.loop_unroll_factor = 8 : i64, sc.parallel_access}
      %parallel_loop3A_276 = arith.constant 0 : i32
      %parallel_loop3A_277 = arith.constant 768 : i32
      %parallel_loop3A_278 = arith.constant 16 : i32
      scf.for %parallel_loop3A_305 = %parallel_loop3A_276 to %parallel_loop3A_277 step %parallel_loop3A_278  : i32 {
        %parallel_loop3A_306 = arith.constant 27 : i32
        %parallel_loop3A_307 = arith.index_cast %parallel_loop3A_306 : i32 to index
        %parallel_loop3A_308 = arith.index_cast %parallel_loop3A_305 : i32 to index
        %parallel_loop3A_309 = tpu.vector_load %arg6[%parallel_loop3A_307, %parallel_loop3A_308] {strides = array<i32>} : memref<32x768xf32, #tpu.memory_space<vmem>>, vector<1x16xf32>,
        %parallel_loop3A_310 = vector.shape_cast %parallel_loop3A_309 : vector<1x16xf32> to vector<16xf32>
        %parallel_loop3A_311 = arith.constant 27 : i32
        %parallel_loop3A_312 = arith.index_cast %parallel_loop3A_311 : i32 to index
        %parallel_loop3A_313 = arith.index_cast %parallel_loop3A_305 : i32 to index
        %parallel_loop3A_314 = tpu.vector_load %arg8[%parallel_loop3A_312, %parallel_loop3A_313] {strides = array<i32>} : memref<32x768xf32, #tpu.memory_space<vmem>>, vector<1x16xf32>,
        %parallel_loop3A_315 = vector.shape_cast %parallel_loop3A_314 : vector<1x16xf32> to vector<16xf32>
        %parallel_loop3A_316 = arith.mulf %parallel_loop3A_310, %parallel_loop3A_315 : vector<16xf32>
        %parallel_loop3A_317 = arith.constant 27 : i32
        %parallel_loop3A_318 = arith.index_cast %parallel_loop3A_317 : i32 to index
        %parallel_loop3A_319 = arith.index_cast %parallel_loop3A_305 : i32 to index
        %parallel_loop3A_320 = tpu.vector_load %arg6[%parallel_loop3A_318, %parallel_loop3A_319] {strides = array<i32>} : memref<32x768xf32, #tpu.memory_space<vmem>>, vector<1x16xf32>,
        %parallel_loop3A_321 = vector.shape_cast %parallel_loop3A_320 : vector<1x16xf32> to vector<16xf32>
        %parallel_loop3A_322 = vector.shape_cast %parallel_loop3A_316 : vector<16xf32> to vector<1x16xf32>
        tpu.vector_store %arg6[%parallel_loop3A_318, %parallel_loop3A_319], %parallel_loop3A_322 {strides = array<i32>} : memref<32x768xf32, #tpu.memory_space<vmem>>, vector<1x16xf32>,
      } {sc.loop_unroll_factor = 8 : i64, sc.parallel_access}
      %parallel_loop3A_279 = arith.constant 0 : i32
      %parallel_loop3A_280 = arith.constant 768 : i32
      %parallel_loop3A_281 = arith.constant 16 : i32
      scf.for %parallel_loop3A_305 = %parallel_loop3A_279 to %parallel_loop3A_280 step %parallel_loop3A_281  : i32 {
        %parallel_loop3A_306 = arith.constant 28 : i32
        %parallel_loop3A_307 = arith.index_cast %parallel_loop3A_306 : i32 to index
        %parallel_loop3A_308 = arith.index_cast %parallel_loop3A_305 : i32 to index
        %parallel_loop3A_309 = tpu.vector_load %arg6[%parallel_loop3A_307, %parallel_loop3A_308] {strides = array<i32>} : memref<32x768xf32, #tpu.memory_space<vmem>>, vector<1x16xf32>,
        %parallel_loop3A_310 = vector.shape_cast %parallel_loop3A_309 : vector<1x16xf32> to vector<16xf32>
        %parallel_loop3A_311 = arith.constant 28 : i32
        %parallel_loop3A_312 = arith.index_cast %parallel_loop3A_311 : i32 to index
        %parallel_loop3A_313 = arith.index_cast %parallel_loop3A_305 : i32 to index
        %parallel_loop3A_314 = tpu.vector_load %arg8[%parallel_loop3A_312, %parallel_loop3A_313] {strides = array<i32>} : memref<32x768xf32, #tpu.memory_space<vmem>>, vector<1x16xf32>,
        %parallel_loop3A_315 = vector.shape_cast %parallel_loop3A_314 : vector<1x16xf32> to vector<16xf32>
        %parallel_loop3A_316 = arith.mulf %parallel_loop3A_310, %parallel_loop3A_315 : vector<16xf32>
        %parallel_loop3A_317 = arith.constant 28 : i32
        %parallel_loop3A_318 = arith.index_cast %parallel_loop3A_317 : i32 to index
        %parallel_loop3A_319 = arith.index_cast %parallel_loop3A_305 : i32 to index
        %parallel_loop3A_320 = tpu.vector_load %arg6[%parallel_loop3A_318, %parallel_loop3A_319] {strides = array<i32>} : memref<32x768xf32, #tpu.memory_space<vmem>>, vector<1x16xf32>,
        %parallel_loop3A_321 = vector.shape_cast %parallel_loop3A_320 : vector<1x16xf32> to vector<16xf32>
        %parallel_loop3A_322 = vector.shape_cast %parallel_loop3A_316 : vector<16xf32> to vector<1x16xf32>
        tpu.vector_store %arg6[%parallel_loop3A_318, %parallel_loop3A_319], %parallel_loop3A_322 {strides = array<i32>} : memref<32x768xf32, #tpu.memory_space<vmem>>, vector<1x16xf32>,
      } {sc.loop_unroll_factor = 8 : i64, sc.parallel_access}
      %parallel_loop3A_282 = arith.constant 0 : i32
      %parallel_loop3A_283 = arith.constant 768 : i32
      %parallel_loop3A_284 = arith.constant 16 : i32
      scf.for %parallel_loop3A_305 = %parallel_loop3A_282 to %parallel_loop3A_283 step %parallel_loop3A_284  : i32 {
        %parallel_loop3A_306 = arith.constant 29 : i32
        %parallel_loop3A_307 = arith.index_cast %parallel_loop3A_306 : i32 to index
        %parallel_loop3A_308 = arith.index_cast %parallel_loop3A_305 : i32 to index
        %parallel_loop3A_309 = tpu.vector_load %arg6[%parallel_loop3A_307, %parallel_loop3A_308] {strides = array<i32>} : memref<32x768xf32, #tpu.memory_space<vmem>>, vector<1x16xf32>,
        %parallel_loop3A_310 = vector.shape_cast %parallel_loop3A_309 : vector<1x16xf32> to vector<16xf32>
        %parallel_loop3A_311 = arith.constant 29 : i32
        %parallel_loop3A_312 = arith.index_cast %parallel_loop3A_311 : i32 to index
        %parallel_loop3A_313 = arith.index_cast %parallel_loop3A_305 : i32 to index
        %parallel_loop3A_314 = tpu.vector_load %arg8[%parallel_loop3A_312, %parallel_loop3A_313] {strides = array<i32>} : memref<32x768xf32, #tpu.memory_space<vmem>>, vector<1x16xf32>,
        %parallel_loop3A_315 = vector.shape_cast %parallel_loop3A_314 : vector<1x16xf32> to vector<16xf32>
        %parallel_loop3A_316 = arith.mulf %parallel_loop3A_310, %parallel_loop3A_315 : vector<16xf32>
        %parallel_loop3A_317 = arith.constant 29 : i32
        %parallel_loop3A_318 = arith.index_cast %parallel_loop3A_317 : i32 to index
        %parallel_loop3A_319 = arith.index_cast %parallel_loop3A_305 : i32 to index
        %parallel_loop3A_320 = tpu.vector_load %arg6[%parallel_loop3A_318, %parallel_loop3A_319] {strides = array<i32>} : memref<32x768xf32, #tpu.memory_space<vmem>>, vector<1x16xf32>,
        %parallel_loop3A_321 = vector.shape_cast %parallel_loop3A_320 : vector<1x16xf32> to vector<16xf32>
        %parallel_loop3A_322 = vector.shape_cast %parallel_loop3A_316 : vector<16xf32> to vector<1x16xf32>
        tpu.vector_store %arg6[%parallel_loop3A_318, %parallel_loop3A_319], %parallel_loop3A_322 {strides = array<i32>} : memref<32x768xf32, #tpu.memory_space<vmem>>, vector<1x16xf32>,
      } {sc.loop_unroll_factor = 8 : i64, sc.parallel_access}
      %parallel_loop3A_285 = arith.constant 0 : i32
      %parallel_loop3A_286 = arith.constant 768 : i32
      %parallel_loop3A_287 = arith.constant 16 : i32
      scf.for %parallel_loop3A_305 = %parallel_loop3A_285 to %parallel_loop3A_286 step %parallel_loop3A_287  : i32 {
        %parallel_loop3A_306 = arith.constant 30 : i32
        %parallel_loop3A_307 = arith.index_cast %parallel_loop3A_306 : i32 to index
        %parallel_loop3A_308 = arith.index_cast %parallel_loop3A_305 : i32 to index
        %parallel_loop3A_309 = tpu.vector_load %arg6[%parallel_loop3A_307, %parallel_loop3A_308] {strides = array<i32>} : memref<32x768xf32, #tpu.memory_space<vmem>>, vector<1x16xf32>,
        %parallel_loop3A_310 = vector.shape_cast %parallel_loop3A_309 : vector<1x16xf32> to vector<16xf32>
        %parallel_loop3A_311 = arith.constant 30 : i32
        %parallel_loop3A_312 = arith.index_cast %parallel_loop3A_311 : i32 to index
        %parallel_loop3A_313 = arith.index_cast %parallel_loop3A_305 : i32 to index
        %parallel_loop3A_314 = tpu.vector_load %arg8[%parallel_loop3A_312, %parallel_loop3A_313] {strides = array<i32>} : memref<32x768xf32, #tpu.memory_space<vmem>>, vector<1x16xf32>,
        %parallel_loop3A_315 = vector.shape_cast %parallel_loop3A_314 : vector<1x16xf32> to vector<16xf32>
        %parallel_loop3A_316 = arith.mulf %parallel_loop3A_310, %parallel_loop3A_315 : vector<16xf32>
        %parallel_loop3A_317 = arith.constant 30 : i32
        %parallel_loop3A_318 = arith.index_cast %parallel_loop3A_317 : i32 to index
        %parallel_loop3A_319 = arith.index_cast %parallel_loop3A_305 : i32 to index
        %parallel_loop3A_320 = tpu.vector_load %arg6[%parallel_loop3A_318, %parallel_loop3A_319] {strides = array<i32>} : memref<32x768xf32, #tpu.memory_space<vmem>>, vector<1x16xf32>,
        %parallel_loop3A_321 = vector.shape_cast %parallel_loop3A_320 : vector<1x16xf32> to vector<16xf32>
        %parallel_loop3A_322 = vector.shape_cast %parallel_loop3A_316 : vector<16xf32> to vector<1x16xf32>
        tpu.vector_store %arg6[%parallel_loop3A_318, %parallel_loop3A_319], %parallel_loop3A_322 {strides = array<i32>} : memref<32x768xf32, #tpu.memory_space<vmem>>, vector<1x16xf32>,
      } {sc.loop_unroll_factor = 8 : i64, sc.parallel_access}
      %parallel_loop3A_288 = arith.constant 0 : i32
      %parallel_loop3A_289 = arith.constant 768 : i32
      %parallel_loop3A_290 = arith.constant 16 : i32
      scf.for %parallel_loop3A_305 = %parallel_loop3A_288 to %parallel_loop3A_289 step %parallel_loop3A_290  : i32 {
        %parallel_loop3A_306 = arith.constant 31 : i32
        %parallel_loop3A_307 = arith.index_cast %parallel_loop3A_306 : i32 to index
        %parallel_loop3A_308 = arith.index_cast %parallel_loop3A_305 : i32 to index
        %parallel_loop3A_309 = tpu.vector_load %arg6[%parallel_loop3A_307, %parallel_loop3A_308] {strides = array<i32>} : memref<32x768xf32, #tpu.memory_space<vmem>>, vector<1x16xf32>,
        %parallel_loop3A_310 = vector.shape_cast %parallel_loop3A_309 : vector<1x16xf32> to vector<16xf32>
        %parallel_loop3A_311 = arith.constant 31 : i32
        %parallel_loop3A_312 = arith.index_cast %parallel_loop3A_311 : i32 to index
        %parallel_loop3A_313 = arith.index_cast %parallel_loop3A_305 : i32 to index
        %parallel_loop3A_314 = tpu.vector_load %arg8[%parallel_loop3A_312, %parallel_loop3A_313] {strides = array<i32>} : memref<32x768xf32, #tpu.memory_space<vmem>>, vector<1x16xf32>,
        %parallel_loop3A_315 = vector.shape_cast %parallel_loop3A_314 : vector<1x16xf32> to vector<16xf32>
        %parallel_loop3A_316 = arith.mulf %parallel_loop3A_310, %parallel_loop3A_315 : vector<16xf32>
        %parallel_loop3A_317 = arith.constant 31 : i32
        %parallel_loop3A_318 = arith.index_cast %parallel_loop3A_317 : i32 to index
        %parallel_loop3A_319 = arith.index_cast %parallel_loop3A_305 : i32 to index
        %parallel_loop3A_320 = tpu.vector_load %arg6[%parallel_loop3A_318, %parallel_loop3A_319] {strides = array<i32>} : memref<32x768xf32, #tpu.memory_space<vmem>>, vector<1x16xf32>,
        %parallel_loop3A_321 = vector.shape_cast %parallel_loop3A_320 : vector<1x16xf32> to vector<16xf32>
        %parallel_loop3A_322 = vector.shape_cast %parallel_loop3A_316 : vector<16xf32> to vector<1x16xf32>
        tpu.vector_store %arg6[%parallel_loop3A_318, %parallel_loop3A_319], %parallel_loop3A_322 {strides = array<i32>} : memref<32x768xf32, #tpu.memory_space<vmem>>, vector<1x16xf32>,
      } {sc.loop_unroll_factor = 8 : i64, sc.parallel_access}
      %mul3A_291 = arith.constant 32 : i32
      %mul3A_292 = arith.muli %add3A_168, %mul3A_291 : i32
      %add3A_293 = arith.addi %mul3A_2, %mul3A_292 : i32
      %dma_start3A_294 = arith.constant 0 : i32
      %dma_start3A_295 = tpu.memref_slice %arg4[%add3A_293, %dma_start3A_294] : memref<65536x768xf32, #tpu.memory_space<hbm>> -> memref<32x768xf32, #tpu.memory_space<hbm>>
      %dma_start3A_296 = arith.constant 0 : i32
      %dma_start3A_297 = tpu.memref_slice %arg4[%add3A_293, %dma_start3A_296] : memref<65536x768xf32, #tpu.memory_space<hbm>> -> memref<32x768xf32, #tpu.memory_space<hbm>>
      tpu.enqueue_dma source(%arg6 : memref<32x768xf32, #tpu.memory_space<vmem>>) target(%dma_start3A_297 : memref<32x768xf32, #tpu.memory_space<hbm>>) target_semaphore(%arg14 : memref<!tpu.dma_semaphore, #tpu.memory_space<semaphore_mem>>)
      %add3A_298 = arith.constant 2 : i32
      %add3A_299 = arith.addi %add3A_168, %add3A_298 : i32
      %lt3A_300 = arith.constant 64 : i32
      %lt3A_301 = arith.cmpi slt, %add3A_299, %lt3A_300 : i32
      %convert_element_type3A_302 = arith.extui %lt3A_301 : i1 to i32
      %cond3A_303 = arith.constant 0 : i32
      %cond3A_304 = arith.cmpi ne, %convert_element_type3A_302, %cond3A_303 : i32
      scf.if %cond3A_304 {
        %add3A_305 = arith.constant 2 : i32
        %add3A_306 = arith.addi %add3A_168, %add3A_305 : i32
        %mul3A_307 = arith.constant 32 : i32
        %mul3A_308 = arith.muli %add3A_306, %mul3A_307 : i32
        %add3A_309 = arith.addi %mul3A_2, %mul3A_308 : i32
        %dma_start3A_310 = arith.constant 0 : i32
        %dma_start3A_311 = tpu.memref_slice %arg3[%add3A_309, %dma_start3A_310] : memref<65536x768xf32, #tpu.memory_space<hbm>> -> memref<32x768xf32, #tpu.memory_space<hbm>>
        %dma_start3A_312 = arith.constant 0 : i32
        %dma_start3A_313 = tpu.memref_slice %arg3[%add3A_309, %dma_start3A_312] : memref<65536x768xf32, #tpu.memory_space<hbm>> -> memref<32x768xf32, #tpu.memory_space<hbm>>
        tpu.enqueue_dma source(%dma_start3A_313 : memref<32x768xf32, #tpu.memory_space<hbm>>) target(%arg8 : memref<32x768xf32, #tpu.memory_space<vmem>>) target_semaphore(%arg12 : memref<!tpu.dma_semaphore, #tpu.memory_space<semaphore_mem>>)
      } else {
      }
    }
    %scan3A_23 = arith.constant 32 : i32
    %add3A_24 = arith.constant 2016 : i32
    %add3A_25 = arith.addi %mul3A_2, %add3A_24 : i32
    %dma_wait3A = arith.constant 0 : i32
    %dma_wait3A_26 = tpu.memref_slice %arg4[%add3A_25, %dma_wait3A] : memref<65536x768xf32, #tpu.memory_space<hbm>> -> memref<32x768xf32, #tpu.memory_space<hbm>>
    %dma_wait3A_27 = arith.constant 0 : i32
    %dma_wait3A_28 = tpu.memref_slice %arg4[%add3A_25, %dma_wait3A_27] : memref<65536x768xf32, #tpu.memory_space<hbm>> -> memref<32x768xf32, #tpu.memory_space<hbm>>
    tpu.wait_dma2 semaphore(%arg14 : memref<!tpu.dma_semaphore, #tpu.memory_space<semaphore_mem>>) src(%arg6 : memref<32x768xf32, #tpu.memory_space<vmem>>) dst(%dma_wait3A_28 : memref<32x768xf32, #tpu.memory_space<hbm>>)
    return
  }
}

</mosaic_0001>

<sc_bundles>
// kernel: kernel.3.cloned.1.call-start
scs
__scs_entry_jumppad:
0x0: {  	(pc) =	sbr.rel $0x88, $3  }
0x1: {  	(tag) =	ssettag $0x0;
	lr =	simm.s32 $0x1  }
0x2: {  	[smem:$0x3F9F] =	sst lr;
	_ =	strace $0xD0000000  }
0x3: {  	_ = 	snop  }
0x4: {  	_ = 	snop  }
0x5: {  	_ = 	snop  }
0x6: {  	_ = 	snop  }
0x7: {  	_ = 	snop  }
__scs_overlays_trampoline_lowered:
0x8: {  	[smem:$0x3FAE] =	sst s0  }
0x9: {  	[smem:$0x3FAF] =	sst s1  }
0xa: {  	[smem:$0x3FB0] =	sst s2  }
0xb: {  	[smem:$0x3FB1] =	sst s3  }
0xc: {  	[smem:$0x3FB2] =	sst s4  }
0xd: {  	[smem:$0x3FB3] =	sst s5  }
0xe: {  	[smem:$0x3FB4] =	sst s6  }
0xf: {  	[smem:$0x3FB5] =	sst s7  }
0x10: {  	[smem:$0x3FB6] =	sst s8  }
0x11: {  	[smem:$0x3FB7] =	sst s9;
	s0 =	simm.s32 @!p0 $0x0  }
0x12: {  	s1 =	sld [smem:$0x3F9D];
	s0 =	simm.s32 @p0 $0x1  }
0x13: {  	[smem:$0x3FB8] =	sst s0;
	s0 =	simm.s32 @!p1 $0x0  }
0x14: {  	s2 =	sld [smem:$0x3F9C];
	s0 =	simm.s32 @p1 $0x1  }
0x15: {  	[smem:$0x3FB9] =	sst s0;
	s0 =	simm.s32 @!p2 $0x0  }
0x16: {  	s3 =	sld [smem:$0x3FDB];
	s0 =	simm.s32 @p2 $0x1  }
0x17: {  	s4 =	simm.s32 $0x1BF5;
	[smem:$0x3FBB] =	sst s0  }
0x18: {  	s0 =	sld [smem:$0x3F9E];
	_ =	swait.ge [sflag:s4], $0x0  }
0x19: {  	s7 =	sld [smem:$0x3F9F]  }
0x1a: {  	s8 =	sadd.s32 $0xFFFFE003, lr  }
0x1b: {  	s9 =	sadd.s32 $0xFFFFFEF7, lr;
	s5 =	simm.s32 $0xFFFFFFFF;
	p2 =	slt.u32 s8, $0xFFFFF086  }
0x1c: {  	p1 =	slt.u32 s9, $0xF7A;
	s5 =	simm.s32 @!p2 $0x0  }
0x1d: {  	s5 =	simm.s32 @p1 $0x1;
	p0 =	seq.s32 s7, s2  }
0x1e: {  	s7 =	smul.u32 @!p0 $0xF7A, s2;
	p2 =	seq.s32 @!p0 s5, $0x0  }
0x1f: {  	s9 =	smul.u32 $0xF7A, s1;
	s8 =	simm.s32 @!p0 $0x1BF5;
	p2 =	por !p2, p0  }
0x20: {  	[sflag:s8] =	ssyncset.s32 @!p0 $0xFFFFF086;
	s6 =	sadd.s32 @!p0 s3, s7;
	s7 =	simm.s32 @!p0 $0x108  }
0x21: {  	s3 =	sadd.s32 s3, s9;
	s6 =	sadd.s32 @!p0 $0x88, s6;
	s7 =	simm.s32 @p2 $0x1082  }
0x22: {  	[simem:s7], [sflag:s8] =	dma.local @!p0 [hbm:s6], $0xF7A  }
0x23: {  	s9 =	sor.u32 $0xD0000000, s2;
	s6 =	simm.s32 $0x108;
	_ =	swait.ge @!p0 [sflag:s8], $0x0  }
0x24: {  	s3 =	sadd.s32 $0x88, s3;
	s6 =	simm.s32 @!p1 $0x1082;
	[sflag:s4] =	ssyncset.s32 $0xFFFFF086  }
0x25: {  	[simem:s6], [sflag:s4] =	dma.local [hbm:s3], $0xF7A  }
0x26: {  	[smem:$0x3F9F] =	sst s1;
	(tag) =	ssettag s2;
	_ =	strace s9  }
0x27: {  	s1 =	sld [smem:$0x3FAF]  }
0x28: {  	s2 =	sld [smem:$0x3FB0]  }
0x29: {  	s4 =	sld [smem:$0x3FB2]  }
0x2a: {  	p0 =	seq.s32 s5, $0x0;
	s5 =	sld [smem:$0x3FB3]  }
0x2b: {  	s6 =	sld [smem:$0x3FB4]  }
0x2c: {  	s7 =	sld [smem:$0x3FB5]  }
0x2d: {  	s3 =	simm.s32 $0x108;
	s8 =	sld [smem:$0x3FB6]  }
0x2e: {  	s3 =	simm.s32 @!p0 $0x1082;
	s9 =	sld [smem:$0x3FB7]  }
0x2f: {  	lr =	sadd.s32 s0, s3;
	s0 =	sld [smem:$0x3FAE]  }
0x30: {  	s3 =	sld [smem:$0x3FB1]  }
0x31: {  	[smem:$0x3FBA] =	sst s10  }
0x32: {  	s10 =	sld [smem:$0x3FB8];
	_ =	sdelay $0x3  }
0x33: {  	p0 =	seq.s32 s10, $0x1;
	s10 =	sld [smem:$0x3FBA];
	_ =	sdelay $0x3  }
0x34: {  	[smem:$0x3FBA] =	sst s10  }
0x35: {  	s10 =	sld [smem:$0x3FB9];
	_ =	sdelay $0x3  }
0x36: {  	p1 =	seq.s32 s10, $0x1;
	s10 =	sld [smem:$0x3FBA];
	_ =	sdelay $0x3  }
0x37: {  	[smem:$0x3FBA] =	sst s10  }
0x38: {  	s10 =	sld [smem:$0x3FBB]  }
0x39: {  	_ = 	snop;
	(pc) =	sbr.ind lr, $3  }
0x3a: {  	_ = 	snop  }
0x3b: {  	_ = 	snop  }
0x3c: {  	p2 =	seq.s32 s10, $0x1;
	s10 =	sld [smem:$0x3FBA]  }
0x3d: {  	_ =	shalt  }
0x3e: {  	_ =	shalt  }
0x3f: {  	_ =	shalt  }
0x40: {  	_ =	shalt  }
0x41: {  	_ =	shalt  }
0x42: {  	_ =	shalt  }
0x43: {  	_ =	shalt  }
0x44: {  	_ =	shalt  }
0x45: {  	_ =	shalt  }
0x46: {  	_ =	shalt  }
0x47: {  	_ =	shalt  }
0x48: {  	_ =	shalt  }
0x49: {  	_ =	shalt  }
0x4a: {  	_ =	shalt  }
0x4b: {  	_ =	shalt  }
0x4c: {  	_ =	shalt  }
0x4d: {  	_ =	shalt  }
0x4e: {  	_ =	shalt  }
0x4f: {  	_ =	shalt  }
0x50: {  	_ =	shalt  }
0x51: {  	_ =	shalt  }
0x52: {  	_ =	shalt  }
0x53: {  	_ =	shalt  }
0x54: {  	_ =	shalt  }
0x55: {  	_ =	shalt  }
0x56: {  	_ =	shalt  }
0x57: {  	_ =	shalt  }
0x58: {  	_ =	shalt  }
0x59: {  	_ =	shalt  }
0x5a: {  	_ =	shalt  }
0x5b: {  	_ =	shalt  }
0x5c: {  	_ =	shalt  }
0x5d: {  	_ =	shalt  }
0x5e: {  	_ =	shalt  }
0x5f: {  	_ =	shalt  }
0x60: {  	_ =	shalt  }
0x61: {  	_ =	shalt  }
0x62: {  	_ =	shalt  }
0x63: {  	_ =	shalt  }
0x64: {  	_ =	shalt  }
0x65: {  	_ =	shalt  }
0x66: {  	_ =	shalt  }
0x67: {  	_ =	shalt  }
0x68: {  	_ =	shalt  }
0x69: {  	_ =	shalt  }
0x6a: {  	_ =	shalt  }
0x6b: {  	_ =	shalt  }
0x6c: {  	_ =	shalt  }
0x6d: {  	_ =	shalt  }
0x6e: {  	_ =	shalt  }
0x6f: {  	_ =	shalt  }
0x70: {  	_ =	shalt  }
0x71: {  	_ =	shalt  }
0x72: {  	_ =	shalt  }
0x73: {  	_ =	shalt  }
0x74: {  	_ =	shalt  }
0x75: {  	_ =	shalt  }
0x76: {  	_ =	shalt  }
0x77: {  	_ =	shalt  }
0x78: {  	_ =	shalt  }
0x79: {  	_ =	shalt  }
0x7a: {  	_ =	shalt  }
0x7b: {  	_ =	shalt  }
0x7c: {  	_ =	shalt  }
0x7d: {  	_ =	shalt  }
0x7e: {  	_ =	shalt  }
0x7f: {  	_ =	shalt  }
0x80: {  	_ =	shalt  }
0x81: {  	_ =	shalt  }
0x82: {  	_ =	shalt  }
0x83: {  	_ =	shalt  }
0x84: {  	_ =	shalt  }
0x85: {  	_ =	shalt  }
0x86: {  	_ =	shalt  }
0x87: {  	_ =	shalt  }
.Lfunc_end0:
.L_simem_size_0:
called_computation_lowered:
.L_overlay_start_0:
0x88: {  	s2 =	sld [smem:$0x3FD9]  }
0x89: {  	s3 =	sld [smem:$0x3FFE];
	_ =	sdelay $0x1  }
0x8a: {  	s1 =	srdreg.scid  }
0x8b: {  	s0 =	sand.u32 $0x1, s1  }
0x8c: {  	s18 =	sshll.u32 s0, $0xA;
	s2 =	sadd.s32 s3, s2  }
0x8d: {  	s2 =	sadd.s32 s2, s18  }
0x8e: {  	[smem:$0x3FC6] =	sst s2  }
0x8f: {  	_ = 	snop  }
0x90: {  	s2 =	sld [smem:$0x3FC9]  }
0x91: {  	s19 =	sld [smem:$0x3FC8]  }
0x92: {  	s4 =	sld [smem:$0x3FD0];
	(tm) =	ssettm $0x1  }
0x93: {  	s5 =	sld [smem:$0x3FFB];
	_ =	sdelay $0x3  }
0x94: {  	_ =	strace s5  }
0x95: {  	s5 =	sld [smem:$0x3FFC];
	_ =	sdelay $0x3  }
0x96: {  	_ =	strace s5  }
0x97: {  	s5 =	sld [smem:$0x3FFD];
	_ =	sdelay $0x3  }
0x98: {  	_ =	strace s5  }
0x99: {  	_ =	strace $0x8FFFFFFF  }
0x9a: {  	s20 =	sld [smem:$0x3FDB];
	_ =	sdelay $0x1  }
0x9b: {  	s6 =	simm.s32 $_scs_section_size  }
0x9c: {  	s7 =	simm.s32 $_size__tile_overlayer_lowered;
	s8 =	simm.s32 $_tile_overlayer_lowered  }
0x9d: {  	s23 =	simm.s32 $0x1BFF;
	s22 =	sshll.u32 s8, $0x1;
	s5 =	sadd.s32 s6, s20  }
0x9e: {  	s9 =	simm.s32 $0x0;
	s21 =	sshll.u32 s7, $0x1;
	s7 =	sadd.s32 s22, s5  }
0x9f: {  	[timem:s9], [sflag:s23] =	dma.local [hbm:s7], s21  }
0xa0: {  	_ =	swait.ge [sflag:s23], s21  }
0xa1: {  	s6 =	ssub.s32 $0x0, s21;
	[sflag:s23] =	ssyncset.done $0x0  }
0xa2: {  	[sflag:s23] =	ssyncadd.s32 s6;
	_ =	sdelay $0x1  }
0xa3: {  	s24 =	simm.s32 $0x1B8B  }
0xa4: {  	_ =	swait.ge [sflag:s24], $0x1  }
0xa5: {  	[sflag:s24] =	ssyncset.done $0x0  }
0xa6: {  	s25 =	simm.s32 $0x1B8E;
	[sflag:s24] =	ssyncadd.s32 $0xFFFFFFFF  }
0xa7: {  	s26 =	simm.s32 $execute0_lowered;
	[smem:$0x3FD2] =	sst s25  }
0xa8: {  	s6 =	sshll.u32 s26, $0x1;
	_ =	strace $0x80000046;
	[dreg:$0x1] =	wrdreg $0xFFFFFFFF  }
0xa9: {  	s28 =	simm.s32 $_size_execute0_lowered;
	s5 =	sadd.s32 s5, s6;
	[dreg:$0x0] =	wrdreg $0x0  }
0xaa: {  	s6 =	sshll.u32 s28, $0x1;
	[dreg:$0x2] =	wrdreg s5  }
0xab: {  	[dreg:$0x3] =	wrdreg s6  }
0xac: {  	[dreg:$0x4] =	wrdreg $0xC0  }
0xad: {  	_ =	task [dreg:s9], $0x5FFFF  }
0xae: {  	[dreg:$0x1] =	wrdreg $0xFFFFFFFF  }
0xaf: {  	[dreg:$0x0] =	wrdreg $0x60  }
0xb0: {  	[dreg:$0x2] =	wrdreg s2  }
0xb1: {  	[dreg:$0x3] =	wrdreg s19  }
0xb2: {  	[dreg:$0x4] =	wrdreg s4  }
0xb3: {  	[dreg:$0x5] =	wrdreg $0x9  }
0xb4: {  	_ =	task.clear_ibuf [dreg:s9], $0x6FFFF;
	_ =	strace $0x90000046  }
0xb5: {  	s29 =	simm.s32 $0x9;
	_ =	strace $0x80000048  }
0xb6: {  	_ =	swait.ge [sflag:s29], $0x1  }
0xb7: {  	[sflag:s29] =	ssyncadd.s32 $0xFFFFFFFF  }
0xb8: {  	_ =	strace $0x90000048  }
0xb9: {  	_ =	sfence  }
0xba: {  	s30 =	sld [smem:$0x0];
	_ =	sdelay $0x2  }
0xbb: {  	s31 =	sshll.u32 s1, $0xD;
	s1 =	sshrl.u32 s1, $0x2  }
0xbc: {  	s3 =	sand.u32 $0x4000, s31;
	s1 =	sadd.s32 s1, s30  }
0xbd: {  	s0 =	sor.u32 s3, s0;
	s1 =	sshll.u32 s1, $0x11  }
0xbe: {  	s0 =	sor.u32 s1, s0  }
0xbf: {  	s0 =	sadd.s32 $0x8F2B, s0  }
0xc0: {  	[sflag:s0] =	ssyncadd.remote.s32 $0x1  }
0xc1: {  	_ =	sfence.sel $0xFFFF  }
0xc2: {  	[dreg:$0x0] =	wrdreg $0xFFFFFFFF;
	(pc) =	sbr.abs _section_cstart, $3  }
0xc3: {  	[dreg:$0x1] =	wrdreg $0xFFFFFFFF  }
0xc4: {  	_ =	task.clear_ibuf [dreg:s9], $0x2FFFF;
	_ =	strace $0x9FFFFFFF  }
0xc5: {  	(tm) =	ssettm $0x7FFFFFFF  }
tec
execute0_lowered:
.L_overlay_start_1:
0x0: {  	(tag) =	ssettag $0x1  }
0x1: {  	s2 =	srdreg.scid;
	s1 =	rddreg [dreg:$0x0]  }
0x2: {  	s0 =	stileid.u32;
	s3 =	rddreg [dreg:$0x1]  }
0x3: {  	s4 =	rddreg [dreg:$0x2];
	s14 =	simm.s32 $0xC000;
	s15 =	simm.s32 $0x12000  }
0x4: {  	s16 =	simm.s32 $0x6000;
	s17 =	simm.s32 $0x1;
	s18 =	simm.s32 $0x3  }
0x5: {  	s19 =	simm.s32 $0x2;
	s20 =	simm.s32 $0x4;
	s2 =	sand.u32 $0x1, s2  }
0x6: {  	s21 =	simm.s32 $0x6;
	s5 =	sshll.u32 s0, $0xC;
	s6 =	sshll.u32 s2, $0xB  }
0x7: {  	s22 =	simm.s32 $0x0;
	s2 =	ssub.s32 $0x2, s2;
	s5 =	sor.u32 s6, s5  }
.Ltmp0:
0x8: {  	s6 =	simm.s32 $0x0;
	s7 =	sshrl.u32 s5, $0x3;
	(pc) =	sbr.rel .LBB2_1-.Ltmp0, $4  }
0x9: {  	s31 =	sshrl.u32 s2, $0x1;
	[smem:$0x7FF] =	sst s6;
	s8 =	smul.u32 $0x300, s7  }
0xa: {  	s2 =	ssub.s32 s2, s31;
	s10 =	sor.u32 $0x20, s5;
	s11 =	sor.u32 $0x40, s5  }
0xb: {  	s12 =	sor.u32 $0x60, s5;
	_ =	strace $0x80000047;
	s7 =	sadd.s32 s3, s8  }
0xc: {  	s13 =	smax.u32 s2, $0x1;
	s8 =	sadd.s32 s1, s8;
	s9 =	sadd.s32 $0xC00, s7  }
.LBB2_132:
0xd: {  	s22 =	sadd.s32 $0x1, s22  }
0xe: {  	p0 =	sne.s32 s22, s13  }
.Ltmp1:
0xf: {  	_ = 	snop;
	(pc) =	sbr.rel @!p0 .LBB2_133-.Ltmp1, $4  }
0x10: {  	_ = 	snop  }
0x11: {  	_ =	swait.ge [sflag:s21], $0x6000  }
0x12: {  	[sflag:s21] =	ssyncset.done $0x0  }
0x13: {  	[sflag:s21] =	ssyncadd.s32 $0xFFFFA000  }
.LBB2_1:
0x14: {  	[tilespmem:s6], [sflag:$0x1] =	stream.linear.gather [hbm4b:s8+s6], $0x6000, $0x38;
	[tilespmem:$0x18000] =	vst v63  }
0x15: {  	_ = 	snop  }
0x16: {  	[tilespmem:s14], [sflag:$0x3] =	stream.linear.gather [hbm4b:s7+s6], $0x6000, $0x38;
	[tilespmem:$0x18000] =	vst v63  }
0x17: {  	s23 =	simm.s32 $0x0  }
0x18: {  	[tilespmem:s15], [sflag:$0x4] =	stream.linear.gather [hbm4b:s9+s6], $0x6000, $0x38;
	[tilespmem:$0x18000] =	vst v63  }
.LBB2_2:
0x19: {  	s24 =	sshll.u32 s23, $0x6  }
0x1a: {  	p0 =	seq.s32 s23, $0x0;
	s2 =	sadd.s32 s10, s24  }
0x1b: {  	s26 =	simm.s32 @!p0 $0x6;
	s2 =	sshrl.u32 s2, $0x3  }
0x1c: {  	_ =	swait.ge @!p0 [sflag:s26], $0x6000;
	s25 =	smul.u32 $0x300, s2  }
0x1d: {  	[sflag:s26] =	ssyncset.done @!p0 $0x0  }
0x1e: {  	[sflag:s26] =	ssyncadd.s32 @!p0 $0xFFFFA000;
	s2 =	sadd.s32 s1, s25  }
0x1f: {  	[tilespmem:s16], [sflag:$0x2] =	stream.linear.gather [hbm4b:s2+s6], $0x6000, $0x38;
	[tilespmem:$0x18000] =	vst v63  }
0x20: {  	_ =	swait.ge [sflag:s17], $0x6000  }
0x21: {  	[sflag:s17] =	ssyncset.done $0x0  }
0x22: {  	[sflag:s17] =	ssyncadd.s32 $0xFFFFA000  }
0x23: {  	_ =	swait.ge [sflag:s18], $0x6000  }
0x24: {  	[sflag:s18] =	ssyncset.done $0x0  }
0x25: {  	s28 =	simm.s32 $0x40;
	[sflag:s18] =	ssyncadd.s32 $0xFFFFA000  }
0x26: {  	s30 =	simm.s32 $0xC040;
	v1 =	vld [tilespmem:s28+$0x30]  }
0x27: {  	v2 =	vld [tilespmem:s30+$0x30]  }
0x28: {  	v0 =	vld [tilespmem:s30+$0xFFFFFFC0]  }
0x29: {  	v3 =	vld [tilespmem:s28+$0xFFFFFFD0]  }
0x2a: {  	v4 =	vld [tilespmem:s30+$0xFFFFFFD0]  }
0x2b: {  	v5 =	vld [tilespmem:s28+$0xFFFFFFE0]  }
0x2c: {  	v6 =	vld [tilespmem:s30+$0xFFFFFFE0]  }
0x2d: {  	v7 =	vld [tilespmem:s28+$0xFFFFFFF0]  }
0x2e: {  	v8 =	vld [tilespmem:s30+$0xFFFFFFF0]  }
0x2f: {  	v9 =	vld [tilespmem:s28+$0x0]  }
0x30: {  	v10 =	vld [tilespmem:s30+$0x0];
	v2 =	vmul.f32 v2, v1  }
0x31: {  	v4 =	vmul.f32 v4, v3;
	v1 =	vld [tilespmem:s28+$0x10]  }
0x32: {  	v5 =	vmul.f32 v6, v5;
	v3 =	vld [tilespmem:s30+$0x10];
	[tilespmem:s28+$0x30] =	vst v2  }
0x33: {  	v6 =	vmul.f32 v8, v7;
	[tilespmem:s28+$0xFFFFFFD0] =	vst v4;
	v2 =	vld [tilespmem:s28+$0x20]  }
0x34: {  	s31 =	simm.s32 $0x0;
	[tilespmem:s28+$0xFFFFFFE0] =	vst v5;
	v4 =	vld [tilespmem:s30+$0x20]  }
0x35: {  	s29 =	simm.s32 $0xC0F0;
	s26 =	simm.s32 $0xF0;
	s2 =	simm.s32 $0x440;
	v5 =	vld [tilespmem:s28+$0xFFFFFFC0];
	[tilespmem:s28+$0xFFFFFFF0] =	vst v6;
	v6 =	vmul.f32 v10, v9  }
.LBB2_3:
0x36: {  	v7 =	vld [tilespmem:s2+$0x30];
	s30 =	sadd.s32 $0x400, s30  }
0x37: {  	s31 =	sadd.s32 $0x80, s31;
	v8 =	vld [tilespmem:s30+$0x30];
	[tilespmem:s28+$0x0] =	vst v6;
	v1 =	vmul.f32 v3, v1  }
0x38: {  	p0 =	slt.u32 s31, $0x280;
	v3 =	vld [tilespmem:s30+$0xFFFFFFC0]  }
0x39: {  	v6 =	vld [tilespmem:s2+$0xFFFFFFD0];
	[tilespmem:s28+$0x10] =	vst v1;
	v1 =	vmul.f32 v4, v2  }
0x3a: {  	v2 =	vld [tilespmem:s30+$0xFFFFFFD0];
	v9 =	vmul.f32 v0, v5  }
0x3b: {  	v4 =	vld [tilespmem:s2+$0xFFFFFFE0];
	[tilespmem:s28+$0x20] =	vst v1  }
0x3c: {  	v1 =	vld [tilespmem:s30+$0xFFFFFFE0];
	v5 =	vmul.f32 v8, v7;
	[tilespmem:s28+$0xFFFFFFC0] =	vst v9;
	s28 =	smov.u32 s2  }
0x3d: {  	v7 =	vld [tilespmem:s2+$0xFFFFFFF0];
	v0 =	vmov v3  }
0x3e: {  	v8 =	vld [tilespmem:s30+$0xFFFFFFF0];
	[tilespmem:s2+$0x30] =	vst v5  }
0x3f: {  	v2 =	vmul.f32 v2, v6;
	v6 =	vld [tilespmem:s2+$0x0]  }
0x40: {  	v9 =	vld [tilespmem:s30+$0x0]  }
.Ltmp2:
0x41: {  	[tilespmem:s2+$0xFFFFFFD0] =	vst v2;
	v2 =	vmul.f32 v1, v4;
	v1 =	vld [tilespmem:s2+$0x10];
	(pc) =	sbr.rel @p0 .LBB2_3-.Ltmp2, $4  }
0x42: {  	v3 =	vld [tilespmem:s30+$0x10]  }
0x43: {  	[tilespmem:s2+$0xFFFFFFE0] =	vst v2;
	v7 =	vmul.f32 v8, v7;
	v2 =	vld [tilespmem:s2+$0x20]  }
0x44: {  	v4 =	vld [tilespmem:s30+$0x20]  }
0x45: {  	s2 =	sadd.s32 $0x400, s2;
	v5 =	vld [tilespmem:s28+$0xFFFFFFC0];
	[tilespmem:s28+$0xFFFFFFF0] =	vst v7;
	v6 =	vmul.f32 v9, v6  }
0x46: {  	_ =	sdelay $0x1  }
0x47: {  	v1 =	vmul.f32 v3, v1  }
0x48: {  	[tilespmem:s28+$0x0] =	vst v6;
	v2 =	vmul.f32 v4, v2  }
0x49: {  	[tilespmem:s28+$0x10] =	vst v1;
	v0 =	vmul.f32 v0, v5  }
0x4a: {  	[tilespmem:s28+$0x20] =	vst v2  }
0x4b: {  	[tilespmem:s28+$0xFFFFFFC0] =	vst v0  }
0x4c: {  	v1 =	vld [tilespmem:s26+$0x0]  }
0x4d: {  	v2 =	vld [tilespmem:s29+$0x0]  }
0x4e: {  	v0 =	vld [tilespmem:s29+$0xFFFFFF90]  }
0x4f: {  	v3 =	vld [tilespmem:s26+$0xFFFFFFA0]  }
0x50: {  	v4 =	vld [tilespmem:s29+$0xFFFFFFA0]  }
0x51: {  	v5 =	vld [tilespmem:s26+$0xFFFFFFB0]  }
0x52: {  	v6 =	vld [tilespmem:s29+$0xFFFFFFB0]  }
0x53: {  	v7 =	vld [tilespmem:s26+$0xFFFFFFC0]  }
0x54: {  	v8 =	vld [tilespmem:s29+$0xFFFFFFC0]  }
0x55: {  	v9 =	vld [tilespmem:s26+$0xFFFFFFD0]  }
0x56: {  	v10 =	vld [tilespmem:s29+$0xFFFFFFD0];
	v2 =	vmul.f32 v2, v1  }
0x57: {  	v4 =	vmul.f32 v4, v3;
	v1 =	vld [tilespmem:s26+$0xFFFFFFE0]  }
0x58: {  	v5 =	vmul.f32 v6, v5;
	v3 =	vld [tilespmem:s29+$0xFFFFFFE0];
	[tilespmem:s26+$0x0] =	vst v2  }
0x59: {  	v6 =	vmul.f32 v8, v7;
	[tilespmem:s26+$0xFFFFFFA0] =	vst v4;
	v2 =	vld [tilespmem:s26+$0xFFFFFFF0]  }
0x5a: {  	s31 =	simm.s32 $0x0;
	[tilespmem:s26+$0xFFFFFFB0] =	vst v5;
	v4 =	vld [tilespmem:s29+$0xFFFFFFF0]  }
0x5b: {  	s30 =	simm.s32 $0xC170;
	s2 =	simm.s32 $0x4F0;
	s28 =	simm.s32 $0x170;
	v5 =	vld [tilespmem:s26+$0xFFFFFF90];
	[tilespmem:s26+$0xFFFFFFC0] =	vst v6;
	v6 =	vmul.f32 v10, v9  }
.LBB2_5:
0x5c: {  	v7 =	vld [tilespmem:s2+$0x0];
	s29 =	sadd.s32 $0x400, s29  }
0x5d: {  	s31 =	sadd.s32 $0x80, s31;
	v8 =	vld [tilespmem:s29+$0x0];
	[tilespmem:s26+$0xFFFFFFD0] =	vst v6;
	v1 =	vmul.f32 v3, v1  }
0x5e: {  	p0 =	slt.u32 s31, $0x280;
	v3 =	vld [tilespmem:s29+$0xFFFFFF90]  }
0x5f: {  	v6 =	vld [tilespmem:s2+$0xFFFFFFA0];
	[tilespmem:s26+$0xFFFFFFE0] =	vst v1;
	v1 =	vmul.f32 v4, v2  }
0x60: {  	v2 =	vld [tilespmem:s29+$0xFFFFFFA0];
	v9 =	vmul.f32 v0, v5  }
0x61: {  	v4 =	vld [tilespmem:s2+$0xFFFFFFB0];
	[tilespmem:s26+$0xFFFFFFF0] =	vst v1  }
0x62: {  	v1 =	vld [tilespmem:s29+$0xFFFFFFB0];
	v5 =	vmul.f32 v8, v7;
	[tilespmem:s26+$0xFFFFFF90] =	vst v9;
	s26 =	smov.u32 s2  }
0x63: {  	v7 =	vld [tilespmem:s2+$0xFFFFFFC0];
	v0 =	vmov v3  }
0x64: {  	v8 =	vld [tilespmem:s29+$0xFFFFFFC0];
	[tilespmem:s2+$0x0] =	vst v5  }
0x65: {  	v2 =	vmul.f32 v2, v6;
	v6 =	vld [tilespmem:s2+$0xFFFFFFD0]  }
0x66: {  	v9 =	vld [tilespmem:s29+$0xFFFFFFD0]  }
.Ltmp3:
0x67: {  	[tilespmem:s2+$0xFFFFFFA0] =	vst v2;
	v2 =	vmul.f32 v1, v4;
	v1 =	vld [tilespmem:s2+$0xFFFFFFE0];
	(pc) =	sbr.rel @p0 .LBB2_5-.Ltmp3, $4  }
0x68: {  	v3 =	vld [tilespmem:s29+$0xFFFFFFE0]  }
0x69: {  	[tilespmem:s2+$0xFFFFFFB0] =	vst v2;
	v7 =	vmul.f32 v8, v7;
	v2 =	vld [tilespmem:s2+$0xFFFFFFF0]  }
0x6a: {  	v4 =	vld [tilespmem:s29+$0xFFFFFFF0]  }
0x6b: {  	s2 =	sadd.s32 $0x400, s2;
	v5 =	vld [tilespmem:s26+$0xFFFFFF90];
	[tilespmem:s26+$0xFFFFFFC0] =	vst v7;
	v6 =	vmul.f32 v9, v6  }
0x6c: {  	_ =	sdelay $0x1  }
0x6d: {  	v1 =	vmul.f32 v3, v1  }
0x6e: {  	[tilespmem:s26+$0xFFFFFFD0] =	vst v6;
	v2 =	vmul.f32 v4, v2  }
0x6f: {  	[tilespmem:s26+$0xFFFFFFE0] =	vst v1;
	v0 =	vmul.f32 v0, v5  }
0x70: {  	[tilespmem:s26+$0xFFFFFFF0] =	vst v2  }
0x71: {  	[tilespmem:s26+$0xFFFFFF90] =	vst v0  }
0x72: {  	v1 =	vld [tilespmem:s28+$0x0]  }
0x73: {  	v2 =	vld [tilespmem:s30+$0x0]  }
0x74: {  	v0 =	vld [tilespmem:s30+$0xFFFFFF90]  }
0x75: {  	v3 =	vld [tilespmem:s28+$0xFFFFFFA0]  }
0x76: {  	v4 =	vld [tilespmem:s30+$0xFFFFFFA0]  }
0x77: {  	v5 =	vld [tilespmem:s28+$0xFFFFFFB0]  }
0x78: {  	v6 =	vld [tilespmem:s30+$0xFFFFFFB0]  }
0x79: {  	v7 =	vld [tilespmem:s28+$0xFFFFFFC0]  }
0x7a: {  	v8 =	vld [tilespmem:s30+$0xFFFFFFC0]  }
0x7b: {  	v9 =	vld [tilespmem:s28+$0xFFFFFFD0]  }
0x7c: {  	v10 =	vld [tilespmem:s30+$0xFFFFFFD0];
	v2 =	vmul.f32 v2, v1  }
0x7d: {  	v4 =	vmul.f32 v4, v3;
	v1 =	vld [tilespmem:s28+$0xFFFFFFE0]  }
0x7e: {  	v5 =	vmul.f32 v6, v5;
	v3 =	vld [tilespmem:s30+$0xFFFFFFE0];
	[tilespmem:s28+$0x0] =	vst v2  }
0x7f: {  	v6 =	vmul.f32 v8, v7;
	[tilespmem:s28+$0xFFFFFFA0] =	vst v4;
	v2 =	vld [tilespmem:s28+$0xFFFFFFF0]  }
0x80: {  	s31 =	simm.s32 $0x0;
	[tilespmem:s28+$0xFFFFFFB0] =	vst v5;
	v4 =	vld [tilespmem:s30+$0xFFFFFFF0]  }
0x81: {  	s29 =	simm.s32 $0xC1F0;
	s2 =	simm.s32 $0x570;
	s26 =	simm.s32 $0x1F0;
	v5 =	vld [tilespmem:s28+$0xFFFFFF90];
	[tilespmem:s28+$0xFFFFFFC0] =	vst v6;
	v6 =	vmul.f32 v10, v9  }
.LBB2_7:
0x82: {  	v7 =	vld [tilespmem:s2+$0x0];
	s30 =	sadd.s32 $0x400, s30  }
0x83: {  	s31 =	sadd.s32 $0x80, s31;
	v8 =	vld [tilespmem:s30+$0x0];
	[tilespmem:s28+$0xFFFFFFD0] =	vst v6;
	v1 =	vmul.f32 v3, v1  }
0x84: {  	p0 =	slt.u32 s31, $0x280;
	v3 =	vld [tilespmem:s30+$0xFFFFFF90]  }
0x85: {  	v6 =	vld [tilespmem:s2+$0xFFFFFFA0];
	[tilespmem:s28+$0xFFFFFFE0] =	vst v1;
	v1 =	vmul.f32 v4, v2  }
0x86: {  	v2 =	vld [tilespmem:s30+$0xFFFFFFA0];
	v9 =	vmul.f32 v0, v5  }
0x87: {  	v4 =	vld [tilespmem:s2+$0xFFFFFFB0];
	[tilespmem:s28+$0xFFFFFFF0] =	vst v1  }
0x88: {  	v1 =	vld [tilespmem:s30+$0xFFFFFFB0];
	v5 =	vmul.f32 v8, v7;
	[tilespmem:s28+$0xFFFFFF90] =	vst v9;
	s28 =	smov.u32 s2  }
0x89: {  	v7 =	vld [tilespmem:s2+$0xFFFFFFC0];
	v0 =	vmov v3  }
0x8a: {  	v8 =	vld [tilespmem:s30+$0xFFFFFFC0];
	[tilespmem:s2+$0x0] =	vst v5  }
0x8b: {  	v2 =	vmul.f32 v2, v6;
	v6 =	vld [tilespmem:s2+$0xFFFFFFD0]  }
0x8c: {  	v9 =	vld [tilespmem:s30+$0xFFFFFFD0]  }
.Ltmp4:
0x8d: {  	[tilespmem:s2+$0xFFFFFFA0] =	vst v2;
	v2 =	vmul.f32 v1, v4;
	v1 =	vld [tilespmem:s2+$0xFFFFFFE0];
	(pc) =	sbr.rel @p0 .LBB2_7-.Ltmp4, $4  }
0x8e: {  	v3 =	vld [tilespmem:s30+$0xFFFFFFE0]  }
0x8f: {  	[tilespmem:s2+$0xFFFFFFB0] =	vst v2;
	v7 =	vmul.f32 v8, v7;
	v2 =	vld [tilespmem:s2+$0xFFFFFFF0]  }
0x90: {  	v4 =	vld [tilespmem:s30+$0xFFFFFFF0]  }
0x91: {  	s2 =	sadd.s32 $0x400, s2;
	v5 =	vld [tilespmem:s28+$0xFFFFFF90];
	[tilespmem:s28+$0xFFFFFFC0] =	vst v7;
	v6 =	vmul.f32 v9, v6  }
0x92: {  	_ =	sdelay $0x1  }
0x93: {  	v1 =	vmul.f32 v3, v1  }
0x94: {  	[tilespmem:s28+$0xFFFFFFD0] =	vst v6;
	v2 =	vmul.f32 v4, v2  }
0x95: {  	[tilespmem:s28+$0xFFFFFFE0] =	vst v1;
	v0 =	vmul.f32 v0, v5  }
0x96: {  	[tilespmem:s28+$0xFFFFFFF0] =	vst v2  }
0x97: {  	[tilespmem:s28+$0xFFFFFF90] =	vst v0  }
0x98: {  	v1 =	vld [tilespmem:s26+$0x0]  }
0x99: {  	v2 =	vld [tilespmem:s29+$0x0]  }
0x9a: {  	v0 =	vld [tilespmem:s29+$0xFFFFFF90]  }
0x9b: {  	v3 =	vld [tilespmem:s26+$0xFFFFFFA0]  }
0x9c: {  	v4 =	vld [tilespmem:s29+$0xFFFFFFA0]  }
0x9d: {  	v5 =	vld [tilespmem:s26+$0xFFFFFFB0]  }
0x9e: {  	v6 =	vld [tilespmem:s29+$0xFFFFFFB0]  }
0x9f: {  	v7 =	vld [tilespmem:s26+$0xFFFFFFC0]  }
0xa0: {  	v8 =	vld [tilespmem:s29+$0xFFFFFFC0]  }
0xa1: {  	v9 =	vld [tilespmem:s26+$0xFFFFFFD0]  }
0xa2: {  	v10 =	vld [tilespmem:s29+$0xFFFFFFD0];
	v2 =	vmul.f32 v2, v1  }
0xa3: {  	v4 =	vmul.f32 v4, v3;
	v1 =	vld [tilespmem:s26+$0xFFFFFFE0]  }
0xa4: {  	v5 =	vmul.f32 v6, v5;
	v3 =	vld [tilespmem:s29+$0xFFFFFFE0];
	[tilespmem:s26+$0x0] =	vst v2  }
0xa5: {  	v6 =	vmul.f32 v8, v7;
	[tilespmem:s26+$0xFFFFFFA0] =	vst v4;
	v2 =	vld [tilespmem:s26+$0xFFFFFFF0]  }
0xa6: {  	s31 =	simm.s32 $0x0;
	[tilespmem:s26+$0xFFFFFFB0] =	vst v5;
	v4 =	vld [tilespmem:s29+$0xFFFFFFF0]  }
0xa7: {  	s30 =	simm.s32 $0xC270;
	s2 =	simm.s32 $0x5F0;
	s28 =	simm.s32 $0x270;
	v5 =	vld [tilespmem:s26+$0xFFFFFF90];
	[tilespmem:s26+$0xFFFFFFC0] =	vst v6;
	v6 =	vmul.f32 v10, v9  }
.LBB2_9:
0xa8: {  	v7 =	vld [tilespmem:s2+$0x0];
	s29 =	sadd.s32 $0x400, s29  }
0xa9: {  	s31 =	sadd.s32 $0x80, s31;
	v8 =	vld [tilespmem:s29+$0x0];
	[tilespmem:s26+$0xFFFFFFD0] =	vst v6;
	v1 =	vmul.f32 v3, v1  }
0xaa: {  	p0 =	slt.u32 s31, $0x280;
	v3 =	vld [tilespmem:s29+$0xFFFFFF90]  }
0xab: {  	v6 =	vld [tilespmem:s2+$0xFFFFFFA0];
	[tilespmem:s26+$0xFFFFFFE0] =	vst v1;
	v1 =	vmul.f32 v4, v2  }
0xac: {  	v2 =	vld [tilespmem:s29+$0xFFFFFFA0];
	v9 =	vmul.f32 v0, v5  }
0xad: {  	v4 =	vld [tilespmem:s2+$0xFFFFFFB0];
	[tilespmem:s26+$0xFFFFFFF0] =	vst v1  }
0xae: {  	v1 =	vld [tilespmem:s29+$0xFFFFFFB0];
	v5 =	vmul.f32 v8, v7;
	[tilespmem:s26+$0xFFFFFF90] =	vst v9;
	s26 =	smov.u32 s2  }
0xaf: {  	v7 =	vld [tilespmem:s2+$0xFFFFFFC0];
	v0 =	vmov v3  }
0xb0: {  	v8 =	vld [tilespmem:s29+$0xFFFFFFC0];
	[tilespmem:s2+$0x0] =	vst v5  }
0xb1: {  	v2 =	vmul.f32 v2, v6;
	v6 =	vld [tilespmem:s2+$0xFFFFFFD0]  }
0xb2: {  	v9 =	vld [tilespmem:s29+$0xFFFFFFD0]  }
.Ltmp5:
0xb3: {  	[tilespmem:s2+$0xFFFFFFA0] =	vst v2;
	v2 =	vmul.f32 v1, v4;
	v1 =	vld [tilespmem:s2+$0xFFFFFFE0];
	(pc) =	sbr.rel @p0 .LBB2_9-.Ltmp5, $4  }
0xb4: {  	v3 =	vld [tilespmem:s29+$0xFFFFFFE0]  }
0xb5: {  	[tilespmem:s2+$0xFFFFFFB0] =	vst v2;
	v7 =	vmul.f32 v8, v7;
	v2 =	vld [tilespmem:s2+$0xFFFFFFF0]  }
0xb6: {  	v4 =	vld [tilespmem:s29+$0xFFFFFFF0]  }
0xb7: {  	s2 =	sadd.s32 $0x400, s2;
	v5 =	vld [tilespmem:s26+$0xFFFFFF90];
	[tilespmem:s26+$0xFFFFFFC0] =	vst v7;
	v6 =	vmul.f32 v9, v6  }
0xb8: {  	_ =	sdelay $0x1  }
0xb9: {  	v1 =	vmul.f32 v3, v1  }
0xba: {  	[tilespmem:s26+$0xFFFFFFD0] =	vst v6;
	v2 =	vmul.f32 v4, v2  }
0xbb: {  	[tilespmem:s26+$0xFFFFFFE0] =	vst v1;
	v0 =	vmul.f32 v0, v5  }
0xbc: {  	[tilespmem:s26+$0xFFFFFFF0] =	vst v2  }
0xbd: {  	[tilespmem:s26+$0xFFFFFF90] =	vst v0  }
0xbe: {  	v1 =	vld [tilespmem:s28+$0x0]  }
0xbf: {  	v2 =	vld [tilespmem:s30+$0x0]  }
0xc0: {  	v0 =	vld [tilespmem:s30+$0xFFFFFF90]  }
0xc1: {  	v3 =	vld [tilespmem:s28+$0xFFFFFFA0]  }
0xc2: {  	v4 =	vld [tilespmem:s30+$0xFFFFFFA0]  }
0xc3: {  	v5 =	vld [tilespmem:s28+$0xFFFFFFB0]  }
0xc4: {  	v6 =	vld [tilespmem:s30+$0xFFFFFFB0]  }
0xc5: {  	v7 =	vld [tilespmem:s28+$0xFFFFFFC0]  }
0xc6: {  	v8 =	vld [tilespmem:s30+$0xFFFFFFC0]  }
0xc7: {  	v9 =	vld [tilespmem:s28+$0xFFFFFFD0]  }
0xc8: {  	v10 =	vld [tilespmem:s30+$0xFFFFFFD0];
	v2 =	vmul.f32 v2, v1  }
0xc9: {  	v4 =	vmul.f32 v4, v3;
	v1 =	vld [tilespmem:s28+$0xFFFFFFE0]  }
0xca: {  	v5 =	vmul.f32 v6, v5;
	v3 =	vld [tilespmem:s30+$0xFFFFFFE0];
	[tilespmem:s28+$0x0] =	vst v2  }
0xcb: {  	v6 =	vmul.f32 v8, v7;
	[tilespmem:s28+$0xFFFFFFA0] =	vst v4;
	v2 =	vld [tilespmem:s28+$0xFFFFFFF0]  }
0xcc: {  	s31 =	simm.s32 $0x0;
	[tilespmem:s28+$0xFFFFFFB0] =	vst v5;
	v4 =	vld [tilespmem:s30+$0xFFFFFFF0]  }
0xcd: {  	s29 =	simm.s32 $0xC2F0;
	s2 =	simm.s32 $0x670;
	s26 =	simm.s32 $0x2F0;
	v5 =	vld [tilespmem:s28+$0xFFFFFF90];
	[tilespmem:s28+$0xFFFFFFC0] =	vst v6;
	v6 =	vmul.f32 v10, v9  }
.LBB2_11:
0xce: {  	v7 =	vld [tilespmem:s2+$0x0];
	s30 =	sadd.s32 $0x400, s30  }
0xcf: {  	s31 =	sadd.s32 $0x80, s31;
	v8 =	vld [tilespmem:s30+$0x0];
	[tilespmem:s28+$0xFFFFFFD0] =	vst v6;
	v1 =	vmul.f32 v3, v1  }
0xd0: {  	p0 =	slt.u32 s31, $0x280;
	v3 =	vld [tilespmem:s30+$0xFFFFFF90]  }
0xd1: {  	v6 =	vld [tilespmem:s2+$0xFFFFFFA0];
	[tilespmem:s28+$0xFFFFFFE0] =	vst v1;
	v1 =	vmul.f32 v4, v2  }
0xd2: {  	v2 =	vld [tilespmem:s30+$0xFFFFFFA0];
	v9 =	vmul.f32 v0, v5  }
0xd3: {  	v4 =	vld [tilespmem:s2+$0xFFFFFFB0];
	[tilespmem:s28+$0xFFFFFFF0] =	vst v1  }
0xd4: {  	v1 =	vld [tilespmem:s30+$0xFFFFFFB0];
	v5 =	vmul.f32 v8, v7;
	[tilespmem:s28+$0xFFFFFF90] =	vst v9;
	s28 =	smov.u32 s2  }
0xd5: {  	v7 =	vld [tilespmem:s2+$0xFFFFFFC0];
	v0 =	vmov v3  }
0xd6: {  	v8 =	vld [tilespmem:s30+$0xFFFFFFC0];
	[tilespmem:s2+$0x0] =	vst v5  }
0xd7: {  	v2 =	vmul.f32 v2, v6;
	v6 =	vld [tilespmem:s2+$0xFFFFFFD0]  }
0xd8: {  	v9 =	vld [tilespmem:s30+$0xFFFFFFD0]  }
.Ltmp6:
0xd9: {  	[tilespmem:s2+$0xFFFFFFA0] =	vst v2;
	v2 =	vmul.f32 v1, v4;
	v1 =	vld [tilespmem:s2+$0xFFFFFFE0];
	(pc) =	sbr.rel @p0 .LBB2_11-.Ltmp6, $4  }
0xda: {  	v3 =	vld [tilespmem:s30+$0xFFFFFFE0]  }
0xdb: {  	[tilespmem:s2+$0xFFFFFFB0] =	vst v2;
	v7 =	vmul.f32 v8, v7;
	v2 =	vld [tilespmem:s2+$0xFFFFFFF0]  }
0xdc: {  	v4 =	vld [tilespmem:s30+$0xFFFFFFF0]  }
0xdd: {  	s2 =	sadd.s32 $0x400, s2;
	v5 =	vld [tilespmem:s28+$0xFFFFFF90];
	[tilespmem:s28+$0xFFFFFFC0] =	vst v7;
	v6 =	vmul.f32 v9, v6  }
0xde: {  	_ =	sdelay $0x1  }
0xdf: {  	v1 =	vmul.f32 v3, v1  }
0xe0: {  	[tilespmem:s28+$0xFFFFFFD0] =	vst v6;
	v2 =	vmul.f32 v4, v2  }
0xe1: {  	[tilespmem:s28+$0xFFFFFFE0] =	vst v1;
	v0 =	vmul.f32 v0, v5  }
0xe2: {  	[tilespmem:s28+$0xFFFFFFF0] =	vst v2  }
0xe3: {  	[tilespmem:s28+$0xFFFFFF90] =	vst v0  }
0xe4: {  	v1 =	vld [tilespmem:s26+$0x0]  }
0xe5: {  	v2 =	vld [tilespmem:s29+$0x0]  }
0xe6: {  	v0 =	vld [tilespmem:s29+$0xFFFFFF90]  }
0xe7: {  	v3 =	vld [tilespmem:s26+$0xFFFFFFA0]  }
0xe8: {  	v4 =	vld [tilespmem:s29+$0xFFFFFFA0]  }
0xe9: {  	v5 =	vld [tilespmem:s26+$0xFFFFFFB0]  }
0xea: {  	v6 =	vld [tilespmem:s29+$0xFFFFFFB0]  }
0xeb: {  	v7 =	vld [tilespmem:s26+$0xFFFFFFC0]  }
0xec: {  	v8 =	vld [tilespmem:s29+$0xFFFFFFC0]  }
0xed: {  	v9 =	vld [tilespmem:s26+$0xFFFFFFD0]  }
0xee: {  	v10 =	vld [tilespmem:s29+$0xFFFFFFD0];
	v2 =	vmul.f32 v2, v1  }
0xef: {  	v4 =	vmul.f32 v4, v3;
	v1 =	vld [tilespmem:s26+$0xFFFFFFE0]  }
0xf0: {  	v5 =	vmul.f32 v6, v5;
	v3 =	vld [tilespmem:s29+$0xFFFFFFE0];
	[tilespmem:s26+$0x0] =	vst v2  }
0xf1: {  	v6 =	vmul.f32 v8, v7;
	[tilespmem:s26+$0xFFFFFFA0] =	vst v4;
	v2 =	vld [tilespmem:s26+$0xFFFFFFF0]  }
0xf2: {  	s31 =	simm.s32 $0x0;
	[tilespmem:s26+$0xFFFFFFB0] =	vst v5;
	v4 =	vld [tilespmem:s29+$0xFFFFFFF0]  }
0xf3: {  	s30 =	simm.s32 $0xC370;
	s2 =	simm.s32 $0x6F0;
	s28 =	simm.s32 $0x370;
	v5 =	vld [tilespmem:s26+$0xFFFFFF90];
	[tilespmem:s26+$0xFFFFFFC0] =	vst v6;
	v6 =	vmul.f32 v10, v9  }
.LBB2_13:
0xf4: {  	v7 =	vld [tilespmem:s2+$0x0];
	s29 =	sadd.s32 $0x400, s29  }
0xf5: {  	s31 =	sadd.s32 $0x80, s31;
	v8 =	vld [tilespmem:s29+$0x0];
	[tilespmem:s26+$0xFFFFFFD0] =	vst v6;
	v1 =	vmul.f32 v3, v1  }
0xf6: {  	p0 =	slt.u32 s31, $0x280;
	v3 =	vld [tilespmem:s29+$0xFFFFFF90]  }
0xf7: {  	v6 =	vld [tilespmem:s2+$0xFFFFFFA0];
	[tilespmem:s26+$0xFFFFFFE0] =	vst v1;
	v1 =	vmul.f32 v4, v2  }
0xf8: {  	v2 =	vld [tilespmem:s29+$0xFFFFFFA0];
	v9 =	vmul.f32 v0, v5  }
0xf9: {  	v4 =	vld [tilespmem:s2+$0xFFFFFFB0];
	[tilespmem:s26+$0xFFFFFFF0] =	vst v1  }
0xfa: {  	v1 =	vld [tilespmem:s29+$0xFFFFFFB0];
	v5 =	vmul.f32 v8, v7;
	[tilespmem:s26+$0xFFFFFF90] =	vst v9;
	s26 =	smov.u32 s2  }
0xfb: {  	v7 =	vld [tilespmem:s2+$0xFFFFFFC0];
	v0 =	vmov v3  }
0xfc: {  	v8 =	vld [tilespmem:s29+$0xFFFFFFC0];
	[tilespmem:s2+$0x0] =	vst v5  }
0xfd: {  	v2 =	vmul.f32 v2, v6;
	v6 =	vld [tilespmem:s2+$0xFFFFFFD0]  }
0xfe: {  	v9 =	vld [tilespmem:s29+$0xFFFFFFD0]  }
.Ltmp7:
0xff: {  	[tilespmem:s2+$0xFFFFFFA0] =	vst v2;
	v2 =	vmul.f32 v1, v4;
	v1 =	vld [tilespmem:s2+$0xFFFFFFE0];
	(pc) =	sbr.rel @p0 .LBB2_13-.Ltmp7, $4  }
0x100: {  	v3 =	vld [tilespmem:s29+$0xFFFFFFE0]  }
0x101: {  	[tilespmem:s2+$0xFFFFFFB0] =	vst v2;
	v7 =	vmul.f32 v8, v7;
	v2 =	vld [tilespmem:s2+$0xFFFFFFF0]  }
0x102: {  	v4 =	vld [tilespmem:s29+$0xFFFFFFF0]  }
0x103: {  	s2 =	sadd.s32 $0x400, s2;
	v5 =	vld [tilespmem:s26+$0xFFFFFF90];
	[tilespmem:s26+$0xFFFFFFC0] =	vst v7;
	v6 =	vmul.f32 v9, v6  }
0x104: {  	_ =	sdelay $0x1  }
0x105: {  	v1 =	vmul.f32 v3, v1  }
0x106: {  	[tilespmem:s26+$0xFFFFFFD0] =	vst v6;
	v2 =	vmul.f32 v4, v2  }
0x107: {  	[tilespmem:s26+$0xFFFFFFE0] =	vst v1;
	v0 =	vmul.f32 v0, v5  }
0x108: {  	[tilespmem:s26+$0xFFFFFFF0] =	vst v2  }
0x109: {  	[tilespmem:s26+$0xFFFFFF90] =	vst v0  }
0x10a: {  	v1 =	vld [tilespmem:s28+$0x0]  }
0x10b: {  	v2 =	vld [tilespmem:s30+$0x0]  }
0x10c: {  	v0 =	vld [tilespmem:s30+$0xFFFFFF90]  }
0x10d: {  	v3 =	vld [tilespmem:s28+$0xFFFFFFA0]  }
0x10e: {  	v4 =	vld [tilespmem:s30+$0xFFFFFFA0]  }
0x10f: {  	v5 =	vld [tilespmem:s28+$0xFFFFFFB0]  }
0x110: {  	v6 =	vld [tilespmem:s30+$0xFFFFFFB0]  }
0x111: {  	v7 =	vld [tilespmem:s28+$0xFFFFFFC0]  }
0x112: {  	v8 =	vld [tilespmem:s30+$0xFFFFFFC0]  }
0x113: {  	v9 =	vld [tilespmem:s28+$0xFFFFFFD0]  }
0x114: {  	v10 =	vld [tilespmem:s30+$0xFFFFFFD0];
	v2 =	vmul.f32 v2, v1  }
0x115: {  	v4 =	vmul.f32 v4, v3;
	v1 =	vld [tilespmem:s28+$0xFFFFFFE0]  }
0x116: {  	v5 =	vmul.f32 v6, v5;
	v3 =	vld [tilespmem:s30+$0xFFFFFFE0];
	[tilespmem:s28+$0x0] =	vst v2  }
0x117: {  	v6 =	vmul.f32 v8, v7;
	[tilespmem:s28+$0xFFFFFFA0] =	vst v4;
	v2 =	vld [tilespmem:s28+$0xFFFFFFF0]  }
0x118: {  	s31 =	simm.s32 $0x0;
	[tilespmem:s28+$0xFFFFFFB0] =	vst v5;
	v4 =	vld [tilespmem:s30+$0xFFFFFFF0]  }
0x119: {  	s29 =	simm.s32 $0xC3F0;
	s2 =	simm.s32 $0x770;
	s26 =	simm.s32 $0x3F0;
	v5 =	vld [tilespmem:s28+$0xFFFFFF90];
	[tilespmem:s28+$0xFFFFFFC0] =	vst v6;
	v6 =	vmul.f32 v10, v9  }
.LBB2_15:
0x11a: {  	v7 =	vld [tilespmem:s2+$0x0];
	s30 =	sadd.s32 $0x400, s30  }
0x11b: {  	s31 =	sadd.s32 $0x80, s31;
	v8 =	vld [tilespmem:s30+$0x0];
	[tilespmem:s28+$0xFFFFFFD0] =	vst v6;
	v1 =	vmul.f32 v3, v1  }
0x11c: {  	p0 =	slt.u32 s31, $0x280;
	v3 =	vld [tilespmem:s30+$0xFFFFFF90]  }
0x11d: {  	v6 =	vld [tilespmem:s2+$0xFFFFFFA0];
	[tilespmem:s28+$0xFFFFFFE0] =	vst v1;
	v1 =	vmul.f32 v4, v2  }
0x11e: {  	v2 =	vld [tilespmem:s30+$0xFFFFFFA0];
	v9 =	vmul.f32 v0, v5  }
0x11f: {  	v4 =	vld [tilespmem:s2+$0xFFFFFFB0];
	[tilespmem:s28+$0xFFFFFFF0] =	vst v1  }
0x120: {  	v1 =	vld [tilespmem:s30+$0xFFFFFFB0];
	v5 =	vmul.f32 v8, v7;
	[tilespmem:s28+$0xFFFFFF90] =	vst v9;
	s28 =	smov.u32 s2  }
0x121: {  	v7 =	vld [tilespmem:s2+$0xFFFFFFC0];
	v0 =	vmov v3  }
0x122: {  	v8 =	vld [tilespmem:s30+$0xFFFFFFC0];
	[tilespmem:s2+$0x0] =	vst v5  }
0x123: {  	v2 =	vmul.f32 v2, v6;
	v6 =	vld [tilespmem:s2+$0xFFFFFFD0]  }
0x124: {  	v9 =	vld [tilespmem:s30+$0xFFFFFFD0]  }
.Ltmp8:
0x125: {  	[tilespmem:s2+$0xFFFFFFA0] =	vst v2;
	v2 =	vmul.f32 v1, v4;
	v1 =	vld [tilespmem:s2+$0xFFFFFFE0];
	(pc) =	sbr.rel @p0 .LBB2_15-.Ltmp8, $4  }
0x126: {  	v3 =	vld [tilespmem:s30+$0xFFFFFFE0]  }
0x127: {  	[tilespmem:s2+$0xFFFFFFB0] =	vst v2;
	v7 =	vmul.f32 v8, v7;
	v2 =	vld [tilespmem:s2+$0xFFFFFFF0]  }
0x128: {  	v4 =	vld [tilespmem:s30+$0xFFFFFFF0]  }
0x129: {  	s2 =	sadd.s32 $0x400, s2;
	v5 =	vld [tilespmem:s28+$0xFFFFFF90];
	[tilespmem:s28+$0xFFFFFFC0] =	vst v7;
	v6 =	vmul.f32 v9, v6  }
0x12a: {  	_ =	sdelay $0x1  }
0x12b: {  	v1 =	vmul.f32 v3, v1  }
0x12c: {  	[tilespmem:s28+$0xFFFFFFD0] =	vst v6;
	v2 =	vmul.f32 v4, v2  }
0x12d: {  	[tilespmem:s28+$0xFFFFFFE0] =	vst v1;
	v0 =	vmul.f32 v0, v5  }
0x12e: {  	[tilespmem:s28+$0xFFFFFFF0] =	vst v2  }
0x12f: {  	[tilespmem:s28+$0xFFFFFF90] =	vst v0  }
0x130: {  	v1 =	vld [tilespmem:s26+$0x0]  }
0x131: {  	v2 =	vld [tilespmem:s29+$0x0]  }
0x132: {  	v0 =	vld [tilespmem:s29+$0xFFFFFF90]  }
0x133: {  	v3 =	vld [tilespmem:s26+$0xFFFFFFA0]  }
0x134: {  	v4 =	vld [tilespmem:s29+$0xFFFFFFA0]  }
0x135: {  	v5 =	vld [tilespmem:s26+$0xFFFFFFB0]  }
0x136: {  	v6 =	vld [tilespmem:s29+$0xFFFFFFB0]  }
0x137: {  	v7 =	vld [tilespmem:s26+$0xFFFFFFC0]  }
0x138: {  	v8 =	vld [tilespmem:s29+$0xFFFFFFC0]  }
0x139: {  	v9 =	vld [tilespmem:s26+$0xFFFFFFD0]  }
0x13a: {  	v10 =	vld [tilespmem:s29+$0xFFFFFFD0];
	v2 =	vmul.f32 v2, v1  }
0x13b: {  	v4 =	vmul.f32 v4, v3;
	v1 =	vld [tilespmem:s26+$0xFFFFFFE0]  }
0x13c: {  	v5 =	vmul.f32 v6, v5;
	v3 =	vld [tilespmem:s29+$0xFFFFFFE0];
	[tilespmem:s26+$0x0] =	vst v2  }
0x13d: {  	v6 =	vmul.f32 v8, v7;
	[tilespmem:s26+$0xFFFFFFA0] =	vst v4;
	v2 =	vld [tilespmem:s26+$0xFFFFFFF0]  }
0x13e: {  	s31 =	simm.s32 $0x0;
	[tilespmem:s26+$0xFFFFFFB0] =	vst v5;
	v4 =	vld [tilespmem:s29+$0xFFFFFFF0]  }
0x13f: {  	s30 =	simm.s32 $0xD870;
	s2 =	simm.s32 $0x7F0;
	s28 =	simm.s32 $0x1870;
	v5 =	vld [tilespmem:s26+$0xFFFFFF90];
	[tilespmem:s26+$0xFFFFFFC0] =	vst v6;
	v6 =	vmul.f32 v10, v9  }
.LBB2_17:
0x140: {  	v7 =	vld [tilespmem:s2+$0x0];
	s29 =	sadd.s32 $0x400, s29  }
0x141: {  	s31 =	sadd.s32 $0x80, s31;
	v8 =	vld [tilespmem:s29+$0x0];
	[tilespmem:s26+$0xFFFFFFD0] =	vst v6;
	v1 =	vmul.f32 v3, v1  }
0x142: {  	p0 =	slt.u32 s31, $0x280;
	v3 =	vld [tilespmem:s29+$0xFFFFFF90]  }
0x143: {  	v6 =	vld [tilespmem:s2+$0xFFFFFFA0];
	[tilespmem:s26+$0xFFFFFFE0] =	vst v1;
	v1 =	vmul.f32 v4, v2  }
0x144: {  	v2 =	vld [tilespmem:s29+$0xFFFFFFA0];
	v9 =	vmul.f32 v0, v5  }
0x145: {  	v4 =	vld [tilespmem:s2+$0xFFFFFFB0];
	[tilespmem:s26+$0xFFFFFFF0] =	vst v1  }
0x146: {  	v1 =	vld [tilespmem:s29+$0xFFFFFFB0];
	v5 =	vmul.f32 v8, v7;
	[tilespmem:s26+$0xFFFFFF90] =	vst v9;
	s26 =	smov.u32 s2  }
0x147: {  	v7 =	vld [tilespmem:s2+$0xFFFFFFC0];
	v0 =	vmov v3  }
0x148: {  	v8 =	vld [tilespmem:s29+$0xFFFFFFC0];
	[tilespmem:s2+$0x0] =	vst v5  }
0x149: {  	v2 =	vmul.f32 v2, v6;
	v6 =	vld [tilespmem:s2+$0xFFFFFFD0]  }
0x14a: {  	v9 =	vld [tilespmem:s29+$0xFFFFFFD0]  }
.Ltmp9:
0x14b: {  	[tilespmem:s2+$0xFFFFFFA0] =	vst v2;
	v2 =	vmul.f32 v1, v4;
	v1 =	vld [tilespmem:s2+$0xFFFFFFE0];
	(pc) =	sbr.rel @p0 .LBB2_17-.Ltmp9, $4  }
0x14c: {  	v3 =	vld [tilespmem:s29+$0xFFFFFFE0]  }
0x14d: {  	[tilespmem:s2+$0xFFFFFFB0] =	vst v2;
	v7 =	vmul.f32 v8, v7;
	v2 =	vld [tilespmem:s2+$0xFFFFFFF0]  }
0x14e: {  	v4 =	vld [tilespmem:s29+$0xFFFFFFF0]  }
0x14f: {  	s2 =	sadd.s32 $0x400, s2;
	v5 =	vld [tilespmem:s26+$0xFFFFFF90];
	[tilespmem:s26+$0xFFFFFFC0] =	vst v7;
	v6 =	vmul.f32 v9, v6  }
0x150: {  	_ =	sdelay $0x1  }
0x151: {  	v1 =	vmul.f32 v3, v1  }
0x152: {  	[tilespmem:s26+$0xFFFFFFD0] =	vst v6;
	v2 =	vmul.f32 v4, v2  }
0x153: {  	[tilespmem:s26+$0xFFFFFFE0] =	vst v1;
	v0 =	vmul.f32 v0, v5  }
0x154: {  	[tilespmem:s26+$0xFFFFFFF0] =	vst v2  }
0x155: {  	[tilespmem:s26+$0xFFFFFF90] =	vst v0  }
0x156: {  	v1 =	vld [tilespmem:s28+$0x0]  }
0x157: {  	v2 =	vld [tilespmem:s30+$0x0]  }
0x158: {  	v0 =	vld [tilespmem:s30+$0xFFFFFF90]  }
0x159: {  	v3 =	vld [tilespmem:s28+$0xFFFFFFA0]  }
0x15a: {  	v4 =	vld [tilespmem:s30+$0xFFFFFFA0]  }
0x15b: {  	v5 =	vld [tilespmem:s28+$0xFFFFFFB0]  }
0x15c: {  	v6 =	vld [tilespmem:s30+$0xFFFFFFB0]  }
0x15d: {  	v7 =	vld [tilespmem:s28+$0xFFFFFFC0]  }
0x15e: {  	v8 =	vld [tilespmem:s30+$0xFFFFFFC0]  }
0x15f: {  	v9 =	vld [tilespmem:s28+$0xFFFFFFD0]  }
0x160: {  	v10 =	vld [tilespmem:s30+$0xFFFFFFD0];
	v2 =	vmul.f32 v2, v1  }
0x161: {  	v4 =	vmul.f32 v4, v3;
	v1 =	vld [tilespmem:s28+$0xFFFFFFE0]  }
0x162: {  	v5 =	vmul.f32 v6, v5;
	v3 =	vld [tilespmem:s30+$0xFFFFFFE0];
	[tilespmem:s28+$0x0] =	vst v2  }
0x163: {  	v6 =	vmul.f32 v8, v7;
	[tilespmem:s28+$0xFFFFFFA0] =	vst v4;
	v2 =	vld [tilespmem:s28+$0xFFFFFFF0]  }
0x164: {  	s31 =	simm.s32 $0x0;
	[tilespmem:s28+$0xFFFFFFB0] =	vst v5;
	v4 =	vld [tilespmem:s30+$0xFFFFFFF0]  }
0x165: {  	s29 =	simm.s32 $0xD8F0;
	s2 =	simm.s32 $0x1C70;
	s26 =	simm.s32 $0x18F0;
	v5 =	vld [tilespmem:s28+$0xFFFFFF90];
	[tilespmem:s28+$0xFFFFFFC0] =	vst v6;
	v6 =	vmul.f32 v10, v9  }
.LBB2_19:
0x166: {  	v7 =	vld [tilespmem:s2+$0x0];
	s30 =	sadd.s32 $0x400, s30  }
0x167: {  	s31 =	sadd.s32 $0x80, s31;
	v8 =	vld [tilespmem:s30+$0x0];
	[tilespmem:s28+$0xFFFFFFD0] =	vst v6;
	v1 =	vmul.f32 v3, v1  }
0x168: {  	p0 =	slt.u32 s31, $0x280;
	v3 =	vld [tilespmem:s30+$0xFFFFFF90]  }
0x169: {  	v6 =	vld [tilespmem:s2+$0xFFFFFFA0];
	[tilespmem:s28+$0xFFFFFFE0] =	vst v1;
	v1 =	vmul.f32 v4, v2  }
0x16a: {  	v2 =	vld [tilespmem:s30+$0xFFFFFFA0];
	v9 =	vmul.f32 v0, v5  }
0x16b: {  	v4 =	vld [tilespmem:s2+$0xFFFFFFB0];
	[tilespmem:s28+$0xFFFFFFF0] =	vst v1  }
0x16c: {  	v1 =	vld [tilespmem:s30+$0xFFFFFFB0];
	v5 =	vmul.f32 v8, v7;
	[tilespmem:s28+$0xFFFFFF90] =	vst v9;
	s28 =	smov.u32 s2  }
0x16d: {  	v7 =	vld [tilespmem:s2+$0xFFFFFFC0];
	v0 =	vmov v3  }
0x16e: {  	v8 =	vld [tilespmem:s30+$0xFFFFFFC0];
	[tilespmem:s2+$0x0] =	vst v5  }
0x16f: {  	v2 =	vmul.f32 v2, v6;
	v6 =	vld [tilespmem:s2+$0xFFFFFFD0]  }
0x170: {  	v9 =	vld [tilespmem:s30+$0xFFFFFFD0]  }
.Ltmp10:
0x171: {  	[tilespmem:s2+$0xFFFFFFA0] =	vst v2;
	v2 =	vmul.f32 v1, v4;
	v1 =	vld [tilespmem:s2+$0xFFFFFFE0];
	(pc) =	sbr.rel @p0 .LBB2_19-.Ltmp10, $4  }
0x172: {  	v3 =	vld [tilespmem:s30+$0xFFFFFFE0]  }
0x173: {  	[tilespmem:s2+$0xFFFFFFB0] =	vst v2;
	v7 =	vmul.f32 v8, v7;
	v2 =	vld [tilespmem:s2+$0xFFFFFFF0]  }
0x174: {  	v4 =	vld [tilespmem:s30+$0xFFFFFFF0]  }
0x175: {  	s2 =	sadd.s32 $0x400, s2;
	v5 =	vld [tilespmem:s28+$0xFFFFFF90];
	[tilespmem:s28+$0xFFFFFFC0] =	vst v7;
	v6 =	vmul.f32 v9, v6  }
0x176: {  	_ =	sdelay $0x1  }
0x177: {  	v1 =	vmul.f32 v3, v1  }
0x178: {  	[tilespmem:s28+$0xFFFFFFD0] =	vst v6;
	v2 =	vmul.f32 v4, v2  }
0x179: {  	[tilespmem:s28+$0xFFFFFFE0] =	vst v1;
	v0 =	vmul.f32 v0, v5  }
0x17a: {  	[tilespmem:s28+$0xFFFFFFF0] =	vst v2  }
0x17b: {  	[tilespmem:s28+$0xFFFFFF90] =	vst v0  }
0x17c: {  	v1 =	vld [tilespmem:s26+$0x0]  }
0x17d: {  	v2 =	vld [tilespmem:s29+$0x0]  }
0x17e: {  	v0 =	vld [tilespmem:s29+$0xFFFFFF90]  }
0x17f: {  	v3 =	vld [tilespmem:s26+$0xFFFFFFA0]  }
0x180: {  	v4 =	vld [tilespmem:s29+$0xFFFFFFA0]  }
0x181: {  	v5 =	vld [tilespmem:s26+$0xFFFFFFB0]  }
0x182: {  	v6 =	vld [tilespmem:s29+$0xFFFFFFB0]  }
0x183: {  	v7 =	vld [tilespmem:s26+$0xFFFFFFC0]  }
0x184: {  	v8 =	vld [tilespmem:s29+$0xFFFFFFC0]  }
0x185: {  	v9 =	vld [tilespmem:s26+$0xFFFFFFD0]  }
0x186: {  	v10 =	vld [tilespmem:s29+$0xFFFFFFD0];
	v2 =	vmul.f32 v2, v1  }
0x187: {  	v4 =	vmul.f32 v4, v3;
	v1 =	vld [tilespmem:s26+$0xFFFFFFE0]  }
0x188: {  	v5 =	vmul.f32 v6, v5;
	v3 =	vld [tilespmem:s29+$0xFFFFFFE0];
	[tilespmem:s26+$0x0] =	vst v2  }
0x189: {  	v6 =	vmul.f32 v8, v7;
	[tilespmem:s26+$0xFFFFFFA0] =	vst v4;
	v2 =	vld [tilespmem:s26+$0xFFFFFFF0]  }
0x18a: {  	s31 =	simm.s32 $0x0;
	[tilespmem:s26+$0xFFFFFFB0] =	vst v5;
	v4 =	vld [tilespmem:s29+$0xFFFFFFF0]  }
0x18b: {  	s30 =	simm.s32 $0xD970;
	s2 =	simm.s32 $0x1CF0;
	s28 =	simm.s32 $0x1970;
	v5 =	vld [tilespmem:s26+$0xFFFFFF90];
	[tilespmem:s26+$0xFFFFFFC0] =	vst v6;
	v6 =	vmul.f32 v10, v9  }
.LBB2_21:
0x18c: {  	v7 =	vld [tilespmem:s2+$0x0];
	s29 =	sadd.s32 $0x400, s29  }
0x18d: {  	s31 =	sadd.s32 $0x80, s31;
	v8 =	vld [tilespmem:s29+$0x0];
	[tilespmem:s26+$0xFFFFFFD0] =	vst v6;
	v1 =	vmul.f32 v3, v1  }
0x18e: {  	p0 =	slt.u32 s31, $0x280;
	v3 =	vld [tilespmem:s29+$0xFFFFFF90]  }
0x18f: {  	v6 =	vld [tilespmem:s2+$0xFFFFFFA0];
	[tilespmem:s26+$0xFFFFFFE0] =	vst v1;
	v1 =	vmul.f32 v4, v2  }
0x190: {  	v2 =	vld [tilespmem:s29+$0xFFFFFFA0];
	v9 =	vmul.f32 v0, v5  }
0x191: {  	v4 =	vld [tilespmem:s2+$0xFFFFFFB0];
	[tilespmem:s26+$0xFFFFFFF0] =	vst v1  }
0x192: {  	v1 =	vld [tilespmem:s29+$0xFFFFFFB0];
	v5 =	vmul.f32 v8, v7;
	[tilespmem:s26+$0xFFFFFF90] =	vst v9;
	s26 =	smov.u32 s2  }
0x193: {  	v7 =	vld [tilespmem:s2+$0xFFFFFFC0];
	v0 =	vmov v3  }
0x194: {  	v8 =	vld [tilespmem:s29+$0xFFFFFFC0];
	[tilespmem:s2+$0x0] =	vst v5  }
0x195: {  	v2 =	vmul.f32 v2, v6;
	v6 =	vld [tilespmem:s2+$0xFFFFFFD0]  }
0x196: {  	v9 =	vld [tilespmem:s29+$0xFFFFFFD0]  }
.Ltmp11:
0x197: {  	[tilespmem:s2+$0xFFFFFFA0] =	vst v2;
	v2 =	vmul.f32 v1, v4;
	v1 =	vld [tilespmem:s2+$0xFFFFFFE0];
	(pc) =	sbr.rel @p0 .LBB2_21-.Ltmp11, $4  }
0x198: {  	v3 =	vld [tilespmem:s29+$0xFFFFFFE0]  }
0x199: {  	[tilespmem:s2+$0xFFFFFFB0] =	vst v2;
	v7 =	vmul.f32 v8, v7;
	v2 =	vld [tilespmem:s2+$0xFFFFFFF0]  }
0x19a: {  	v4 =	vld [tilespmem:s29+$0xFFFFFFF0]  }
0x19b: {  	s2 =	sadd.s32 $0x400, s2;
	v5 =	vld [tilespmem:s26+$0xFFFFFF90];
	[tilespmem:s26+$0xFFFFFFC0] =	vst v7;
	v6 =	vmul.f32 v9, v6  }
0x19c: {  	_ =	sdelay $0x1  }
0x19d: {  	v1 =	vmul.f32 v3, v1  }
0x19e: {  	[tilespmem:s26+$0xFFFFFFD0] =	vst v6;
	v2 =	vmul.f32 v4, v2  }
0x19f: {  	[tilespmem:s26+$0xFFFFFFE0] =	vst v1;
	v0 =	vmul.f32 v0, v5  }
0x1a0: {  	[tilespmem:s26+$0xFFFFFFF0] =	vst v2  }
0x1a1: {  	[tilespmem:s26+$0xFFFFFF90] =	vst v0  }
0x1a2: {  	v1 =	vld [tilespmem:s28+$0x0]  }
0x1a3: {  	v2 =	vld [tilespmem:s30+$0x0]  }
0x1a4: {  	v0 =	vld [tilespmem:s30+$0xFFFFFF90]  }
0x1a5: {  	v3 =	vld [tilespmem:s28+$0xFFFFFFA0]  }
0x1a6: {  	v4 =	vld [tilespmem:s30+$0xFFFFFFA0]  }
0x1a7: {  	v5 =	vld [tilespmem:s28+$0xFFFFFFB0]  }
0x1a8: {  	v6 =	vld [tilespmem:s30+$0xFFFFFFB0]  }
0x1a9: {  	v7 =	vld [tilespmem:s28+$0xFFFFFFC0]  }
0x1aa: {  	v8 =	vld [tilespmem:s30+$0xFFFFFFC0]  }
0x1ab: {  	v9 =	vld [tilespmem:s28+$0xFFFFFFD0]  }
0x1ac: {  	v10 =	vld [tilespmem:s30+$0xFFFFFFD0];
	v2 =	vmul.f32 v2, v1  }
0x1ad: {  	v4 =	vmul.f32 v4, v3;
	v1 =	vld [tilespmem:s28+$0xFFFFFFE0]  }
0x1ae: {  	v5 =	vmul.f32 v6, v5;
	v3 =	vld [tilespmem:s30+$0xFFFFFFE0];
	[tilespmem:s28+$0x0] =	vst v2  }
0x1af: {  	v6 =	vmul.f32 v8, v7;
	[tilespmem:s28+$0xFFFFFFA0] =	vst v4;
	v2 =	vld [tilespmem:s28+$0xFFFFFFF0]  }
0x1b0: {  	s31 =	simm.s32 $0x0;
	[tilespmem:s28+$0xFFFFFFB0] =	vst v5;
	v4 =	vld [tilespmem:s30+$0xFFFFFFF0]  }
0x1b1: {  	s29 =	simm.s32 $0xD9F0;
	s2 =	simm.s32 $0x1D70;
	s26 =	simm.s32 $0x19F0;
	v5 =	vld [tilespmem:s28+$0xFFFFFF90];
	[tilespmem:s28+$0xFFFFFFC0] =	vst v6;
	v6 =	vmul.f32 v10, v9  }
.LBB2_23:
0x1b2: {  	v7 =	vld [tilespmem:s2+$0x0];
	s30 =	sadd.s32 $0x400, s30  }
0x1b3: {  	s31 =	sadd.s32 $0x80, s31;
	v8 =	vld [tilespmem:s30+$0x0];
	[tilespmem:s28+$0xFFFFFFD0] =	vst v6;
	v1 =	vmul.f32 v3, v1  }
0x1b4: {  	p0 =	slt.u32 s31, $0x280;
	v3 =	vld [tilespmem:s30+$0xFFFFFF90]  }
0x1b5: {  	v6 =	vld [tilespmem:s2+$0xFFFFFFA0];
	[tilespmem:s28+$0xFFFFFFE0] =	vst v1;
	v1 =	vmul.f32 v4, v2  }
0x1b6: {  	v2 =	vld [tilespmem:s30+$0xFFFFFFA0];
	v9 =	vmul.f32 v0, v5  }
0x1b7: {  	v4 =	vld [tilespmem:s2+$0xFFFFFFB0];
	[tilespmem:s28+$0xFFFFFFF0] =	vst v1  }
0x1b8: {  	v1 =	vld [tilespmem:s30+$0xFFFFFFB0];
	v5 =	vmul.f32 v8, v7;
	[tilespmem:s28+$0xFFFFFF90] =	vst v9;
	s28 =	smov.u32 s2  }
0x1b9: {  	v7 =	vld [tilespmem:s2+$0xFFFFFFC0];
	v0 =	vmov v3  }
0x1ba: {  	v8 =	vld [tilespmem:s30+$0xFFFFFFC0];
	[tilespmem:s2+$0x0] =	vst v5  }
0x1bb: {  	v2 =	vmul.f32 v2, v6;
	v6 =	vld [tilespmem:s2+$0xFFFFFFD0]  }
0x1bc: {  	v9 =	vld [tilespmem:s30+$0xFFFFFFD0]  }
.Ltmp12:
0x1bd: {  	[tilespmem:s2+$0xFFFFFFA0] =	vst v2;
	v2 =	vmul.f32 v1, v4;
	v1 =	vld [tilespmem:s2+$0xFFFFFFE0];
	(pc) =	sbr.rel @p0 .LBB2_23-.Ltmp12, $4  }
0x1be: {  	v3 =	vld [tilespmem:s30+$0xFFFFFFE0]  }
0x1bf: {  	[tilespmem:s2+$0xFFFFFFB0] =	vst v2;
	v7 =	vmul.f32 v8, v7;
	v2 =	vld [tilespmem:s2+$0xFFFFFFF0]  }
0x1c0: {  	v4 =	vld [tilespmem:s30+$0xFFFFFFF0]  }
0x1c1: {  	s2 =	sadd.s32 $0x400, s2;
	v5 =	vld [tilespmem:s28+$0xFFFFFF90];
	[tilespmem:s28+$0xFFFFFFC0] =	vst v7;
	v6 =	vmul.f32 v9, v6  }
0x1c2: {  	_ =	sdelay $0x1  }
0x1c3: {  	v1 =	vmul.f32 v3, v1  }
0x1c4: {  	[tilespmem:s28+$0xFFFFFFD0] =	vst v6;
	v2 =	vmul.f32 v4, v2  }
0x1c5: {  	[tilespmem:s28+$0xFFFFFFE0] =	vst v1;
	v0 =	vmul.f32 v0, v5  }
0x1c6: {  	[tilespmem:s28+$0xFFFFFFF0] =	vst v2  }
0x1c7: {  	[tilespmem:s28+$0xFFFFFF90] =	vst v0  }
0x1c8: {  	v1 =	vld [tilespmem:s26+$0x0]  }
0x1c9: {  	v2 =	vld [tilespmem:s29+$0x0]  }
0x1ca: {  	v0 =	vld [tilespmem:s29+$0xFFFFFF90]  }
0x1cb: {  	v3 =	vld [tilespmem:s26+$0xFFFFFFA0]  }
0x1cc: {  	v4 =	vld [tilespmem:s29+$0xFFFFFFA0]  }
0x1cd: {  	v5 =	vld [tilespmem:s26+$0xFFFFFFB0]  }
0x1ce: {  	v6 =	vld [tilespmem:s29+$0xFFFFFFB0]  }
0x1cf: {  	v7 =	vld [tilespmem:s26+$0xFFFFFFC0]  }
0x1d0: {  	v8 =	vld [tilespmem:s29+$0xFFFFFFC0]  }
0x1d1: {  	v9 =	vld [tilespmem:s26+$0xFFFFFFD0]  }
0x1d2: {  	v10 =	vld [tilespmem:s29+$0xFFFFFFD0];
	v2 =	vmul.f32 v2, v1  }
0x1d3: {  	v4 =	vmul.f32 v4, v3;
	v1 =	vld [tilespmem:s26+$0xFFFFFFE0]  }
0x1d4: {  	v5 =	vmul.f32 v6, v5;
	v3 =	vld [tilespmem:s29+$0xFFFFFFE0];
	[tilespmem:s26+$0x0] =	vst v2  }
0x1d5: {  	v6 =	vmul.f32 v8, v7;
	[tilespmem:s26+$0xFFFFFFA0] =	vst v4;
	v2 =	vld [tilespmem:s26+$0xFFFFFFF0]  }
0x1d6: {  	s31 =	simm.s32 $0x0;
	[tilespmem:s26+$0xFFFFFFB0] =	vst v5;
	v4 =	vld [tilespmem:s29+$0xFFFFFFF0]  }
0x1d7: {  	s30 =	simm.s32 $0xDA70;
	s2 =	simm.s32 $0x1DF0;
	s28 =	simm.s32 $0x1A70;
	v5 =	vld [tilespmem:s26+$0xFFFFFF90];
	[tilespmem:s26+$0xFFFFFFC0] =	vst v6;
	v6 =	vmul.f32 v10, v9  }
.LBB2_25:
0x1d8: {  	v7 =	vld [tilespmem:s2+$0x0];
	s29 =	sadd.s32 $0x400, s29  }
0x1d9: {  	s31 =	sadd.s32 $0x80, s31;
	v8 =	vld [tilespmem:s29+$0x0];
	[tilespmem:s26+$0xFFFFFFD0] =	vst v6;
	v1 =	vmul.f32 v3, v1  }
0x1da: {  	p0 =	slt.u32 s31, $0x280;
	v3 =	vld [tilespmem:s29+$0xFFFFFF90]  }
0x1db: {  	v6 =	vld [tilespmem:s2+$0xFFFFFFA0];
	[tilespmem:s26+$0xFFFFFFE0] =	vst v1;
	v1 =	vmul.f32 v4, v2  }
0x1dc: {  	v2 =	vld [tilespmem:s29+$0xFFFFFFA0];
	v9 =	vmul.f32 v0, v5  }
0x1dd: {  	v4 =	vld [tilespmem:s2+$0xFFFFFFB0];
	[tilespmem:s26+$0xFFFFFFF0] =	vst v1  }
0x1de: {  	v1 =	vld [tilespmem:s29+$0xFFFFFFB0];
	v5 =	vmul.f32 v8, v7;
	[tilespmem:s26+$0xFFFFFF90] =	vst v9;
	s26 =	smov.u32 s2  }
0x1df: {  	v7 =	vld [tilespmem:s2+$0xFFFFFFC0];
	v0 =	vmov v3  }
0x1e0: {  	v8 =	vld [tilespmem:s29+$0xFFFFFFC0];
	[tilespmem:s2+$0x0] =	vst v5  }
0x1e1: {  	v2 =	vmul.f32 v2, v6;
	v6 =	vld [tilespmem:s2+$0xFFFFFFD0]  }
0x1e2: {  	v9 =	vld [tilespmem:s29+$0xFFFFFFD0]  }
.Ltmp13:
0x1e3: {  	[tilespmem:s2+$0xFFFFFFA0] =	vst v2;
	v2 =	vmul.f32 v1, v4;
	v1 =	vld [tilespmem:s2+$0xFFFFFFE0];
	(pc) =	sbr.rel @p0 .LBB2_25-.Ltmp13, $4  }
0x1e4: {  	v3 =	vld [tilespmem:s29+$0xFFFFFFE0]  }
0x1e5: {  	[tilespmem:s2+$0xFFFFFFB0] =	vst v2;
	v7 =	vmul.f32 v8, v7;
	v2 =	vld [tilespmem:s2+$0xFFFFFFF0]  }
0x1e6: {  	v4 =	vld [tilespmem:s29+$0xFFFFFFF0]  }
0x1e7: {  	s2 =	sadd.s32 $0x400, s2;
	v5 =	vld [tilespmem:s26+$0xFFFFFF90];
	[tilespmem:s26+$0xFFFFFFC0] =	vst v7;
	v6 =	vmul.f32 v9, v6  }
0x1e8: {  	_ =	sdelay $0x1  }
0x1e9: {  	v1 =	vmul.f32 v3, v1  }
0x1ea: {  	[tilespmem:s26+$0xFFFFFFD0] =	vst v6;
	v2 =	vmul.f32 v4, v2  }
0x1eb: {  	[tilespmem:s26+$0xFFFFFFE0] =	vst v1;
	v0 =	vmul.f32 v0, v5  }
0x1ec: {  	[tilespmem:s26+$0xFFFFFFF0] =	vst v2  }
0x1ed: {  	[tilespmem:s26+$0xFFFFFF90] =	vst v0  }
0x1ee: {  	v1 =	vld [tilespmem:s28+$0x0]  }
0x1ef: {  	v2 =	vld [tilespmem:s30+$0x0]  }
0x1f0: {  	v0 =	vld [tilespmem:s30+$0xFFFFFF90]  }
0x1f1: {  	v3 =	vld [tilespmem:s28+$0xFFFFFFA0]  }
0x1f2: {  	v4 =	vld [tilespmem:s30+$0xFFFFFFA0]  }
0x1f3: {  	v5 =	vld [tilespmem:s28+$0xFFFFFFB0]  }
0x1f4: {  	v6 =	vld [tilespmem:s30+$0xFFFFFFB0]  }
0x1f5: {  	v7 =	vld [tilespmem:s28+$0xFFFFFFC0]  }
0x1f6: {  	v8 =	vld [tilespmem:s30+$0xFFFFFFC0]  }
0x1f7: {  	v9 =	vld [tilespmem:s28+$0xFFFFFFD0]  }
0x1f8: {  	v10 =	vld [tilespmem:s30+$0xFFFFFFD0];
	v2 =	vmul.f32 v2, v1  }
0x1f9: {  	v4 =	vmul.f32 v4, v3;
	v1 =	vld [tilespmem:s28+$0xFFFFFFE0]  }
0x1fa: {  	v5 =	vmul.f32 v6, v5;
	v3 =	vld [tilespmem:s30+$0xFFFFFFE0];
	[tilespmem:s28+$0x0] =	vst v2  }
0x1fb: {  	v6 =	vmul.f32 v8, v7;
	[tilespmem:s28+$0xFFFFFFA0] =	vst v4;
	v2 =	vld [tilespmem:s28+$0xFFFFFFF0]  }
0x1fc: {  	s31 =	simm.s32 $0x0;
	[tilespmem:s28+$0xFFFFFFB0] =	vst v5;
	v4 =	vld [tilespmem:s30+$0xFFFFFFF0]  }
0x1fd: {  	s29 =	simm.s32 $0xDAF0;
	s2 =	simm.s32 $0x1E70;
	s26 =	simm.s32 $0x1AF0;
	v5 =	vld [tilespmem:s28+$0xFFFFFF90];
	[tilespmem:s28+$0xFFFFFFC0] =	vst v6;
	v6 =	vmul.f32 v10, v9  }
.LBB2_27:
0x1fe: {  	v7 =	vld [tilespmem:s2+$0x0];
	s30 =	sadd.s32 $0x400, s30  }
0x1ff: {  	s31 =	sadd.s32 $0x80, s31;
	v8 =	vld [tilespmem:s30+$0x0];
	[tilespmem:s28+$0xFFFFFFD0] =	vst v6;
	v1 =	vmul.f32 v3, v1  }
0x200: {  	p0 =	slt.u32 s31, $0x280;
	v3 =	vld [tilespmem:s30+$0xFFFFFF90]  }
0x201: {  	v6 =	vld [tilespmem:s2+$0xFFFFFFA0];
	[tilespmem:s28+$0xFFFFFFE0] =	vst v1;
	v1 =	vmul.f32 v4, v2  }
0x202: {  	v2 =	vld [tilespmem:s30+$0xFFFFFFA0];
	v9 =	vmul.f32 v0, v5  }
0x203: {  	v4 =	vld [tilespmem:s2+$0xFFFFFFB0];
	[tilespmem:s28+$0xFFFFFFF0] =	vst v1  }
0x204: {  	v1 =	vld [tilespmem:s30+$0xFFFFFFB0];
	v5 =	vmul.f32 v8, v7;
	[tilespmem:s28+$0xFFFFFF90] =	vst v9;
	s28 =	smov.u32 s2  }
0x205: {  	v7 =	vld [tilespmem:s2+$0xFFFFFFC0];
	v0 =	vmov v3  }
0x206: {  	v8 =	vld [tilespmem:s30+$0xFFFFFFC0];
	[tilespmem:s2+$0x0] =	vst v5  }
0x207: {  	v2 =	vmul.f32 v2, v6;
	v6 =	vld [tilespmem:s2+$0xFFFFFFD0]  }
0x208: {  	v9 =	vld [tilespmem:s30+$0xFFFFFFD0]  }
.Ltmp14:
0x209: {  	[tilespmem:s2+$0xFFFFFFA0] =	vst v2;
	v2 =	vmul.f32 v1, v4;
	v1 =	vld [tilespmem:s2+$0xFFFFFFE0];
	(pc) =	sbr.rel @p0 .LBB2_27-.Ltmp14, $4  }
0x20a: {  	v3 =	vld [tilespmem:s30+$0xFFFFFFE0]  }
0x20b: {  	[tilespmem:s2+$0xFFFFFFB0] =	vst v2;
	v7 =	vmul.f32 v8, v7;
	v2 =	vld [tilespmem:s2+$0xFFFFFFF0]  }
0x20c: {  	v4 =	vld [tilespmem:s30+$0xFFFFFFF0]  }
0x20d: {  	s2 =	sadd.s32 $0x400, s2;
	v5 =	vld [tilespmem:s28+$0xFFFFFF90];
	[tilespmem:s28+$0xFFFFFFC0] =	vst v7;
	v6 =	vmul.f32 v9, v6  }
0x20e: {  	_ =	sdelay $0x1  }
0x20f: {  	v1 =	vmul.f32 v3, v1  }
0x210: {  	[tilespmem:s28+$0xFFFFFFD0] =	vst v6;
	v2 =	vmul.f32 v4, v2  }
0x211: {  	[tilespmem:s28+$0xFFFFFFE0] =	vst v1;
	v0 =	vmul.f32 v0, v5  }
0x212: {  	[tilespmem:s28+$0xFFFFFFF0] =	vst v2  }
0x213: {  	[tilespmem:s28+$0xFFFFFF90] =	vst v0  }
0x214: {  	v1 =	vld [tilespmem:s26+$0x0]  }
0x215: {  	v2 =	vld [tilespmem:s29+$0x0]  }
0x216: {  	v0 =	vld [tilespmem:s29+$0xFFFFFF90]  }
0x217: {  	v3 =	vld [tilespmem:s26+$0xFFFFFFA0]  }
0x218: {  	v4 =	vld [tilespmem:s29+$0xFFFFFFA0]  }
0x219: {  	v5 =	vld [tilespmem:s26+$0xFFFFFFB0]  }
0x21a: {  	v6 =	vld [tilespmem:s29+$0xFFFFFFB0]  }
0x21b: {  	v7 =	vld [tilespmem:s26+$0xFFFFFFC0]  }
0x21c: {  	v8 =	vld [tilespmem:s29+$0xFFFFFFC0]  }
0x21d: {  	v9 =	vld [tilespmem:s26+$0xFFFFFFD0]  }
0x21e: {  	v10 =	vld [tilespmem:s29+$0xFFFFFFD0];
	v2 =	vmul.f32 v2, v1  }
0x21f: {  	v4 =	vmul.f32 v4, v3;
	v1 =	vld [tilespmem:s26+$0xFFFFFFE0]  }
0x220: {  	v5 =	vmul.f32 v6, v5;
	v3 =	vld [tilespmem:s29+$0xFFFFFFE0];
	[tilespmem:s26+$0x0] =	vst v2  }
0x221: {  	v6 =	vmul.f32 v8, v7;
	[tilespmem:s26+$0xFFFFFFA0] =	vst v4;
	v2 =	vld [tilespmem:s26+$0xFFFFFFF0]  }
0x222: {  	s31 =	simm.s32 $0x0;
	[tilespmem:s26+$0xFFFFFFB0] =	vst v5;
	v4 =	vld [tilespmem:s29+$0xFFFFFFF0]  }
0x223: {  	s30 =	simm.s32 $0xDB70;
	s2 =	simm.s32 $0x1EF0;
	s28 =	simm.s32 $0x1B70;
	v5 =	vld [tilespmem:s26+$0xFFFFFF90];
	[tilespmem:s26+$0xFFFFFFC0] =	vst v6;
	v6 =	vmul.f32 v10, v9  }
.LBB2_29:
0x224: {  	v7 =	vld [tilespmem:s2+$0x0];
	s29 =	sadd.s32 $0x400, s29  }
0x225: {  	s31 =	sadd.s32 $0x80, s31;
	v8 =	vld [tilespmem:s29+$0x0];
	[tilespmem:s26+$0xFFFFFFD0] =	vst v6;
	v1 =	vmul.f32 v3, v1  }
0x226: {  	p0 =	slt.u32 s31, $0x280;
	v3 =	vld [tilespmem:s29+$0xFFFFFF90]  }
0x227: {  	v6 =	vld [tilespmem:s2+$0xFFFFFFA0];
	[tilespmem:s26+$0xFFFFFFE0] =	vst v1;
	v1 =	vmul.f32 v4, v2  }
0x228: {  	v2 =	vld [tilespmem:s29+$0xFFFFFFA0];
	v9 =	vmul.f32 v0, v5  }
0x229: {  	v4 =	vld [tilespmem:s2+$0xFFFFFFB0];
	[tilespmem:s26+$0xFFFFFFF0] =	vst v1  }
0x22a: {  	v1 =	vld [tilespmem:s29+$0xFFFFFFB0];
	v5 =	vmul.f32 v8, v7;
	[tilespmem:s26+$0xFFFFFF90] =	vst v9;
	s26 =	smov.u32 s2  }
0x22b: {  	v7 =	vld [tilespmem:s2+$0xFFFFFFC0];
	v0 =	vmov v3  }
0x22c: {  	v8 =	vld [tilespmem:s29+$0xFFFFFFC0];
	[tilespmem:s2+$0x0] =	vst v5  }
0x22d: {  	v2 =	vmul.f32 v2, v6;
	v6 =	vld [tilespmem:s2+$0xFFFFFFD0]  }
0x22e: {  	v9 =	vld [tilespmem:s29+$0xFFFFFFD0]  }
.Ltmp15:
0x22f: {  	[tilespmem:s2+$0xFFFFFFA0] =	vst v2;
	v2 =	vmul.f32 v1, v4;
	v1 =	vld [tilespmem:s2+$0xFFFFFFE0];
	(pc) =	sbr.rel @p0 .LBB2_29-.Ltmp15, $4  }
0x230: {  	v3 =	vld [tilespmem:s29+$0xFFFFFFE0]  }
0x231: {  	[tilespmem:s2+$0xFFFFFFB0] =	vst v2;
	v7 =	vmul.f32 v8, v7;
	v2 =	vld [tilespmem:s2+$0xFFFFFFF0]  }
0x232: {  	v4 =	vld [tilespmem:s29+$0xFFFFFFF0]  }
0x233: {  	s2 =	sadd.s32 $0x400, s2;
	v5 =	vld [tilespmem:s26+$0xFFFFFF90];
	[tilespmem:s26+$0xFFFFFFC0] =	vst v7;
	v6 =	vmul.f32 v9, v6  }
0x234: {  	_ =	sdelay $0x1  }
0x235: {  	v1 =	vmul.f32 v3, v1  }
0x236: {  	[tilespmem:s26+$0xFFFFFFD0] =	vst v6;
	v2 =	vmul.f32 v4, v2  }
0x237: {  	[tilespmem:s26+$0xFFFFFFE0] =	vst v1;
	v0 =	vmul.f32 v0, v5  }
0x238: {  	[tilespmem:s26+$0xFFFFFFF0] =	vst v2  }
0x239: {  	[tilespmem:s26+$0xFFFFFF90] =	vst v0  }
0x23a: {  	v1 =	vld [tilespmem:s28+$0x0]  }
0x23b: {  	v2 =	vld [tilespmem:s30+$0x0]  }
0x23c: {  	v0 =	vld [tilespmem:s30+$0xFFFFFF90]  }
0x23d: {  	v3 =	vld [tilespmem:s28+$0xFFFFFFA0]  }
0x23e: {  	v4 =	vld [tilespmem:s30+$0xFFFFFFA0]  }
0x23f: {  	v5 =	vld [tilespmem:s28+$0xFFFFFFB0]  }
0x240: {  	v6 =	vld [tilespmem:s30+$0xFFFFFFB0]  }
0x241: {  	v7 =	vld [tilespmem:s28+$0xFFFFFFC0]  }
0x242: {  	v8 =	vld [tilespmem:s30+$0xFFFFFFC0]  }
0x243: {  	v9 =	vld [tilespmem:s28+$0xFFFFFFD0]  }
0x244: {  	v10 =	vld [tilespmem:s30+$0xFFFFFFD0];
	v2 =	vmul.f32 v2, v1  }
0x245: {  	v4 =	vmul.f32 v4, v3;
	v1 =	vld [tilespmem:s28+$0xFFFFFFE0]  }
0x246: {  	v5 =	vmul.f32 v6, v5;
	v3 =	vld [tilespmem:s30+$0xFFFFFFE0];
	[tilespmem:s28+$0x0] =	vst v2  }
0x247: {  	v6 =	vmul.f32 v8, v7;
	[tilespmem:s28+$0xFFFFFFA0] =	vst v4;
	v2 =	vld [tilespmem:s28+$0xFFFFFFF0]  }
0x248: {  	s31 =	simm.s32 $0x0;
	[tilespmem:s28+$0xFFFFFFB0] =	vst v5;
	v4 =	vld [tilespmem:s30+$0xFFFFFFF0]  }
0x249: {  	s29 =	simm.s32 $0xDBF0;
	s2 =	simm.s32 $0x1F70;
	s26 =	simm.s32 $0x1BF0;
	v5 =	vld [tilespmem:s28+$0xFFFFFF90];
	[tilespmem:s28+$0xFFFFFFC0] =	vst v6;
	v6 =	vmul.f32 v10, v9  }
.LBB2_31:
0x24a: {  	v7 =	vld [tilespmem:s2+$0x0];
	s30 =	sadd.s32 $0x400, s30  }
0x24b: {  	s31 =	sadd.s32 $0x80, s31;
	v8 =	vld [tilespmem:s30+$0x0];
	[tilespmem:s28+$0xFFFFFFD0] =	vst v6;
	v1 =	vmul.f32 v3, v1  }
0x24c: {  	p0 =	slt.u32 s31, $0x280;
	v3 =	vld [tilespmem:s30+$0xFFFFFF90]  }
0x24d: {  	v6 =	vld [tilespmem:s2+$0xFFFFFFA0];
	[tilespmem:s28+$0xFFFFFFE0] =	vst v1;
	v1 =	vmul.f32 v4, v2  }
0x24e: {  	v2 =	vld [tilespmem:s30+$0xFFFFFFA0];
	v9 =	vmul.f32 v0, v5  }
0x24f: {  	v4 =	vld [tilespmem:s2+$0xFFFFFFB0];
	[tilespmem:s28+$0xFFFFFFF0] =	vst v1  }
0x250: {  	v1 =	vld [tilespmem:s30+$0xFFFFFFB0];
	v5 =	vmul.f32 v8, v7;
	[tilespmem:s28+$0xFFFFFF90] =	vst v9;
	s28 =	smov.u32 s2  }
0x251: {  	v7 =	vld [tilespmem:s2+$0xFFFFFFC0];
	v0 =	vmov v3  }
0x252: {  	v8 =	vld [tilespmem:s30+$0xFFFFFFC0];
	[tilespmem:s2+$0x0] =	vst v5  }
0x253: {  	v2 =	vmul.f32 v2, v6;
	v6 =	vld [tilespmem:s2+$0xFFFFFFD0]  }
0x254: {  	v9 =	vld [tilespmem:s30+$0xFFFFFFD0]  }
.Ltmp16:
0x255: {  	[tilespmem:s2+$0xFFFFFFA0] =	vst v2;
	v2 =	vmul.f32 v1, v4;
	v1 =	vld [tilespmem:s2+$0xFFFFFFE0];
	(pc) =	sbr.rel @p0 .LBB2_31-.Ltmp16, $4  }
0x256: {  	v3 =	vld [tilespmem:s30+$0xFFFFFFE0]  }
0x257: {  	[tilespmem:s2+$0xFFFFFFB0] =	vst v2;
	v7 =	vmul.f32 v8, v7;
	v2 =	vld [tilespmem:s2+$0xFFFFFFF0]  }
0x258: {  	v4 =	vld [tilespmem:s30+$0xFFFFFFF0]  }
0x259: {  	s2 =	sadd.s32 $0x400, s2;
	v5 =	vld [tilespmem:s28+$0xFFFFFF90];
	[tilespmem:s28+$0xFFFFFFC0] =	vst v7;
	v6 =	vmul.f32 v9, v6  }
0x25a: {  	_ =	sdelay $0x1  }
0x25b: {  	v1 =	vmul.f32 v3, v1  }
0x25c: {  	[tilespmem:s28+$0xFFFFFFD0] =	vst v6;
	v2 =	vmul.f32 v4, v2  }
0x25d: {  	[tilespmem:s28+$0xFFFFFFE0] =	vst v1;
	v0 =	vmul.f32 v0, v5  }
0x25e: {  	[tilespmem:s28+$0xFFFFFFF0] =	vst v2  }
0x25f: {  	[tilespmem:s28+$0xFFFFFF90] =	vst v0  }
0x260: {  	v1 =	vld [tilespmem:s26+$0x0]  }
0x261: {  	v2 =	vld [tilespmem:s29+$0x0]  }
0x262: {  	v0 =	vld [tilespmem:s29+$0xFFFFFF90]  }
0x263: {  	v3 =	vld [tilespmem:s26+$0xFFFFFFA0]  }
0x264: {  	v4 =	vld [tilespmem:s29+$0xFFFFFFA0]  }
0x265: {  	v5 =	vld [tilespmem:s26+$0xFFFFFFB0]  }
0x266: {  	v6 =	vld [tilespmem:s29+$0xFFFFFFB0]  }
0x267: {  	v7 =	vld [tilespmem:s26+$0xFFFFFFC0]  }
0x268: {  	v8 =	vld [tilespmem:s29+$0xFFFFFFC0]  }
0x269: {  	v9 =	vld [tilespmem:s26+$0xFFFFFFD0]  }
0x26a: {  	v10 =	vld [tilespmem:s29+$0xFFFFFFD0];
	v2 =	vmul.f32 v2, v1  }
0x26b: {  	v4 =	vmul.f32 v4, v3;
	v1 =	vld [tilespmem:s26+$0xFFFFFFE0]  }
0x26c: {  	v5 =	vmul.f32 v6, v5;
	v3 =	vld [tilespmem:s29+$0xFFFFFFE0];
	[tilespmem:s26+$0x0] =	vst v2  }
0x26d: {  	v6 =	vmul.f32 v8, v7;
	[tilespmem:s26+$0xFFFFFFA0] =	vst v4;
	v2 =	vld [tilespmem:s26+$0xFFFFFFF0]  }
0x26e: {  	s31 =	simm.s32 $0x0;
	[tilespmem:s26+$0xFFFFFFB0] =	vst v5;
	v4 =	vld [tilespmem:s29+$0xFFFFFFF0]  }
0x26f: {  	s30 =	simm.s32 $0xF070;
	s2 =	simm.s32 $0x1FF0;
	s28 =	simm.s32 $0x3070;
	v5 =	vld [tilespmem:s26+$0xFFFFFF90];
	[tilespmem:s26+$0xFFFFFFC0] =	vst v6;
	v6 =	vmul.f32 v10, v9  }
.LBB2_33:
0x270: {  	v7 =	vld [tilespmem:s2+$0x0];
	s29 =	sadd.s32 $0x400, s29  }
0x271: {  	s31 =	sadd.s32 $0x80, s31;
	v8 =	vld [tilespmem:s29+$0x0];
	[tilespmem:s26+$0xFFFFFFD0] =	vst v6;
	v1 =	vmul.f32 v3, v1  }
0x272: {  	p0 =	slt.u32 s31, $0x280;
	v3 =	vld [tilespmem:s29+$0xFFFFFF90]  }
0x273: {  	v6 =	vld [tilespmem:s2+$0xFFFFFFA0];
	[tilespmem:s26+$0xFFFFFFE0] =	vst v1;
	v1 =	vmul.f32 v4, v2  }
0x274: {  	v2 =	vld [tilespmem:s29+$0xFFFFFFA0];
	v9 =	vmul.f32 v0, v5  }
0x275: {  	v4 =	vld [tilespmem:s2+$0xFFFFFFB0];
	[tilespmem:s26+$0xFFFFFFF0] =	vst v1  }
0x276: {  	v1 =	vld [tilespmem:s29+$0xFFFFFFB0];
	v5 =	vmul.f32 v8, v7;
	[tilespmem:s26+$0xFFFFFF90] =	vst v9;
	s26 =	smov.u32 s2  }
0x277: {  	v7 =	vld [tilespmem:s2+$0xFFFFFFC0];
	v0 =	vmov v3  }
0x278: {  	v8 =	vld [tilespmem:s29+$0xFFFFFFC0];
	[tilespmem:s2+$0x0] =	vst v5  }
0x279: {  	v2 =	vmul.f32 v2, v6;
	v6 =	vld [tilespmem:s2+$0xFFFFFFD0]  }
0x27a: {  	v9 =	vld [tilespmem:s29+$0xFFFFFFD0]  }
.Ltmp17:
0x27b: {  	[tilespmem:s2+$0xFFFFFFA0] =	vst v2;
	v2 =	vmul.f32 v1, v4;
	v1 =	vld [tilespmem:s2+$0xFFFFFFE0];
	(pc) =	sbr.rel @p0 .LBB2_33-.Ltmp17, $4  }
0x27c: {  	v3 =	vld [tilespmem:s29+$0xFFFFFFE0]  }
0x27d: {  	[tilespmem:s2+$0xFFFFFFB0] =	vst v2;
	v7 =	vmul.f32 v8, v7;
	v2 =	vld [tilespmem:s2+$0xFFFFFFF0]  }
0x27e: {  	v4 =	vld [tilespmem:s29+$0xFFFFFFF0]  }
0x27f: {  	s2 =	sadd.s32 $0x400, s2;
	v5 =	vld [tilespmem:s26+$0xFFFFFF90];
	[tilespmem:s26+$0xFFFFFFC0] =	vst v7;
	v6 =	vmul.f32 v9, v6  }
0x280: {  	_ =	sdelay $0x1  }
0x281: {  	v1 =	vmul.f32 v3, v1  }
0x282: {  	[tilespmem:s26+$0xFFFFFFD0] =	vst v6;
	v2 =	vmul.f32 v4, v2  }
0x283: {  	[tilespmem:s26+$0xFFFFFFE0] =	vst v1;
	v0 =	vmul.f32 v0, v5  }
0x284: {  	[tilespmem:s26+$0xFFFFFFF0] =	vst v2  }
0x285: {  	[tilespmem:s26+$0xFFFFFF90] =	vst v0  }
0x286: {  	v1 =	vld [tilespmem:s28+$0x0]  }
0x287: {  	v2 =	vld [tilespmem:s30+$0x0]  }
0x288: {  	v0 =	vld [tilespmem:s30+$0xFFFFFF90]  }
0x289: {  	v3 =	vld [tilespmem:s28+$0xFFFFFFA0]  }
0x28a: {  	v4 =	vld [tilespmem:s30+$0xFFFFFFA0]  }
0x28b: {  	v5 =	vld [tilespmem:s28+$0xFFFFFFB0]  }
0x28c: {  	v6 =	vld [tilespmem:s30+$0xFFFFFFB0]  }
0x28d: {  	v7 =	vld [tilespmem:s28+$0xFFFFFFC0]  }
0x28e: {  	v8 =	vld [tilespmem:s30+$0xFFFFFFC0]  }
0x28f: {  	v9 =	vld [tilespmem:s28+$0xFFFFFFD0]  }
0x290: {  	v10 =	vld [tilespmem:s30+$0xFFFFFFD0];
	v2 =	vmul.f32 v2, v1  }
0x291: {  	v4 =	vmul.f32 v4, v3;
	v1 =	vld [tilespmem:s28+$0xFFFFFFE0]  }
0x292: {  	v5 =	vmul.f32 v6, v5;
	v3 =	vld [tilespmem:s30+$0xFFFFFFE0];
	[tilespmem:s28+$0x0] =	vst v2  }
0x293: {  	v6 =	vmul.f32 v8, v7;
	[tilespmem:s28+$0xFFFFFFA0] =	vst v4;
	v2 =	vld [tilespmem:s28+$0xFFFFFFF0]  }
0x294: {  	s31 =	simm.s32 $0x0;
	[tilespmem:s28+$0xFFFFFFB0] =	vst v5;
	v4 =	vld [tilespmem:s30+$0xFFFFFFF0]  }
0x295: {  	s29 =	simm.s32 $0xF0F0;
	s2 =	simm.s32 $0x3470;
	s26 =	simm.s32 $0x30F0;
	v5 =	vld [tilespmem:s28+$0xFFFFFF90];
	[tilespmem:s28+$0xFFFFFFC0] =	vst v6;
	v6 =	vmul.f32 v10, v9  }
.LBB2_35:
0x296: {  	v7 =	vld [tilespmem:s2+$0x0];
	s30 =	sadd.s32 $0x400, s30  }
0x297: {  	s31 =	sadd.s32 $0x80, s31;
	v8 =	vld [tilespmem:s30+$0x0];
	[tilespmem:s28+$0xFFFFFFD0] =	vst v6;
	v1 =	vmul.f32 v3, v1  }
0x298: {  	p0 =	slt.u32 s31, $0x280;
	v3 =	vld [tilespmem:s30+$0xFFFFFF90]  }
0x299: {  	v6 =	vld [tilespmem:s2+$0xFFFFFFA0];
	[tilespmem:s28+$0xFFFFFFE0] =	vst v1;
	v1 =	vmul.f32 v4, v2  }
0x29a: {  	v2 =	vld [tilespmem:s30+$0xFFFFFFA0];
	v9 =	vmul.f32 v0, v5  }
0x29b: {  	v4 =	vld [tilespmem:s2+$0xFFFFFFB0];
	[tilespmem:s28+$0xFFFFFFF0] =	vst v1  }
0x29c: {  	v1 =	vld [tilespmem:s30+$0xFFFFFFB0];
	v5 =	vmul.f32 v8, v7;
	[tilespmem:s28+$0xFFFFFF90] =	vst v9;
	s28 =	smov.u32 s2  }
0x29d: {  	v7 =	vld [tilespmem:s2+$0xFFFFFFC0];
	v0 =	vmov v3  }
0x29e: {  	v8 =	vld [tilespmem:s30+$0xFFFFFFC0];
	[tilespmem:s2+$0x0] =	vst v5  }
0x29f: {  	v2 =	vmul.f32 v2, v6;
	v6 =	vld [tilespmem:s2+$0xFFFFFFD0]  }
0x2a0: {  	v9 =	vld [tilespmem:s30+$0xFFFFFFD0]  }
.Ltmp18:
0x2a1: {  	[tilespmem:s2+$0xFFFFFFA0] =	vst v2;
	v2 =	vmul.f32 v1, v4;
	v1 =	vld [tilespmem:s2+$0xFFFFFFE0];
	(pc) =	sbr.rel @p0 .LBB2_35-.Ltmp18, $4  }
0x2a2: {  	v3 =	vld [tilespmem:s30+$0xFFFFFFE0]  }
0x2a3: {  	[tilespmem:s2+$0xFFFFFFB0] =	vst v2;
	v7 =	vmul.f32 v8, v7;
	v2 =	vld [tilespmem:s2+$0xFFFFFFF0]  }
0x2a4: {  	v4 =	vld [tilespmem:s30+$0xFFFFFFF0]  }
0x2a5: {  	s2 =	sadd.s32 $0x400, s2;
	v5 =	vld [tilespmem:s28+$0xFFFFFF90];
	[tilespmem:s28+$0xFFFFFFC0] =	vst v7;
	v6 =	vmul.f32 v9, v6  }
0x2a6: {  	_ =	sdelay $0x1  }
0x2a7: {  	v1 =	vmul.f32 v3, v1  }
0x2a8: {  	[tilespmem:s28+$0xFFFFFFD0] =	vst v6;
	v2 =	vmul.f32 v4, v2  }
0x2a9: {  	[tilespmem:s28+$0xFFFFFFE0] =	vst v1;
	v0 =	vmul.f32 v0, v5  }
0x2aa: {  	[tilespmem:s28+$0xFFFFFFF0] =	vst v2  }
0x2ab: {  	[tilespmem:s28+$0xFFFFFF90] =	vst v0  }
0x2ac: {  	v1 =	vld [tilespmem:s26+$0x0]  }
0x2ad: {  	v2 =	vld [tilespmem:s29+$0x0]  }
0x2ae: {  	v0 =	vld [tilespmem:s29+$0xFFFFFF90]  }
0x2af: {  	v3 =	vld [tilespmem:s26+$0xFFFFFFA0]  }
0x2b0: {  	v4 =	vld [tilespmem:s29+$0xFFFFFFA0]  }
0x2b1: {  	v5 =	vld [tilespmem:s26+$0xFFFFFFB0]  }
0x2b2: {  	v6 =	vld [tilespmem:s29+$0xFFFFFFB0]  }
0x2b3: {  	v7 =	vld [tilespmem:s26+$0xFFFFFFC0]  }
0x2b4: {  	v8 =	vld [tilespmem:s29+$0xFFFFFFC0]  }
0x2b5: {  	v9 =	vld [tilespmem:s26+$0xFFFFFFD0]  }
0x2b6: {  	v10 =	vld [tilespmem:s29+$0xFFFFFFD0];
	v2 =	vmul.f32 v2, v1  }
0x2b7: {  	v4 =	vmul.f32 v4, v3;
	v1 =	vld [tilespmem:s26+$0xFFFFFFE0]  }
0x2b8: {  	v5 =	vmul.f32 v6, v5;
	v3 =	vld [tilespmem:s29+$0xFFFFFFE0];
	[tilespmem:s26+$0x0] =	vst v2  }
0x2b9: {  	v6 =	vmul.f32 v8, v7;
	[tilespmem:s26+$0xFFFFFFA0] =	vst v4;
	v2 =	vld [tilespmem:s26+$0xFFFFFFF0]  }
0x2ba: {  	s31 =	simm.s32 $0x0;
	[tilespmem:s26+$0xFFFFFFB0] =	vst v5;
	v4 =	vld [tilespmem:s29+$0xFFFFFFF0]  }
0x2bb: {  	s30 =	simm.s32 $0xF170;
	s2 =	simm.s32 $0x34F0;
	s28 =	simm.s32 $0x3170;
	v5 =	vld [tilespmem:s26+$0xFFFFFF90];
	[tilespmem:s26+$0xFFFFFFC0] =	vst v6;
	v6 =	vmul.f32 v10, v9  }
.LBB2_37:
0x2bc: {  	v7 =	vld [tilespmem:s2+$0x0];
	s29 =	sadd.s32 $0x400, s29  }
0x2bd: {  	s31 =	sadd.s32 $0x80, s31;
	v8 =	vld [tilespmem:s29+$0x0];
	[tilespmem:s26+$0xFFFFFFD0] =	vst v6;
	v1 =	vmul.f32 v3, v1  }
0x2be: {  	p0 =	slt.u32 s31, $0x280;
	v3 =	vld [tilespmem:s29+$0xFFFFFF90]  }
0x2bf: {  	v6 =	vld [tilespmem:s2+$0xFFFFFFA0];
	[tilespmem:s26+$0xFFFFFFE0] =	vst v1;
	v1 =	vmul.f32 v4, v2  }
0x2c0: {  	v2 =	vld [tilespmem:s29+$0xFFFFFFA0];
	v9 =	vmul.f32 v0, v5  }
0x2c1: {  	v4 =	vld [tilespmem:s2+$0xFFFFFFB0];
	[tilespmem:s26+$0xFFFFFFF0] =	vst v1  }
0x2c2: {  	v1 =	vld [tilespmem:s29+$0xFFFFFFB0];
	v5 =	vmul.f32 v8, v7;
	[tilespmem:s26+$0xFFFFFF90] =	vst v9;
	s26 =	smov.u32 s2  }
0x2c3: {  	v7 =	vld [tilespmem:s2+$0xFFFFFFC0];
	v0 =	vmov v3  }
0x2c4: {  	v8 =	vld [tilespmem:s29+$0xFFFFFFC0];
	[tilespmem:s2+$0x0] =	vst v5  }
0x2c5: {  	v2 =	vmul.f32 v2, v6;
	v6 =	vld [tilespmem:s2+$0xFFFFFFD0]  }
0x2c6: {  	v9 =	vld [tilespmem:s29+$0xFFFFFFD0]  }
.Ltmp19:
0x2c7: {  	[tilespmem:s2+$0xFFFFFFA0] =	vst v2;
	v2 =	vmul.f32 v1, v4;
	v1 =	vld [tilespmem:s2+$0xFFFFFFE0];
	(pc) =	sbr.rel @p0 .LBB2_37-.Ltmp19, $4  }
0x2c8: {  	v3 =	vld [tilespmem:s29+$0xFFFFFFE0]  }
0x2c9: {  	[tilespmem:s2+$0xFFFFFFB0] =	vst v2;
	v7 =	vmul.f32 v8, v7;
	v2 =	vld [tilespmem:s2+$0xFFFFFFF0]  }
0x2ca: {  	v4 =	vld [tilespmem:s29+$0xFFFFFFF0]  }
0x2cb: {  	s2 =	sadd.s32 $0x400, s2;
	v5 =	vld [tilespmem:s26+$0xFFFFFF90];
	[tilespmem:s26+$0xFFFFFFC0] =	vst v7;
	v6 =	vmul.f32 v9, v6  }
0x2cc: {  	_ =	sdelay $0x1  }
0x2cd: {  	v1 =	vmul.f32 v3, v1  }
0x2ce: {  	[tilespmem:s26+$0xFFFFFFD0] =	vst v6;
	v2 =	vmul.f32 v4, v2  }
0x2cf: {  	[tilespmem:s26+$0xFFFFFFE0] =	vst v1;
	v0 =	vmul.f32 v0, v5  }
0x2d0: {  	[tilespmem:s26+$0xFFFFFFF0] =	vst v2  }
0x2d1: {  	[tilespmem:s26+$0xFFFFFF90] =	vst v0  }
0x2d2: {  	v1 =	vld [tilespmem:s28+$0x0]  }
0x2d3: {  	v2 =	vld [tilespmem:s30+$0x0]  }
0x2d4: {  	v0 =	vld [tilespmem:s30+$0xFFFFFF90]  }
0x2d5: {  	v3 =	vld [tilespmem:s28+$0xFFFFFFA0]  }
0x2d6: {  	v4 =	vld [tilespmem:s30+$0xFFFFFFA0]  }
0x2d7: {  	v5 =	vld [tilespmem:s28+$0xFFFFFFB0]  }
0x2d8: {  	v6 =	vld [tilespmem:s30+$0xFFFFFFB0]  }
0x2d9: {  	v7 =	vld [tilespmem:s28+$0xFFFFFFC0]  }
0x2da: {  	v8 =	vld [tilespmem:s30+$0xFFFFFFC0]  }
0x2db: {  	v9 =	vld [tilespmem:s28+$0xFFFFFFD0]  }
0x2dc: {  	v10 =	vld [tilespmem:s30+$0xFFFFFFD0];
	v2 =	vmul.f32 v2, v1  }
0x2dd: {  	v4 =	vmul.f32 v4, v3;
	v1 =	vld [tilespmem:s28+$0xFFFFFFE0]  }
0x2de: {  	v5 =	vmul.f32 v6, v5;
	v3 =	vld [tilespmem:s30+$0xFFFFFFE0];
	[tilespmem:s28+$0x0] =	vst v2  }
0x2df: {  	v6 =	vmul.f32 v8, v7;
	[tilespmem:s28+$0xFFFFFFA0] =	vst v4;
	v2 =	vld [tilespmem:s28+$0xFFFFFFF0]  }
0x2e0: {  	s31 =	simm.s32 $0x0;
	[tilespmem:s28+$0xFFFFFFB0] =	vst v5;
	v4 =	vld [tilespmem:s30+$0xFFFFFFF0]  }
0x2e1: {  	s29 =	simm.s32 $0xF1F0;
	s2 =	simm.s32 $0x3570;
	s26 =	simm.s32 $0x31F0;
	v5 =	vld [tilespmem:s28+$0xFFFFFF90];
	[tilespmem:s28+$0xFFFFFFC0] =	vst v6;
	v6 =	vmul.f32 v10, v9  }
.LBB2_39:
0x2e2: {  	v7 =	vld [tilespmem:s2+$0x0];
	s30 =	sadd.s32 $0x400, s30  }
0x2e3: {  	s31 =	sadd.s32 $0x80, s31;
	v8 =	vld [tilespmem:s30+$0x0];
	[tilespmem:s28+$0xFFFFFFD0] =	vst v6;
	v1 =	vmul.f32 v3, v1  }
0x2e4: {  	p0 =	slt.u32 s31, $0x280;
	v3 =	vld [tilespmem:s30+$0xFFFFFF90]  }
0x2e5: {  	v6 =	vld [tilespmem:s2+$0xFFFFFFA0];
	[tilespmem:s28+$0xFFFFFFE0] =	vst v1;
	v1 =	vmul.f32 v4, v2  }
0x2e6: {  	v2 =	vld [tilespmem:s30+$0xFFFFFFA0];
	v9 =	vmul.f32 v0, v5  }
0x2e7: {  	v4 =	vld [tilespmem:s2+$0xFFFFFFB0];
	[tilespmem:s28+$0xFFFFFFF0] =	vst v1  }
0x2e8: {  	v1 =	vld [tilespmem:s30+$0xFFFFFFB0];
	v5 =	vmul.f32 v8, v7;
	[tilespmem:s28+$0xFFFFFF90] =	vst v9;
	s28 =	smov.u32 s2  }
0x2e9: {  	v7 =	vld [tilespmem:s2+$0xFFFFFFC0];
	v0 =	vmov v3  }
0x2ea: {  	v8 =	vld [tilespmem:s30+$0xFFFFFFC0];
	[tilespmem:s2+$0x0] =	vst v5  }
0x2eb: {  	v2 =	vmul.f32 v2, v6;
	v6 =	vld [tilespmem:s2+$0xFFFFFFD0]  }
0x2ec: {  	v9 =	vld [tilespmem:s30+$0xFFFFFFD0]  }
.Ltmp20:
0x2ed: {  	[tilespmem:s2+$0xFFFFFFA0] =	vst v2;
	v2 =	vmul.f32 v1, v4;
	v1 =	vld [tilespmem:s2+$0xFFFFFFE0];
	(pc) =	sbr.rel @p0 .LBB2_39-.Ltmp20, $4  }
0x2ee: {  	v3 =	vld [tilespmem:s30+$0xFFFFFFE0]  }
0x2ef: {  	[tilespmem:s2+$0xFFFFFFB0] =	vst v2;
	v7 =	vmul.f32 v8, v7;
	v2 =	vld [tilespmem:s2+$0xFFFFFFF0]  }
0x2f0: {  	v4 =	vld [tilespmem:s30+$0xFFFFFFF0]  }
0x2f1: {  	s2 =	sadd.s32 $0x400, s2;
	v5 =	vld [tilespmem:s28+$0xFFFFFF90];
	[tilespmem:s28+$0xFFFFFFC0] =	vst v7;
	v6 =	vmul.f32 v9, v6  }
0x2f2: {  	_ =	sdelay $0x1  }
0x2f3: {  	v1 =	vmul.f32 v3, v1  }
0x2f4: {  	[tilespmem:s28+$0xFFFFFFD0] =	vst v6;
	v2 =	vmul.f32 v4, v2  }
0x2f5: {  	[tilespmem:s28+$0xFFFFFFE0] =	vst v1;
	v0 =	vmul.f32 v0, v5  }
0x2f6: {  	[tilespmem:s28+$0xFFFFFFF0] =	vst v2  }
0x2f7: {  	[tilespmem:s28+$0xFFFFFF90] =	vst v0  }
0x2f8: {  	v1 =	vld [tilespmem:s26+$0x0]  }
0x2f9: {  	v2 =	vld [tilespmem:s29+$0x0]  }
0x2fa: {  	v0 =	vld [tilespmem:s29+$0xFFFFFF90]  }
0x2fb: {  	v3 =	vld [tilespmem:s26+$0xFFFFFFA0]  }
0x2fc: {  	v4 =	vld [tilespmem:s29+$0xFFFFFFA0]  }
0x2fd: {  	v5 =	vld [tilespmem:s26+$0xFFFFFFB0]  }
0x2fe: {  	v6 =	vld [tilespmem:s29+$0xFFFFFFB0]  }
0x2ff: {  	v7 =	vld [tilespmem:s26+$0xFFFFFFC0]  }
0x300: {  	v8 =	vld [tilespmem:s29+$0xFFFFFFC0]  }
0x301: {  	v9 =	vld [tilespmem:s26+$0xFFFFFFD0]  }
0x302: {  	v10 =	vld [tilespmem:s29+$0xFFFFFFD0];
	v2 =	vmul.f32 v2, v1  }
0x303: {  	v4 =	vmul.f32 v4, v3;
	v1 =	vld [tilespmem:s26+$0xFFFFFFE0]  }
0x304: {  	v5 =	vmul.f32 v6, v5;
	v3 =	vld [tilespmem:s29+$0xFFFFFFE0];
	[tilespmem:s26+$0x0] =	vst v2  }
0x305: {  	v6 =	vmul.f32 v8, v7;
	[tilespmem:s26+$0xFFFFFFA0] =	vst v4;
	v2 =	vld [tilespmem:s26+$0xFFFFFFF0]  }
0x306: {  	s31 =	simm.s32 $0x0;
	[tilespmem:s26+$0xFFFFFFB0] =	vst v5;
	v4 =	vld [tilespmem:s29+$0xFFFFFFF0]  }
0x307: {  	s30 =	simm.s32 $0xF270;
	s2 =	simm.s32 $0x35F0;
	s28 =	simm.s32 $0x3270;
	v5 =	vld [tilespmem:s26+$0xFFFFFF90];
	[tilespmem:s26+$0xFFFFFFC0] =	vst v6;
	v6 =	vmul.f32 v10, v9  }
.LBB2_41:
0x308: {  	v7 =	vld [tilespmem:s2+$0x0];
	s29 =	sadd.s32 $0x400, s29  }
0x309: {  	s31 =	sadd.s32 $0x80, s31;
	v8 =	vld [tilespmem:s29+$0x0];
	[tilespmem:s26+$0xFFFFFFD0] =	vst v6;
	v1 =	vmul.f32 v3, v1  }
0x30a: {  	p0 =	slt.u32 s31, $0x280;
	v3 =	vld [tilespmem:s29+$0xFFFFFF90]  }
0x30b: {  	v6 =	vld [tilespmem:s2+$0xFFFFFFA0];
	[tilespmem:s26+$0xFFFFFFE0] =	vst v1;
	v1 =	vmul.f32 v4, v2  }
0x30c: {  	v2 =	vld [tilespmem:s29+$0xFFFFFFA0];
	v9 =	vmul.f32 v0, v5  }
0x30d: {  	v4 =	vld [tilespmem:s2+$0xFFFFFFB0];
	[tilespmem:s26+$0xFFFFFFF0] =	vst v1  }
0x30e: {  	v1 =	vld [tilespmem:s29+$0xFFFFFFB0];
	v5 =	vmul.f32 v8, v7;
	[tilespmem:s26+$0xFFFFFF90] =	vst v9;
	s26 =	smov.u32 s2  }
0x30f: {  	v7 =	vld [tilespmem:s2+$0xFFFFFFC0];
	v0 =	vmov v3  }
0x310: {  	v8 =	vld [tilespmem:s29+$0xFFFFFFC0];
	[tilespmem:s2+$0x0] =	vst v5  }
0x311: {  	v2 =	vmul.f32 v2, v6;
	v6 =	vld [tilespmem:s2+$0xFFFFFFD0]  }
0x312: {  	v9 =	vld [tilespmem:s29+$0xFFFFFFD0]  }
.Ltmp21:
0x313: {  	[tilespmem:s2+$0xFFFFFFA0] =	vst v2;
	v2 =	vmul.f32 v1, v4;
	v1 =	vld [tilespmem:s2+$0xFFFFFFE0];
	(pc) =	sbr.rel @p0 .LBB2_41-.Ltmp21, $4  }
0x314: {  	v3 =	vld [tilespmem:s29+$0xFFFFFFE0]  }
0x315: {  	[tilespmem:s2+$0xFFFFFFB0] =	vst v2;
	v7 =	vmul.f32 v8, v7;
	v2 =	vld [tilespmem:s2+$0xFFFFFFF0]  }
0x316: {  	v4 =	vld [tilespmem:s29+$0xFFFFFFF0]  }
0x317: {  	s2 =	sadd.s32 $0x400, s2;
	v5 =	vld [tilespmem:s26+$0xFFFFFF90];
	[tilespmem:s26+$0xFFFFFFC0] =	vst v7;
	v6 =	vmul.f32 v9, v6  }
0x318: {  	_ =	sdelay $0x1  }
0x319: {  	v1 =	vmul.f32 v3, v1  }
0x31a: {  	[tilespmem:s26+$0xFFFFFFD0] =	vst v6;
	v2 =	vmul.f32 v4, v2  }
0x31b: {  	[tilespmem:s26+$0xFFFFFFE0] =	vst v1;
	v0 =	vmul.f32 v0, v5  }
0x31c: {  	[tilespmem:s26+$0xFFFFFFF0] =	vst v2  }
0x31d: {  	[tilespmem:s26+$0xFFFFFF90] =	vst v0  }
0x31e: {  	v1 =	vld [tilespmem:s28+$0x0]  }
0x31f: {  	v2 =	vld [tilespmem:s30+$0x0]  }
0x320: {  	v0 =	vld [tilespmem:s30+$0xFFFFFF90]  }
0x321: {  	v3 =	vld [tilespmem:s28+$0xFFFFFFA0]  }
0x322: {  	v4 =	vld [tilespmem:s30+$0xFFFFFFA0]  }
0x323: {  	v5 =	vld [tilespmem:s28+$0xFFFFFFB0]  }
0x324: {  	v6 =	vld [tilespmem:s30+$0xFFFFFFB0]  }
0x325: {  	v7 =	vld [tilespmem:s28+$0xFFFFFFC0]  }
0x326: {  	v8 =	vld [tilespmem:s30+$0xFFFFFFC0]  }
0x327: {  	v9 =	vld [tilespmem:s28+$0xFFFFFFD0]  }
0x328: {  	v10 =	vld [tilespmem:s30+$0xFFFFFFD0];
	v2 =	vmul.f32 v2, v1  }
0x329: {  	v4 =	vmul.f32 v4, v3;
	v1 =	vld [tilespmem:s28+$0xFFFFFFE0]  }
0x32a: {  	v5 =	vmul.f32 v6, v5;
	v3 =	vld [tilespmem:s30+$0xFFFFFFE0];
	[tilespmem:s28+$0x0] =	vst v2  }
0x32b: {  	v6 =	vmul.f32 v8, v7;
	[tilespmem:s28+$0xFFFFFFA0] =	vst v4;
	v2 =	vld [tilespmem:s28+$0xFFFFFFF0]  }
0x32c: {  	s31 =	simm.s32 $0x0;
	[tilespmem:s28+$0xFFFFFFB0] =	vst v5;
	v4 =	vld [tilespmem:s30+$0xFFFFFFF0]  }
0x32d: {  	s29 =	simm.s32 $0xF2F0;
	s2 =	simm.s32 $0x3670;
	s26 =	simm.s32 $0x32F0;
	v5 =	vld [tilespmem:s28+$0xFFFFFF90];
	[tilespmem:s28+$0xFFFFFFC0] =	vst v6;
	v6 =	vmul.f32 v10, v9  }
.LBB2_43:
0x32e: {  	v7 =	vld [tilespmem:s2+$0x0];
	s30 =	sadd.s32 $0x400, s30  }
0x32f: {  	s31 =	sadd.s32 $0x80, s31;
	v8 =	vld [tilespmem:s30+$0x0];
	[tilespmem:s28+$0xFFFFFFD0] =	vst v6;
	v1 =	vmul.f32 v3, v1  }
0x330: {  	p0 =	slt.u32 s31, $0x280;
	v3 =	vld [tilespmem:s30+$0xFFFFFF90]  }
0x331: {  	v6 =	vld [tilespmem:s2+$0xFFFFFFA0];
	[tilespmem:s28+$0xFFFFFFE0] =	vst v1;
	v1 =	vmul.f32 v4, v2  }
0x332: {  	v2 =	vld [tilespmem:s30+$0xFFFFFFA0];
	v9 =	vmul.f32 v0, v5  }
0x333: {  	v4 =	vld [tilespmem:s2+$0xFFFFFFB0];
	[tilespmem:s28+$0xFFFFFFF0] =	vst v1  }
0x334: {  	v1 =	vld [tilespmem:s30+$0xFFFFFFB0];
	v5 =	vmul.f32 v8, v7;
	[tilespmem:s28+$0xFFFFFF90] =	vst v9;
	s28 =	smov.u32 s2  }
0x335: {  	v7 =	vld [tilespmem:s2+$0xFFFFFFC0];
	v0 =	vmov v3  }
0x336: {  	v8 =	vld [tilespmem:s30+$0xFFFFFFC0];
	[tilespmem:s2+$0x0] =	vst v5  }
0x337: {  	v2 =	vmul.f32 v2, v6;
	v6 =	vld [tilespmem:s2+$0xFFFFFFD0]  }
0x338: {  	v9 =	vld [tilespmem:s30+$0xFFFFFFD0]  }
.Ltmp22:
0x339: {  	[tilespmem:s2+$0xFFFFFFA0] =	vst v2;
	v2 =	vmul.f32 v1, v4;
	v1 =	vld [tilespmem:s2+$0xFFFFFFE0];
	(pc) =	sbr.rel @p0 .LBB2_43-.Ltmp22, $4  }
0x33a: {  	v3 =	vld [tilespmem:s30+$0xFFFFFFE0]  }
0x33b: {  	[tilespmem:s2+$0xFFFFFFB0] =	vst v2;
	v7 =	vmul.f32 v8, v7;
	v2 =	vld [tilespmem:s2+$0xFFFFFFF0]  }
0x33c: {  	v4 =	vld [tilespmem:s30+$0xFFFFFFF0]  }
0x33d: {  	s2 =	sadd.s32 $0x400, s2;
	v5 =	vld [tilespmem:s28+$0xFFFFFF90];
	[tilespmem:s28+$0xFFFFFFC0] =	vst v7;
	v6 =	vmul.f32 v9, v6  }
0x33e: {  	_ =	sdelay $0x1  }
0x33f: {  	v1 =	vmul.f32 v3, v1  }
0x340: {  	[tilespmem:s28+$0xFFFFFFD0] =	vst v6;
	v2 =	vmul.f32 v4, v2  }
0x341: {  	[tilespmem:s28+$0xFFFFFFE0] =	vst v1;
	v0 =	vmul.f32 v0, v5  }
0x342: {  	[tilespmem:s28+$0xFFFFFFF0] =	vst v2  }
0x343: {  	[tilespmem:s28+$0xFFFFFF90] =	vst v0  }
0x344: {  	v1 =	vld [tilespmem:s26+$0x0]  }
0x345: {  	v2 =	vld [tilespmem:s29+$0x0]  }
0x346: {  	v0 =	vld [tilespmem:s29+$0xFFFFFF90]  }
0x347: {  	v3 =	vld [tilespmem:s26+$0xFFFFFFA0]  }
0x348: {  	v4 =	vld [tilespmem:s29+$0xFFFFFFA0]  }
0x349: {  	v5 =	vld [tilespmem:s26+$0xFFFFFFB0]  }
0x34a: {  	v6 =	vld [tilespmem:s29+$0xFFFFFFB0]  }
0x34b: {  	v7 =	vld [tilespmem:s26+$0xFFFFFFC0]  }
0x34c: {  	v8 =	vld [tilespmem:s29+$0xFFFFFFC0]  }
0x34d: {  	v9 =	vld [tilespmem:s26+$0xFFFFFFD0]  }
0x34e: {  	v10 =	vld [tilespmem:s29+$0xFFFFFFD0];
	v2 =	vmul.f32 v2, v1  }
0x34f: {  	v4 =	vmul.f32 v4, v3;
	v1 =	vld [tilespmem:s26+$0xFFFFFFE0]  }
0x350: {  	v5 =	vmul.f32 v6, v5;
	v3 =	vld [tilespmem:s29+$0xFFFFFFE0];
	[tilespmem:s26+$0x0] =	vst v2  }
0x351: {  	v6 =	vmul.f32 v8, v7;
	[tilespmem:s26+$0xFFFFFFA0] =	vst v4;
	v2 =	vld [tilespmem:s26+$0xFFFFFFF0]  }
0x352: {  	s31 =	simm.s32 $0x0;
	[tilespmem:s26+$0xFFFFFFB0] =	vst v5;
	v4 =	vld [tilespmem:s29+$0xFFFFFFF0]  }
0x353: {  	s30 =	simm.s32 $0xF370;
	s2 =	simm.s32 $0x36F0;
	s28 =	simm.s32 $0x3370;
	v5 =	vld [tilespmem:s26+$0xFFFFFF90];
	[tilespmem:s26+$0xFFFFFFC0] =	vst v6;
	v6 =	vmul.f32 v10, v9  }
.LBB2_45:
0x354: {  	v7 =	vld [tilespmem:s2+$0x0];
	s29 =	sadd.s32 $0x400, s29  }
0x355: {  	s31 =	sadd.s32 $0x80, s31;
	v8 =	vld [tilespmem:s29+$0x0];
	[tilespmem:s26+$0xFFFFFFD0] =	vst v6;
	v1 =	vmul.f32 v3, v1  }
0x356: {  	p0 =	slt.u32 s31, $0x280;
	v3 =	vld [tilespmem:s29+$0xFFFFFF90]  }
0x357: {  	v6 =	vld [tilespmem:s2+$0xFFFFFFA0];
	[tilespmem:s26+$0xFFFFFFE0] =	vst v1;
	v1 =	vmul.f32 v4, v2  }
0x358: {  	v2 =	vld [tilespmem:s29+$0xFFFFFFA0];
	v9 =	vmul.f32 v0, v5  }
0x359: {  	v4 =	vld [tilespmem:s2+$0xFFFFFFB0];
	[tilespmem:s26+$0xFFFFFFF0] =	vst v1  }
0x35a: {  	v1 =	vld [tilespmem:s29+$0xFFFFFFB0];
	v5 =	vmul.f32 v8, v7;
	[tilespmem:s26+$0xFFFFFF90] =	vst v9;
	s26 =	smov.u32 s2  }
0x35b: {  	v7 =	vld [tilespmem:s2+$0xFFFFFFC0];
	v0 =	vmov v3  }
0x35c: {  	v8 =	vld [tilespmem:s29+$0xFFFFFFC0];
	[tilespmem:s2+$0x0] =	vst v5  }
0x35d: {  	v2 =	vmul.f32 v2, v6;
	v6 =	vld [tilespmem:s2+$0xFFFFFFD0]  }
0x35e: {  	v9 =	vld [tilespmem:s29+$0xFFFFFFD0]  }
.Ltmp23:
0x35f: {  	[tilespmem:s2+$0xFFFFFFA0] =	vst v2;
	v2 =	vmul.f32 v1, v4;
	v1 =	vld [tilespmem:s2+$0xFFFFFFE0];
	(pc) =	sbr.rel @p0 .LBB2_45-.Ltmp23, $4  }
0x360: {  	v3 =	vld [tilespmem:s29+$0xFFFFFFE0]  }
0x361: {  	[tilespmem:s2+$0xFFFFFFB0] =	vst v2;
	v7 =	vmul.f32 v8, v7;
	v2 =	vld [tilespmem:s2+$0xFFFFFFF0]  }
0x362: {  	v4 =	vld [tilespmem:s29+$0xFFFFFFF0]  }
0x363: {  	s2 =	sadd.s32 $0x400, s2;
	v5 =	vld [tilespmem:s26+$0xFFFFFF90];
	[tilespmem:s26+$0xFFFFFFC0] =	vst v7;
	v6 =	vmul.f32 v9, v6  }
0x364: {  	_ =	sdelay $0x1  }
0x365: {  	v1 =	vmul.f32 v3, v1  }
0x366: {  	[tilespmem:s26+$0xFFFFFFD0] =	vst v6;
	v2 =	vmul.f32 v4, v2  }
0x367: {  	[tilespmem:s26+$0xFFFFFFE0] =	vst v1;
	v0 =	vmul.f32 v0, v5  }
0x368: {  	[tilespmem:s26+$0xFFFFFFF0] =	vst v2  }
0x369: {  	[tilespmem:s26+$0xFFFFFF90] =	vst v0  }
0x36a: {  	v1 =	vld [tilespmem:s28+$0x0]  }
0x36b: {  	v2 =	vld [tilespmem:s30+$0x0]  }
0x36c: {  	v0 =	vld [tilespmem:s30+$0xFFFFFF90]  }
0x36d: {  	v3 =	vld [tilespmem:s28+$0xFFFFFFA0]  }
0x36e: {  	v4 =	vld [tilespmem:s30+$0xFFFFFFA0]  }
0x36f: {  	v5 =	vld [tilespmem:s28+$0xFFFFFFB0]  }
0x370: {  	v6 =	vld [tilespmem:s30+$0xFFFFFFB0]  }
0x371: {  	v7 =	vld [tilespmem:s28+$0xFFFFFFC0]  }
0x372: {  	v8 =	vld [tilespmem:s30+$0xFFFFFFC0]  }
0x373: {  	v9 =	vld [tilespmem:s28+$0xFFFFFFD0]  }
0x374: {  	v10 =	vld [tilespmem:s30+$0xFFFFFFD0];
	v2 =	vmul.f32 v2, v1  }
0x375: {  	v4 =	vmul.f32 v4, v3;
	v1 =	vld [tilespmem:s28+$0xFFFFFFE0]  }
0x376: {  	v5 =	vmul.f32 v6, v5;
	v3 =	vld [tilespmem:s30+$0xFFFFFFE0];
	[tilespmem:s28+$0x0] =	vst v2  }
0x377: {  	v6 =	vmul.f32 v8, v7;
	[tilespmem:s28+$0xFFFFFFA0] =	vst v4;
	v2 =	vld [tilespmem:s28+$0xFFFFFFF0]  }
0x378: {  	s31 =	simm.s32 $0x0;
	[tilespmem:s28+$0xFFFFFFB0] =	vst v5;
	v4 =	vld [tilespmem:s30+$0xFFFFFFF0]  }
0x379: {  	s29 =	simm.s32 $0xF3F0;
	s2 =	simm.s32 $0x3770;
	s26 =	simm.s32 $0x33F0;
	v5 =	vld [tilespmem:s28+$0xFFFFFF90];
	[tilespmem:s28+$0xFFFFFFC0] =	vst v6;
	v6 =	vmul.f32 v10, v9  }
.LBB2_47:
0x37a: {  	v7 =	vld [tilespmem:s2+$0x0];
	s30 =	sadd.s32 $0x400, s30  }
0x37b: {  	s31 =	sadd.s32 $0x80, s31;
	v8 =	vld [tilespmem:s30+$0x0];
	[tilespmem:s28+$0xFFFFFFD0] =	vst v6;
	v1 =	vmul.f32 v3, v1  }
0x37c: {  	p0 =	slt.u32 s31, $0x280;
	v3 =	vld [tilespmem:s30+$0xFFFFFF90]  }
0x37d: {  	v6 =	vld [tilespmem:s2+$0xFFFFFFA0];
	[tilespmem:s28+$0xFFFFFFE0] =	vst v1;
	v1 =	vmul.f32 v4, v2  }
0x37e: {  	v2 =	vld [tilespmem:s30+$0xFFFFFFA0];
	v9 =	vmul.f32 v0, v5  }
0x37f: {  	v4 =	vld [tilespmem:s2+$0xFFFFFFB0];
	[tilespmem:s28+$0xFFFFFFF0] =	vst v1  }
0x380: {  	v1 =	vld [tilespmem:s30+$0xFFFFFFB0];
	v5 =	vmul.f32 v8, v7;
	[tilespmem:s28+$0xFFFFFF90] =	vst v9;
	s28 =	smov.u32 s2  }
0x381: {  	v7 =	vld [tilespmem:s2+$0xFFFFFFC0];
	v0 =	vmov v3  }
0x382: {  	v8 =	vld [tilespmem:s30+$0xFFFFFFC0];
	[tilespmem:s2+$0x0] =	vst v5  }
0x383: {  	v2 =	vmul.f32 v2, v6;
	v6 =	vld [tilespmem:s2+$0xFFFFFFD0]  }
0x384: {  	v9 =	vld [tilespmem:s30+$0xFFFFFFD0]  }
.Ltmp24:
0x385: {  	[tilespmem:s2+$0xFFFFFFA0] =	vst v2;
	v2 =	vmul.f32 v1, v4;
	v1 =	vld [tilespmem:s2+$0xFFFFFFE0];
	(pc) =	sbr.rel @p0 .LBB2_47-.Ltmp24, $4  }
0x386: {  	v3 =	vld [tilespmem:s30+$0xFFFFFFE0]  }
0x387: {  	[tilespmem:s2+$0xFFFFFFB0] =	vst v2;
	v7 =	vmul.f32 v8, v7;
	v2 =	vld [tilespmem:s2+$0xFFFFFFF0]  }
0x388: {  	v4 =	vld [tilespmem:s30+$0xFFFFFFF0]  }
0x389: {  	s2 =	sadd.s32 $0x400, s2;
	v5 =	vld [tilespmem:s28+$0xFFFFFF90];
	[tilespmem:s28+$0xFFFFFFC0] =	vst v7;
	v6 =	vmul.f32 v9, v6  }
0x38a: {  	_ =	sdelay $0x1  }
0x38b: {  	v1 =	vmul.f32 v3, v1  }
0x38c: {  	[tilespmem:s28+$0xFFFFFFD0] =	vst v6;
	v2 =	vmul.f32 v4, v2  }
0x38d: {  	[tilespmem:s28+$0xFFFFFFE0] =	vst v1;
	v0 =	vmul.f32 v0, v5  }
0x38e: {  	[tilespmem:s28+$0xFFFFFFF0] =	vst v2  }
0x38f: {  	[tilespmem:s28+$0xFFFFFF90] =	vst v0  }
0x390: {  	v1 =	vld [tilespmem:s26+$0x0]  }
0x391: {  	v2 =	vld [tilespmem:s29+$0x0]  }
0x392: {  	v0 =	vld [tilespmem:s29+$0xFFFFFF90]  }
0x393: {  	v3 =	vld [tilespmem:s26+$0xFFFFFFA0]  }
0x394: {  	v4 =	vld [tilespmem:s29+$0xFFFFFFA0]  }
0x395: {  	v5 =	vld [tilespmem:s26+$0xFFFFFFB0]  }
0x396: {  	v6 =	vld [tilespmem:s29+$0xFFFFFFB0]  }
0x397: {  	v7 =	vld [tilespmem:s26+$0xFFFFFFC0]  }
0x398: {  	v8 =	vld [tilespmem:s29+$0xFFFFFFC0]  }
0x399: {  	v9 =	vld [tilespmem:s26+$0xFFFFFFD0]  }
0x39a: {  	v10 =	vld [tilespmem:s29+$0xFFFFFFD0];
	v2 =	vmul.f32 v2, v1  }
0x39b: {  	v4 =	vmul.f32 v4, v3;
	v1 =	vld [tilespmem:s26+$0xFFFFFFE0]  }
0x39c: {  	v5 =	vmul.f32 v6, v5;
	v3 =	vld [tilespmem:s29+$0xFFFFFFE0];
	[tilespmem:s26+$0x0] =	vst v2  }
0x39d: {  	v6 =	vmul.f32 v8, v7;
	[tilespmem:s26+$0xFFFFFFA0] =	vst v4;
	v2 =	vld [tilespmem:s26+$0xFFFFFFF0]  }
0x39e: {  	[tilespmem:s26+$0xFFFFFFB0] =	vst v5;
	v5 =	vld [tilespmem:s29+$0xFFFFFFF0]  }
0x39f: {  	s2 =	simm.s32 $0x37F0;
	s28 =	simm.s32 $0x0;
	v4 =	vld [tilespmem:s26+$0xFFFFFF90];
	[tilespmem:s26+$0xFFFFFFC0] =	vst v6;
	v6 =	vmul.f32 v10, v9  }
.LBB2_49:
0x3a0: {  	v7 =	vld [tilespmem:s2+$0x0];
	s29 =	sadd.s32 $0x400, s29  }
0x3a1: {  	s28 =	sadd.s32 $0x80, s28;
	v8 =	vld [tilespmem:s29+$0x0];
	[tilespmem:s26+$0xFFFFFFD0] =	vst v6;
	v1 =	vmul.f32 v3, v1  }
0x3a2: {  	p0 =	slt.u32 s28, $0x280;
	v3 =	vld [tilespmem:s29+$0xFFFFFF90]  }
0x3a3: {  	v6 =	vld [tilespmem:s2+$0xFFFFFFA0];
	[tilespmem:s26+$0xFFFFFFE0] =	vst v1;
	v1 =	vmul.f32 v5, v2  }
0x3a4: {  	v2 =	vld [tilespmem:s29+$0xFFFFFFA0];
	v9 =	vmul.f32 v0, v4  }
0x3a5: {  	v4 =	vld [tilespmem:s2+$0xFFFFFFB0];
	[tilespmem:s26+$0xFFFFFFF0] =	vst v1  }
0x3a6: {  	v1 =	vld [tilespmem:s29+$0xFFFFFFB0];
	v5 =	vmul.f32 v8, v7;
	[tilespmem:s26+$0xFFFFFF90] =	vst v9;
	s26 =	smov.u32 s2  }
0x3a7: {  	v7 =	vld [tilespmem:s2+$0xFFFFFFC0];
	v0 =	vmov v3  }
0x3a8: {  	v8 =	vld [tilespmem:s29+$0xFFFFFFC0];
	[tilespmem:s2+$0x0] =	vst v5  }
0x3a9: {  	v2 =	vmul.f32 v2, v6;
	v6 =	vld [tilespmem:s2+$0xFFFFFFD0]  }
0x3aa: {  	v9 =	vld [tilespmem:s29+$0xFFFFFFD0]  }
.Ltmp25:
0x3ab: {  	[tilespmem:s2+$0xFFFFFFA0] =	vst v2;
	v2 =	vmul.f32 v1, v4;
	v1 =	vld [tilespmem:s2+$0xFFFFFFE0];
	(pc) =	sbr.rel @p0 .LBB2_49-.Ltmp25, $4  }
0x3ac: {  	v3 =	vld [tilespmem:s29+$0xFFFFFFE0]  }
0x3ad: {  	[tilespmem:s2+$0xFFFFFFB0] =	vst v2;
	v7 =	vmul.f32 v8, v7;
	v2 =	vld [tilespmem:s2+$0xFFFFFFF0]  }
0x3ae: {  	v5 =	vld [tilespmem:s29+$0xFFFFFFF0]  }
0x3af: {  	s2 =	sadd.s32 $0x400, s2;
	v4 =	vld [tilespmem:s26+$0xFFFFFF90];
	[tilespmem:s26+$0xFFFFFFC0] =	vst v7;
	v6 =	vmul.f32 v9, v6  }
0x3b0: {  	_ =	sdelay $0x1  }
0x3b1: {  	v1 =	vmul.f32 v3, v1  }
0x3b2: {  	[tilespmem:s26+$0xFFFFFFD0] =	vst v6;
	v2 =	vmul.f32 v5, v2  }
0x3b3: {  	[tilespmem:s26+$0xFFFFFFE0] =	vst v1;
	v0 =	vmul.f32 v0, v4  }
0x3b4: {  	[tilespmem:s26+$0xFFFFFFF0] =	vst v2  }
0x3b5: {  	[tilespmem:s26+$0xFFFFFF90] =	vst v0;
	s26 =	simm.s32 $0x0  }
0x3b6: {  	v0 =	vld [tilespmem:s26+$0x4870]  }
0x3b7: {  	v1 =	vld [tilespmem:s26+$0x10870]  }
0x3b8: {  	v2 =	vld [tilespmem:s26+$0x4800]  }
0x3b9: {  	v3 =	vld [tilespmem:s26+$0x10800]  }
0x3ba: {  	v4 =	vld [tilespmem:s26+$0x4810]  }
0x3bb: {  	v5 =	vld [tilespmem:s26+$0x10810]  }
0x3bc: {  	v6 =	vld [tilespmem:s26+$0x4820]  }
0x3bd: {  	v7 =	vld [tilespmem:s26+$0x10820]  }
0x3be: {  	v8 =	vld [tilespmem:s26+$0x4830]  }
0x3bf: {  	v9 =	vld [tilespmem:s26+$0x10830];
	v1 =	vmul.f32 v1, v0  }
0x3c0: {  	v3 =	vmul.f32 v3, v2;
	v0 =	vld [tilespmem:s26+$0x4840]  }
0x3c1: {  	v4 =	vmul.f32 v5, v4;
	v2 =	vld [tilespmem:s26+$0x10840];
	[tilespmem:s26+$0x4870] =	vst v1  }
0x3c2: {  	v5 =	vmul.f32 v7, v6;
	[tilespmem:s26+$0x4800] =	vst v3;
	v1 =	vld [tilespmem:s26+$0x4850]  }
0x3c3: {  	[tilespmem:s26+$0x4810] =	vst v4;
	v3 =	vld [tilespmem:s26+$0x10850]  }
0x3c4: {  	s29 =	simm.s32 $0x0;
	s2 =	simm.s32 $0x1000;
	s28 =	simm.s32 $0x0;
	[tilespmem:s26+$0x4820] =	vst v5;
	v5 =	vmul.f32 v9, v8;
	v4 =	vld [tilespmem:s26+$0x4860]  }
.LBB2_51:
0x3c5: {  	s30 =	sshra.s32 s2, $0x2;
	v6 =	vld [tilespmem:s28+$0x10860]  }
0x3c6: {  	s29 =	sadd.s32 $0x80, s29;
	v7 =	vld [tilespmem:s30+$0x4870];
	[tilespmem:s28+$0x4830] =	vst v5;
	v0 =	vmul.f32 v2, v0  }
0x3c7: {  	p0 =	slt.u32 s29, $0x280;
	v2 =	vld [tilespmem:s30+$0x10870]  }
0x3c8: {  	v5 =	vld [tilespmem:s30+$0x4800];
	[tilespmem:s28+$0x4840] =	vst v0;
	v0 =	vmul.f32 v3, v1  }
0x3c9: {  	v1 =	vld [tilespmem:s30+$0x10800]  }
0x3ca: {  	v3 =	vld [tilespmem:s30+$0x4810];
	[tilespmem:s28+$0x4850] =	vst v0;
	v0 =	vmul.f32 v6, v4  }
0x3cb: {  	v4 =	vld [tilespmem:s30+$0x10810]  }
0x3cc: {  	v6 =	vld [tilespmem:s30+$0x4820];
	v2 =	vmul.f32 v2, v7;
	[tilespmem:s28+$0x4860] =	vst v0;
	s28 =	smov.u32 s30  }
0x3cd: {  	v7 =	vld [tilespmem:s28+$0x10820]  }
0x3ce: {  	v0 =	vmul.f32 v1, v5;
	v5 =	vld [tilespmem:s28+$0x4830];
	[tilespmem:s28+$0x4870] =	vst v2  }
0x3cf: {  	v8 =	vld [tilespmem:s28+$0x10830]  }
.Ltmp26:
0x3d0: {  	[tilespmem:s28+$0x4800] =	vst v0;
	v1 =	vmul.f32 v4, v3;
	v0 =	vld [tilespmem:s28+$0x4840];
	(pc) =	sbr.rel @p0 .LBB2_51-.Ltmp26, $4  }
0x3d1: {  	v2 =	vld [tilespmem:s28+$0x10840]  }
0x3d2: {  	[tilespmem:s28+$0x4810] =	vst v1;
	v4 =	vmul.f32 v7, v6;
	v1 =	vld [tilespmem:s28+$0x4850]  }
0x3d3: {  	v3 =	vld [tilespmem:s28+$0x10850]  }
0x3d4: {  	s2 =	sadd.s32 $0x1000, s2;
	[tilespmem:s28+$0x4820] =	vst v4;
	v5 =	vmul.f32 v8, v5;
	v4 =	vld [tilespmem:s28+$0x4860]  }
0x3d5: {  	v6 =	vld [tilespmem:s28+$0x10860];
	_ =	sdelay $0x2  }
0x3d6: {  	v0 =	vmul.f32 v2, v0  }
0x3d7: {  	[tilespmem:s28+$0x4830] =	vst v5;
	v1 =	vmul.f32 v3, v1  }
0x3d8: {  	[tilespmem:s28+$0x4840] =	vst v0;
	v0 =	vmul.f32 v6, v4  }
0x3d9: {  	[tilespmem:s28+$0x4850] =	vst v1  }
0x3da: {  	[tilespmem:s28+$0x4860] =	vst v0  }
0x3db: {  	v0 =	vld [tilespmem:s26+$0x48F0]  }
0x3dc: {  	v1 =	vld [tilespmem:s26+$0x108F0]  }
0x3dd: {  	v2 =	vld [tilespmem:s26+$0x4880]  }
0x3de: {  	v3 =	vld [tilespmem:s26+$0x10880]  }
0x3df: {  	v4 =	vld [tilespmem:s26+$0x4890]  }
0x3e0: {  	v5 =	vld [tilespmem:s26+$0x10890]  }
0x3e1: {  	v6 =	vld [tilespmem:s26+$0x48A0]  }
0x3e2: {  	v7 =	vld [tilespmem:s26+$0x108A0]  }
0x3e3: {  	v8 =	vld [tilespmem:s26+$0x48B0]  }
0x3e4: {  	v9 =	vld [tilespmem:s26+$0x108B0];
	v1 =	vmul.f32 v1, v0  }
0x3e5: {  	v3 =	vmul.f32 v3, v2;
	v0 =	vld [tilespmem:s26+$0x48C0]  }
0x3e6: {  	v4 =	vmul.f32 v5, v4;
	v2 =	vld [tilespmem:s26+$0x108C0];
	[tilespmem:s26+$0x48F0] =	vst v1  }
0x3e7: {  	v5 =	vmul.f32 v7, v6;
	[tilespmem:s26+$0x4880] =	vst v3;
	v1 =	vld [tilespmem:s26+$0x48D0]  }
0x3e8: {  	[tilespmem:s26+$0x4890] =	vst v4;
	v3 =	vld [tilespmem:s26+$0x108D0]  }
0x3e9: {  	s2 =	simm.s32 $0x1000;
	s28 =	simm.s32 $0x0;
	[tilespmem:s26+$0x48A0] =	vst v5;
	v5 =	vmul.f32 v9, v8;
	v4 =	vld [tilespmem:s26+$0x48E0]  }
.LBB2_53:
0x3ea: {  	s29 =	sshra.s32 s2, $0x2;
	v6 =	vld [tilespmem:s26+$0x108E0]  }
0x3eb: {  	s28 =	sadd.s32 $0x80, s28;
	v7 =	vld [tilespmem:s29+$0x48F0];
	[tilespmem:s26+$0x48B0] =	vst v5;
	v0 =	vmul.f32 v2, v0  }
0x3ec: {  	p0 =	slt.u32 s28, $0x280;
	v2 =	vld [tilespmem:s29+$0x108F0]  }
0x3ed: {  	v5 =	vld [tilespmem:s29+$0x4880];
	[tilespmem:s26+$0x48C0] =	vst v0;
	v0 =	vmul.f32 v3, v1  }
0x3ee: {  	v1 =	vld [tilespmem:s29+$0x10880]  }
0x3ef: {  	v3 =	vld [tilespmem:s29+$0x4890];
	[tilespmem:s26+$0x48D0] =	vst v0;
	v0 =	vmul.f32 v6, v4  }
0x3f0: {  	v4 =	vld [tilespmem:s29+$0x10890]  }
0x3f1: {  	v6 =	vld [tilespmem:s29+$0x48A0];
	v2 =	vmul.f32 v2, v7;
	[tilespmem:s26+$0x48E0] =	vst v0;
	s26 =	smov.u32 s29  }
0x3f2: {  	v7 =	vld [tilespmem:s26+$0x108A0]  }
0x3f3: {  	v0 =	vmul.f32 v1, v5;
	v5 =	vld [tilespmem:s26+$0x48B0];
	[tilespmem:s26+$0x48F0] =	vst v2  }
0x3f4: {  	v8 =	vld [tilespmem:s26+$0x108B0]  }
.Ltmp27:
0x3f5: {  	[tilespmem:s26+$0x4880] =	vst v0;
	v1 =	vmul.f32 v4, v3;
	v0 =	vld [tilespmem:s26+$0x48C0];
	(pc) =	sbr.rel @p0 .LBB2_53-.Ltmp27, $4  }
0x3f6: {  	v2 =	vld [tilespmem:s26+$0x108C0]  }
0x3f7: {  	[tilespmem:s26+$0x4890] =	vst v1;
	v4 =	vmul.f32 v7, v6;
	v1 =	vld [tilespmem:s26+$0x48D0]  }
0x3f8: {  	v3 =	vld [tilespmem:s26+$0x108D0]  }
0x3f9: {  	s2 =	sadd.s32 $0x1000, s2;
	[tilespmem:s26+$0x48A0] =	vst v4;
	v5 =	vmul.f32 v8, v5;
	v4 =	vld [tilespmem:s26+$0x48E0]  }
0x3fa: {  	v6 =	vld [tilespmem:s26+$0x108E0];
	_ =	sdelay $0x2  }
0x3fb: {  	v0 =	vmul.f32 v2, v0  }
0x3fc: {  	[tilespmem:s26+$0x48B0] =	vst v5;
	v1 =	vmul.f32 v3, v1  }
0x3fd: {  	[tilespmem:s26+$0x48C0] =	vst v0;
	v0 =	vmul.f32 v6, v4  }
0x3fe: {  	[tilespmem:s26+$0x48D0] =	vst v1  }
0x3ff: {  	[tilespmem:s26+$0x48E0] =	vst v0;
	s26 =	simm.s32 $0x0  }
0x400: {  	v0 =	vld [tilespmem:s26+$0x4970]  }
0x401: {  	v1 =	vld [tilespmem:s26+$0x10970]  }
0x402: {  	v2 =	vld [tilespmem:s26+$0x4900]  }
0x403: {  	v3 =	vld [tilespmem:s26+$0x10900]  }
0x404: {  	v4 =	vld [tilespmem:s26+$0x4910]  }
0x405: {  	v5 =	vld [tilespmem:s26+$0x10910]  }
0x406: {  	v6 =	vld [tilespmem:s26+$0x4920]  }
0x407: {  	v7 =	vld [tilespmem:s26+$0x10920]  }
0x408: {  	v8 =	vld [tilespmem:s26+$0x4930]  }
0x409: {  	v9 =	vld [tilespmem:s26+$0x10930];
	v1 =	vmul.f32 v1, v0  }
0x40a: {  	v3 =	vmul.f32 v3, v2;
	v0 =	vld [tilespmem:s26+$0x4940]  }
0x40b: {  	v4 =	vmul.f32 v5, v4;
	v2 =	vld [tilespmem:s26+$0x10940];
	[tilespmem:s26+$0x4970] =	vst v1  }
0x40c: {  	v5 =	vmul.f32 v7, v6;
	[tilespmem:s26+$0x4900] =	vst v3;
	v1 =	vld [tilespmem:s26+$0x4950]  }
0x40d: {  	[tilespmem:s26+$0x4910] =	vst v4;
	v3 =	vld [tilespmem:s26+$0x10950]  }
0x40e: {  	s29 =	simm.s32 $0x0;
	s2 =	simm.s32 $0x1000;
	s28 =	simm.s32 $0x0;
	[tilespmem:s26+$0x4920] =	vst v5;
	v5 =	vmul.f32 v9, v8;
	v4 =	vld [tilespmem:s26+$0x4960]  }
.LBB2_55:
0x40f: {  	s30 =	sshra.s32 s2, $0x2;
	v6 =	vld [tilespmem:s28+$0x10960]  }
0x410: {  	s29 =	sadd.s32 $0x80, s29;
	v7 =	vld [tilespmem:s30+$0x4970];
	[tilespmem:s28+$0x4930] =	vst v5;
	v0 =	vmul.f32 v2, v0  }
0x411: {  	p0 =	slt.u32 s29, $0x280;
	v2 =	vld [tilespmem:s30+$0x10970]  }
0x412: {  	v5 =	vld [tilespmem:s30+$0x4900];
	[tilespmem:s28+$0x4940] =	vst v0;
	v0 =	vmul.f32 v3, v1  }
0x413: {  	v1 =	vld [tilespmem:s30+$0x10900]  }
0x414: {  	v3 =	vld [tilespmem:s30+$0x4910];
	[tilespmem:s28+$0x4950] =	vst v0;
	v0 =	vmul.f32 v6, v4  }
0x415: {  	v4 =	vld [tilespmem:s30+$0x10910]  }
0x416: {  	v6 =	vld [tilespmem:s30+$0x4920];
	v2 =	vmul.f32 v2, v7;
	[tilespmem:s28+$0x4960] =	vst v0;
	s28 =	smov.u32 s30  }
0x417: {  	v7 =	vld [tilespmem:s28+$0x10920]  }
0x418: {  	v0 =	vmul.f32 v1, v5;
	v5 =	vld [tilespmem:s28+$0x4930];
	[tilespmem:s28+$0x4970] =	vst v2  }
0x419: {  	v8 =	vld [tilespmem:s28+$0x10930]  }
.Ltmp28:
0x41a: {  	[tilespmem:s28+$0x4900] =	vst v0;
	v1 =	vmul.f32 v4, v3;
	v0 =	vld [tilespmem:s28+$0x4940];
	(pc) =	sbr.rel @p0 .LBB2_55-.Ltmp28, $4  }
0x41b: {  	v2 =	vld [tilespmem:s28+$0x10940]  }
0x41c: {  	[tilespmem:s28+$0x4910] =	vst v1;
	v4 =	vmul.f32 v7, v6;
	v1 =	vld [tilespmem:s28+$0x4950]  }
0x41d: {  	v3 =	vld [tilespmem:s28+$0x10950]  }
0x41e: {  	s2 =	sadd.s32 $0x1000, s2;
	[tilespmem:s28+$0x4920] =	vst v4;
	v5 =	vmul.f32 v8, v5;
	v4 =	vld [tilespmem:s28+$0x4960]  }
0x41f: {  	v6 =	vld [tilespmem:s28+$0x10960];
	_ =	sdelay $0x2  }
0x420: {  	v0 =	vmul.f32 v2, v0  }
0x421: {  	[tilespmem:s28+$0x4930] =	vst v5;
	v1 =	vmul.f32 v3, v1  }
0x422: {  	[tilespmem:s28+$0x4940] =	vst v0;
	v0 =	vmul.f32 v6, v4  }
0x423: {  	[tilespmem:s28+$0x4950] =	vst v1  }
0x424: {  	[tilespmem:s28+$0x4960] =	vst v0  }
0x425: {  	v0 =	vld [tilespmem:s26+$0x49F0]  }
0x426: {  	v1 =	vld [tilespmem:s26+$0x109F0]  }
0x427: {  	v2 =	vld [tilespmem:s26+$0x4980]  }
0x428: {  	v3 =	vld [tilespmem:s26+$0x10980]  }
0x429: {  	v4 =	vld [tilespmem:s26+$0x4990]  }
0x42a: {  	v5 =	vld [tilespmem:s26+$0x10990]  }
0x42b: {  	v6 =	vld [tilespmem:s26+$0x49A0]  }
0x42c: {  	v7 =	vld [tilespmem:s26+$0x109A0]  }
0x42d: {  	v8 =	vld [tilespmem:s26+$0x49B0]  }
0x42e: {  	v9 =	vld [tilespmem:s26+$0x109B0];
	v1 =	vmul.f32 v1, v0  }
0x42f: {  	v3 =	vmul.f32 v3, v2;
	v0 =	vld [tilespmem:s26+$0x49C0]  }
0x430: {  	v4 =	vmul.f32 v5, v4;
	v2 =	vld [tilespmem:s26+$0x109C0];
	[tilespmem:s26+$0x49F0] =	vst v1  }
0x431: {  	v5 =	vmul.f32 v7, v6;
	[tilespmem:s26+$0x4980] =	vst v3;
	v1 =	vld [tilespmem:s26+$0x49D0]  }
0x432: {  	[tilespmem:s26+$0x4990] =	vst v4;
	v3 =	vld [tilespmem:s26+$0x109D0]  }
0x433: {  	s2 =	simm.s32 $0x1000;
	s28 =	simm.s32 $0x0;
	[tilespmem:s26+$0x49A0] =	vst v5;
	v5 =	vmul.f32 v9, v8;
	v4 =	vld [tilespmem:s26+$0x49E0]  }
.LBB2_57:
0x434: {  	s29 =	sshra.s32 s2, $0x2;
	v6 =	vld [tilespmem:s26+$0x109E0]  }
0x435: {  	s28 =	sadd.s32 $0x80, s28;
	v7 =	vld [tilespmem:s29+$0x49F0];
	[tilespmem:s26+$0x49B0] =	vst v5;
	v0 =	vmul.f32 v2, v0  }
0x436: {  	p0 =	slt.u32 s28, $0x280;
	v2 =	vld [tilespmem:s29+$0x109F0]  }
0x437: {  	v5 =	vld [tilespmem:s29+$0x4980];
	[tilespmem:s26+$0x49C0] =	vst v0;
	v0 =	vmul.f32 v3, v1  }
0x438: {  	v1 =	vld [tilespmem:s29+$0x10980]  }
0x439: {  	v3 =	vld [tilespmem:s29+$0x4990];
	[tilespmem:s26+$0x49D0] =	vst v0;
	v0 =	vmul.f32 v6, v4  }
0x43a: {  	v4 =	vld [tilespmem:s29+$0x10990]  }
0x43b: {  	v6 =	vld [tilespmem:s29+$0x49A0];
	v2 =	vmul.f32 v2, v7;
	[tilespmem:s26+$0x49E0] =	vst v0;
	s26 =	smov.u32 s29  }
0x43c: {  	v7 =	vld [tilespmem:s26+$0x109A0]  }
0x43d: {  	v0 =	vmul.f32 v1, v5;
	v5 =	vld [tilespmem:s26+$0x49B0];
	[tilespmem:s26+$0x49F0] =	vst v2  }
0x43e: {  	v8 =	vld [tilespmem:s26+$0x109B0]  }
.Ltmp29:
0x43f: {  	[tilespmem:s26+$0x4980] =	vst v0;
	v1 =	vmul.f32 v4, v3;
	v0 =	vld [tilespmem:s26+$0x49C0];
	(pc) =	sbr.rel @p0 .LBB2_57-.Ltmp29, $4  }
0x440: {  	v2 =	vld [tilespmem:s26+$0x109C0]  }
0x441: {  	[tilespmem:s26+$0x4990] =	vst v1;
	v4 =	vmul.f32 v7, v6;
	v1 =	vld [tilespmem:s26+$0x49D0]  }
0x442: {  	v3 =	vld [tilespmem:s26+$0x109D0]  }
0x443: {  	s2 =	sadd.s32 $0x1000, s2;
	[tilespmem:s26+$0x49A0] =	vst v4;
	v5 =	vmul.f32 v8, v5;
	v4 =	vld [tilespmem:s26+$0x49E0]  }
0x444: {  	v6 =	vld [tilespmem:s26+$0x109E0];
	_ =	sdelay $0x2  }
0x445: {  	v0 =	vmul.f32 v2, v0  }
0x446: {  	[tilespmem:s26+$0x49B0] =	vst v5;
	v1 =	vmul.f32 v3, v1  }
0x447: {  	[tilespmem:s26+$0x49C0] =	vst v0;
	v0 =	vmul.f32 v6, v4  }
0x448: {  	[tilespmem:s26+$0x49D0] =	vst v1  }
0x449: {  	[tilespmem:s26+$0x49E0] =	vst v0;
	s26 =	simm.s32 $0x0  }
0x44a: {  	v0 =	vld [tilespmem:s26+$0x4A70]  }
0x44b: {  	v1 =	vld [tilespmem:s26+$0x10A70]  }
0x44c: {  	v2 =	vld [tilespmem:s26+$0x4A00]  }
0x44d: {  	v3 =	vld [tilespmem:s26+$0x10A00]  }
0x44e: {  	v4 =	vld [tilespmem:s26+$0x4A10]  }
0x44f: {  	v5 =	vld [tilespmem:s26+$0x10A10]  }
0x450: {  	v6 =	vld [tilespmem:s26+$0x4A20]  }
0x451: {  	v7 =	vld [tilespmem:s26+$0x10A20]  }
0x452: {  	v8 =	vld [tilespmem:s26+$0x4A30]  }
0x453: {  	v9 =	vld [tilespmem:s26+$0x10A30];
	v1 =	vmul.f32 v1, v0  }
0x454: {  	v3 =	vmul.f32 v3, v2;
	v0 =	vld [tilespmem:s26+$0x4A40]  }
0x455: {  	v4 =	vmul.f32 v5, v4;
	v2 =	vld [tilespmem:s26+$0x10A40];
	[tilespmem:s26+$0x4A70] =	vst v1  }
0x456: {  	v5 =	vmul.f32 v7, v6;
	[tilespmem:s26+$0x4A00] =	vst v3;
	v1 =	vld [tilespmem:s26+$0x4A50]  }
0x457: {  	[tilespmem:s26+$0x4A10] =	vst v4;
	v3 =	vld [tilespmem:s26+$0x10A50]  }
0x458: {  	s29 =	simm.s32 $0x0;
	s2 =	simm.s32 $0x1000;
	s28 =	simm.s32 $0x0;
	[tilespmem:s26+$0x4A20] =	vst v5;
	v5 =	vmul.f32 v9, v8;
	v4 =	vld [tilespmem:s26+$0x4A60]  }
.LBB2_59:
0x459: {  	s30 =	sshra.s32 s2, $0x2;
	v6 =	vld [tilespmem:s28+$0x10A60]  }
0x45a: {  	s29 =	sadd.s32 $0x80, s29;
	v7 =	vld [tilespmem:s30+$0x4A70];
	[tilespmem:s28+$0x4A30] =	vst v5;
	v0 =	vmul.f32 v2, v0  }
0x45b: {  	p0 =	slt.u32 s29, $0x280;
	v2 =	vld [tilespmem:s30+$0x10A70]  }
0x45c: {  	v5 =	vld [tilespmem:s30+$0x4A00];
	[tilespmem:s28+$0x4A40] =	vst v0;
	v0 =	vmul.f32 v3, v1  }
0x45d: {  	v1 =	vld [tilespmem:s30+$0x10A00]  }
0x45e: {  	v3 =	vld [tilespmem:s30+$0x4A10];
	[tilespmem:s28+$0x4A50] =	vst v0;
	v0 =	vmul.f32 v6, v4  }
0x45f: {  	v4 =	vld [tilespmem:s30+$0x10A10]  }
0x460: {  	v6 =	vld [tilespmem:s30+$0x4A20];
	v2 =	vmul.f32 v2, v7;
	[tilespmem:s28+$0x4A60] =	vst v0;
	s28 =	smov.u32 s30  }
0x461: {  	v7 =	vld [tilespmem:s28+$0x10A20]  }
0x462: {  	v0 =	vmul.f32 v1, v5;
	v5 =	vld [tilespmem:s28+$0x4A30];
	[tilespmem:s28+$0x4A70] =	vst v2  }
0x463: {  	v8 =	vld [tilespmem:s28+$0x10A30]  }
.Ltmp30:
0x464: {  	[tilespmem:s28+$0x4A00] =	vst v0;
	v1 =	vmul.f32 v4, v3;
	v0 =	vld [tilespmem:s28+$0x4A40];
	(pc) =	sbr.rel @p0 .LBB2_59-.Ltmp30, $4  }
0x465: {  	v2 =	vld [tilespmem:s28+$0x10A40]  }
0x466: {  	[tilespmem:s28+$0x4A10] =	vst v1;
	v4 =	vmul.f32 v7, v6;
	v1 =	vld [tilespmem:s28+$0x4A50]  }
0x467: {  	v3 =	vld [tilespmem:s28+$0x10A50]  }
0x468: {  	s2 =	sadd.s32 $0x1000, s2;
	[tilespmem:s28+$0x4A20] =	vst v4;
	v5 =	vmul.f32 v8, v5;
	v4 =	vld [tilespmem:s28+$0x4A60]  }
0x469: {  	v6 =	vld [tilespmem:s28+$0x10A60];
	_ =	sdelay $0x2  }
0x46a: {  	v0 =	vmul.f32 v2, v0  }
0x46b: {  	[tilespmem:s28+$0x4A30] =	vst v5;
	v1 =	vmul.f32 v3, v1  }
0x46c: {  	[tilespmem:s28+$0x4A40] =	vst v0;
	v0 =	vmul.f32 v6, v4  }
0x46d: {  	[tilespmem:s28+$0x4A50] =	vst v1  }
0x46e: {  	[tilespmem:s28+$0x4A60] =	vst v0  }
0x46f: {  	v0 =	vld [tilespmem:s26+$0x4AF0]  }
0x470: {  	v1 =	vld [tilespmem:s26+$0x10AF0]  }
0x471: {  	v2 =	vld [tilespmem:s26+$0x4A80]  }
0x472: {  	v3 =	vld [tilespmem:s26+$0x10A80]  }
0x473: {  	v4 =	vld [tilespmem:s26+$0x4A90]  }
0x474: {  	v5 =	vld [tilespmem:s26+$0x10A90]  }
0x475: {  	v6 =	vld [tilespmem:s26+$0x4AA0]  }
0x476: {  	v7 =	vld [tilespmem:s26+$0x10AA0]  }
0x477: {  	v8 =	vld [tilespmem:s26+$0x4AB0]  }
0x478: {  	v9 =	vld [tilespmem:s26+$0x10AB0];
	v1 =	vmul.f32 v1, v0  }
0x479: {  	v3 =	vmul.f32 v3, v2;
	v0 =	vld [tilespmem:s26+$0x4AC0]  }
0x47a: {  	v4 =	vmul.f32 v5, v4;
	v2 =	vld [tilespmem:s26+$0x10AC0];
	[tilespmem:s26+$0x4AF0] =	vst v1  }
0x47b: {  	v5 =	vmul.f32 v7, v6;
	[tilespmem:s26+$0x4A80] =	vst v3;
	v1 =	vld [tilespmem:s26+$0x4AD0]  }
0x47c: {  	[tilespmem:s26+$0x4A90] =	vst v4;
	v3 =	vld [tilespmem:s26+$0x10AD0]  }
0x47d: {  	s2 =	simm.s32 $0x1000;
	s28 =	simm.s32 $0x0;
	[tilespmem:s26+$0x4AA0] =	vst v5;
	v5 =	vmul.f32 v9, v8;
	v4 =	vld [tilespmem:s26+$0x4AE0]  }
.LBB2_61:
0x47e: {  	s29 =	sshra.s32 s2, $0x2;
	v6 =	vld [tilespmem:s26+$0x10AE0]  }
0x47f: {  	s28 =	sadd.s32 $0x80, s28;
	v7 =	vld [tilespmem:s29+$0x4AF0];
	[tilespmem:s26+$0x4AB0] =	vst v5;
	v0 =	vmul.f32 v2, v0  }
0x480: {  	p0 =	slt.u32 s28, $0x280;
	v2 =	vld [tilespmem:s29+$0x10AF0]  }
0x481: {  	v5 =	vld [tilespmem:s29+$0x4A80];
	[tilespmem:s26+$0x4AC0] =	vst v0;
	v0 =	vmul.f32 v3, v1  }
0x482: {  	v1 =	vld [tilespmem:s29+$0x10A80]  }
0x483: {  	v3 =	vld [tilespmem:s29+$0x4A90];
	[tilespmem:s26+$0x4AD0] =	vst v0;
	v0 =	vmul.f32 v6, v4  }
0x484: {  	v4 =	vld [tilespmem:s29+$0x10A90]  }
0x485: {  	v6 =	vld [tilespmem:s29+$0x4AA0];
	v2 =	vmul.f32 v2, v7;
	[tilespmem:s26+$0x4AE0] =	vst v0;
	s26 =	smov.u32 s29  }
0x486: {  	v7 =	vld [tilespmem:s26+$0x10AA0]  }
0x487: {  	v0 =	vmul.f32 v1, v5;
	v5 =	vld [tilespmem:s26+$0x4AB0];
	[tilespmem:s26+$0x4AF0] =	vst v2  }
0x488: {  	v8 =	vld [tilespmem:s26+$0x10AB0]  }
.Ltmp31:
0x489: {  	[tilespmem:s26+$0x4A80] =	vst v0;
	v1 =	vmul.f32 v4, v3;
	v0 =	vld [tilespmem:s26+$0x4AC0];
	(pc) =	sbr.rel @p0 .LBB2_61-.Ltmp31, $4  }
0x48a: {  	v2 =	vld [tilespmem:s26+$0x10AC0]  }
0x48b: {  	[tilespmem:s26+$0x4A90] =	vst v1;
	v4 =	vmul.f32 v7, v6;
	v1 =	vld [tilespmem:s26+$0x4AD0]  }
0x48c: {  	v3 =	vld [tilespmem:s26+$0x10AD0]  }
0x48d: {  	s2 =	sadd.s32 $0x1000, s2;
	[tilespmem:s26+$0x4AA0] =	vst v4;
	v5 =	vmul.f32 v8, v5;
	v4 =	vld [tilespmem:s26+$0x4AE0]  }
0x48e: {  	v6 =	vld [tilespmem:s26+$0x10AE0];
	_ =	sdelay $0x2  }
0x48f: {  	v0 =	vmul.f32 v2, v0  }
0x490: {  	[tilespmem:s26+$0x4AB0] =	vst v5;
	v1 =	vmul.f32 v3, v1  }
0x491: {  	[tilespmem:s26+$0x4AC0] =	vst v0;
	v0 =	vmul.f32 v6, v4  }
0x492: {  	[tilespmem:s26+$0x4AD0] =	vst v1  }
0x493: {  	[tilespmem:s26+$0x4AE0] =	vst v0;
	s26 =	simm.s32 $0x0  }
0x494: {  	v0 =	vld [tilespmem:s26+$0x4B70]  }
0x495: {  	v1 =	vld [tilespmem:s26+$0x10B70]  }
0x496: {  	v2 =	vld [tilespmem:s26+$0x4B00]  }
0x497: {  	v3 =	vld [tilespmem:s26+$0x10B00]  }
0x498: {  	v4 =	vld [tilespmem:s26+$0x4B10]  }
0x499: {  	v5 =	vld [tilespmem:s26+$0x10B10]  }
0x49a: {  	v6 =	vld [tilespmem:s26+$0x4B20]  }
0x49b: {  	v7 =	vld [tilespmem:s26+$0x10B20]  }
0x49c: {  	v8 =	vld [tilespmem:s26+$0x4B30]  }
0x49d: {  	v9 =	vld [tilespmem:s26+$0x10B30];
	v1 =	vmul.f32 v1, v0  }
0x49e: {  	v3 =	vmul.f32 v3, v2;
	v0 =	vld [tilespmem:s26+$0x4B40]  }
0x49f: {  	v4 =	vmul.f32 v5, v4;
	v2 =	vld [tilespmem:s26+$0x10B40];
	[tilespmem:s26+$0x4B70] =	vst v1  }
0x4a0: {  	v5 =	vmul.f32 v7, v6;
	[tilespmem:s26+$0x4B00] =	vst v3;
	v1 =	vld [tilespmem:s26+$0x4B50]  }
0x4a1: {  	[tilespmem:s26+$0x4B10] =	vst v4;
	v3 =	vld [tilespmem:s26+$0x10B50]  }
0x4a2: {  	s29 =	simm.s32 $0x0;
	s2 =	simm.s32 $0x1000;
	s28 =	simm.s32 $0x0;
	[tilespmem:s26+$0x4B20] =	vst v5;
	v5 =	vmul.f32 v9, v8;
	v4 =	vld [tilespmem:s26+$0x4B60]  }
.LBB2_63:
0x4a3: {  	s30 =	sshra.s32 s2, $0x2;
	v6 =	vld [tilespmem:s28+$0x10B60]  }
0x4a4: {  	s29 =	sadd.s32 $0x80, s29;
	v7 =	vld [tilespmem:s30+$0x4B70];
	[tilespmem:s28+$0x4B30] =	vst v5;
	v0 =	vmul.f32 v2, v0  }
0x4a5: {  	p0 =	slt.u32 s29, $0x280;
	v2 =	vld [tilespmem:s30+$0x10B70]  }
0x4a6: {  	v5 =	vld [tilespmem:s30+$0x4B00];
	[tilespmem:s28+$0x4B40] =	vst v0;
	v0 =	vmul.f32 v3, v1  }
0x4a7: {  	v1 =	vld [tilespmem:s30+$0x10B00]  }
0x4a8: {  	v3 =	vld [tilespmem:s30+$0x4B10];
	[tilespmem:s28+$0x4B50] =	vst v0;
	v0 =	vmul.f32 v6, v4  }
0x4a9: {  	v4 =	vld [tilespmem:s30+$0x10B10]  }
0x4aa: {  	v6 =	vld [tilespmem:s30+$0x4B20];
	v2 =	vmul.f32 v2, v7;
	[tilespmem:s28+$0x4B60] =	vst v0;
	s28 =	smov.u32 s30  }
0x4ab: {  	v7 =	vld [tilespmem:s28+$0x10B20]  }
0x4ac: {  	v0 =	vmul.f32 v1, v5;
	v5 =	vld [tilespmem:s28+$0x4B30];
	[tilespmem:s28+$0x4B70] =	vst v2  }
0x4ad: {  	v8 =	vld [tilespmem:s28+$0x10B30]  }
.Ltmp32:
0x4ae: {  	[tilespmem:s28+$0x4B00] =	vst v0;
	v1 =	vmul.f32 v4, v3;
	v0 =	vld [tilespmem:s28+$0x4B40];
	(pc) =	sbr.rel @p0 .LBB2_63-.Ltmp32, $4  }
0x4af: {  	v2 =	vld [tilespmem:s28+$0x10B40]  }
0x4b0: {  	[tilespmem:s28+$0x4B10] =	vst v1;
	v4 =	vmul.f32 v7, v6;
	v1 =	vld [tilespmem:s28+$0x4B50]  }
0x4b1: {  	v3 =	vld [tilespmem:s28+$0x10B50]  }
0x4b2: {  	s2 =	sadd.s32 $0x1000, s2;
	[tilespmem:s28+$0x4B20] =	vst v4;
	v5 =	vmul.f32 v8, v5;
	v4 =	vld [tilespmem:s28+$0x4B60]  }
0x4b3: {  	v6 =	vld [tilespmem:s28+$0x10B60];
	_ =	sdelay $0x2  }
0x4b4: {  	v0 =	vmul.f32 v2, v0  }
0x4b5: {  	[tilespmem:s28+$0x4B30] =	vst v5;
	v1 =	vmul.f32 v3, v1  }
0x4b6: {  	[tilespmem:s28+$0x4B40] =	vst v0;
	v0 =	vmul.f32 v6, v4  }
0x4b7: {  	[tilespmem:s28+$0x4B50] =	vst v1  }
0x4b8: {  	[tilespmem:s28+$0x4B60] =	vst v0  }
0x4b9: {  	v0 =	vld [tilespmem:s26+$0x4BF0]  }
0x4ba: {  	v1 =	vld [tilespmem:s26+$0x10BF0]  }
0x4bb: {  	v2 =	vld [tilespmem:s26+$0x4B80]  }
0x4bc: {  	v3 =	vld [tilespmem:s26+$0x10B80]  }
0x4bd: {  	v4 =	vld [tilespmem:s26+$0x4B90]  }
0x4be: {  	v5 =	vld [tilespmem:s26+$0x10B90]  }
0x4bf: {  	v6 =	vld [tilespmem:s26+$0x4BA0]  }
0x4c0: {  	v7 =	vld [tilespmem:s26+$0x10BA0]  }
0x4c1: {  	v8 =	vld [tilespmem:s26+$0x4BB0]  }
0x4c2: {  	v9 =	vld [tilespmem:s26+$0x10BB0];
	v1 =	vmul.f32 v1, v0  }
0x4c3: {  	v3 =	vmul.f32 v3, v2;
	v0 =	vld [tilespmem:s26+$0x4BC0]  }
0x4c4: {  	v4 =	vmul.f32 v5, v4;
	v2 =	vld [tilespmem:s26+$0x10BC0];
	[tilespmem:s26+$0x4BF0] =	vst v1  }
0x4c5: {  	[tilespmem:s26+$0x4B80] =	vst v3;
	v3 =	vmul.f32 v7, v6;
	v1 =	vld [tilespmem:s26+$0x4BD0]  }
0x4c6: {  	[tilespmem:s26+$0x4B90] =	vst v4;
	v4 =	vld [tilespmem:s26+$0x10BD0]  }
0x4c7: {  	s2 =	simm.s32 $0x1000;
	s28 =	simm.s32 $0x0;
	v5 =	vmul.f32 v9, v8;
	[tilespmem:s26+$0x4BA0] =	vst v3;
	v3 =	vld [tilespmem:s26+$0x4BE0]  }
.LBB2_65:
0x4c8: {  	s29 =	sshra.s32 s2, $0x2;
	v6 =	vld [tilespmem:s26+$0x10BE0]  }
0x4c9: {  	s28 =	sadd.s32 $0x80, s28;
	v7 =	vld [tilespmem:s29+$0x4BF0];
	[tilespmem:s26+$0x4BB0] =	vst v5;
	v0 =	vmul.f32 v2, v0  }
0x4ca: {  	p0 =	slt.u32 s28, $0x280;
	v2 =	vld [tilespmem:s29+$0x10BF0]  }
0x4cb: {  	v5 =	vld [tilespmem:s29+$0x4B80];
	[tilespmem:s26+$0x4BC0] =	vst v0;
	v0 =	vmul.f32 v4, v1  }
0x4cc: {  	v1 =	vld [tilespmem:s29+$0x10B80]  }
0x4cd: {  	v4 =	vld [tilespmem:s29+$0x4B90];
	[tilespmem:s26+$0x4BD0] =	vst v0;
	v0 =	vmul.f32 v6, v3  }
0x4ce: {  	v3 =	vld [tilespmem:s29+$0x10B90]  }
0x4cf: {  	v6 =	vld [tilespmem:s29+$0x4BA0];
	v2 =	vmul.f32 v2, v7;
	[tilespmem:s26+$0x4BE0] =	vst v0;
	s26 =	smov.u32 s29  }
0x4d0: {  	v7 =	vld [tilespmem:s26+$0x10BA0]  }
0x4d1: {  	v0 =	vmul.f32 v1, v5;
	v5 =	vld [tilespmem:s26+$0x4BB0];
	[tilespmem:s26+$0x4BF0] =	vst v2  }
0x4d2: {  	v8 =	vld [tilespmem:s26+$0x10BB0]  }
.Ltmp33:
0x4d3: {  	[tilespmem:s26+$0x4B80] =	vst v0;
	v1 =	vmul.f32 v3, v4;
	v0 =	vld [tilespmem:s26+$0x4BC0];
	(pc) =	sbr.rel @p0 .LBB2_65-.Ltmp33, $4  }
0x4d4: {  	v2 =	vld [tilespmem:s26+$0x10BC0]  }
0x4d5: {  	[tilespmem:s26+$0x4B90] =	vst v1;
	v3 =	vmul.f32 v7, v6;
	v1 =	vld [tilespmem:s26+$0x4BD0]  }
0x4d6: {  	v4 =	vld [tilespmem:s26+$0x10BD0]  }
0x4d7: {  	s2 =	sadd.s32 $0x1000, s2;
	[tilespmem:s26+$0x4BA0] =	vst v3;
	v5 =	vmul.f32 v8, v5;
	v3 =	vld [tilespmem:s26+$0x4BE0]  }
0x4d8: {  	v6 =	vld [tilespmem:s26+$0x10BE0];
	_ =	sdelay $0x2  }
0x4d9: {  	s2 =	sor.u32 s5, s24;
	v0 =	vmul.f32 v2, v0  }
0x4da: {  	[tilespmem:s26+$0x4BB0] =	vst v5;
	s2 =	sshrl.u32 s2, $0x3;
	v1 =	vmul.f32 v4, v1  }
0x4db: {  	s2 =	smul.u32 $0x300, s2;
	[tilespmem:s26+$0x4BC0] =	vst v0;
	v0 =	vmul.f32 v6, v3  }
0x4dc: {  	p0 =	seq.s32 s23, $0x1F;
	[tilespmem:s26+$0x4BD0] =	vst v1  }
0x4dd: {  	s2 =	sadd.s32 s4, s2;
	[tilespmem:s26+$0x4BE0] =	vst v0;
	s26 =	sadd.s32 @!p0 s24, s11  }
0x4de: {  	[hbm4b:s2+s6] =	stream.linear.scatter [tilespmem:s6], [sflag:$0x5], $0x6000, $0x38;
	[tilespmem:$0x18000] =	vst v63  }
0x4df: {  	s2 =	simm.s32 @p0 $0x5;
	s26 =	sshrl.u32 @!p0 s26, $0x3  }
0x4e0: {  	_ =	swait.ge @p0 [sflag:s2], $0x6000;
	s26 =	smul.u32 @!p0 $0x300, s26  }
0x4e1: {  	s28 =	simm.s32 @!p0 $0x0;
	[sflag:s2] =	ssyncset.done @p0 $0x0  }
0x4e2: {  	s29 =	simm.s32 @!p0 $0xC000;
	[sflag:s2] =	ssyncadd.s32 @p0 $0xFFFFA000;
	s2 =	sadd.s32 @!p0 s3, s26  }
0x4e3: {  	[tilespmem:s29], [sflag:$0x3] =	stream.linear.gather @!p0 [hbm4b:s2+s28], $0x6000, $0x38;
	[tilespmem:$0x18000] =	vst v63  }
0x4e4: {  	s2 =	simm.s32 @!p0 $0x5  }
0x4e5: {  	_ =	swait.ge @!p0 [sflag:s2], $0x6000  }
0x4e6: {  	[sflag:s2] =	ssyncset.done @!p0 $0x0  }
0x4e7: {  	[sflag:s2] =	ssyncadd.s32 @!p0 $0xFFFFA000;
	s2 =	sadd.s32 @!p0 s1, s26  }
0x4e8: {  	[tilespmem:s28], [sflag:$0x1] =	stream.linear.gather @!p0 [hbm4b:s2+s28], $0x6000, $0x38;
	[tilespmem:$0x18000] =	vst v63  }
0x4e9: {  	_ =	swait.ge [sflag:s19], $0x6000  }
0x4ea: {  	[sflag:s19] =	ssyncset.done $0x0  }
0x4eb: {  	[sflag:s19] =	ssyncadd.s32 $0xFFFFA000  }
0x4ec: {  	_ =	swait.ge [sflag:s20], $0x6000  }
0x4ed: {  	[sflag:s20] =	ssyncset.done $0x0  }
0x4ee: {  	s28 =	simm.s32 $0x6040;
	[sflag:s20] =	ssyncadd.s32 $0xFFFFA000  }
0x4ef: {  	s30 =	simm.s32 $0x12040;
	v1 =	vld [tilespmem:s28+$0x30]  }
0x4f0: {  	v2 =	vld [tilespmem:s30+$0x30]  }
0x4f1: {  	v0 =	vld [tilespmem:s30+$0xFFFFFFC0]  }
0x4f2: {  	v3 =	vld [tilespmem:s28+$0xFFFFFFD0]  }
0x4f3: {  	v4 =	vld [tilespmem:s30+$0xFFFFFFD0]  }
0x4f4: {  	v5 =	vld [tilespmem:s28+$0xFFFFFFE0]  }
0x4f5: {  	v6 =	vld [tilespmem:s30+$0xFFFFFFE0]  }
0x4f6: {  	v7 =	vld [tilespmem:s28+$0xFFFFFFF0]  }
0x4f7: {  	v8 =	vld [tilespmem:s30+$0xFFFFFFF0]  }
0x4f8: {  	v9 =	vld [tilespmem:s28+$0x0]  }
0x4f9: {  	v10 =	vld [tilespmem:s30+$0x0];
	v2 =	vmul.f32 v2, v1  }
0x4fa: {  	v4 =	vmul.f32 v4, v3;
	v1 =	vld [tilespmem:s28+$0x10]  }
0x4fb: {  	v5 =	vmul.f32 v6, v5;
	v3 =	vld [tilespmem:s30+$0x10];
	[tilespmem:s28+$0x30] =	vst v2  }
0x4fc: {  	v6 =	vmul.f32 v8, v7;
	[tilespmem:s28+$0xFFFFFFD0] =	vst v4;
	v2 =	vld [tilespmem:s28+$0x20]  }
0x4fd: {  	s31 =	simm.s32 $0x0;
	[tilespmem:s28+$0xFFFFFFE0] =	vst v5;
	v4 =	vld [tilespmem:s30+$0x20]  }
0x4fe: {  	s29 =	simm.s32 $0x120F0;
	s26 =	simm.s32 $0x60F0;
	s2 =	simm.s32 $0x6440;
	v5 =	vld [tilespmem:s28+$0xFFFFFFC0];
	[tilespmem:s28+$0xFFFFFFF0] =	vst v6;
	v6 =	vmul.f32 v10, v9  }
.LBB2_67:
0x4ff: {  	v7 =	vld [tilespmem:s2+$0x30];
	s30 =	sadd.s32 $0x400, s30  }
0x500: {  	s31 =	sadd.s32 $0x80, s31;
	v8 =	vld [tilespmem:s30+$0x30];
	[tilespmem:s28+$0x0] =	vst v6;
	v1 =	vmul.f32 v3, v1  }
0x501: {  	p1 =	slt.u32 s31, $0x280;
	v3 =	vld [tilespmem:s30+$0xFFFFFFC0]  }
0x502: {  	v6 =	vld [tilespmem:s2+$0xFFFFFFD0];
	[tilespmem:s28+$0x10] =	vst v1;
	v1 =	vmul.f32 v4, v2  }
0x503: {  	v2 =	vld [tilespmem:s30+$0xFFFFFFD0];
	v9 =	vmul.f32 v0, v5  }
0x504: {  	v4 =	vld [tilespmem:s2+$0xFFFFFFE0];
	[tilespmem:s28+$0x20] =	vst v1  }
0x505: {  	v1 =	vld [tilespmem:s30+$0xFFFFFFE0];
	v5 =	vmul.f32 v8, v7;
	[tilespmem:s28+$0xFFFFFFC0] =	vst v9;
	s28 =	smov.u32 s2  }
0x506: {  	v7 =	vld [tilespmem:s2+$0xFFFFFFF0];
	v0 =	vmov v3  }
0x507: {  	v8 =	vld [tilespmem:s30+$0xFFFFFFF0];
	[tilespmem:s2+$0x30] =	vst v5  }
0x508: {  	v2 =	vmul.f32 v2, v6;
	v6 =	vld [tilespmem:s2+$0x0]  }
0x509: {  	v9 =	vld [tilespmem:s30+$0x0]  }
.Ltmp34:
0x50a: {  	[tilespmem:s2+$0xFFFFFFD0] =	vst v2;
	v2 =	vmul.f32 v1, v4;
	v1 =	vld [tilespmem:s2+$0x10];
	(pc) =	sbr.rel @p1 .LBB2_67-.Ltmp34, $4  }
0x50b: {  	v3 =	vld [tilespmem:s30+$0x10]  }
0x50c: {  	[tilespmem:s2+$0xFFFFFFE0] =	vst v2;
	v7 =	vmul.f32 v8, v7;
	v2 =	vld [tilespmem:s2+$0x20]  }
0x50d: {  	v4 =	vld [tilespmem:s30+$0x20]  }
0x50e: {  	s2 =	sadd.s32 $0x400, s2;
	v5 =	vld [tilespmem:s28+$0xFFFFFFC0];
	[tilespmem:s28+$0xFFFFFFF0] =	vst v7;
	v6 =	vmul.f32 v9, v6  }
0x50f: {  	_ =	sdelay $0x1  }
0x510: {  	v1 =	vmul.f32 v3, v1  }
0x511: {  	[tilespmem:s28+$0x0] =	vst v6;
	v2 =	vmul.f32 v4, v2  }
0x512: {  	[tilespmem:s28+$0x10] =	vst v1;
	v0 =	vmul.f32 v0, v5  }
0x513: {  	[tilespmem:s28+$0x20] =	vst v2  }
0x514: {  	[tilespmem:s28+$0xFFFFFFC0] =	vst v0  }
0x515: {  	v1 =	vld [tilespmem:s26+$0x0]  }
0x516: {  	v2 =	vld [tilespmem:s29+$0x0]  }
0x517: {  	v0 =	vld [tilespmem:s29+$0xFFFFFF90]  }
0x518: {  	v3 =	vld [tilespmem:s26+$0xFFFFFFA0]  }
0x519: {  	v4 =	vld [tilespmem:s29+$0xFFFFFFA0]  }
0x51a: {  	v5 =	vld [tilespmem:s26+$0xFFFFFFB0]  }
0x51b: {  	v6 =	vld [tilespmem:s29+$0xFFFFFFB0]  }
0x51c: {  	v7 =	vld [tilespmem:s26+$0xFFFFFFC0]  }
0x51d: {  	v8 =	vld [tilespmem:s29+$0xFFFFFFC0]  }
0x51e: {  	v9 =	vld [tilespmem:s26+$0xFFFFFFD0]  }
0x51f: {  	v10 =	vld [tilespmem:s29+$0xFFFFFFD0];
	v2 =	vmul.f32 v2, v1  }
0x520: {  	v4 =	vmul.f32 v4, v3;
	v1 =	vld [tilespmem:s26+$0xFFFFFFE0]  }
0x521: {  	v5 =	vmul.f32 v6, v5;
	v3 =	vld [tilespmem:s29+$0xFFFFFFE0];
	[tilespmem:s26+$0x0] =	vst v2  }
0x522: {  	v6 =	vmul.f32 v8, v7;
	[tilespmem:s26+$0xFFFFFFA0] =	vst v4;
	v2 =	vld [tilespmem:s26+$0xFFFFFFF0]  }
0x523: {  	s31 =	simm.s32 $0x0;
	[tilespmem:s26+$0xFFFFFFB0] =	vst v5;
	v4 =	vld [tilespmem:s29+$0xFFFFFFF0]  }
0x524: {  	s30 =	simm.s32 $0x12170;
	s2 =	simm.s32 $0x64F0;
	s28 =	simm.s32 $0x6170;
	v5 =	vld [tilespmem:s26+$0xFFFFFF90];
	[tilespmem:s26+$0xFFFFFFC0] =	vst v6;
	v6 =	vmul.f32 v10, v9  }
.LBB2_69:
0x525: {  	v7 =	vld [tilespmem:s2+$0x0];
	s29 =	sadd.s32 $0x400, s29  }
0x526: {  	s31 =	sadd.s32 $0x80, s31;
	v8 =	vld [tilespmem:s29+$0x0];
	[tilespmem:s26+$0xFFFFFFD0] =	vst v6;
	v1 =	vmul.f32 v3, v1  }
0x527: {  	p1 =	slt.u32 s31, $0x280;
	v3 =	vld [tilespmem:s29+$0xFFFFFF90]  }
0x528: {  	v6 =	vld [tilespmem:s2+$0xFFFFFFA0];
	[tilespmem:s26+$0xFFFFFFE0] =	vst v1;
	v1 =	vmul.f32 v4, v2  }
0x529: {  	v2 =	vld [tilespmem:s29+$0xFFFFFFA0];
	v9 =	vmul.f32 v0, v5  }
0x52a: {  	v4 =	vld [tilespmem:s2+$0xFFFFFFB0];
	[tilespmem:s26+$0xFFFFFFF0] =	vst v1  }
0x52b: {  	v1 =	vld [tilespmem:s29+$0xFFFFFFB0];
	v5 =	vmul.f32 v8, v7;
	[tilespmem:s26+$0xFFFFFF90] =	vst v9;
	s26 =	smov.u32 s2  }
0x52c: {  	v7 =	vld [tilespmem:s2+$0xFFFFFFC0];
	v0 =	vmov v3  }
0x52d: {  	v8 =	vld [tilespmem:s29+$0xFFFFFFC0];
	[tilespmem:s2+$0x0] =	vst v5  }
0x52e: {  	v2 =	vmul.f32 v2, v6;
	v6 =	vld [tilespmem:s2+$0xFFFFFFD0]  }
0x52f: {  	v9 =	vld [tilespmem:s29+$0xFFFFFFD0]  }
.Ltmp35:
0x530: {  	[tilespmem:s2+$0xFFFFFFA0] =	vst v2;
	v2 =	vmul.f32 v1, v4;
	v1 =	vld [tilespmem:s2+$0xFFFFFFE0];
	(pc) =	sbr.rel @p1 .LBB2_69-.Ltmp35, $4  }
0x531: {  	v3 =	vld [tilespmem:s29+$0xFFFFFFE0]  }
0x532: {  	[tilespmem:s2+$0xFFFFFFB0] =	vst v2;
	v7 =	vmul.f32 v8, v7;
	v2 =	vld [tilespmem:s2+$0xFFFFFFF0]  }
0x533: {  	v4 =	vld [tilespmem:s29+$0xFFFFFFF0]  }
0x534: {  	s2 =	sadd.s32 $0x400, s2;
	v5 =	vld [tilespmem:s26+$0xFFFFFF90];
	[tilespmem:s26+$0xFFFFFFC0] =	vst v7;
	v6 =	vmul.f32 v9, v6  }
0x535: {  	_ =	sdelay $0x1  }
0x536: {  	v1 =	vmul.f32 v3, v1  }
0x537: {  	[tilespmem:s26+$0xFFFFFFD0] =	vst v6;
	v2 =	vmul.f32 v4, v2  }
0x538: {  	[tilespmem:s26+$0xFFFFFFE0] =	vst v1;
	v0 =	vmul.f32 v0, v5  }
0x539: {  	[tilespmem:s26+$0xFFFFFFF0] =	vst v2  }
0x53a: {  	[tilespmem:s26+$0xFFFFFF90] =	vst v0  }
0x53b: {  	v1 =	vld [tilespmem:s28+$0x0]  }
0x53c: {  	v2 =	vld [tilespmem:s30+$0x0]  }
0x53d: {  	v0 =	vld [tilespmem:s30+$0xFFFFFF90]  }
0x53e: {  	v3 =	vld [tilespmem:s28+$0xFFFFFFA0]  }
0x53f: {  	v4 =	vld [tilespmem:s30+$0xFFFFFFA0]  }
0x540: {  	v5 =	vld [tilespmem:s28+$0xFFFFFFB0]  }
0x541: {  	v6 =	vld [tilespmem:s30+$0xFFFFFFB0]  }
0x542: {  	v7 =	vld [tilespmem:s28+$0xFFFFFFC0]  }
0x543: {  	v8 =	vld [tilespmem:s30+$0xFFFFFFC0]  }
0x544: {  	v9 =	vld [tilespmem:s28+$0xFFFFFFD0]  }
0x545: {  	v10 =	vld [tilespmem:s30+$0xFFFFFFD0];
	v2 =	vmul.f32 v2, v1  }
0x546: {  	v4 =	vmul.f32 v4, v3;
	v1 =	vld [tilespmem:s28+$0xFFFFFFE0]  }
0x547: {  	v5 =	vmul.f32 v6, v5;
	v3 =	vld [tilespmem:s30+$0xFFFFFFE0];
	[tilespmem:s28+$0x0] =	vst v2  }
0x548: {  	v6 =	vmul.f32 v8, v7;
	[tilespmem:s28+$0xFFFFFFA0] =	vst v4;
	v2 =	vld [tilespmem:s28+$0xFFFFFFF0]  }
0x549: {  	s31 =	simm.s32 $0x0;
	[tilespmem:s28+$0xFFFFFFB0] =	vst v5;
	v4 =	vld [tilespmem:s30+$0xFFFFFFF0]  }
0x54a: {  	s29 =	simm.s32 $0x121F0;
	s2 =	simm.s32 $0x6570;
	s26 =	simm.s32 $0x61F0;
	v5 =	vld [tilespmem:s28+$0xFFFFFF90];
	[tilespmem:s28+$0xFFFFFFC0] =	vst v6;
	v6 =	vmul.f32 v10, v9  }
.LBB2_71:
0x54b: {  	v7 =	vld [tilespmem:s2+$0x0];
	s30 =	sadd.s32 $0x400, s30  }
0x54c: {  	s31 =	sadd.s32 $0x80, s31;
	v8 =	vld [tilespmem:s30+$0x0];
	[tilespmem:s28+$0xFFFFFFD0] =	vst v6;
	v1 =	vmul.f32 v3, v1  }
0x54d: {  	p1 =	slt.u32 s31, $0x280;
	v3 =	vld [tilespmem:s30+$0xFFFFFF90]  }
0x54e: {  	v6 =	vld [tilespmem:s2+$0xFFFFFFA0];
	[tilespmem:s28+$0xFFFFFFE0] =	vst v1;
	v1 =	vmul.f32 v4, v2  }
0x54f: {  	v2 =	vld [tilespmem:s30+$0xFFFFFFA0];
	v9 =	vmul.f32 v0, v5  }
0x550: {  	v4 =	vld [tilespmem:s2+$0xFFFFFFB0];
	[tilespmem:s28+$0xFFFFFFF0] =	vst v1  }
0x551: {  	v1 =	vld [tilespmem:s30+$0xFFFFFFB0];
	v5 =	vmul.f32 v8, v7;
	[tilespmem:s28+$0xFFFFFF90] =	vst v9;
	s28 =	smov.u32 s2  }
0x552: {  	v7 =	vld [tilespmem:s2+$0xFFFFFFC0];
	v0 =	vmov v3  }
0x553: {  	v8 =	vld [tilespmem:s30+$0xFFFFFFC0];
	[tilespmem:s2+$0x0] =	vst v5  }
0x554: {  	v2 =	vmul.f32 v2, v6;
	v6 =	vld [tilespmem:s2+$0xFFFFFFD0]  }
0x555: {  	v9 =	vld [tilespmem:s30+$0xFFFFFFD0]  }
.Ltmp36:
0x556: {  	[tilespmem:s2+$0xFFFFFFA0] =	vst v2;
	v2 =	vmul.f32 v1, v4;
	v1 =	vld [tilespmem:s2+$0xFFFFFFE0];
	(pc) =	sbr.rel @p1 .LBB2_71-.Ltmp36, $4  }
0x557: {  	v3 =	vld [tilespmem:s30+$0xFFFFFFE0]  }
0x558: {  	[tilespmem:s2+$0xFFFFFFB0] =	vst v2;
	v7 =	vmul.f32 v8, v7;
	v2 =	vld [tilespmem:s2+$0xFFFFFFF0]  }
0x559: {  	v4 =	vld [tilespmem:s30+$0xFFFFFFF0]  }
0x55a: {  	s2 =	sadd.s32 $0x400, s2;
	v5 =	vld [tilespmem:s28+$0xFFFFFF90];
	[tilespmem:s28+$0xFFFFFFC0] =	vst v7;
	v6 =	vmul.f32 v9, v6  }
0x55b: {  	_ =	sdelay $0x1  }
0x55c: {  	v1 =	vmul.f32 v3, v1  }
0x55d: {  	[tilespmem:s28+$0xFFFFFFD0] =	vst v6;
	v2 =	vmul.f32 v4, v2  }
0x55e: {  	[tilespmem:s28+$0xFFFFFFE0] =	vst v1;
	v0 =	vmul.f32 v0, v5  }
0x55f: {  	[tilespmem:s28+$0xFFFFFFF0] =	vst v2  }
0x560: {  	[tilespmem:s28+$0xFFFFFF90] =	vst v0  }
0x561: {  	v1 =	vld [tilespmem:s26+$0x0]  }
0x562: {  	v2 =	vld [tilespmem:s29+$0x0]  }
0x563: {  	v0 =	vld [tilespmem:s29+$0xFFFFFF90]  }
0x564: {  	v3 =	vld [tilespmem:s26+$0xFFFFFFA0]  }
0x565: {  	v4 =	vld [tilespmem:s29+$0xFFFFFFA0]  }
0x566: {  	v5 =	vld [tilespmem:s26+$0xFFFFFFB0]  }
0x567: {  	v6 =	vld [tilespmem:s29+$0xFFFFFFB0]  }
0x568: {  	v7 =	vld [tilespmem:s26+$0xFFFFFFC0]  }
0x569: {  	v8 =	vld [tilespmem:s29+$0xFFFFFFC0]  }
0x56a: {  	v9 =	vld [tilespmem:s26+$0xFFFFFFD0]  }
0x56b: {  	v10 =	vld [tilespmem:s29+$0xFFFFFFD0];
	v2 =	vmul.f32 v2, v1  }
0x56c: {  	v4 =	vmul.f32 v4, v3;
	v1 =	vld [tilespmem:s26+$0xFFFFFFE0]  }
0x56d: {  	v5 =	vmul.f32 v6, v5;
	v3 =	vld [tilespmem:s29+$0xFFFFFFE0];
	[tilespmem:s26+$0x0] =	vst v2  }
0x56e: {  	v6 =	vmul.f32 v8, v7;
	[tilespmem:s26+$0xFFFFFFA0] =	vst v4;
	v2 =	vld [tilespmem:s26+$0xFFFFFFF0]  }
0x56f: {  	s31 =	simm.s32 $0x0;
	[tilespmem:s26+$0xFFFFFFB0] =	vst v5;
	v4 =	vld [tilespmem:s29+$0xFFFFFFF0]  }
0x570: {  	s30 =	simm.s32 $0x12270;
	s2 =	simm.s32 $0x65F0;
	s28 =	simm.s32 $0x6270;
	v5 =	vld [tilespmem:s26+$0xFFFFFF90];
	[tilespmem:s26+$0xFFFFFFC0] =	vst v6;
	v6 =	vmul.f32 v10, v9  }
.LBB2_73:
0x571: {  	v7 =	vld [tilespmem:s2+$0x0];
	s29 =	sadd.s32 $0x400, s29  }
0x572: {  	s31 =	sadd.s32 $0x80, s31;
	v8 =	vld [tilespmem:s29+$0x0];
	[tilespmem:s26+$0xFFFFFFD0] =	vst v6;
	v1 =	vmul.f32 v3, v1  }
0x573: {  	p1 =	slt.u32 s31, $0x280;
	v3 =	vld [tilespmem:s29+$0xFFFFFF90]  }
0x574: {  	v6 =	vld [tilespmem:s2+$0xFFFFFFA0];
	[tilespmem:s26+$0xFFFFFFE0] =	vst v1;
	v1 =	vmul.f32 v4, v2  }
0x575: {  	v2 =	vld [tilespmem:s29+$0xFFFFFFA0];
	v9 =	vmul.f32 v0, v5  }
0x576: {  	v4 =	vld [tilespmem:s2+$0xFFFFFFB0];
	[tilespmem:s26+$0xFFFFFFF0] =	vst v1  }
0x577: {  	v1 =	vld [tilespmem:s29+$0xFFFFFFB0];
	v5 =	vmul.f32 v8, v7;
	[tilespmem:s26+$0xFFFFFF90] =	vst v9;
	s26 =	smov.u32 s2  }
0x578: {  	v7 =	vld [tilespmem:s2+$0xFFFFFFC0];
	v0 =	vmov v3  }
0x579: {  	v8 =	vld [tilespmem:s29+$0xFFFFFFC0];
	[tilespmem:s2+$0x0] =	vst v5  }
0x57a: {  	v2 =	vmul.f32 v2, v6;
	v6 =	vld [tilespmem:s2+$0xFFFFFFD0]  }
0x57b: {  	v9 =	vld [tilespmem:s29+$0xFFFFFFD0]  }
.Ltmp37:
0x57c: {  	[tilespmem:s2+$0xFFFFFFA0] =	vst v2;
	v2 =	vmul.f32 v1, v4;
	v1 =	vld [tilespmem:s2+$0xFFFFFFE0];
	(pc) =	sbr.rel @p1 .LBB2_73-.Ltmp37, $4  }
0x57d: {  	v3 =	vld [tilespmem:s29+$0xFFFFFFE0]  }
0x57e: {  	[tilespmem:s2+$0xFFFFFFB0] =	vst v2;
	v7 =	vmul.f32 v8, v7;
	v2 =	vld [tilespmem:s2+$0xFFFFFFF0]  }
0x57f: {  	v4 =	vld [tilespmem:s29+$0xFFFFFFF0]  }
0x580: {  	s2 =	sadd.s32 $0x400, s2;
	v5 =	vld [tilespmem:s26+$0xFFFFFF90];
	[tilespmem:s26+$0xFFFFFFC0] =	vst v7;
	v6 =	vmul.f32 v9, v6  }
0x581: {  	_ =	sdelay $0x1  }
0x582: {  	v1 =	vmul.f32 v3, v1  }
0x583: {  	[tilespmem:s26+$0xFFFFFFD0] =	vst v6;
	v2 =	vmul.f32 v4, v2  }
0x584: {  	[tilespmem:s26+$0xFFFFFFE0] =	vst v1;
	v0 =	vmul.f32 v0, v5  }
0x585: {  	[tilespmem:s26+$0xFFFFFFF0] =	vst v2  }
0x586: {  	[tilespmem:s26+$0xFFFFFF90] =	vst v0  }
0x587: {  	v1 =	vld [tilespmem:s28+$0x0]  }
0x588: {  	v2 =	vld [tilespmem:s30+$0x0]  }
0x589: {  	v0 =	vld [tilespmem:s30+$0xFFFFFF90]  }
0x58a: {  	v3 =	vld [tilespmem:s28+$0xFFFFFFA0]  }
0x58b: {  	v4 =	vld [tilespmem:s30+$0xFFFFFFA0]  }
0x58c: {  	v5 =	vld [tilespmem:s28+$0xFFFFFFB0]  }
0x58d: {  	v6 =	vld [tilespmem:s30+$0xFFFFFFB0]  }
0x58e: {  	v7 =	vld [tilespmem:s28+$0xFFFFFFC0]  }
0x58f: {  	v8 =	vld [tilespmem:s30+$0xFFFFFFC0]  }
0x590: {  	v9 =	vld [tilespmem:s28+$0xFFFFFFD0]  }
0x591: {  	v10 =	vld [tilespmem:s30+$0xFFFFFFD0];
	v2 =	vmul.f32 v2, v1  }
0x592: {  	v4 =	vmul.f32 v4, v3;
	v1 =	vld [tilespmem:s28+$0xFFFFFFE0]  }
0x593: {  	v5 =	vmul.f32 v6, v5;
	v3 =	vld [tilespmem:s30+$0xFFFFFFE0];
	[tilespmem:s28+$0x0] =	vst v2  }
0x594: {  	v6 =	vmul.f32 v8, v7;
	[tilespmem:s28+$0xFFFFFFA0] =	vst v4;
	v2 =	vld [tilespmem:s28+$0xFFFFFFF0]  }
0x595: {  	s31 =	simm.s32 $0x0;
	[tilespmem:s28+$0xFFFFFFB0] =	vst v5;
	v4 =	vld [tilespmem:s30+$0xFFFFFFF0]  }
0x596: {  	s29 =	simm.s32 $0x122F0;
	s2 =	simm.s32 $0x6670;
	s26 =	simm.s32 $0x62F0;
	v5 =	vld [tilespmem:s28+$0xFFFFFF90];
	[tilespmem:s28+$0xFFFFFFC0] =	vst v6;
	v6 =	vmul.f32 v10, v9  }
.LBB2_75:
0x597: {  	v7 =	vld [tilespmem:s2+$0x0];
	s30 =	sadd.s32 $0x400, s30  }
0x598: {  	s31 =	sadd.s32 $0x80, s31;
	v8 =	vld [tilespmem:s30+$0x0];
	[tilespmem:s28+$0xFFFFFFD0] =	vst v6;
	v1 =	vmul.f32 v3, v1  }
0x599: {  	p1 =	slt.u32 s31, $0x280;
	v3 =	vld [tilespmem:s30+$0xFFFFFF90]  }
0x59a: {  	v6 =	vld [tilespmem:s2+$0xFFFFFFA0];
	[tilespmem:s28+$0xFFFFFFE0] =	vst v1;
	v1 =	vmul.f32 v4, v2  }
0x59b: {  	v2 =	vld [tilespmem:s30+$0xFFFFFFA0];
	v9 =	vmul.f32 v0, v5  }
0x59c: {  	v4 =	vld [tilespmem:s2+$0xFFFFFFB0];
	[tilespmem:s28+$0xFFFFFFF0] =	vst v1  }
0x59d: {  	v1 =	vld [tilespmem:s30+$0xFFFFFFB0];
	v5 =	vmul.f32 v8, v7;
	[tilespmem:s28+$0xFFFFFF90] =	vst v9;
	s28 =	smov.u32 s2  }
0x59e: {  	v7 =	vld [tilespmem:s2+$0xFFFFFFC0];
	v0 =	vmov v3  }
0x59f: {  	v8 =	vld [tilespmem:s30+$0xFFFFFFC0];
	[tilespmem:s2+$0x0] =	vst v5  }
0x5a0: {  	v2 =	vmul.f32 v2, v6;
	v6 =	vld [tilespmem:s2+$0xFFFFFFD0]  }
0x5a1: {  	v9 =	vld [tilespmem:s30+$0xFFFFFFD0]  }
.Ltmp38:
0x5a2: {  	[tilespmem:s2+$0xFFFFFFA0] =	vst v2;
	v2 =	vmul.f32 v1, v4;
	v1 =	vld [tilespmem:s2+$0xFFFFFFE0];
	(pc) =	sbr.rel @p1 .LBB2_75-.Ltmp38, $4  }
0x5a3: {  	v3 =	vld [tilespmem:s30+$0xFFFFFFE0]  }
0x5a4: {  	[tilespmem:s2+$0xFFFFFFB0] =	vst v2;
	v7 =	vmul.f32 v8, v7;
	v2 =	vld [tilespmem:s2+$0xFFFFFFF0]  }
0x5a5: {  	v4 =	vld [tilespmem:s30+$0xFFFFFFF0]  }
0x5a6: {  	s2 =	sadd.s32 $0x400, s2;
	v5 =	vld [tilespmem:s28+$0xFFFFFF90];
	[tilespmem:s28+$0xFFFFFFC0] =	vst v7;
	v6 =	vmul.f32 v9, v6  }
0x5a7: {  	_ =	sdelay $0x1  }
0x5a8: {  	v1 =	vmul.f32 v3, v1  }
0x5a9: {  	[tilespmem:s28+$0xFFFFFFD0] =	vst v6;
	v2 =	vmul.f32 v4, v2  }
0x5aa: {  	[tilespmem:s28+$0xFFFFFFE0] =	vst v1;
	v0 =	vmul.f32 v0, v5  }
0x5ab: {  	[tilespmem:s28+$0xFFFFFFF0] =	vst v2  }
0x5ac: {  	[tilespmem:s28+$0xFFFFFF90] =	vst v0  }
0x5ad: {  	v1 =	vld [tilespmem:s26+$0x0]  }
0x5ae: {  	v2 =	vld [tilespmem:s29+$0x0]  }
0x5af: {  	v0 =	vld [tilespmem:s29+$0xFFFFFF90]  }
0x5b0: {  	v3 =	vld [tilespmem:s26+$0xFFFFFFA0]  }
0x5b1: {  	v4 =	vld [tilespmem:s29+$0xFFFFFFA0]  }
0x5b2: {  	v5 =	vld [tilespmem:s26+$0xFFFFFFB0]  }
0x5b3: {  	v6 =	vld [tilespmem:s29+$0xFFFFFFB0]  }
0x5b4: {  	v7 =	vld [tilespmem:s26+$0xFFFFFFC0]  }
0x5b5: {  	v8 =	vld [tilespmem:s29+$0xFFFFFFC0]  }
0x5b6: {  	v9 =	vld [tilespmem:s26+$0xFFFFFFD0]  }
0x5b7: {  	v10 =	vld [tilespmem:s29+$0xFFFFFFD0];
	v2 =	vmul.f32 v2, v1  }
0x5b8: {  	v4 =	vmul.f32 v4, v3;
	v1 =	vld [tilespmem:s26+$0xFFFFFFE0]  }
0x5b9: {  	v5 =	vmul.f32 v6, v5;
	v3 =	vld [tilespmem:s29+$0xFFFFFFE0];
	[tilespmem:s26+$0x0] =	vst v2  }
0x5ba: {  	v6 =	vmul.f32 v8, v7;
	[tilespmem:s26+$0xFFFFFFA0] =	vst v4;
	v2 =	vld [tilespmem:s26+$0xFFFFFFF0]  }
0x5bb: {  	s31 =	simm.s32 $0x0;
	[tilespmem:s26+$0xFFFFFFB0] =	vst v5;
	v4 =	vld [tilespmem:s29+$0xFFFFFFF0]  }
0x5bc: {  	s30 =	simm.s32 $0x12370;
	s2 =	simm.s32 $0x66F0;
	s28 =	simm.s32 $0x6370;
	v5 =	vld [tilespmem:s26+$0xFFFFFF90];
	[tilespmem:s26+$0xFFFFFFC0] =	vst v6;
	v6 =	vmul.f32 v10, v9  }
.LBB2_77:
0x5bd: {  	v7 =	vld [tilespmem:s2+$0x0];
	s29 =	sadd.s32 $0x400, s29  }
0x5be: {  	s31 =	sadd.s32 $0x80, s31;
	v8 =	vld [tilespmem:s29+$0x0];
	[tilespmem:s26+$0xFFFFFFD0] =	vst v6;
	v1 =	vmul.f32 v3, v1  }
0x5bf: {  	p1 =	slt.u32 s31, $0x280;
	v3 =	vld [tilespmem:s29+$0xFFFFFF90]  }
0x5c0: {  	v6 =	vld [tilespmem:s2+$0xFFFFFFA0];
	[tilespmem:s26+$0xFFFFFFE0] =	vst v1;
	v1 =	vmul.f32 v4, v2  }
0x5c1: {  	v2 =	vld [tilespmem:s29+$0xFFFFFFA0];
	v9 =	vmul.f32 v0, v5  }
0x5c2: {  	v4 =	vld [tilespmem:s2+$0xFFFFFFB0];
	[tilespmem:s26+$0xFFFFFFF0] =	vst v1  }
0x5c3: {  	v1 =	vld [tilespmem:s29+$0xFFFFFFB0];
	v5 =	vmul.f32 v8, v7;
	[tilespmem:s26+$0xFFFFFF90] =	vst v9;
	s26 =	smov.u32 s2  }
0x5c4: {  	v7 =	vld [tilespmem:s2+$0xFFFFFFC0];
	v0 =	vmov v3  }
0x5c5: {  	v8 =	vld [tilespmem:s29+$0xFFFFFFC0];
	[tilespmem:s2+$0x0] =	vst v5  }
0x5c6: {  	v2 =	vmul.f32 v2, v6;
	v6 =	vld [tilespmem:s2+$0xFFFFFFD0]  }
0x5c7: {  	v9 =	vld [tilespmem:s29+$0xFFFFFFD0]  }
.Ltmp39:
0x5c8: {  	[tilespmem:s2+$0xFFFFFFA0] =	vst v2;
	v2 =	vmul.f32 v1, v4;
	v1 =	vld [tilespmem:s2+$0xFFFFFFE0];
	(pc) =	sbr.rel @p1 .LBB2_77-.Ltmp39, $4  }
0x5c9: {  	v3 =	vld [tilespmem:s29+$0xFFFFFFE0]  }
0x5ca: {  	[tilespmem:s2+$0xFFFFFFB0] =	vst v2;
	v7 =	vmul.f32 v8, v7;
	v2 =	vld [tilespmem:s2+$0xFFFFFFF0]  }
0x5cb: {  	v4 =	vld [tilespmem:s29+$0xFFFFFFF0]  }
0x5cc: {  	s2 =	sadd.s32 $0x400, s2;
	v5 =	vld [tilespmem:s26+$0xFFFFFF90];
	[tilespmem:s26+$0xFFFFFFC0] =	vst v7;
	v6 =	vmul.f32 v9, v6  }
0x5cd: {  	_ =	sdelay $0x1  }
0x5ce: {  	v1 =	vmul.f32 v3, v1  }
0x5cf: {  	[tilespmem:s26+$0xFFFFFFD0] =	vst v6;
	v2 =	vmul.f32 v4, v2  }
0x5d0: {  	[tilespmem:s26+$0xFFFFFFE0] =	vst v1;
	v0 =	vmul.f32 v0, v5  }
0x5d1: {  	[tilespmem:s26+$0xFFFFFFF0] =	vst v2  }
0x5d2: {  	[tilespmem:s26+$0xFFFFFF90] =	vst v0  }
0x5d3: {  	v1 =	vld [tilespmem:s28+$0x0]  }
0x5d4: {  	v2 =	vld [tilespmem:s30+$0x0]  }
0x5d5: {  	v0 =	vld [tilespmem:s30+$0xFFFFFF90]  }
0x5d6: {  	v3 =	vld [tilespmem:s28+$0xFFFFFFA0]  }
0x5d7: {  	v4 =	vld [tilespmem:s30+$0xFFFFFFA0]  }
0x5d8: {  	v5 =	vld [tilespmem:s28+$0xFFFFFFB0]  }
0x5d9: {  	v6 =	vld [tilespmem:s30+$0xFFFFFFB0]  }
0x5da: {  	v7 =	vld [tilespmem:s28+$0xFFFFFFC0]  }
0x5db: {  	v8 =	vld [tilespmem:s30+$0xFFFFFFC0]  }
0x5dc: {  	v9 =	vld [tilespmem:s28+$0xFFFFFFD0]  }
0x5dd: {  	v10 =	vld [tilespmem:s30+$0xFFFFFFD0];
	v2 =	vmul.f32 v2, v1  }
0x5de: {  	v4 =	vmul.f32 v4, v3;
	v1 =	vld [tilespmem:s28+$0xFFFFFFE0]  }
0x5df: {  	v5 =	vmul.f32 v6, v5;
	v3 =	vld [tilespmem:s30+$0xFFFFFFE0];
	[tilespmem:s28+$0x0] =	vst v2  }
0x5e0: {  	v6 =	vmul.f32 v8, v7;
	[tilespmem:s28+$0xFFFFFFA0] =	vst v4;
	v2 =	vld [tilespmem:s28+$0xFFFFFFF0]  }
0x5e1: {  	s31 =	simm.s32 $0x0;
	[tilespmem:s28+$0xFFFFFFB0] =	vst v5;
	v4 =	vld [tilespmem:s30+$0xFFFFFFF0]  }
0x5e2: {  	s29 =	simm.s32 $0x123F0;
	s2 =	simm.s32 $0x6770;
	s26 =	simm.s32 $0x63F0;
	v5 =	vld [tilespmem:s28+$0xFFFFFF90];
	[tilespmem:s28+$0xFFFFFFC0] =	vst v6;
	v6 =	vmul.f32 v10, v9  }
.LBB2_79:
0x5e3: {  	v7 =	vld [tilespmem:s2+$0x0];
	s30 =	sadd.s32 $0x400, s30  }
0x5e4: {  	s31 =	sadd.s32 $0x80, s31;
	v8 =	vld [tilespmem:s30+$0x0];
	[tilespmem:s28+$0xFFFFFFD0] =	vst v6;
	v1 =	vmul.f32 v3, v1  }
0x5e5: {  	p1 =	slt.u32 s31, $0x280;
	v3 =	vld [tilespmem:s30+$0xFFFFFF90]  }
0x5e6: {  	v6 =	vld [tilespmem:s2+$0xFFFFFFA0];
	[tilespmem:s28+$0xFFFFFFE0] =	vst v1;
	v1 =	vmul.f32 v4, v2  }
0x5e7: {  	v2 =	vld [tilespmem:s30+$0xFFFFFFA0];
	v9 =	vmul.f32 v0, v5  }
0x5e8: {  	v4 =	vld [tilespmem:s2+$0xFFFFFFB0];
	[tilespmem:s28+$0xFFFFFFF0] =	vst v1  }
0x5e9: {  	v1 =	vld [tilespmem:s30+$0xFFFFFFB0];
	v5 =	vmul.f32 v8, v7;
	[tilespmem:s28+$0xFFFFFF90] =	vst v9;
	s28 =	smov.u32 s2  }
0x5ea: {  	v7 =	vld [tilespmem:s2+$0xFFFFFFC0];
	v0 =	vmov v3  }
0x5eb: {  	v8 =	vld [tilespmem:s30+$0xFFFFFFC0];
	[tilespmem:s2+$0x0] =	vst v5  }
0x5ec: {  	v2 =	vmul.f32 v2, v6;
	v6 =	vld [tilespmem:s2+$0xFFFFFFD0]  }
0x5ed: {  	v9 =	vld [tilespmem:s30+$0xFFFFFFD0]  }
.Ltmp40:
0x5ee: {  	[tilespmem:s2+$0xFFFFFFA0] =	vst v2;
	v2 =	vmul.f32 v1, v4;
	v1 =	vld [tilespmem:s2+$0xFFFFFFE0];
	(pc) =	sbr.rel @p1 .LBB2_79-.Ltmp40, $4  }
0x5ef: {  	v3 =	vld [tilespmem:s30+$0xFFFFFFE0]  }
0x5f0: {  	[tilespmem:s2+$0xFFFFFFB0] =	vst v2;
	v7 =	vmul.f32 v8, v7;
	v2 =	vld [tilespmem:s2+$0xFFFFFFF0]  }
0x5f1: {  	v4 =	vld [tilespmem:s30+$0xFFFFFFF0]  }
0x5f2: {  	s2 =	sadd.s32 $0x400, s2;
	v5 =	vld [tilespmem:s28+$0xFFFFFF90];
	[tilespmem:s28+$0xFFFFFFC0] =	vst v7;
	v6 =	vmul.f32 v9, v6  }
0x5f3: {  	_ =	sdelay $0x1  }
0x5f4: {  	v1 =	vmul.f32 v3, v1  }
0x5f5: {  	[tilespmem:s28+$0xFFFFFFD0] =	vst v6;
	v2 =	vmul.f32 v4, v2  }
0x5f6: {  	[tilespmem:s28+$0xFFFFFFE0] =	vst v1;
	v0 =	vmul.f32 v0, v5  }
0x5f7: {  	[tilespmem:s28+$0xFFFFFFF0] =	vst v2  }
0x5f8: {  	[tilespmem:s28+$0xFFFFFF90] =	vst v0  }
0x5f9: {  	v1 =	vld [tilespmem:s26+$0x0]  }
0x5fa: {  	v2 =	vld [tilespmem:s29+$0x0]  }
0x5fb: {  	v0 =	vld [tilespmem:s29+$0xFFFFFF90]  }
0x5fc: {  	v3 =	vld [tilespmem:s26+$0xFFFFFFA0]  }
0x5fd: {  	v4 =	vld [tilespmem:s29+$0xFFFFFFA0]  }
0x5fe: {  	v5 =	vld [tilespmem:s26+$0xFFFFFFB0]  }
0x5ff: {  	v6 =	vld [tilespmem:s29+$0xFFFFFFB0]  }
0x600: {  	v7 =	vld [tilespmem:s26+$0xFFFFFFC0]  }
0x601: {  	v8 =	vld [tilespmem:s29+$0xFFFFFFC0]  }
0x602: {  	v9 =	vld [tilespmem:s26+$0xFFFFFFD0]  }
0x603: {  	v10 =	vld [tilespmem:s29+$0xFFFFFFD0];
	v2 =	vmul.f32 v2, v1  }
0x604: {  	v4 =	vmul.f32 v4, v3;
	v1 =	vld [tilespmem:s26+$0xFFFFFFE0]  }
0x605: {  	v5 =	vmul.f32 v6, v5;
	v3 =	vld [tilespmem:s29+$0xFFFFFFE0];
	[tilespmem:s26+$0x0] =	vst v2  }
0x606: {  	v6 =	vmul.f32 v8, v7;
	[tilespmem:s26+$0xFFFFFFA0] =	vst v4;
	v2 =	vld [tilespmem:s26+$0xFFFFFFF0]  }
0x607: {  	s31 =	simm.s32 $0x0;
	[tilespmem:s26+$0xFFFFFFB0] =	vst v5;
	v4 =	vld [tilespmem:s29+$0xFFFFFFF0]  }
0x608: {  	s30 =	simm.s32 $0x13870;
	s2 =	simm.s32 $0x67F0;
	s28 =	simm.s32 $0x7870;
	v5 =	vld [tilespmem:s26+$0xFFFFFF90];
	[tilespmem:s26+$0xFFFFFFC0] =	vst v6;
	v6 =	vmul.f32 v10, v9  }
.LBB2_81:
0x609: {  	v7 =	vld [tilespmem:s2+$0x0];
	s29 =	sadd.s32 $0x400, s29  }
0x60a: {  	s31 =	sadd.s32 $0x80, s31;
	v8 =	vld [tilespmem:s29+$0x0];
	[tilespmem:s26+$0xFFFFFFD0] =	vst v6;
	v1 =	vmul.f32 v3, v1  }
0x60b: {  	p1 =	slt.u32 s31, $0x280;
	v3 =	vld [tilespmem:s29+$0xFFFFFF90]  }
0x60c: {  	v6 =	vld [tilespmem:s2+$0xFFFFFFA0];
	[tilespmem:s26+$0xFFFFFFE0] =	vst v1;
	v1 =	vmul.f32 v4, v2  }
0x60d: {  	v2 =	vld [tilespmem:s29+$0xFFFFFFA0];
	v9 =	vmul.f32 v0, v5  }
0x60e: {  	v4 =	vld [tilespmem:s2+$0xFFFFFFB0];
	[tilespmem:s26+$0xFFFFFFF0] =	vst v1  }
0x60f: {  	v1 =	vld [tilespmem:s29+$0xFFFFFFB0];
	v5 =	vmul.f32 v8, v7;
	[tilespmem:s26+$0xFFFFFF90] =	vst v9;
	s26 =	smov.u32 s2  }
0x610: {  	v7 =	vld [tilespmem:s2+$0xFFFFFFC0];
	v0 =	vmov v3  }
0x611: {  	v8 =	vld [tilespmem:s29+$0xFFFFFFC0];
	[tilespmem:s2+$0x0] =	vst v5  }
0x612: {  	v2 =	vmul.f32 v2, v6;
	v6 =	vld [tilespmem:s2+$0xFFFFFFD0]  }
0x613: {  	v9 =	vld [tilespmem:s29+$0xFFFFFFD0]  }
.Ltmp41:
0x614: {  	[tilespmem:s2+$0xFFFFFFA0] =	vst v2;
	v2 =	vmul.f32 v1, v4;
	v1 =	vld [tilespmem:s2+$0xFFFFFFE0];
	(pc) =	sbr.rel @p1 .LBB2_81-.Ltmp41, $4  }
0x615: {  	v3 =	vld [tilespmem:s29+$0xFFFFFFE0]  }
0x616: {  	[tilespmem:s2+$0xFFFFFFB0] =	vst v2;
	v7 =	vmul.f32 v8, v7;
	v2 =	vld [tilespmem:s2+$0xFFFFFFF0]  }
0x617: {  	v4 =	vld [tilespmem:s29+$0xFFFFFFF0]  }
0x618: {  	s2 =	sadd.s32 $0x400, s2;
	v5 =	vld [tilespmem:s26+$0xFFFFFF90];
	[tilespmem:s26+$0xFFFFFFC0] =	vst v7;
	v6 =	vmul.f32 v9, v6  }
0x619: {  	_ =	sdelay $0x1  }
0x61a: {  	v1 =	vmul.f32 v3, v1  }
0x61b: {  	[tilespmem:s26+$0xFFFFFFD0] =	vst v6;
	v2 =	vmul.f32 v4, v2  }
0x61c: {  	[tilespmem:s26+$0xFFFFFFE0] =	vst v1;
	v0 =	vmul.f32 v0, v5  }
0x61d: {  	[tilespmem:s26+$0xFFFFFFF0] =	vst v2  }
0x61e: {  	[tilespmem:s26+$0xFFFFFF90] =	vst v0  }
0x61f: {  	v1 =	vld [tilespmem:s28+$0x0]  }
0x620: {  	v2 =	vld [tilespmem:s30+$0x0]  }
0x621: {  	v0 =	vld [tilespmem:s30+$0xFFFFFF90]  }
0x622: {  	v3 =	vld [tilespmem:s28+$0xFFFFFFA0]  }
0x623: {  	v4 =	vld [tilespmem:s30+$0xFFFFFFA0]  }
0x624: {  	v5 =	vld [tilespmem:s28+$0xFFFFFFB0]  }
0x625: {  	v6 =	vld [tilespmem:s30+$0xFFFFFFB0]  }
0x626: {  	v7 =	vld [tilespmem:s28+$0xFFFFFFC0]  }
0x627: {  	v8 =	vld [tilespmem:s30+$0xFFFFFFC0]  }
0x628: {  	v9 =	vld [tilespmem:s28+$0xFFFFFFD0]  }
0x629: {  	v10 =	vld [tilespmem:s30+$0xFFFFFFD0];
	v2 =	vmul.f32 v2, v1  }
0x62a: {  	v4 =	vmul.f32 v4, v3;
	v1 =	vld [tilespmem:s28+$0xFFFFFFE0]  }
0x62b: {  	v5 =	vmul.f32 v6, v5;
	v3 =	vld [tilespmem:s30+$0xFFFFFFE0];
	[tilespmem:s28+$0x0] =	vst v2  }
0x62c: {  	v6 =	vmul.f32 v8, v7;
	[tilespmem:s28+$0xFFFFFFA0] =	vst v4;
	v2 =	vld [tilespmem:s28+$0xFFFFFFF0]  }
0x62d: {  	s31 =	simm.s32 $0x0;
	[tilespmem:s28+$0xFFFFFFB0] =	vst v5;
	v4 =	vld [tilespmem:s30+$0xFFFFFFF0]  }
0x62e: {  	s29 =	simm.s32 $0x138F0;
	s2 =	simm.s32 $0x7C70;
	s26 =	simm.s32 $0x78F0;
	v5 =	vld [tilespmem:s28+$0xFFFFFF90];
	[tilespmem:s28+$0xFFFFFFC0] =	vst v6;
	v6 =	vmul.f32 v10, v9  }
.LBB2_83:
0x62f: {  	v7 =	vld [tilespmem:s2+$0x0];
	s30 =	sadd.s32 $0x400, s30  }
0x630: {  	s31 =	sadd.s32 $0x80, s31;
	v8 =	vld [tilespmem:s30+$0x0];
	[tilespmem:s28+$0xFFFFFFD0] =	vst v6;
	v1 =	vmul.f32 v3, v1  }
0x631: {  	p1 =	slt.u32 s31, $0x280;
	v3 =	vld [tilespmem:s30+$0xFFFFFF90]  }
0x632: {  	v6 =	vld [tilespmem:s2+$0xFFFFFFA0];
	[tilespmem:s28+$0xFFFFFFE0] =	vst v1;
	v1 =	vmul.f32 v4, v2  }
0x633: {  	v2 =	vld [tilespmem:s30+$0xFFFFFFA0];
	v9 =	vmul.f32 v0, v5  }
0x634: {  	v4 =	vld [tilespmem:s2+$0xFFFFFFB0];
	[tilespmem:s28+$0xFFFFFFF0] =	vst v1  }
0x635: {  	v1 =	vld [tilespmem:s30+$0xFFFFFFB0];
	v5 =	vmul.f32 v8, v7;
	[tilespmem:s28+$0xFFFFFF90] =	vst v9;
	s28 =	smov.u32 s2  }
0x636: {  	v7 =	vld [tilespmem:s2+$0xFFFFFFC0];
	v0 =	vmov v3  }
0x637: {  	v8 =	vld [tilespmem:s30+$0xFFFFFFC0];
	[tilespmem:s2+$0x0] =	vst v5  }
0x638: {  	v2 =	vmul.f32 v2, v6;
	v6 =	vld [tilespmem:s2+$0xFFFFFFD0]  }
0x639: {  	v9 =	vld [tilespmem:s30+$0xFFFFFFD0]  }
.Ltmp42:
0x63a: {  	[tilespmem:s2+$0xFFFFFFA0] =	vst v2;
	v2 =	vmul.f32 v1, v4;
	v1 =	vld [tilespmem:s2+$0xFFFFFFE0];
	(pc) =	sbr.rel @p1 .LBB2_83-.Ltmp42, $4  }
0x63b: {  	v3 =	vld [tilespmem:s30+$0xFFFFFFE0]  }
0x63c: {  	[tilespmem:s2+$0xFFFFFFB0] =	vst v2;
	v7 =	vmul.f32 v8, v7;
	v2 =	vld [tilespmem:s2+$0xFFFFFFF0]  }
0x63d: {  	v4 =	vld [tilespmem:s30+$0xFFFFFFF0]  }
0x63e: {  	s2 =	sadd.s32 $0x400, s2;
	v5 =	vld [tilespmem:s28+$0xFFFFFF90];
	[tilespmem:s28+$0xFFFFFFC0] =	vst v7;
	v6 =	vmul.f32 v9, v6  }
0x63f: {  	_ =	sdelay $0x1  }
0x640: {  	v1 =	vmul.f32 v3, v1  }
0x641: {  	[tilespmem:s28+$0xFFFFFFD0] =	vst v6;
	v2 =	vmul.f32 v4, v2  }
0x642: {  	[tilespmem:s28+$0xFFFFFFE0] =	vst v1;
	v0 =	vmul.f32 v0, v5  }
0x643: {  	[tilespmem:s28+$0xFFFFFFF0] =	vst v2  }
0x644: {  	[tilespmem:s28+$0xFFFFFF90] =	vst v0  }
0x645: {  	v1 =	vld [tilespmem:s26+$0x0]  }
0x646: {  	v2 =	vld [tilespmem:s29+$0x0]  }
0x647: {  	v0 =	vld [tilespmem:s29+$0xFFFFFF90]  }
0x648: {  	v3 =	vld [tilespmem:s26+$0xFFFFFFA0]  }
0x649: {  	v4 =	vld [tilespmem:s29+$0xFFFFFFA0]  }
0x64a: {  	v5 =	vld [tilespmem:s26+$0xFFFFFFB0]  }
0x64b: {  	v6 =	vld [tilespmem:s29+$0xFFFFFFB0]  }
0x64c: {  	v7 =	vld [tilespmem:s26+$0xFFFFFFC0]  }
0x64d: {  	v8 =	vld [tilespmem:s29+$0xFFFFFFC0]  }
0x64e: {  	v9 =	vld [tilespmem:s26+$0xFFFFFFD0]  }
0x64f: {  	v10 =	vld [tilespmem:s29+$0xFFFFFFD0];
	v2 =	vmul.f32 v2, v1  }
0x650: {  	v4 =	vmul.f32 v4, v3;
	v1 =	vld [tilespmem:s26+$0xFFFFFFE0]  }
0x651: {  	v5 =	vmul.f32 v6, v5;
	v3 =	vld [tilespmem:s29+$0xFFFFFFE0];
	[tilespmem:s26+$0x0] =	vst v2  }
0x652: {  	v6 =	vmul.f32 v8, v7;
	[tilespmem:s26+$0xFFFFFFA0] =	vst v4;
	v2 =	vld [tilespmem:s26+$0xFFFFFFF0]  }
0x653: {  	s31 =	simm.s32 $0x0;
	[tilespmem:s26+$0xFFFFFFB0] =	vst v5;
	v4 =	vld [tilespmem:s29+$0xFFFFFFF0]  }
0x654: {  	s30 =	simm.s32 $0x13970;
	s2 =	simm.s32 $0x7CF0;
	s28 =	simm.s32 $0x7970;
	v5 =	vld [tilespmem:s26+$0xFFFFFF90];
	[tilespmem:s26+$0xFFFFFFC0] =	vst v6;
	v6 =	vmul.f32 v10, v9  }
.LBB2_85:
0x655: {  	v7 =	vld [tilespmem:s2+$0x0];
	s29 =	sadd.s32 $0x400, s29  }
0x656: {  	s31 =	sadd.s32 $0x80, s31;
	v8 =	vld [tilespmem:s29+$0x0];
	[tilespmem:s26+$0xFFFFFFD0] =	vst v6;
	v1 =	vmul.f32 v3, v1  }
0x657: {  	p1 =	slt.u32 s31, $0x280;
	v3 =	vld [tilespmem:s29+$0xFFFFFF90]  }
0x658: {  	v6 =	vld [tilespmem:s2+$0xFFFFFFA0];
	[tilespmem:s26+$0xFFFFFFE0] =	vst v1;
	v1 =	vmul.f32 v4, v2  }
0x659: {  	v2 =	vld [tilespmem:s29+$0xFFFFFFA0];
	v9 =	vmul.f32 v0, v5  }
0x65a: {  	v4 =	vld [tilespmem:s2+$0xFFFFFFB0];
	[tilespmem:s26+$0xFFFFFFF0] =	vst v1  }
0x65b: {  	v1 =	vld [tilespmem:s29+$0xFFFFFFB0];
	v5 =	vmul.f32 v8, v7;
	[tilespmem:s26+$0xFFFFFF90] =	vst v9;
	s26 =	smov.u32 s2  }
0x65c: {  	v7 =	vld [tilespmem:s2+$0xFFFFFFC0];
	v0 =	vmov v3  }
0x65d: {  	v8 =	vld [tilespmem:s29+$0xFFFFFFC0];
	[tilespmem:s2+$0x0] =	vst v5  }
0x65e: {  	v2 =	vmul.f32 v2, v6;
	v6 =	vld [tilespmem:s2+$0xFFFFFFD0]  }
0x65f: {  	v9 =	vld [tilespmem:s29+$0xFFFFFFD0]  }
.Ltmp43:
0x660: {  	[tilespmem:s2+$0xFFFFFFA0] =	vst v2;
	v2 =	vmul.f32 v1, v4;
	v1 =	vld [tilespmem:s2+$0xFFFFFFE0];
	(pc) =	sbr.rel @p1 .LBB2_85-.Ltmp43, $4  }
0x661: {  	v3 =	vld [tilespmem:s29+$0xFFFFFFE0]  }
0x662: {  	[tilespmem:s2+$0xFFFFFFB0] =	vst v2;
	v7 =	vmul.f32 v8, v7;
	v2 =	vld [tilespmem:s2+$0xFFFFFFF0]  }
0x663: {  	v4 =	vld [tilespmem:s29+$0xFFFFFFF0]  }
0x664: {  	s2 =	sadd.s32 $0x400, s2;
	v5 =	vld [tilespmem:s26+$0xFFFFFF90];
	[tilespmem:s26+$0xFFFFFFC0] =	vst v7;
	v6 =	vmul.f32 v9, v6  }
0x665: {  	_ =	sdelay $0x1  }
0x666: {  	v1 =	vmul.f32 v3, v1  }
0x667: {  	[tilespmem:s26+$0xFFFFFFD0] =	vst v6;
	v2 =	vmul.f32 v4, v2  }
0x668: {  	[tilespmem:s26+$0xFFFFFFE0] =	vst v1;
	v0 =	vmul.f32 v0, v5  }
0x669: {  	[tilespmem:s26+$0xFFFFFFF0] =	vst v2  }
0x66a: {  	[tilespmem:s26+$0xFFFFFF90] =	vst v0  }
0x66b: {  	v1 =	vld [tilespmem:s28+$0x0]  }
0x66c: {  	v2 =	vld [tilespmem:s30+$0x0]  }
0x66d: {  	v0 =	vld [tilespmem:s30+$0xFFFFFF90]  }
0x66e: {  	v3 =	vld [tilespmem:s28+$0xFFFFFFA0]  }
0x66f: {  	v4 =	vld [tilespmem:s30+$0xFFFFFFA0]  }
0x670: {  	v5 =	vld [tilespmem:s28+$0xFFFFFFB0]  }
0x671: {  	v6 =	vld [tilespmem:s30+$0xFFFFFFB0]  }
0x672: {  	v7 =	vld [tilespmem:s28+$0xFFFFFFC0]  }
0x673: {  	v8 =	vld [tilespmem:s30+$0xFFFFFFC0]  }
0x674: {  	v9 =	vld [tilespmem:s28+$0xFFFFFFD0]  }
0x675: {  	v10 =	vld [tilespmem:s30+$0xFFFFFFD0];
	v2 =	vmul.f32 v2, v1  }
0x676: {  	v4 =	vmul.f32 v4, v3;
	v1 =	vld [tilespmem:s28+$0xFFFFFFE0]  }
0x677: {  	v5 =	vmul.f32 v6, v5;
	v3 =	vld [tilespmem:s30+$0xFFFFFFE0];
	[tilespmem:s28+$0x0] =	vst v2  }
0x678: {  	v6 =	vmul.f32 v8, v7;
	[tilespmem:s28+$0xFFFFFFA0] =	vst v4;
	v2 =	vld [tilespmem:s28+$0xFFFFFFF0]  }
0x679: {  	s31 =	simm.s32 $0x0;
	[tilespmem:s28+$0xFFFFFFB0] =	vst v5;
	v4 =	vld [tilespmem:s30+$0xFFFFFFF0]  }
0x67a: {  	s29 =	simm.s32 $0x139F0;
	s2 =	simm.s32 $0x7D70;
	s26 =	simm.s32 $0x79F0;
	v5 =	vld [tilespmem:s28+$0xFFFFFF90];
	[tilespmem:s28+$0xFFFFFFC0] =	vst v6;
	v6 =	vmul.f32 v10, v9  }
.LBB2_87:
0x67b: {  	v7 =	vld [tilespmem:s2+$0x0];
	s30 =	sadd.s32 $0x400, s30  }
0x67c: {  	s31 =	sadd.s32 $0x80, s31;
	v8 =	vld [tilespmem:s30+$0x0];
	[tilespmem:s28+$0xFFFFFFD0] =	vst v6;
	v1 =	vmul.f32 v3, v1  }
0x67d: {  	p1 =	slt.u32 s31, $0x280;
	v3 =	vld [tilespmem:s30+$0xFFFFFF90]  }
0x67e: {  	v6 =	vld [tilespmem:s2+$0xFFFFFFA0];
	[tilespmem:s28+$0xFFFFFFE0] =	vst v1;
	v1 =	vmul.f32 v4, v2  }
0x67f: {  	v2 =	vld [tilespmem:s30+$0xFFFFFFA0];
	v9 =	vmul.f32 v0, v5  }
0x680: {  	v4 =	vld [tilespmem:s2+$0xFFFFFFB0];
	[tilespmem:s28+$0xFFFFFFF0] =	vst v1  }
0x681: {  	v1 =	vld [tilespmem:s30+$0xFFFFFFB0];
	v5 =	vmul.f32 v8, v7;
	[tilespmem:s28+$0xFFFFFF90] =	vst v9;
	s28 =	smov.u32 s2  }
0x682: {  	v7 =	vld [tilespmem:s2+$0xFFFFFFC0];
	v0 =	vmov v3  }
0x683: {  	v8 =	vld [tilespmem:s30+$0xFFFFFFC0];
	[tilespmem:s2+$0x0] =	vst v5  }
0x684: {  	v2 =	vmul.f32 v2, v6;
	v6 =	vld [tilespmem:s2+$0xFFFFFFD0]  }
0x685: {  	v9 =	vld [tilespmem:s30+$0xFFFFFFD0]  }
.Ltmp44:
0x686: {  	[tilespmem:s2+$0xFFFFFFA0] =	vst v2;
	v2 =	vmul.f32 v1, v4;
	v1 =	vld [tilespmem:s2+$0xFFFFFFE0];
	(pc) =	sbr.rel @p1 .LBB2_87-.Ltmp44, $4  }
0x687: {  	v3 =	vld [tilespmem:s30+$0xFFFFFFE0]  }
0x688: {  	[tilespmem:s2+$0xFFFFFFB0] =	vst v2;
	v7 =	vmul.f32 v8, v7;
	v2 =	vld [tilespmem:s2+$0xFFFFFFF0]  }
0x689: {  	v4 =	vld [tilespmem:s30+$0xFFFFFFF0]  }
0x68a: {  	s2 =	sadd.s32 $0x400, s2;
	v5 =	vld [tilespmem:s28+$0xFFFFFF90];
	[tilespmem:s28+$0xFFFFFFC0] =	vst v7;
	v6 =	vmul.f32 v9, v6  }
0x68b: {  	_ =	sdelay $0x1  }
0x68c: {  	v1 =	vmul.f32 v3, v1  }
0x68d: {  	[tilespmem:s28+$0xFFFFFFD0] =	vst v6;
	v2 =	vmul.f32 v4, v2  }
0x68e: {  	[tilespmem:s28+$0xFFFFFFE0] =	vst v1;
	v0 =	vmul.f32 v0, v5  }
0x68f: {  	[tilespmem:s28+$0xFFFFFFF0] =	vst v2  }
0x690: {  	[tilespmem:s28+$0xFFFFFF90] =	vst v0  }
0x691: {  	v1 =	vld [tilespmem:s26+$0x0]  }
0x692: {  	v2 =	vld [tilespmem:s29+$0x0]  }
0x693: {  	v0 =	vld [tilespmem:s29+$0xFFFFFF90]  }
0x694: {  	v3 =	vld [tilespmem:s26+$0xFFFFFFA0]  }
0x695: {  	v4 =	vld [tilespmem:s29+$0xFFFFFFA0]  }
0x696: {  	v5 =	vld [tilespmem:s26+$0xFFFFFFB0]  }
0x697: {  	v6 =	vld [tilespmem:s29+$0xFFFFFFB0]  }
0x698: {  	v7 =	vld [tilespmem:s26+$0xFFFFFFC0]  }
0x699: {  	v8 =	vld [tilespmem:s29+$0xFFFFFFC0]  }
0x69a: {  	v9 =	vld [tilespmem:s26+$0xFFFFFFD0]  }
0x69b: {  	v10 =	vld [tilespmem:s29+$0xFFFFFFD0];
	v2 =	vmul.f32 v2, v1  }
0x69c: {  	v4 =	vmul.f32 v4, v3;
	v1 =	vld [tilespmem:s26+$0xFFFFFFE0]  }
0x69d: {  	v5 =	vmul.f32 v6, v5;
	v3 =	vld [tilespmem:s29+$0xFFFFFFE0];
	[tilespmem:s26+$0x0] =	vst v2  }
0x69e: {  	v6 =	vmul.f32 v8, v7;
	[tilespmem:s26+$0xFFFFFFA0] =	vst v4;
	v2 =	vld [tilespmem:s26+$0xFFFFFFF0]  }
0x69f: {  	s31 =	simm.s32 $0x0;
	[tilespmem:s26+$0xFFFFFFB0] =	vst v5;
	v4 =	vld [tilespmem:s29+$0xFFFFFFF0]  }
0x6a0: {  	s30 =	simm.s32 $0x13A70;
	s2 =	simm.s32 $0x7DF0;
	s28 =	simm.s32 $0x7A70;
	v5 =	vld [tilespmem:s26+$0xFFFFFF90];
	[tilespmem:s26+$0xFFFFFFC0] =	vst v6;
	v6 =	vmul.f32 v10, v9  }
.LBB2_89:
0x6a1: {  	v7 =	vld [tilespmem:s2+$0x0];
	s29 =	sadd.s32 $0x400, s29  }
0x6a2: {  	s31 =	sadd.s32 $0x80, s31;
	v8 =	vld [tilespmem:s29+$0x0];
	[tilespmem:s26+$0xFFFFFFD0] =	vst v6;
	v1 =	vmul.f32 v3, v1  }
0x6a3: {  	p1 =	slt.u32 s31, $0x280;
	v3 =	vld [tilespmem:s29+$0xFFFFFF90]  }
0x6a4: {  	v6 =	vld [tilespmem:s2+$0xFFFFFFA0];
	[tilespmem:s26+$0xFFFFFFE0] =	vst v1;
	v1 =	vmul.f32 v4, v2  }
0x6a5: {  	v2 =	vld [tilespmem:s29+$0xFFFFFFA0];
	v9 =	vmul.f32 v0, v5  }
0x6a6: {  	v4 =	vld [tilespmem:s2+$0xFFFFFFB0];
	[tilespmem:s26+$0xFFFFFFF0] =	vst v1  }
0x6a7: {  	v1 =	vld [tilespmem:s29+$0xFFFFFFB0];
	v5 =	vmul.f32 v8, v7;
	[tilespmem:s26+$0xFFFFFF90] =	vst v9;
	s26 =	smov.u32 s2  }
0x6a8: {  	v7 =	vld [tilespmem:s2+$0xFFFFFFC0];
	v0 =	vmov v3  }
0x6a9: {  	v8 =	vld [tilespmem:s29+$0xFFFFFFC0];
	[tilespmem:s2+$0x0] =	vst v5  }
0x6aa: {  	v2 =	vmul.f32 v2, v6;
	v6 =	vld [tilespmem:s2+$0xFFFFFFD0]  }
0x6ab: {  	v9 =	vld [tilespmem:s29+$0xFFFFFFD0]  }
.Ltmp45:
0x6ac: {  	[tilespmem:s2+$0xFFFFFFA0] =	vst v2;
	v2 =	vmul.f32 v1, v4;
	v1 =	vld [tilespmem:s2+$0xFFFFFFE0];
	(pc) =	sbr.rel @p1 .LBB2_89-.Ltmp45, $4  }
0x6ad: {  	v3 =	vld [tilespmem:s29+$0xFFFFFFE0]  }
0x6ae: {  	[tilespmem:s2+$0xFFFFFFB0] =	vst v2;
	v7 =	vmul.f32 v8, v7;
	v2 =	vld [tilespmem:s2+$0xFFFFFFF0]  }
0x6af: {  	v4 =	vld [tilespmem:s29+$0xFFFFFFF0]  }
0x6b0: {  	s2 =	sadd.s32 $0x400, s2;
	v5 =	vld [tilespmem:s26+$0xFFFFFF90];
	[tilespmem:s26+$0xFFFFFFC0] =	vst v7;
	v6 =	vmul.f32 v9, v6  }
0x6b1: {  	_ =	sdelay $0x1  }
0x6b2: {  	v1 =	vmul.f32 v3, v1  }
0x6b3: {  	[tilespmem:s26+$0xFFFFFFD0] =	vst v6;
	v2 =	vmul.f32 v4, v2  }
0x6b4: {  	[tilespmem:s26+$0xFFFFFFE0] =	vst v1;
	v0 =	vmul.f32 v0, v5  }
0x6b5: {  	[tilespmem:s26+$0xFFFFFFF0] =	vst v2  }
0x6b6: {  	[tilespmem:s26+$0xFFFFFF90] =	vst v0  }
0x6b7: {  	v1 =	vld [tilespmem:s28+$0x0]  }
0x6b8: {  	v2 =	vld [tilespmem:s30+$0x0]  }
0x6b9: {  	v0 =	vld [tilespmem:s30+$0xFFFFFF90]  }
0x6ba: {  	v3 =	vld [tilespmem:s28+$0xFFFFFFA0]  }
0x6bb: {  	v4 =	vld [tilespmem:s30+$0xFFFFFFA0]  }
0x6bc: {  	v5 =	vld [tilespmem:s28+$0xFFFFFFB0]  }
0x6bd: {  	v6 =	vld [tilespmem:s30+$0xFFFFFFB0]  }
0x6be: {  	v7 =	vld [tilespmem:s28+$0xFFFFFFC0]  }
0x6bf: {  	v8 =	vld [tilespmem:s30+$0xFFFFFFC0]  }
0x6c0: {  	v9 =	vld [tilespmem:s28+$0xFFFFFFD0]  }
0x6c1: {  	v10 =	vld [tilespmem:s30+$0xFFFFFFD0];
	v2 =	vmul.f32 v2, v1  }
0x6c2: {  	v4 =	vmul.f32 v4, v3;
	v1 =	vld [tilespmem:s28+$0xFFFFFFE0]  }
0x6c3: {  	v5 =	vmul.f32 v6, v5;
	v3 =	vld [tilespmem:s30+$0xFFFFFFE0];
	[tilespmem:s28+$0x0] =	vst v2  }
0x6c4: {  	v6 =	vmul.f32 v8, v7;
	[tilespmem:s28+$0xFFFFFFA0] =	vst v4;
	v2 =	vld [tilespmem:s28+$0xFFFFFFF0]  }
0x6c5: {  	s31 =	simm.s32 $0x0;
	[tilespmem:s28+$0xFFFFFFB0] =	vst v5;
	v4 =	vld [tilespmem:s30+$0xFFFFFFF0]  }
0x6c6: {  	s29 =	simm.s32 $0x13AF0;
	s2 =	simm.s32 $0x7E70;
	s26 =	simm.s32 $0x7AF0;
	v5 =	vld [tilespmem:s28+$0xFFFFFF90];
	[tilespmem:s28+$0xFFFFFFC0] =	vst v6;
	v6 =	vmul.f32 v10, v9  }
.LBB2_91:
0x6c7: {  	v7 =	vld [tilespmem:s2+$0x0];
	s30 =	sadd.s32 $0x400, s30  }
0x6c8: {  	s31 =	sadd.s32 $0x80, s31;
	v8 =	vld [tilespmem:s30+$0x0];
	[tilespmem:s28+$0xFFFFFFD0] =	vst v6;
	v1 =	vmul.f32 v3, v1  }
0x6c9: {  	p1 =	slt.u32 s31, $0x280;
	v3 =	vld [tilespmem:s30+$0xFFFFFF90]  }
0x6ca: {  	v6 =	vld [tilespmem:s2+$0xFFFFFFA0];
	[tilespmem:s28+$0xFFFFFFE0] =	vst v1;
	v1 =	vmul.f32 v4, v2  }
0x6cb: {  	v2 =	vld [tilespmem:s30+$0xFFFFFFA0];
	v9 =	vmul.f32 v0, v5  }
0x6cc: {  	v4 =	vld [tilespmem:s2+$0xFFFFFFB0];
	[tilespmem:s28+$0xFFFFFFF0] =	vst v1  }
0x6cd: {  	v1 =	vld [tilespmem:s30+$0xFFFFFFB0];
	v5 =	vmul.f32 v8, v7;
	[tilespmem:s28+$0xFFFFFF90] =	vst v9;
	s28 =	smov.u32 s2  }
0x6ce: {  	v7 =	vld [tilespmem:s2+$0xFFFFFFC0];
	v0 =	vmov v3  }
0x6cf: {  	v8 =	vld [tilespmem:s30+$0xFFFFFFC0];
	[tilespmem:s2+$0x0] =	vst v5  }
0x6d0: {  	v2 =	vmul.f32 v2, v6;
	v6 =	vld [tilespmem:s2+$0xFFFFFFD0]  }
0x6d1: {  	v9 =	vld [tilespmem:s30+$0xFFFFFFD0]  }
.Ltmp46:
0x6d2: {  	[tilespmem:s2+$0xFFFFFFA0] =	vst v2;
	v2 =	vmul.f32 v1, v4;
	v1 =	vld [tilespmem:s2+$0xFFFFFFE0];
	(pc) =	sbr.rel @p1 .LBB2_91-.Ltmp46, $4  }
0x6d3: {  	v3 =	vld [tilespmem:s30+$0xFFFFFFE0]  }
0x6d4: {  	[tilespmem:s2+$0xFFFFFFB0] =	vst v2;
	v7 =	vmul.f32 v8, v7;
	v2 =	vld [tilespmem:s2+$0xFFFFFFF0]  }
0x6d5: {  	v4 =	vld [tilespmem:s30+$0xFFFFFFF0]  }
0x6d6: {  	s2 =	sadd.s32 $0x400, s2;
	v5 =	vld [tilespmem:s28+$0xFFFFFF90];
	[tilespmem:s28+$0xFFFFFFC0] =	vst v7;
	v6 =	vmul.f32 v9, v6  }
0x6d7: {  	_ =	sdelay $0x1  }
0x6d8: {  	v1 =	vmul.f32 v3, v1  }
0x6d9: {  	[tilespmem:s28+$0xFFFFFFD0] =	vst v6;
	v2 =	vmul.f32 v4, v2  }
0x6da: {  	[tilespmem:s28+$0xFFFFFFE0] =	vst v1;
	v0 =	vmul.f32 v0, v5  }
0x6db: {  	[tilespmem:s28+$0xFFFFFFF0] =	vst v2  }
0x6dc: {  	[tilespmem:s28+$0xFFFFFF90] =	vst v0  }
0x6dd: {  	v1 =	vld [tilespmem:s26+$0x0]  }
0x6de: {  	v2 =	vld [tilespmem:s29+$0x0]  }
0x6df: {  	v0 =	vld [tilespmem:s29+$0xFFFFFF90]  }
0x6e0: {  	v3 =	vld [tilespmem:s26+$0xFFFFFFA0]  }
0x6e1: {  	v4 =	vld [tilespmem:s29+$0xFFFFFFA0]  }
0x6e2: {  	v5 =	vld [tilespmem:s26+$0xFFFFFFB0]  }
0x6e3: {  	v6 =	vld [tilespmem:s29+$0xFFFFFFB0]  }
0x6e4: {  	v7 =	vld [tilespmem:s26+$0xFFFFFFC0]  }
0x6e5: {  	v8 =	vld [tilespmem:s29+$0xFFFFFFC0]  }
0x6e6: {  	v9 =	vld [tilespmem:s26+$0xFFFFFFD0]  }
0x6e7: {  	v10 =	vld [tilespmem:s29+$0xFFFFFFD0];
	v2 =	vmul.f32 v2, v1  }
0x6e8: {  	v4 =	vmul.f32 v4, v3;
	v1 =	vld [tilespmem:s26+$0xFFFFFFE0]  }
0x6e9: {  	v5 =	vmul.f32 v6, v5;
	v3 =	vld [tilespmem:s29+$0xFFFFFFE0];
	[tilespmem:s26+$0x0] =	vst v2  }
0x6ea: {  	v6 =	vmul.f32 v8, v7;
	[tilespmem:s26+$0xFFFFFFA0] =	vst v4;
	v2 =	vld [tilespmem:s26+$0xFFFFFFF0]  }
0x6eb: {  	s31 =	simm.s32 $0x0;
	[tilespmem:s26+$0xFFFFFFB0] =	vst v5;
	v4 =	vld [tilespmem:s29+$0xFFFFFFF0]  }
0x6ec: {  	s30 =	simm.s32 $0x13B70;
	s2 =	simm.s32 $0x7EF0;
	s28 =	simm.s32 $0x7B70;
	v5 =	vld [tilespmem:s26+$0xFFFFFF90];
	[tilespmem:s26+$0xFFFFFFC0] =	vst v6;
	v6 =	vmul.f32 v10, v9  }
.LBB2_93:
0x6ed: {  	v7 =	vld [tilespmem:s2+$0x0];
	s29 =	sadd.s32 $0x400, s29  }
0x6ee: {  	s31 =	sadd.s32 $0x80, s31;
	v8 =	vld [tilespmem:s29+$0x0];
	[tilespmem:s26+$0xFFFFFFD0] =	vst v6;
	v1 =	vmul.f32 v3, v1  }
0x6ef: {  	p1 =	slt.u32 s31, $0x280;
	v3 =	vld [tilespmem:s29+$0xFFFFFF90]  }
0x6f0: {  	v6 =	vld [tilespmem:s2+$0xFFFFFFA0];
	[tilespmem:s26+$0xFFFFFFE0] =	vst v1;
	v1 =	vmul.f32 v4, v2  }
0x6f1: {  	v2 =	vld [tilespmem:s29+$0xFFFFFFA0];
	v9 =	vmul.f32 v0, v5  }
0x6f2: {  	v4 =	vld [tilespmem:s2+$0xFFFFFFB0];
	[tilespmem:s26+$0xFFFFFFF0] =	vst v1  }
0x6f3: {  	v1 =	vld [tilespmem:s29+$0xFFFFFFB0];
	v5 =	vmul.f32 v8, v7;
	[tilespmem:s26+$0xFFFFFF90] =	vst v9;
	s26 =	smov.u32 s2  }
0x6f4: {  	v7 =	vld [tilespmem:s2+$0xFFFFFFC0];
	v0 =	vmov v3  }
0x6f5: {  	v8 =	vld [tilespmem:s29+$0xFFFFFFC0];
	[tilespmem:s2+$0x0] =	vst v5  }
0x6f6: {  	v2 =	vmul.f32 v2, v6;
	v6 =	vld [tilespmem:s2+$0xFFFFFFD0]  }
0x6f7: {  	v9 =	vld [tilespmem:s29+$0xFFFFFFD0]  }
.Ltmp47:
0x6f8: {  	[tilespmem:s2+$0xFFFFFFA0] =	vst v2;
	v2 =	vmul.f32 v1, v4;
	v1 =	vld [tilespmem:s2+$0xFFFFFFE0];
	(pc) =	sbr.rel @p1 .LBB2_93-.Ltmp47, $4  }
0x6f9: {  	v3 =	vld [tilespmem:s29+$0xFFFFFFE0]  }
0x6fa: {  	[tilespmem:s2+$0xFFFFFFB0] =	vst v2;
	v7 =	vmul.f32 v8, v7;
	v2 =	vld [tilespmem:s2+$0xFFFFFFF0]  }
0x6fb: {  	v4 =	vld [tilespmem:s29+$0xFFFFFFF0]  }
0x6fc: {  	s2 =	sadd.s32 $0x400, s2;
	v5 =	vld [tilespmem:s26+$0xFFFFFF90];
	[tilespmem:s26+$0xFFFFFFC0] =	vst v7;
	v6 =	vmul.f32 v9, v6  }
0x6fd: {  	_ =	sdelay $0x1  }
0x6fe: {  	v1 =	vmul.f32 v3, v1  }
0x6ff: {  	[tilespmem:s26+$0xFFFFFFD0] =	vst v6;
	v2 =	vmul.f32 v4, v2  }
0x700: {  	[tilespmem:s26+$0xFFFFFFE0] =	vst v1;
	v0 =	vmul.f32 v0, v5  }
0x701: {  	[tilespmem:s26+$0xFFFFFFF0] =	vst v2  }
0x702: {  	[tilespmem:s26+$0xFFFFFF90] =	vst v0  }
0x703: {  	v1 =	vld [tilespmem:s28+$0x0]  }
0x704: {  	v2 =	vld [tilespmem:s30+$0x0]  }
0x705: {  	v0 =	vld [tilespmem:s30+$0xFFFFFF90]  }
0x706: {  	v3 =	vld [tilespmem:s28+$0xFFFFFFA0]  }
0x707: {  	v4 =	vld [tilespmem:s30+$0xFFFFFFA0]  }
0x708: {  	v5 =	vld [tilespmem:s28+$0xFFFFFFB0]  }
0x709: {  	v6 =	vld [tilespmem:s30+$0xFFFFFFB0]  }
0x70a: {  	v7 =	vld [tilespmem:s28+$0xFFFFFFC0]  }
0x70b: {  	v8 =	vld [tilespmem:s30+$0xFFFFFFC0]  }
0x70c: {  	v9 =	vld [tilespmem:s28+$0xFFFFFFD0]  }
0x70d: {  	v10 =	vld [tilespmem:s30+$0xFFFFFFD0];
	v2 =	vmul.f32 v2, v1  }
0x70e: {  	v4 =	vmul.f32 v4, v3;
	v1 =	vld [tilespmem:s28+$0xFFFFFFE0]  }
0x70f: {  	v5 =	vmul.f32 v6, v5;
	v3 =	vld [tilespmem:s30+$0xFFFFFFE0];
	[tilespmem:s28+$0x0] =	vst v2  }
0x710: {  	v6 =	vmul.f32 v8, v7;
	[tilespmem:s28+$0xFFFFFFA0] =	vst v4;
	v2 =	vld [tilespmem:s28+$0xFFFFFFF0]  }
0x711: {  	s31 =	simm.s32 $0x0;
	[tilespmem:s28+$0xFFFFFFB0] =	vst v5;
	v4 =	vld [tilespmem:s30+$0xFFFFFFF0]  }
0x712: {  	s29 =	simm.s32 $0x13BF0;
	s2 =	simm.s32 $0x7F70;
	s26 =	simm.s32 $0x7BF0;
	v5 =	vld [tilespmem:s28+$0xFFFFFF90];
	[tilespmem:s28+$0xFFFFFFC0] =	vst v6;
	v6 =	vmul.f32 v10, v9  }
.LBB2_95:
0x713: {  	v7 =	vld [tilespmem:s2+$0x0];
	s30 =	sadd.s32 $0x400, s30  }
0x714: {  	s31 =	sadd.s32 $0x80, s31;
	v8 =	vld [tilespmem:s30+$0x0];
	[tilespmem:s28+$0xFFFFFFD0] =	vst v6;
	v1 =	vmul.f32 v3, v1  }
0x715: {  	p1 =	slt.u32 s31, $0x280;
	v3 =	vld [tilespmem:s30+$0xFFFFFF90]  }
0x716: {  	v6 =	vld [tilespmem:s2+$0xFFFFFFA0];
	[tilespmem:s28+$0xFFFFFFE0] =	vst v1;
	v1 =	vmul.f32 v4, v2  }
0x717: {  	v2 =	vld [tilespmem:s30+$0xFFFFFFA0];
	v9 =	vmul.f32 v0, v5  }
0x718: {  	v4 =	vld [tilespmem:s2+$0xFFFFFFB0];
	[tilespmem:s28+$0xFFFFFFF0] =	vst v1  }
0x719: {  	v1 =	vld [tilespmem:s30+$0xFFFFFFB0];
	v5 =	vmul.f32 v8, v7;
	[tilespmem:s28+$0xFFFFFF90] =	vst v9;
	s28 =	smov.u32 s2  }
0x71a: {  	v7 =	vld [tilespmem:s2+$0xFFFFFFC0];
	v0 =	vmov v3  }
0x71b: {  	v8 =	vld [tilespmem:s30+$0xFFFFFFC0];
	[tilespmem:s2+$0x0] =	vst v5  }
0x71c: {  	v2 =	vmul.f32 v2, v6;
	v6 =	vld [tilespmem:s2+$0xFFFFFFD0]  }
0x71d: {  	v9 =	vld [tilespmem:s30+$0xFFFFFFD0]  }
.Ltmp48:
0x71e: {  	[tilespmem:s2+$0xFFFFFFA0] =	vst v2;
	v2 =	vmul.f32 v1, v4;
	v1 =	vld [tilespmem:s2+$0xFFFFFFE0];
	(pc) =	sbr.rel @p1 .LBB2_95-.Ltmp48, $4  }
0x71f: {  	v3 =	vld [tilespmem:s30+$0xFFFFFFE0]  }
0x720: {  	[tilespmem:s2+$0xFFFFFFB0] =	vst v2;
	v7 =	vmul.f32 v8, v7;
	v2 =	vld [tilespmem:s2+$0xFFFFFFF0]  }
0x721: {  	v4 =	vld [tilespmem:s30+$0xFFFFFFF0]  }
0x722: {  	s2 =	sadd.s32 $0x400, s2;
	v5 =	vld [tilespmem:s28+$0xFFFFFF90];
	[tilespmem:s28+$0xFFFFFFC0] =	vst v7;
	v6 =	vmul.f32 v9, v6  }
0x723: {  	_ =	sdelay $0x1  }
0x724: {  	v1 =	vmul.f32 v3, v1  }
0x725: {  	[tilespmem:s28+$0xFFFFFFD0] =	vst v6;
	v2 =	vmul.f32 v4, v2  }
0x726: {  	[tilespmem:s28+$0xFFFFFFE0] =	vst v1;
	v0 =	vmul.f32 v0, v5  }
0x727: {  	[tilespmem:s28+$0xFFFFFFF0] =	vst v2  }
0x728: {  	[tilespmem:s28+$0xFFFFFF90] =	vst v0  }
0x729: {  	v1 =	vld [tilespmem:s26+$0x0]  }
0x72a: {  	v2 =	vld [tilespmem:s29+$0x0]  }
0x72b: {  	v0 =	vld [tilespmem:s29+$0xFFFFFF90]  }
0x72c: {  	v3 =	vld [tilespmem:s26+$0xFFFFFFA0]  }
0x72d: {  	v4 =	vld [tilespmem:s29+$0xFFFFFFA0]  }
0x72e: {  	v5 =	vld [tilespmem:s26+$0xFFFFFFB0]  }
0x72f: {  	v6 =	vld [tilespmem:s29+$0xFFFFFFB0]  }
0x730: {  	v7 =	vld [tilespmem:s26+$0xFFFFFFC0]  }
0x731: {  	v8 =	vld [tilespmem:s29+$0xFFFFFFC0]  }
0x732: {  	v9 =	vld [tilespmem:s26+$0xFFFFFFD0]  }
0x733: {  	v10 =	vld [tilespmem:s29+$0xFFFFFFD0];
	v2 =	vmul.f32 v2, v1  }
0x734: {  	v4 =	vmul.f32 v4, v3;
	v1 =	vld [tilespmem:s26+$0xFFFFFFE0]  }
0x735: {  	v5 =	vmul.f32 v6, v5;
	v3 =	vld [tilespmem:s29+$0xFFFFFFE0];
	[tilespmem:s26+$0x0] =	vst v2  }
0x736: {  	v6 =	vmul.f32 v8, v7;
	[tilespmem:s26+$0xFFFFFFA0] =	vst v4;
	v2 =	vld [tilespmem:s26+$0xFFFFFFF0]  }
0x737: {  	s31 =	simm.s32 $0x0;
	[tilespmem:s26+$0xFFFFFFB0] =	vst v5;
	v4 =	vld [tilespmem:s29+$0xFFFFFFF0]  }
0x738: {  	s30 =	simm.s32 $0x15070;
	s2 =	simm.s32 $0x7FF0;
	s28 =	simm.s32 $0x9070;
	v5 =	vld [tilespmem:s26+$0xFFFFFF90];
	[tilespmem:s26+$0xFFFFFFC0] =	vst v6;
	v6 =	vmul.f32 v10, v9  }
.LBB2_97:
0x739: {  	v7 =	vld [tilespmem:s2+$0x0];
	s29 =	sadd.s32 $0x400, s29  }
0x73a: {  	s31 =	sadd.s32 $0x80, s31;
	v8 =	vld [tilespmem:s29+$0x0];
	[tilespmem:s26+$0xFFFFFFD0] =	vst v6;
	v1 =	vmul.f32 v3, v1  }
0x73b: {  	p1 =	slt.u32 s31, $0x280;
	v3 =	vld [tilespmem:s29+$0xFFFFFF90]  }
0x73c: {  	v6 =	vld [tilespmem:s2+$0xFFFFFFA0];
	[tilespmem:s26+$0xFFFFFFE0] =	vst v1;
	v1 =	vmul.f32 v4, v2  }
0x73d: {  	v2 =	vld [tilespmem:s29+$0xFFFFFFA0];
	v9 =	vmul.f32 v0, v5  }
0x73e: {  	v4 =	vld [tilespmem:s2+$0xFFFFFFB0];
	[tilespmem:s26+$0xFFFFFFF0] =	vst v1  }
0x73f: {  	v1 =	vld [tilespmem:s29+$0xFFFFFFB0];
	v5 =	vmul.f32 v8, v7;
	[tilespmem:s26+$0xFFFFFF90] =	vst v9;
	s26 =	smov.u32 s2  }
0x740: {  	v7 =	vld [tilespmem:s2+$0xFFFFFFC0];
	v0 =	vmov v3  }
0x741: {  	v8 =	vld [tilespmem:s29+$0xFFFFFFC0];
	[tilespmem:s2+$0x0] =	vst v5  }
0x742: {  	v2 =	vmul.f32 v2, v6;
	v6 =	vld [tilespmem:s2+$0xFFFFFFD0]  }
0x743: {  	v9 =	vld [tilespmem:s29+$0xFFFFFFD0]  }
.Ltmp49:
0x744: {  	[tilespmem:s2+$0xFFFFFFA0] =	vst v2;
	v2 =	vmul.f32 v1, v4;
	v1 =	vld [tilespmem:s2+$0xFFFFFFE0];
	(pc) =	sbr.rel @p1 .LBB2_97-.Ltmp49, $4  }
0x745: {  	v3 =	vld [tilespmem:s29+$0xFFFFFFE0]  }
0x746: {  	[tilespmem:s2+$0xFFFFFFB0] =	vst v2;
	v7 =	vmul.f32 v8, v7;
	v2 =	vld [tilespmem:s2+$0xFFFFFFF0]  }
0x747: {  	v4 =	vld [tilespmem:s29+$0xFFFFFFF0]  }
0x748: {  	s2 =	sadd.s32 $0x400, s2;
	v5 =	vld [tilespmem:s26+$0xFFFFFF90];
	[tilespmem:s26+$0xFFFFFFC0] =	vst v7;
	v6 =	vmul.f32 v9, v6  }
0x749: {  	_ =	sdelay $0x1  }
0x74a: {  	v1 =	vmul.f32 v3, v1  }
0x74b: {  	[tilespmem:s26+$0xFFFFFFD0] =	vst v6;
	v2 =	vmul.f32 v4, v2  }
0x74c: {  	[tilespmem:s26+$0xFFFFFFE0] =	vst v1;
	v0 =	vmul.f32 v0, v5  }
0x74d: {  	[tilespmem:s26+$0xFFFFFFF0] =	vst v2  }
0x74e: {  	[tilespmem:s26+$0xFFFFFF90] =	vst v0  }
0x74f: {  	v1 =	vld [tilespmem:s28+$0x0]  }
0x750: {  	v2 =	vld [tilespmem:s30+$0x0]  }
0x751: {  	v0 =	vld [tilespmem:s30+$0xFFFFFF90]  }
0x752: {  	v3 =	vld [tilespmem:s28+$0xFFFFFFA0]  }
0x753: {  	v4 =	vld [tilespmem:s30+$0xFFFFFFA0]  }
0x754: {  	v5 =	vld [tilespmem:s28+$0xFFFFFFB0]  }
0x755: {  	v6 =	vld [tilespmem:s30+$0xFFFFFFB0]  }
0x756: {  	v7 =	vld [tilespmem:s28+$0xFFFFFFC0]  }
0x757: {  	v8 =	vld [tilespmem:s30+$0xFFFFFFC0]  }
0x758: {  	v9 =	vld [tilespmem:s28+$0xFFFFFFD0]  }
0x759: {  	v10 =	vld [tilespmem:s30+$0xFFFFFFD0];
	v2 =	vmul.f32 v2, v1  }
0x75a: {  	v4 =	vmul.f32 v4, v3;
	v1 =	vld [tilespmem:s28+$0xFFFFFFE0]  }
0x75b: {  	v5 =	vmul.f32 v6, v5;
	v3 =	vld [tilespmem:s30+$0xFFFFFFE0];
	[tilespmem:s28+$0x0] =	vst v2  }
0x75c: {  	v6 =	vmul.f32 v8, v7;
	[tilespmem:s28+$0xFFFFFFA0] =	vst v4;
	v2 =	vld [tilespmem:s28+$0xFFFFFFF0]  }
0x75d: {  	s31 =	simm.s32 $0x0;
	[tilespmem:s28+$0xFFFFFFB0] =	vst v5;
	v4 =	vld [tilespmem:s30+$0xFFFFFFF0]  }
0x75e: {  	s29 =	simm.s32 $0x150F0;
	s2 =	simm.s32 $0x9470;
	s26 =	simm.s32 $0x90F0;
	v5 =	vld [tilespmem:s28+$0xFFFFFF90];
	[tilespmem:s28+$0xFFFFFFC0] =	vst v6;
	v6 =	vmul.f32 v10, v9  }
.LBB2_99:
0x75f: {  	v7 =	vld [tilespmem:s2+$0x0];
	s30 =	sadd.s32 $0x400, s30  }
0x760: {  	s31 =	sadd.s32 $0x80, s31;
	v8 =	vld [tilespmem:s30+$0x0];
	[tilespmem:s28+$0xFFFFFFD0] =	vst v6;
	v1 =	vmul.f32 v3, v1  }
0x761: {  	p1 =	slt.u32 s31, $0x280;
	v3 =	vld [tilespmem:s30+$0xFFFFFF90]  }
0x762: {  	v6 =	vld [tilespmem:s2+$0xFFFFFFA0];
	[tilespmem:s28+$0xFFFFFFE0] =	vst v1;
	v1 =	vmul.f32 v4, v2  }
0x763: {  	v2 =	vld [tilespmem:s30+$0xFFFFFFA0];
	v9 =	vmul.f32 v0, v5  }
0x764: {  	v4 =	vld [tilespmem:s2+$0xFFFFFFB0];
	[tilespmem:s28+$0xFFFFFFF0] =	vst v1  }
0x765: {  	v1 =	vld [tilespmem:s30+$0xFFFFFFB0];
	v5 =	vmul.f32 v8, v7;
	[tilespmem:s28+$0xFFFFFF90] =	vst v9;
	s28 =	smov.u32 s2  }
0x766: {  	v7 =	vld [tilespmem:s2+$0xFFFFFFC0];
	v0 =	vmov v3  }
0x767: {  	v8 =	vld [tilespmem:s30+$0xFFFFFFC0];
	[tilespmem:s2+$0x0] =	vst v5  }
0x768: {  	v2 =	vmul.f32 v2, v6;
	v6 =	vld [tilespmem:s2+$0xFFFFFFD0]  }
0x769: {  	v9 =	vld [tilespmem:s30+$0xFFFFFFD0]  }
.Ltmp50:
0x76a: {  	[tilespmem:s2+$0xFFFFFFA0] =	vst v2;
	v2 =	vmul.f32 v1, v4;
	v1 =	vld [tilespmem:s2+$0xFFFFFFE0];
	(pc) =	sbr.rel @p1 .LBB2_99-.Ltmp50, $4  }
0x76b: {  	v3 =	vld [tilespmem:s30+$0xFFFFFFE0]  }
0x76c: {  	[tilespmem:s2+$0xFFFFFFB0] =	vst v2;
	v7 =	vmul.f32 v8, v7;
	v2 =	vld [tilespmem:s2+$0xFFFFFFF0]  }
0x76d: {  	v4 =	vld [tilespmem:s30+$0xFFFFFFF0]  }
0x76e: {  	s2 =	sadd.s32 $0x400, s2;
	v5 =	vld [tilespmem:s28+$0xFFFFFF90];
	[tilespmem:s28+$0xFFFFFFC0] =	vst v7;
	v6 =	vmul.f32 v9, v6  }
0x76f: {  	_ =	sdelay $0x1  }
0x770: {  	v1 =	vmul.f32 v3, v1  }
0x771: {  	[tilespmem:s28+$0xFFFFFFD0] =	vst v6;
	v2 =	vmul.f32 v4, v2  }
0x772: {  	[tilespmem:s28+$0xFFFFFFE0] =	vst v1;
	v0 =	vmul.f32 v0, v5  }
0x773: {  	[tilespmem:s28+$0xFFFFFFF0] =	vst v2  }
0x774: {  	[tilespmem:s28+$0xFFFFFF90] =	vst v0  }
0x775: {  	v1 =	vld [tilespmem:s26+$0x0]  }
0x776: {  	v2 =	vld [tilespmem:s29+$0x0]  }
0x777: {  	v0 =	vld [tilespmem:s29+$0xFFFFFF90]  }
0x778: {  	v3 =	vld [tilespmem:s26+$0xFFFFFFA0]  }
0x779: {  	v4 =	vld [tilespmem:s29+$0xFFFFFFA0]  }
0x77a: {  	v5 =	vld [tilespmem:s26+$0xFFFFFFB0]  }
0x77b: {  	v6 =	vld [tilespmem:s29+$0xFFFFFFB0]  }
0x77c: {  	v7 =	vld [tilespmem:s26+$0xFFFFFFC0]  }
0x77d: {  	v8 =	vld [tilespmem:s29+$0xFFFFFFC0]  }
0x77e: {  	v9 =	vld [tilespmem:s26+$0xFFFFFFD0]  }
0x77f: {  	v10 =	vld [tilespmem:s29+$0xFFFFFFD0];
	v2 =	vmul.f32 v2, v1  }
0x780: {  	v4 =	vmul.f32 v4, v3;
	v1 =	vld [tilespmem:s26+$0xFFFFFFE0]  }
0x781: {  	v5 =	vmul.f32 v6, v5;
	v3 =	vld [tilespmem:s29+$0xFFFFFFE0];
	[tilespmem:s26+$0x0] =	vst v2  }
0x782: {  	v6 =	vmul.f32 v8, v7;
	[tilespmem:s26+$0xFFFFFFA0] =	vst v4;
	v2 =	vld [tilespmem:s26+$0xFFFFFFF0]  }
0x783: {  	s31 =	simm.s32 $0x0;
	[tilespmem:s26+$0xFFFFFFB0] =	vst v5;
	v4 =	vld [tilespmem:s29+$0xFFFFFFF0]  }
0x784: {  	s30 =	simm.s32 $0x15170;
	s2 =	simm.s32 $0x94F0;
	s28 =	simm.s32 $0x9170;
	v5 =	vld [tilespmem:s26+$0xFFFFFF90];
	[tilespmem:s26+$0xFFFFFFC0] =	vst v6;
	v6 =	vmul.f32 v10, v9  }
.LBB2_101:
0x785: {  	v7 =	vld [tilespmem:s2+$0x0];
	s29 =	sadd.s32 $0x400, s29  }
0x786: {  	s31 =	sadd.s32 $0x80, s31;
	v8 =	vld [tilespmem:s29+$0x0];
	[tilespmem:s26+$0xFFFFFFD0] =	vst v6;
	v1 =	vmul.f32 v3, v1  }
0x787: {  	p1 =	slt.u32 s31, $0x280;
	v3 =	vld [tilespmem:s29+$0xFFFFFF90]  }
0x788: {  	v6 =	vld [tilespmem:s2+$0xFFFFFFA0];
	[tilespmem:s26+$0xFFFFFFE0] =	vst v1;
	v1 =	vmul.f32 v4, v2  }
0x789: {  	v2 =	vld [tilespmem:s29+$0xFFFFFFA0];
	v9 =	vmul.f32 v0, v5  }
0x78a: {  	v4 =	vld [tilespmem:s2+$0xFFFFFFB0];
	[tilespmem:s26+$0xFFFFFFF0] =	vst v1  }
0x78b: {  	v1 =	vld [tilespmem:s29+$0xFFFFFFB0];
	v5 =	vmul.f32 v8, v7;
	[tilespmem:s26+$0xFFFFFF90] =	vst v9;
	s26 =	smov.u32 s2  }
0x78c: {  	v7 =	vld [tilespmem:s2+$0xFFFFFFC0];
	v0 =	vmov v3  }
0x78d: {  	v8 =	vld [tilespmem:s29+$0xFFFFFFC0];
	[tilespmem:s2+$0x0] =	vst v5  }
0x78e: {  	v2 =	vmul.f32 v2, v6;
	v6 =	vld [tilespmem:s2+$0xFFFFFFD0]  }
0x78f: {  	v9 =	vld [tilespmem:s29+$0xFFFFFFD0]  }
.Ltmp51:
0x790: {  	[tilespmem:s2+$0xFFFFFFA0] =	vst v2;
	v2 =	vmul.f32 v1, v4;
	v1 =	vld [tilespmem:s2+$0xFFFFFFE0];
	(pc) =	sbr.rel @p1 .LBB2_101-.Ltmp51, $4  }
0x791: {  	v3 =	vld [tilespmem:s29+$0xFFFFFFE0]  }
0x792: {  	[tilespmem:s2+$0xFFFFFFB0] =	vst v2;
	v7 =	vmul.f32 v8, v7;
	v2 =	vld [tilespmem:s2+$0xFFFFFFF0]  }
0x793: {  	v4 =	vld [tilespmem:s29+$0xFFFFFFF0]  }
0x794: {  	s2 =	sadd.s32 $0x400, s2;
	v5 =	vld [tilespmem:s26+$0xFFFFFF90];
	[tilespmem:s26+$0xFFFFFFC0] =	vst v7;
	v6 =	vmul.f32 v9, v6  }
0x795: {  	_ =	sdelay $0x1  }
0x796: {  	v1 =	vmul.f32 v3, v1  }
0x797: {  	[tilespmem:s26+$0xFFFFFFD0] =	vst v6;
	v2 =	vmul.f32 v4, v2  }
0x798: {  	[tilespmem:s26+$0xFFFFFFE0] =	vst v1;
	v0 =	vmul.f32 v0, v5  }
0x799: {  	[tilespmem:s26+$0xFFFFFFF0] =	vst v2  }
0x79a: {  	[tilespmem:s26+$0xFFFFFF90] =	vst v0  }
0x79b: {  	v1 =	vld [tilespmem:s28+$0x0]  }
0x79c: {  	v2 =	vld [tilespmem:s30+$0x0]  }
0x79d: {  	v0 =	vld [tilespmem:s30+$0xFFFFFF90]  }
0x79e: {  	v3 =	vld [tilespmem:s28+$0xFFFFFFA0]  }
0x79f: {  	v4 =	vld [tilespmem:s30+$0xFFFFFFA0]  }
0x7a0: {  	v5 =	vld [tilespmem:s28+$0xFFFFFFB0]  }
0x7a1: {  	v6 =	vld [tilespmem:s30+$0xFFFFFFB0]  }
0x7a2: {  	v7 =	vld [tilespmem:s28+$0xFFFFFFC0]  }
0x7a3: {  	v8 =	vld [tilespmem:s30+$0xFFFFFFC0]  }
0x7a4: {  	v9 =	vld [tilespmem:s28+$0xFFFFFFD0]  }
0x7a5: {  	v10 =	vld [tilespmem:s30+$0xFFFFFFD0];
	v2 =	vmul.f32 v2, v1  }
0x7a6: {  	v4 =	vmul.f32 v4, v3;
	v1 =	vld [tilespmem:s28+$0xFFFFFFE0]  }
0x7a7: {  	v5 =	vmul.f32 v6, v5;
	v3 =	vld [tilespmem:s30+$0xFFFFFFE0];
	[tilespmem:s28+$0x0] =	vst v2  }
0x7a8: {  	v6 =	vmul.f32 v8, v7;
	[tilespmem:s28+$0xFFFFFFA0] =	vst v4;
	v2 =	vld [tilespmem:s28+$0xFFFFFFF0]  }
0x7a9: {  	s31 =	simm.s32 $0x0;
	[tilespmem:s28+$0xFFFFFFB0] =	vst v5;
	v4 =	vld [tilespmem:s30+$0xFFFFFFF0]  }
0x7aa: {  	s29 =	simm.s32 $0x151F0;
	s2 =	simm.s32 $0x9570;
	s26 =	simm.s32 $0x91F0;
	v5 =	vld [tilespmem:s28+$0xFFFFFF90];
	[tilespmem:s28+$0xFFFFFFC0] =	vst v6;
	v6 =	vmul.f32 v10, v9  }
.LBB2_103:
0x7ab: {  	v7 =	vld [tilespmem:s2+$0x0];
	s30 =	sadd.s32 $0x400, s30  }
0x7ac: {  	s31 =	sadd.s32 $0x80, s31;
	v8 =	vld [tilespmem:s30+$0x0];
	[tilespmem:s28+$0xFFFFFFD0] =	vst v6;
	v1 =	vmul.f32 v3, v1  }
0x7ad: {  	p1 =	slt.u32 s31, $0x280;
	v3 =	vld [tilespmem:s30+$0xFFFFFF90]  }
0x7ae: {  	v6 =	vld [tilespmem:s2+$0xFFFFFFA0];
	[tilespmem:s28+$0xFFFFFFE0] =	vst v1;
	v1 =	vmul.f32 v4, v2  }
0x7af: {  	v2 =	vld [tilespmem:s30+$0xFFFFFFA0];
	v9 =	vmul.f32 v0, v5  }
0x7b0: {  	v4 =	vld [tilespmem:s2+$0xFFFFFFB0];
	[tilespmem:s28+$0xFFFFFFF0] =	vst v1  }
0x7b1: {  	v1 =	vld [tilespmem:s30+$0xFFFFFFB0];
	v5 =	vmul.f32 v8, v7;
	[tilespmem:s28+$0xFFFFFF90] =	vst v9;
	s28 =	smov.u32 s2  }
0x7b2: {  	v7 =	vld [tilespmem:s2+$0xFFFFFFC0];
	v0 =	vmov v3  }
0x7b3: {  	v8 =	vld [tilespmem:s30+$0xFFFFFFC0];
	[tilespmem:s2+$0x0] =	vst v5  }
0x7b4: {  	v2 =	vmul.f32 v2, v6;
	v6 =	vld [tilespmem:s2+$0xFFFFFFD0]  }
0x7b5: {  	v9 =	vld [tilespmem:s30+$0xFFFFFFD0]  }
.Ltmp52:
0x7b6: {  	[tilespmem:s2+$0xFFFFFFA0] =	vst v2;
	v2 =	vmul.f32 v1, v4;
	v1 =	vld [tilespmem:s2+$0xFFFFFFE0];
	(pc) =	sbr.rel @p1 .LBB2_103-.Ltmp52, $4  }
0x7b7: {  	v3 =	vld [tilespmem:s30+$0xFFFFFFE0]  }
0x7b8: {  	[tilespmem:s2+$0xFFFFFFB0] =	vst v2;
	v7 =	vmul.f32 v8, v7;
	v2 =	vld [tilespmem:s2+$0xFFFFFFF0]  }
0x7b9: {  	v4 =	vld [tilespmem:s30+$0xFFFFFFF0]  }
0x7ba: {  	s2 =	sadd.s32 $0x400, s2;
	v5 =	vld [tilespmem:s28+$0xFFFFFF90];
	[tilespmem:s28+$0xFFFFFFC0] =	vst v7;
	v6 =	vmul.f32 v9, v6  }
0x7bb: {  	_ =	sdelay $0x1  }
0x7bc: {  	v1 =	vmul.f32 v3, v1  }
0x7bd: {  	[tilespmem:s28+$0xFFFFFFD0] =	vst v6;
	v2 =	vmul.f32 v4, v2  }
0x7be: {  	[tilespmem:s28+$0xFFFFFFE0] =	vst v1;
	v0 =	vmul.f32 v0, v5  }
0x7bf: {  	[tilespmem:s28+$0xFFFFFFF0] =	vst v2  }
0x7c0: {  	[tilespmem:s28+$0xFFFFFF90] =	vst v0  }
0x7c1: {  	v1 =	vld [tilespmem:s26+$0x0]  }
0x7c2: {  	v2 =	vld [tilespmem:s29+$0x0]  }
0x7c3: {  	v0 =	vld [tilespmem:s29+$0xFFFFFF90]  }
0x7c4: {  	v3 =	vld [tilespmem:s26+$0xFFFFFFA0]  }
0x7c5: {  	v4 =	vld [tilespmem:s29+$0xFFFFFFA0]  }
0x7c6: {  	v5 =	vld [tilespmem:s26+$0xFFFFFFB0]  }
0x7c7: {  	v6 =	vld [tilespmem:s29+$0xFFFFFFB0]  }
0x7c8: {  	v7 =	vld [tilespmem:s26+$0xFFFFFFC0]  }
0x7c9: {  	v8 =	vld [tilespmem:s29+$0xFFFFFFC0]  }
0x7ca: {  	v9 =	vld [tilespmem:s26+$0xFFFFFFD0]  }
0x7cb: {  	v10 =	vld [tilespmem:s29+$0xFFFFFFD0];
	v2 =	vmul.f32 v2, v1  }
0x7cc: {  	v4 =	vmul.f32 v4, v3;
	v1 =	vld [tilespmem:s26+$0xFFFFFFE0]  }
0x7cd: {  	v5 =	vmul.f32 v6, v5;
	v3 =	vld [tilespmem:s29+$0xFFFFFFE0];
	[tilespmem:s26+$0x0] =	vst v2  }
0x7ce: {  	v6 =	vmul.f32 v8, v7;
	[tilespmem:s26+$0xFFFFFFA0] =	vst v4;
	v2 =	vld [tilespmem:s26+$0xFFFFFFF0]  }
0x7cf: {  	s31 =	simm.s32 $0x0;
	[tilespmem:s26+$0xFFFFFFB0] =	vst v5;
	v4 =	vld [tilespmem:s29+$0xFFFFFFF0]  }
0x7d0: {  	s30 =	simm.s32 $0x15270;
	s2 =	simm.s32 $0x95F0;
	s28 =	simm.s32 $0x9270;
	v5 =	vld [tilespmem:s26+$0xFFFFFF90];
	[tilespmem:s26+$0xFFFFFFC0] =	vst v6;
	v6 =	vmul.f32 v10, v9  }
.LBB2_105:
0x7d1: {  	v7 =	vld [tilespmem:s2+$0x0];
	s29 =	sadd.s32 $0x400, s29  }
0x7d2: {  	s31 =	sadd.s32 $0x80, s31;
	v8 =	vld [tilespmem:s29+$0x0];
	[tilespmem:s26+$0xFFFFFFD0] =	vst v6;
	v1 =	vmul.f32 v3, v1  }
0x7d3: {  	p1 =	slt.u32 s31, $0x280;
	v3 =	vld [tilespmem:s29+$0xFFFFFF90]  }
0x7d4: {  	v6 =	vld [tilespmem:s2+$0xFFFFFFA0];
	[tilespmem:s26+$0xFFFFFFE0] =	vst v1;
	v1 =	vmul.f32 v4, v2  }
0x7d5: {  	v2 =	vld [tilespmem:s29+$0xFFFFFFA0];
	v9 =	vmul.f32 v0, v5  }
0x7d6: {  	v4 =	vld [tilespmem:s2+$0xFFFFFFB0];
	[tilespmem:s26+$0xFFFFFFF0] =	vst v1  }
0x7d7: {  	v1 =	vld [tilespmem:s29+$0xFFFFFFB0];
	v5 =	vmul.f32 v8, v7;
	[tilespmem:s26+$0xFFFFFF90] =	vst v9;
	s26 =	smov.u32 s2  }
0x7d8: {  	v7 =	vld [tilespmem:s2+$0xFFFFFFC0];
	v0 =	vmov v3  }
0x7d9: {  	v8 =	vld [tilespmem:s29+$0xFFFFFFC0];
	[tilespmem:s2+$0x0] =	vst v5  }
0x7da: {  	v2 =	vmul.f32 v2, v6;
	v6 =	vld [tilespmem:s2+$0xFFFFFFD0]  }
0x7db: {  	v9 =	vld [tilespmem:s29+$0xFFFFFFD0]  }
.Ltmp53:
0x7dc: {  	[tilespmem:s2+$0xFFFFFFA0] =	vst v2;
	v2 =	vmul.f32 v1, v4;
	v1 =	vld [tilespmem:s2+$0xFFFFFFE0];
	(pc) =	sbr.rel @p1 .LBB2_105-.Ltmp53, $4  }
0x7dd: {  	v3 =	vld [tilespmem:s29+$0xFFFFFFE0]  }
0x7de: {  	[tilespmem:s2+$0xFFFFFFB0] =	vst v2;
	v7 =	vmul.f32 v8, v7;
	v2 =	vld [tilespmem:s2+$0xFFFFFFF0]  }
0x7df: {  	v4 =	vld [tilespmem:s29+$0xFFFFFFF0]  }
0x7e0: {  	s2 =	sadd.s32 $0x400, s2;
	v5 =	vld [tilespmem:s26+$0xFFFFFF90];
	[tilespmem:s26+$0xFFFFFFC0] =	vst v7;
	v6 =	vmul.f32 v9, v6  }
0x7e1: {  	_ =	sdelay $0x1  }
0x7e2: {  	v1 =	vmul.f32 v3, v1  }
0x7e3: {  	[tilespmem:s26+$0xFFFFFFD0] =	vst v6;
	v2 =	vmul.f32 v4, v2  }
0x7e4: {  	[tilespmem:s26+$0xFFFFFFE0] =	vst v1;
	v0 =	vmul.f32 v0, v5  }
0x7e5: {  	[tilespmem:s26+$0xFFFFFFF0] =	vst v2  }
0x7e6: {  	[tilespmem:s26+$0xFFFFFF90] =	vst v0  }
0x7e7: {  	v1 =	vld [tilespmem:s28+$0x0]  }
0x7e8: {  	v2 =	vld [tilespmem:s30+$0x0]  }
0x7e9: {  	v0 =	vld [tilespmem:s30+$0xFFFFFF90]  }
0x7ea: {  	v3 =	vld [tilespmem:s28+$0xFFFFFFA0]  }
0x7eb: {  	v4 =	vld [tilespmem:s30+$0xFFFFFFA0]  }
0x7ec: {  	v5 =	vld [tilespmem:s28+$0xFFFFFFB0]  }
0x7ed: {  	v6 =	vld [tilespmem:s30+$0xFFFFFFB0]  }
0x7ee: {  	v7 =	vld [tilespmem:s28+$0xFFFFFFC0]  }
0x7ef: {  	v8 =	vld [tilespmem:s30+$0xFFFFFFC0]  }
0x7f0: {  	v9 =	vld [tilespmem:s28+$0xFFFFFFD0]  }
0x7f1: {  	v10 =	vld [tilespmem:s30+$0xFFFFFFD0];
	v2 =	vmul.f32 v2, v1  }
0x7f2: {  	v4 =	vmul.f32 v4, v3;
	v1 =	vld [tilespmem:s28+$0xFFFFFFE0]  }
0x7f3: {  	v5 =	vmul.f32 v6, v5;
	v3 =	vld [tilespmem:s30+$0xFFFFFFE0];
	[tilespmem:s28+$0x0] =	vst v2  }
0x7f4: {  	v6 =	vmul.f32 v8, v7;
	[tilespmem:s28+$0xFFFFFFA0] =	vst v4;
	v2 =	vld [tilespmem:s28+$0xFFFFFFF0]  }
0x7f5: {  	s31 =	simm.s32 $0x0;
	[tilespmem:s28+$0xFFFFFFB0] =	vst v5;
	v4 =	vld [tilespmem:s30+$0xFFFFFFF0]  }
0x7f6: {  	s29 =	simm.s32 $0x152F0;
	s2 =	simm.s32 $0x9670;
	s26 =	simm.s32 $0x92F0;
	v5 =	vld [tilespmem:s28+$0xFFFFFF90];
	[tilespmem:s28+$0xFFFFFFC0] =	vst v6;
	v6 =	vmul.f32 v10, v9  }
.LBB2_107:
0x7f7: {  	v7 =	vld [tilespmem:s2+$0x0];
	s30 =	sadd.s32 $0x400, s30  }
0x7f8: {  	s31 =	sadd.s32 $0x80, s31;
	v8 =	vld [tilespmem:s30+$0x0];
	[tilespmem:s28+$0xFFFFFFD0] =	vst v6;
	v1 =	vmul.f32 v3, v1  }
0x7f9: {  	p1 =	slt.u32 s31, $0x280;
	v3 =	vld [tilespmem:s30+$0xFFFFFF90]  }
0x7fa: {  	v6 =	vld [tilespmem:s2+$0xFFFFFFA0];
	[tilespmem:s28+$0xFFFFFFE0] =	vst v1;
	v1 =	vmul.f32 v4, v2  }
0x7fb: {  	v2 =	vld [tilespmem:s30+$0xFFFFFFA0];
	v9 =	vmul.f32 v0, v5  }
0x7fc: {  	v4 =	vld [tilespmem:s2+$0xFFFFFFB0];
	[tilespmem:s28+$0xFFFFFFF0] =	vst v1  }
0x7fd: {  	v1 =	vld [tilespmem:s30+$0xFFFFFFB0];
	v5 =	vmul.f32 v8, v7;
	[tilespmem:s28+$0xFFFFFF90] =	vst v9;
	s28 =	smov.u32 s2  }
0x7fe: {  	v7 =	vld [tilespmem:s2+$0xFFFFFFC0];
	v0 =	vmov v3  }
0x7ff: {  	v8 =	vld [tilespmem:s30+$0xFFFFFFC0];
	[tilespmem:s2+$0x0] =	vst v5  }
0x800: {  	v2 =	vmul.f32 v2, v6;
	v6 =	vld [tilespmem:s2+$0xFFFFFFD0]  }
0x801: {  	v9 =	vld [tilespmem:s30+$0xFFFFFFD0]  }
.Ltmp54:
0x802: {  	[tilespmem:s2+$0xFFFFFFA0] =	vst v2;
	v2 =	vmul.f32 v1, v4;
	v1 =	vld [tilespmem:s2+$0xFFFFFFE0];
	(pc) =	sbr.rel @p1 .LBB2_107-.Ltmp54, $4  }
0x803: {  	v3 =	vld [tilespmem:s30+$0xFFFFFFE0]  }
0x804: {  	[tilespmem:s2+$0xFFFFFFB0] =	vst v2;
	v7 =	vmul.f32 v8, v7;
	v2 =	vld [tilespmem:s2+$0xFFFFFFF0]  }
0x805: {  	v4 =	vld [tilespmem:s30+$0xFFFFFFF0]  }
0x806: {  	s2 =	sadd.s32 $0x400, s2;
	v5 =	vld [tilespmem:s28+$0xFFFFFF90];
	[tilespmem:s28+$0xFFFFFFC0] =	vst v7;
	v6 =	vmul.f32 v9, v6  }
0x807: {  	_ =	sdelay $0x1  }
0x808: {  	v1 =	vmul.f32 v3, v1  }
0x809: {  	[tilespmem:s28+$0xFFFFFFD0] =	vst v6;
	v2 =	vmul.f32 v4, v2  }
0x80a: {  	[tilespmem:s28+$0xFFFFFFE0] =	vst v1;
	v0 =	vmul.f32 v0, v5  }
0x80b: {  	[tilespmem:s28+$0xFFFFFFF0] =	vst v2  }
0x80c: {  	[tilespmem:s28+$0xFFFFFF90] =	vst v0  }
0x80d: {  	v1 =	vld [tilespmem:s26+$0x0]  }
0x80e: {  	v2 =	vld [tilespmem:s29+$0x0]  }
0x80f: {  	v0 =	vld [tilespmem:s29+$0xFFFFFF90]  }
0x810: {  	v3 =	vld [tilespmem:s26+$0xFFFFFFA0]  }
0x811: {  	v4 =	vld [tilespmem:s29+$0xFFFFFFA0]  }
0x812: {  	v5 =	vld [tilespmem:s26+$0xFFFFFFB0]  }
0x813: {  	v6 =	vld [tilespmem:s29+$0xFFFFFFB0]  }
0x814: {  	v7 =	vld [tilespmem:s26+$0xFFFFFFC0]  }
0x815: {  	v8 =	vld [tilespmem:s29+$0xFFFFFFC0]  }
0x816: {  	v9 =	vld [tilespmem:s26+$0xFFFFFFD0]  }
0x817: {  	v10 =	vld [tilespmem:s29+$0xFFFFFFD0];
	v2 =	vmul.f32 v2, v1  }
0x818: {  	v4 =	vmul.f32 v4, v3;
	v1 =	vld [tilespmem:s26+$0xFFFFFFE0]  }
0x819: {  	v5 =	vmul.f32 v6, v5;
	v3 =	vld [tilespmem:s29+$0xFFFFFFE0];
	[tilespmem:s26+$0x0] =	vst v2  }
0x81a: {  	v6 =	vmul.f32 v8, v7;
	[tilespmem:s26+$0xFFFFFFA0] =	vst v4;
	v2 =	vld [tilespmem:s26+$0xFFFFFFF0]  }
0x81b: {  	s31 =	simm.s32 $0x0;
	[tilespmem:s26+$0xFFFFFFB0] =	vst v5;
	v4 =	vld [tilespmem:s29+$0xFFFFFFF0]  }
0x81c: {  	s30 =	simm.s32 $0x15370;
	s2 =	simm.s32 $0x96F0;
	s28 =	simm.s32 $0x9370;
	v5 =	vld [tilespmem:s26+$0xFFFFFF90];
	[tilespmem:s26+$0xFFFFFFC0] =	vst v6;
	v6 =	vmul.f32 v10, v9  }
.LBB2_109:
0x81d: {  	v7 =	vld [tilespmem:s2+$0x0];
	s29 =	sadd.s32 $0x400, s29  }
0x81e: {  	s31 =	sadd.s32 $0x80, s31;
	v8 =	vld [tilespmem:s29+$0x0];
	[tilespmem:s26+$0xFFFFFFD0] =	vst v6;
	v1 =	vmul.f32 v3, v1  }
0x81f: {  	p1 =	slt.u32 s31, $0x280;
	v3 =	vld [tilespmem:s29+$0xFFFFFF90]  }
0x820: {  	v6 =	vld [tilespmem:s2+$0xFFFFFFA0];
	[tilespmem:s26+$0xFFFFFFE0] =	vst v1;
	v1 =	vmul.f32 v4, v2  }
0x821: {  	v2 =	vld [tilespmem:s29+$0xFFFFFFA0];
	v9 =	vmul.f32 v0, v5  }
0x822: {  	v4 =	vld [tilespmem:s2+$0xFFFFFFB0];
	[tilespmem:s26+$0xFFFFFFF0] =	vst v1  }
0x823: {  	v1 =	vld [tilespmem:s29+$0xFFFFFFB0];
	v5 =	vmul.f32 v8, v7;
	[tilespmem:s26+$0xFFFFFF90] =	vst v9;
	s26 =	smov.u32 s2  }
0x824: {  	v7 =	vld [tilespmem:s2+$0xFFFFFFC0];
	v0 =	vmov v3  }
0x825: {  	v8 =	vld [tilespmem:s29+$0xFFFFFFC0];
	[tilespmem:s2+$0x0] =	vst v5  }
0x826: {  	v2 =	vmul.f32 v2, v6;
	v6 =	vld [tilespmem:s2+$0xFFFFFFD0]  }
0x827: {  	v9 =	vld [tilespmem:s29+$0xFFFFFFD0]  }
.Ltmp55:
0x828: {  	[tilespmem:s2+$0xFFFFFFA0] =	vst v2;
	v2 =	vmul.f32 v1, v4;
	v1 =	vld [tilespmem:s2+$0xFFFFFFE0];
	(pc) =	sbr.rel @p1 .LBB2_109-.Ltmp55, $4  }
0x829: {  	v3 =	vld [tilespmem:s29+$0xFFFFFFE0]  }
0x82a: {  	[tilespmem:s2+$0xFFFFFFB0] =	vst v2;
	v7 =	vmul.f32 v8, v7;
	v2 =	vld [tilespmem:s2+$0xFFFFFFF0]  }
0x82b: {  	v4 =	vld [tilespmem:s29+$0xFFFFFFF0]  }
0x82c: {  	s2 =	sadd.s32 $0x400, s2;
	v5 =	vld [tilespmem:s26+$0xFFFFFF90];
	[tilespmem:s26+$0xFFFFFFC0] =	vst v7;
	v6 =	vmul.f32 v9, v6  }
0x82d: {  	_ =	sdelay $0x1  }
0x82e: {  	v1 =	vmul.f32 v3, v1  }
0x82f: {  	[tilespmem:s26+$0xFFFFFFD0] =	vst v6;
	v2 =	vmul.f32 v4, v2  }
0x830: {  	[tilespmem:s26+$0xFFFFFFE0] =	vst v1;
	v0 =	vmul.f32 v0, v5  }
0x831: {  	[tilespmem:s26+$0xFFFFFFF0] =	vst v2  }
0x832: {  	[tilespmem:s26+$0xFFFFFF90] =	vst v0  }
0x833: {  	v1 =	vld [tilespmem:s28+$0x0]  }
0x834: {  	v2 =	vld [tilespmem:s30+$0x0]  }
0x835: {  	v0 =	vld [tilespmem:s30+$0xFFFFFF90]  }
0x836: {  	v3 =	vld [tilespmem:s28+$0xFFFFFFA0]  }
0x837: {  	v4 =	vld [tilespmem:s30+$0xFFFFFFA0]  }
0x838: {  	v5 =	vld [tilespmem:s28+$0xFFFFFFB0]  }
0x839: {  	v6 =	vld [tilespmem:s30+$0xFFFFFFB0]  }
0x83a: {  	v7 =	vld [tilespmem:s28+$0xFFFFFFC0]  }
0x83b: {  	v8 =	vld [tilespmem:s30+$0xFFFFFFC0]  }
0x83c: {  	v9 =	vld [tilespmem:s28+$0xFFFFFFD0]  }
0x83d: {  	v10 =	vld [tilespmem:s30+$0xFFFFFFD0];
	v2 =	vmul.f32 v2, v1  }
0x83e: {  	v4 =	vmul.f32 v4, v3;
	v1 =	vld [tilespmem:s28+$0xFFFFFFE0]  }
0x83f: {  	v5 =	vmul.f32 v6, v5;
	v3 =	vld [tilespmem:s30+$0xFFFFFFE0];
	[tilespmem:s28+$0x0] =	vst v2  }
0x840: {  	v6 =	vmul.f32 v8, v7;
	[tilespmem:s28+$0xFFFFFFA0] =	vst v4;
	v2 =	vld [tilespmem:s28+$0xFFFFFFF0]  }
0x841: {  	s31 =	simm.s32 $0x0;
	[tilespmem:s28+$0xFFFFFFB0] =	vst v5;
	v4 =	vld [tilespmem:s30+$0xFFFFFFF0]  }
0x842: {  	s29 =	simm.s32 $0x153F0;
	s2 =	simm.s32 $0x9770;
	s26 =	simm.s32 $0x93F0;
	v5 =	vld [tilespmem:s28+$0xFFFFFF90];
	[tilespmem:s28+$0xFFFFFFC0] =	vst v6;
	v6 =	vmul.f32 v10, v9  }
.LBB2_111:
0x843: {  	v7 =	vld [tilespmem:s2+$0x0];
	s30 =	sadd.s32 $0x400, s30  }
0x844: {  	s31 =	sadd.s32 $0x80, s31;
	v8 =	vld [tilespmem:s30+$0x0];
	[tilespmem:s28+$0xFFFFFFD0] =	vst v6;
	v1 =	vmul.f32 v3, v1  }
0x845: {  	p1 =	slt.u32 s31, $0x280;
	v3 =	vld [tilespmem:s30+$0xFFFFFF90]  }
0x846: {  	v6 =	vld [tilespmem:s2+$0xFFFFFFA0];
	[tilespmem:s28+$0xFFFFFFE0] =	vst v1;
	v1 =	vmul.f32 v4, v2  }
0x847: {  	v2 =	vld [tilespmem:s30+$0xFFFFFFA0];
	v9 =	vmul.f32 v0, v5  }
0x848: {  	v4 =	vld [tilespmem:s2+$0xFFFFFFB0];
	[tilespmem:s28+$0xFFFFFFF0] =	vst v1  }
0x849: {  	v1 =	vld [tilespmem:s30+$0xFFFFFFB0];
	v5 =	vmul.f32 v8, v7;
	[tilespmem:s28+$0xFFFFFF90] =	vst v9;
	s28 =	smov.u32 s2  }
0x84a: {  	v7 =	vld [tilespmem:s2+$0xFFFFFFC0];
	v0 =	vmov v3  }
0x84b: {  	v8 =	vld [tilespmem:s30+$0xFFFFFFC0];
	[tilespmem:s2+$0x0] =	vst v5  }
0x84c: {  	v2 =	vmul.f32 v2, v6;
	v6 =	vld [tilespmem:s2+$0xFFFFFFD0]  }
0x84d: {  	v9 =	vld [tilespmem:s30+$0xFFFFFFD0]  }
.Ltmp56:
0x84e: {  	[tilespmem:s2+$0xFFFFFFA0] =	vst v2;
	v2 =	vmul.f32 v1, v4;
	v1 =	vld [tilespmem:s2+$0xFFFFFFE0];
	(pc) =	sbr.rel @p1 .LBB2_111-.Ltmp56, $4  }
0x84f: {  	v3 =	vld [tilespmem:s30+$0xFFFFFFE0]  }
0x850: {  	[tilespmem:s2+$0xFFFFFFB0] =	vst v2;
	v7 =	vmul.f32 v8, v7;
	v2 =	vld [tilespmem:s2+$0xFFFFFFF0]  }
0x851: {  	v4 =	vld [tilespmem:s30+$0xFFFFFFF0]  }
0x852: {  	s2 =	sadd.s32 $0x400, s2;
	v5 =	vld [tilespmem:s28+$0xFFFFFF90];
	[tilespmem:s28+$0xFFFFFFC0] =	vst v7;
	v6 =	vmul.f32 v9, v6  }
0x853: {  	_ =	sdelay $0x1  }
0x854: {  	v1 =	vmul.f32 v3, v1  }
0x855: {  	[tilespmem:s28+$0xFFFFFFD0] =	vst v6;
	v2 =	vmul.f32 v4, v2  }
0x856: {  	[tilespmem:s28+$0xFFFFFFE0] =	vst v1;
	v0 =	vmul.f32 v0, v5  }
0x857: {  	[tilespmem:s28+$0xFFFFFFF0] =	vst v2  }
0x858: {  	[tilespmem:s28+$0xFFFFFF90] =	vst v0  }
0x859: {  	v1 =	vld [tilespmem:s26+$0x0]  }
0x85a: {  	v2 =	vld [tilespmem:s29+$0x0]  }
0x85b: {  	v0 =	vld [tilespmem:s29+$0xFFFFFF90]  }
0x85c: {  	v3 =	vld [tilespmem:s26+$0xFFFFFFA0]  }
0x85d: {  	v4 =	vld [tilespmem:s29+$0xFFFFFFA0]  }
0x85e: {  	v5 =	vld [tilespmem:s26+$0xFFFFFFB0]  }
0x85f: {  	v6 =	vld [tilespmem:s29+$0xFFFFFFB0]  }
0x860: {  	v7 =	vld [tilespmem:s26+$0xFFFFFFC0]  }
0x861: {  	v8 =	vld [tilespmem:s29+$0xFFFFFFC0]  }
0x862: {  	v9 =	vld [tilespmem:s26+$0xFFFFFFD0]  }
0x863: {  	v10 =	vld [tilespmem:s29+$0xFFFFFFD0];
	v2 =	vmul.f32 v2, v1  }
0x864: {  	v4 =	vmul.f32 v4, v3;
	v1 =	vld [tilespmem:s26+$0xFFFFFFE0]  }
0x865: {  	v5 =	vmul.f32 v6, v5;
	v3 =	vld [tilespmem:s29+$0xFFFFFFE0];
	[tilespmem:s26+$0x0] =	vst v2  }
0x866: {  	v6 =	vmul.f32 v8, v7;
	[tilespmem:s26+$0xFFFFFFA0] =	vst v4;
	v2 =	vld [tilespmem:s26+$0xFFFFFFF0]  }
0x867: {  	[tilespmem:s26+$0xFFFFFFB0] =	vst v5;
	v5 =	vld [tilespmem:s29+$0xFFFFFFF0]  }
0x868: {  	s2 =	simm.s32 $0x97F0;
	s28 =	simm.s32 $0x0;
	v4 =	vld [tilespmem:s26+$0xFFFFFF90];
	[tilespmem:s26+$0xFFFFFFC0] =	vst v6;
	v6 =	vmul.f32 v10, v9  }
.LBB2_113:
0x869: {  	v7 =	vld [tilespmem:s2+$0x0];
	s29 =	sadd.s32 $0x400, s29  }
0x86a: {  	s28 =	sadd.s32 $0x80, s28;
	v8 =	vld [tilespmem:s29+$0x0];
	[tilespmem:s26+$0xFFFFFFD0] =	vst v6;
	v1 =	vmul.f32 v3, v1  }
0x86b: {  	p1 =	slt.u32 s28, $0x280;
	v3 =	vld [tilespmem:s29+$0xFFFFFF90]  }
0x86c: {  	v6 =	vld [tilespmem:s2+$0xFFFFFFA0];
	[tilespmem:s26+$0xFFFFFFE0] =	vst v1;
	v1 =	vmul.f32 v5, v2  }
0x86d: {  	v2 =	vld [tilespmem:s29+$0xFFFFFFA0];
	v9 =	vmul.f32 v0, v4  }
0x86e: {  	v4 =	vld [tilespmem:s2+$0xFFFFFFB0];
	[tilespmem:s26+$0xFFFFFFF0] =	vst v1  }
0x86f: {  	v1 =	vld [tilespmem:s29+$0xFFFFFFB0];
	v5 =	vmul.f32 v8, v7;
	[tilespmem:s26+$0xFFFFFF90] =	vst v9;
	s26 =	smov.u32 s2  }
0x870: {  	v7 =	vld [tilespmem:s2+$0xFFFFFFC0];
	v0 =	vmov v3  }
0x871: {  	v8 =	vld [tilespmem:s29+$0xFFFFFFC0];
	[tilespmem:s2+$0x0] =	vst v5  }
0x872: {  	v2 =	vmul.f32 v2, v6;
	v6 =	vld [tilespmem:s2+$0xFFFFFFD0]  }
0x873: {  	v9 =	vld [tilespmem:s29+$0xFFFFFFD0]  }
.Ltmp57:
0x874: {  	[tilespmem:s2+$0xFFFFFFA0] =	vst v2;
	v2 =	vmul.f32 v1, v4;
	v1 =	vld [tilespmem:s2+$0xFFFFFFE0];
	(pc) =	sbr.rel @p1 .LBB2_113-.Ltmp57, $4  }
0x875: {  	v3 =	vld [tilespmem:s29+$0xFFFFFFE0]  }
0x876: {  	[tilespmem:s2+$0xFFFFFFB0] =	vst v2;
	v7 =	vmul.f32 v8, v7;
	v2 =	vld [tilespmem:s2+$0xFFFFFFF0]  }
0x877: {  	v5 =	vld [tilespmem:s29+$0xFFFFFFF0]  }
0x878: {  	s2 =	sadd.s32 $0x400, s2;
	v4 =	vld [tilespmem:s26+$0xFFFFFF90];
	[tilespmem:s26+$0xFFFFFFC0] =	vst v7;
	v6 =	vmul.f32 v9, v6  }
0x879: {  	_ =	sdelay $0x1  }
0x87a: {  	v1 =	vmul.f32 v3, v1  }
0x87b: {  	[tilespmem:s26+$0xFFFFFFD0] =	vst v6;
	v2 =	vmul.f32 v5, v2  }
0x87c: {  	[tilespmem:s26+$0xFFFFFFE0] =	vst v1;
	v0 =	vmul.f32 v0, v4  }
0x87d: {  	[tilespmem:s26+$0xFFFFFFF0] =	vst v2  }
0x87e: {  	[tilespmem:s26+$0xFFFFFF90] =	vst v0;
	s26 =	simm.s32 $0x0  }
0x87f: {  	v0 =	vld [tilespmem:s26+$0xA870]  }
0x880: {  	v1 =	vld [tilespmem:s26+$0x16870]  }
0x881: {  	v2 =	vld [tilespmem:s26+$0xA800]  }
0x882: {  	v3 =	vld [tilespmem:s26+$0x16800]  }
0x883: {  	v4 =	vld [tilespmem:s26+$0xA810]  }
0x884: {  	v5 =	vld [tilespmem:s26+$0x16810]  }
0x885: {  	v6 =	vld [tilespmem:s26+$0xA820]  }
0x886: {  	v7 =	vld [tilespmem:s26+$0x16820]  }
0x887: {  	v8 =	vld [tilespmem:s26+$0xA830]  }
0x888: {  	v9 =	vld [tilespmem:s26+$0x16830];
	v1 =	vmul.f32 v1, v0  }
0x889: {  	v3 =	vmul.f32 v3, v2;
	v0 =	vld [tilespmem:s26+$0xA840]  }
0x88a: {  	v4 =	vmul.f32 v5, v4;
	v2 =	vld [tilespmem:s26+$0x16840];
	[tilespmem:s26+$0xA870] =	vst v1  }
0x88b: {  	v5 =	vmul.f32 v7, v6;
	[tilespmem:s26+$0xA800] =	vst v3;
	v1 =	vld [tilespmem:s26+$0xA850]  }
0x88c: {  	[tilespmem:s26+$0xA810] =	vst v4;
	v3 =	vld [tilespmem:s26+$0x16850]  }
0x88d: {  	s29 =	simm.s32 $0x0;
	s2 =	simm.s32 $0x1000;
	s28 =	simm.s32 $0x0;
	[tilespmem:s26+$0xA820] =	vst v5;
	v5 =	vmul.f32 v9, v8;
	v4 =	vld [tilespmem:s26+$0xA860]  }
.LBB2_115:
0x88e: {  	s30 =	sshra.s32 s2, $0x2;
	v6 =	vld [tilespmem:s28+$0x16860]  }
0x88f: {  	s29 =	sadd.s32 $0x80, s29;
	v7 =	vld [tilespmem:s30+$0xA870];
	[tilespmem:s28+$0xA830] =	vst v5;
	v0 =	vmul.f32 v2, v0  }
0x890: {  	p1 =	slt.u32 s29, $0x280;
	v2 =	vld [tilespmem:s30+$0x16870]  }
0x891: {  	v5 =	vld [tilespmem:s30+$0xA800];
	[tilespmem:s28+$0xA840] =	vst v0;
	v0 =	vmul.f32 v3, v1  }
0x892: {  	v1 =	vld [tilespmem:s30+$0x16800]  }
0x893: {  	v3 =	vld [tilespmem:s30+$0xA810];
	[tilespmem:s28+$0xA850] =	vst v0;
	v0 =	vmul.f32 v6, v4  }
0x894: {  	v4 =	vld [tilespmem:s30+$0x16810]  }
0x895: {  	v6 =	vld [tilespmem:s30+$0xA820];
	v2 =	vmul.f32 v2, v7;
	[tilespmem:s28+$0xA860] =	vst v0;
	s28 =	smov.u32 s30  }
0x896: {  	v7 =	vld [tilespmem:s28+$0x16820]  }
0x897: {  	v0 =	vmul.f32 v1, v5;
	v5 =	vld [tilespmem:s28+$0xA830];
	[tilespmem:s28+$0xA870] =	vst v2  }
0x898: {  	v8 =	vld [tilespmem:s28+$0x16830]  }
.Ltmp58:
0x899: {  	[tilespmem:s28+$0xA800] =	vst v0;
	v1 =	vmul.f32 v4, v3;
	v0 =	vld [tilespmem:s28+$0xA840];
	(pc) =	sbr.rel @p1 .LBB2_115-.Ltmp58, $4  }
0x89a: {  	v2 =	vld [tilespmem:s28+$0x16840]  }
0x89b: {  	[tilespmem:s28+$0xA810] =	vst v1;
	v4 =	vmul.f32 v7, v6;
	v1 =	vld [tilespmem:s28+$0xA850]  }
0x89c: {  	v3 =	vld [tilespmem:s28+$0x16850]  }
0x89d: {  	s2 =	sadd.s32 $0x1000, s2;
	[tilespmem:s28+$0xA820] =	vst v4;
	v5 =	vmul.f32 v8, v5;
	v4 =	vld [tilespmem:s28+$0xA860]  }
0x89e: {  	v6 =	vld [tilespmem:s28+$0x16860];
	_ =	sdelay $0x2  }
0x89f: {  	v0 =	vmul.f32 v2, v0  }
0x8a0: {  	[tilespmem:s28+$0xA830] =	vst v5;
	v1 =	vmul.f32 v3, v1  }
0x8a1: {  	[tilespmem:s28+$0xA840] =	vst v0;
	v0 =	vmul.f32 v6, v4  }
0x8a2: {  	[tilespmem:s28+$0xA850] =	vst v1  }
0x8a3: {  	[tilespmem:s28+$0xA860] =	vst v0  }
0x8a4: {  	v0 =	vld [tilespmem:s26+$0xA8F0]  }
0x8a5: {  	v1 =	vld [tilespmem:s26+$0x168F0]  }
0x8a6: {  	v2 =	vld [tilespmem:s26+$0xA880]  }
0x8a7: {  	v3 =	vld [tilespmem:s26+$0x16880]  }
0x8a8: {  	v4 =	vld [tilespmem:s26+$0xA890]  }
0x8a9: {  	v5 =	vld [tilespmem:s26+$0x16890]  }
0x8aa: {  	v6 =	vld [tilespmem:s26+$0xA8A0]  }
0x8ab: {  	v7 =	vld [tilespmem:s26+$0x168A0]  }
0x8ac: {  	v8 =	vld [tilespmem:s26+$0xA8B0]  }
0x8ad: {  	v9 =	vld [tilespmem:s26+$0x168B0];
	v1 =	vmul.f32 v1, v0  }
0x8ae: {  	v3 =	vmul.f32 v3, v2;
	v0 =	vld [tilespmem:s26+$0xA8C0]  }
0x8af: {  	v4 =	vmul.f32 v5, v4;
	v2 =	vld [tilespmem:s26+$0x168C0];
	[tilespmem:s26+$0xA8F0] =	vst v1  }
0x8b0: {  	v5 =	vmul.f32 v7, v6;
	[tilespmem:s26+$0xA880] =	vst v3;
	v1 =	vld [tilespmem:s26+$0xA8D0]  }
0x8b1: {  	[tilespmem:s26+$0xA890] =	vst v4;
	v3 =	vld [tilespmem:s26+$0x168D0]  }
0x8b2: {  	s2 =	simm.s32 $0x1000;
	s28 =	simm.s32 $0x0;
	[tilespmem:s26+$0xA8A0] =	vst v5;
	v5 =	vmul.f32 v9, v8;
	v4 =	vld [tilespmem:s26+$0xA8E0]  }
.LBB2_117:
0x8b3: {  	s29 =	sshra.s32 s2, $0x2;
	v6 =	vld [tilespmem:s26+$0x168E0]  }
0x8b4: {  	s28 =	sadd.s32 $0x80, s28;
	v7 =	vld [tilespmem:s29+$0xA8F0];
	[tilespmem:s26+$0xA8B0] =	vst v5;
	v0 =	vmul.f32 v2, v0  }
0x8b5: {  	p1 =	slt.u32 s28, $0x280;
	v2 =	vld [tilespmem:s29+$0x168F0]  }
0x8b6: {  	v5 =	vld [tilespmem:s29+$0xA880];
	[tilespmem:s26+$0xA8C0] =	vst v0;
	v0 =	vmul.f32 v3, v1  }
0x8b7: {  	v1 =	vld [tilespmem:s29+$0x16880]  }
0x8b8: {  	v3 =	vld [tilespmem:s29+$0xA890];
	[tilespmem:s26+$0xA8D0] =	vst v0;
	v0 =	vmul.f32 v6, v4  }
0x8b9: {  	v4 =	vld [tilespmem:s29+$0x16890]  }
0x8ba: {  	v6 =	vld [tilespmem:s29+$0xA8A0];
	v2 =	vmul.f32 v2, v7;
	[tilespmem:s26+$0xA8E0] =	vst v0;
	s26 =	smov.u32 s29  }
0x8bb: {  	v7 =	vld [tilespmem:s26+$0x168A0]  }
0x8bc: {  	v0 =	vmul.f32 v1, v5;
	v5 =	vld [tilespmem:s26+$0xA8B0];
	[tilespmem:s26+$0xA8F0] =	vst v2  }
0x8bd: {  	v8 =	vld [tilespmem:s26+$0x168B0]  }
.Ltmp59:
0x8be: {  	[tilespmem:s26+$0xA880] =	vst v0;
	v1 =	vmul.f32 v4, v3;
	v0 =	vld [tilespmem:s26+$0xA8C0];
	(pc) =	sbr.rel @p1 .LBB2_117-.Ltmp59, $4  }
0x8bf: {  	v2 =	vld [tilespmem:s26+$0x168C0]  }
0x8c0: {  	[tilespmem:s26+$0xA890] =	vst v1;
	v4 =	vmul.f32 v7, v6;
	v1 =	vld [tilespmem:s26+$0xA8D0]  }
0x8c1: {  	v3 =	vld [tilespmem:s26+$0x168D0]  }
0x8c2: {  	s2 =	sadd.s32 $0x1000, s2;
	[tilespmem:s26+$0xA8A0] =	vst v4;
	v5 =	vmul.f32 v8, v5;
	v4 =	vld [tilespmem:s26+$0xA8E0]  }
0x8c3: {  	v6 =	vld [tilespmem:s26+$0x168E0];
	_ =	sdelay $0x2  }
0x8c4: {  	v0 =	vmul.f32 v2, v0  }
0x8c5: {  	[tilespmem:s26+$0xA8B0] =	vst v5;
	v1 =	vmul.f32 v3, v1  }
0x8c6: {  	[tilespmem:s26+$0xA8C0] =	vst v0;
	v0 =	vmul.f32 v6, v4  }
0x8c7: {  	[tilespmem:s26+$0xA8D0] =	vst v1  }
0x8c8: {  	[tilespmem:s26+$0xA8E0] =	vst v0;
	s26 =	simm.s32 $0x0  }
0x8c9: {  	v0 =	vld [tilespmem:s26+$0xA970]  }
0x8ca: {  	v1 =	vld [tilespmem:s26+$0x16970]  }
0x8cb: {  	v2 =	vld [tilespmem:s26+$0xA900]  }
0x8cc: {  	v3 =	vld [tilespmem:s26+$0x16900]  }
0x8cd: {  	v4 =	vld [tilespmem:s26+$0xA910]  }
0x8ce: {  	v5 =	vld [tilespmem:s26+$0x16910]  }
0x8cf: {  	v6 =	vld [tilespmem:s26+$0xA920]  }
0x8d0: {  	v7 =	vld [tilespmem:s26+$0x16920]  }
0x8d1: {  	v8 =	vld [tilespmem:s26+$0xA930]  }
0x8d2: {  	v9 =	vld [tilespmem:s26+$0x16930];
	v1 =	vmul.f32 v1, v0  }
0x8d3: {  	v3 =	vmul.f32 v3, v2;
	v0 =	vld [tilespmem:s26+$0xA940]  }
0x8d4: {  	v4 =	vmul.f32 v5, v4;
	v2 =	vld [tilespmem:s26+$0x16940];
	[tilespmem:s26+$0xA970] =	vst v1  }
0x8d5: {  	v5 =	vmul.f32 v7, v6;
	[tilespmem:s26+$0xA900] =	vst v3;
	v1 =	vld [tilespmem:s26+$0xA950]  }
0x8d6: {  	[tilespmem:s26+$0xA910] =	vst v4;
	v3 =	vld [tilespmem:s26+$0x16950]  }
0x8d7: {  	s29 =	simm.s32 $0x0;
	s2 =	simm.s32 $0x1000;
	s28 =	simm.s32 $0x0;
	[tilespmem:s26+$0xA920] =	vst v5;
	v5 =	vmul.f32 v9, v8;
	v4 =	vld [tilespmem:s26+$0xA960]  }
.LBB2_119:
0x8d8: {  	s30 =	sshra.s32 s2, $0x2;
	v6 =	vld [tilespmem:s28+$0x16960]  }
0x8d9: {  	s29 =	sadd.s32 $0x80, s29;
	v7 =	vld [tilespmem:s30+$0xA970];
	[tilespmem:s28+$0xA930] =	vst v5;
	v0 =	vmul.f32 v2, v0  }
0x8da: {  	p1 =	slt.u32 s29, $0x280;
	v2 =	vld [tilespmem:s30+$0x16970]  }
0x8db: {  	v5 =	vld [tilespmem:s30+$0xA900];
	[tilespmem:s28+$0xA940] =	vst v0;
	v0 =	vmul.f32 v3, v1  }
0x8dc: {  	v1 =	vld [tilespmem:s30+$0x16900]  }
0x8dd: {  	v3 =	vld [tilespmem:s30+$0xA910];
	[tilespmem:s28+$0xA950] =	vst v0;
	v0 =	vmul.f32 v6, v4  }
0x8de: {  	v4 =	vld [tilespmem:s30+$0x16910]  }
0x8df: {  	v6 =	vld [tilespmem:s30+$0xA920];
	v2 =	vmul.f32 v2, v7;
	[tilespmem:s28+$0xA960] =	vst v0;
	s28 =	smov.u32 s30  }
0x8e0: {  	v7 =	vld [tilespmem:s28+$0x16920]  }
0x8e1: {  	v0 =	vmul.f32 v1, v5;
	v5 =	vld [tilespmem:s28+$0xA930];
	[tilespmem:s28+$0xA970] =	vst v2  }
0x8e2: {  	v8 =	vld [tilespmem:s28+$0x16930]  }
.Ltmp60:
0x8e3: {  	[tilespmem:s28+$0xA900] =	vst v0;
	v1 =	vmul.f32 v4, v3;
	v0 =	vld [tilespmem:s28+$0xA940];
	(pc) =	sbr.rel @p1 .LBB2_119-.Ltmp60, $4  }
0x8e4: {  	v2 =	vld [tilespmem:s28+$0x16940]  }
0x8e5: {  	[tilespmem:s28+$0xA910] =	vst v1;
	v4 =	vmul.f32 v7, v6;
	v1 =	vld [tilespmem:s28+$0xA950]  }
0x8e6: {  	v3 =	vld [tilespmem:s28+$0x16950]  }
0x8e7: {  	s2 =	sadd.s32 $0x1000, s2;
	[tilespmem:s28+$0xA920] =	vst v4;
	v5 =	vmul.f32 v8, v5;
	v4 =	vld [tilespmem:s28+$0xA960]  }
0x8e8: {  	v6 =	vld [tilespmem:s28+$0x16960];
	_ =	sdelay $0x2  }
0x8e9: {  	v0 =	vmul.f32 v2, v0  }
0x8ea: {  	[tilespmem:s28+$0xA930] =	vst v5;
	v1 =	vmul.f32 v3, v1  }
0x8eb: {  	[tilespmem:s28+$0xA940] =	vst v0;
	v0 =	vmul.f32 v6, v4  }
0x8ec: {  	[tilespmem:s28+$0xA950] =	vst v1  }
0x8ed: {  	[tilespmem:s28+$0xA960] =	vst v0  }
0x8ee: {  	v0 =	vld [tilespmem:s26+$0xA9F0]  }
0x8ef: {  	v1 =	vld [tilespmem:s26+$0x169F0]  }
0x8f0: {  	v2 =	vld [tilespmem:s26+$0xA980]  }
0x8f1: {  	v3 =	vld [tilespmem:s26+$0x16980]  }
0x8f2: {  	v4 =	vld [tilespmem:s26+$0xA990]  }
0x8f3: {  	v5 =	vld [tilespmem:s26+$0x16990]  }
0x8f4: {  	v6 =	vld [tilespmem:s26+$0xA9A0]  }
0x8f5: {  	v7 =	vld [tilespmem:s26+$0x169A0]  }
0x8f6: {  	v8 =	vld [tilespmem:s26+$0xA9B0]  }
0x8f7: {  	v9 =	vld [tilespmem:s26+$0x169B0];
	v1 =	vmul.f32 v1, v0  }
0x8f8: {  	v3 =	vmul.f32 v3, v2;
	v0 =	vld [tilespmem:s26+$0xA9C0]  }
0x8f9: {  	v4 =	vmul.f32 v5, v4;
	v2 =	vld [tilespmem:s26+$0x169C0];
	[tilespmem:s26+$0xA9F0] =	vst v1  }
0x8fa: {  	v5 =	vmul.f32 v7, v6;
	[tilespmem:s26+$0xA980] =	vst v3;
	v1 =	vld [tilespmem:s26+$0xA9D0]  }
0x8fb: {  	[tilespmem:s26+$0xA990] =	vst v4;
	v3 =	vld [tilespmem:s26+$0x169D0]  }
0x8fc: {  	s2 =	simm.s32 $0x1000;
	s28 =	simm.s32 $0x0;
	[tilespmem:s26+$0xA9A0] =	vst v5;
	v5 =	vmul.f32 v9, v8;
	v4 =	vld [tilespmem:s26+$0xA9E0]  }
.LBB2_121:
0x8fd: {  	s29 =	sshra.s32 s2, $0x2;
	v6 =	vld [tilespmem:s26+$0x169E0]  }
0x8fe: {  	s28 =	sadd.s32 $0x80, s28;
	v7 =	vld [tilespmem:s29+$0xA9F0];
	[tilespmem:s26+$0xA9B0] =	vst v5;
	v0 =	vmul.f32 v2, v0  }
0x8ff: {  	p1 =	slt.u32 s28, $0x280;
	v2 =	vld [tilespmem:s29+$0x169F0]  }
0x900: {  	v5 =	vld [tilespmem:s29+$0xA980];
	[tilespmem:s26+$0xA9C0] =	vst v0;
	v0 =	vmul.f32 v3, v1  }
0x901: {  	v1 =	vld [tilespmem:s29+$0x16980]  }
0x902: {  	v3 =	vld [tilespmem:s29+$0xA990];
	[tilespmem:s26+$0xA9D0] =	vst v0;
	v0 =	vmul.f32 v6, v4  }
0x903: {  	v4 =	vld [tilespmem:s29+$0x16990]  }
0x904: {  	v6 =	vld [tilespmem:s29+$0xA9A0];
	v2 =	vmul.f32 v2, v7;
	[tilespmem:s26+$0xA9E0] =	vst v0;
	s26 =	smov.u32 s29  }
0x905: {  	v7 =	vld [tilespmem:s26+$0x169A0]  }
0x906: {  	v0 =	vmul.f32 v1, v5;
	v5 =	vld [tilespmem:s26+$0xA9B0];
	[tilespmem:s26+$0xA9F0] =	vst v2  }
0x907: {  	v8 =	vld [tilespmem:s26+$0x169B0]  }
.Ltmp61:
0x908: {  	[tilespmem:s26+$0xA980] =	vst v0;
	v1 =	vmul.f32 v4, v3;
	v0 =	vld [tilespmem:s26+$0xA9C0];
	(pc) =	sbr.rel @p1 .LBB2_121-.Ltmp61, $4  }
0x909: {  	v2 =	vld [tilespmem:s26+$0x169C0]  }
0x90a: {  	[tilespmem:s26+$0xA990] =	vst v1;
	v4 =	vmul.f32 v7, v6;
	v1 =	vld [tilespmem:s26+$0xA9D0]  }
0x90b: {  	v3 =	vld [tilespmem:s26+$0x169D0]  }
0x90c: {  	s2 =	sadd.s32 $0x1000, s2;
	[tilespmem:s26+$0xA9A0] =	vst v4;
	v5 =	vmul.f32 v8, v5;
	v4 =	vld [tilespmem:s26+$0xA9E0]  }
0x90d: {  	v6 =	vld [tilespmem:s26+$0x169E0];
	_ =	sdelay $0x2  }
0x90e: {  	v0 =	vmul.f32 v2, v0  }
0x90f: {  	[tilespmem:s26+$0xA9B0] =	vst v5;
	v1 =	vmul.f32 v3, v1  }
0x910: {  	[tilespmem:s26+$0xA9C0] =	vst v0;
	v0 =	vmul.f32 v6, v4  }
0x911: {  	[tilespmem:s26+$0xA9D0] =	vst v1  }
0x912: {  	[tilespmem:s26+$0xA9E0] =	vst v0;
	s26 =	simm.s32 $0x0  }
0x913: {  	v0 =	vld [tilespmem:s26+$0xAA70]  }
0x914: {  	v1 =	vld [tilespmem:s26+$0x16A70]  }
0x915: {  	v2 =	vld [tilespmem:s26+$0xAA00]  }
0x916: {  	v3 =	vld [tilespmem:s26+$0x16A00]  }
0x917: {  	v4 =	vld [tilespmem:s26+$0xAA10]  }
0x918: {  	v5 =	vld [tilespmem:s26+$0x16A10]  }
0x919: {  	v6 =	vld [tilespmem:s26+$0xAA20]  }
0x91a: {  	v7 =	vld [tilespmem:s26+$0x16A20]  }
0x91b: {  	v8 =	vld [tilespmem:s26+$0xAA30]  }
0x91c: {  	v9 =	vld [tilespmem:s26+$0x16A30];
	v1 =	vmul.f32 v1, v0  }
0x91d: {  	v3 =	vmul.f32 v3, v2;
	v0 =	vld [tilespmem:s26+$0xAA40]  }
0x91e: {  	v4 =	vmul.f32 v5, v4;
	v2 =	vld [tilespmem:s26+$0x16A40];
	[tilespmem:s26+$0xAA70] =	vst v1  }
0x91f: {  	v5 =	vmul.f32 v7, v6;
	[tilespmem:s26+$0xAA00] =	vst v3;
	v1 =	vld [tilespmem:s26+$0xAA50]  }
0x920: {  	[tilespmem:s26+$0xAA10] =	vst v4;
	v3 =	vld [tilespmem:s26+$0x16A50]  }
0x921: {  	s29 =	simm.s32 $0x0;
	s2 =	simm.s32 $0x1000;
	s28 =	simm.s32 $0x0;
	[tilespmem:s26+$0xAA20] =	vst v5;
	v5 =	vmul.f32 v9, v8;
	v4 =	vld [tilespmem:s26+$0xAA60]  }
.LBB2_123:
0x922: {  	s30 =	sshra.s32 s2, $0x2;
	v6 =	vld [tilespmem:s28+$0x16A60]  }
0x923: {  	s29 =	sadd.s32 $0x80, s29;
	v7 =	vld [tilespmem:s30+$0xAA70];
	[tilespmem:s28+$0xAA30] =	vst v5;
	v0 =	vmul.f32 v2, v0  }
0x924: {  	p1 =	slt.u32 s29, $0x280;
	v2 =	vld [tilespmem:s30+$0x16A70]  }
0x925: {  	v5 =	vld [tilespmem:s30+$0xAA00];
	[tilespmem:s28+$0xAA40] =	vst v0;
	v0 =	vmul.f32 v3, v1  }
0x926: {  	v1 =	vld [tilespmem:s30+$0x16A00]  }
0x927: {  	v3 =	vld [tilespmem:s30+$0xAA10];
	[tilespmem:s28+$0xAA50] =	vst v0;
	v0 =	vmul.f32 v6, v4  }
0x928: {  	v4 =	vld [tilespmem:s30+$0x16A10]  }
0x929: {  	v6 =	vld [tilespmem:s30+$0xAA20];
	v2 =	vmul.f32 v2, v7;
	[tilespmem:s28+$0xAA60] =	vst v0;
	s28 =	smov.u32 s30  }
0x92a: {  	v7 =	vld [tilespmem:s28+$0x16A20]  }
0x92b: {  	v0 =	vmul.f32 v1, v5;
	v5 =	vld [tilespmem:s28+$0xAA30];
	[tilespmem:s28+$0xAA70] =	vst v2  }
0x92c: {  	v8 =	vld [tilespmem:s28+$0x16A30]  }
.Ltmp62:
0x92d: {  	[tilespmem:s28+$0xAA00] =	vst v0;
	v1 =	vmul.f32 v4, v3;
	v0 =	vld [tilespmem:s28+$0xAA40];
	(pc) =	sbr.rel @p1 .LBB2_123-.Ltmp62, $4  }
0x92e: {  	v2 =	vld [tilespmem:s28+$0x16A40]  }
0x92f: {  	[tilespmem:s28+$0xAA10] =	vst v1;
	v4 =	vmul.f32 v7, v6;
	v1 =	vld [tilespmem:s28+$0xAA50]  }
0x930: {  	v3 =	vld [tilespmem:s28+$0x16A50]  }
0x931: {  	s2 =	sadd.s32 $0x1000, s2;
	[tilespmem:s28+$0xAA20] =	vst v4;
	v5 =	vmul.f32 v8, v5;
	v4 =	vld [tilespmem:s28+$0xAA60]  }
0x932: {  	v6 =	vld [tilespmem:s28+$0x16A60];
	_ =	sdelay $0x2  }
0x933: {  	v0 =	vmul.f32 v2, v0  }
0x934: {  	[tilespmem:s28+$0xAA30] =	vst v5;
	v1 =	vmul.f32 v3, v1  }
0x935: {  	[tilespmem:s28+$0xAA40] =	vst v0;
	v0 =	vmul.f32 v6, v4  }
0x936: {  	[tilespmem:s28+$0xAA50] =	vst v1  }
0x937: {  	[tilespmem:s28+$0xAA60] =	vst v0  }
0x938: {  	v0 =	vld [tilespmem:s26+$0xAAF0]  }
0x939: {  	v1 =	vld [tilespmem:s26+$0x16AF0]  }
0x93a: {  	v2 =	vld [tilespmem:s26+$0xAA80]  }
0x93b: {  	v3 =	vld [tilespmem:s26+$0x16A80]  }
0x93c: {  	v4 =	vld [tilespmem:s26+$0xAA90]  }
0x93d: {  	v5 =	vld [tilespmem:s26+$0x16A90]  }
0x93e: {  	v6 =	vld [tilespmem:s26+$0xAAA0]  }
0x93f: {  	v7 =	vld [tilespmem:s26+$0x16AA0]  }
0x940: {  	v8 =	vld [tilespmem:s26+$0xAAB0]  }
0x941: {  	v9 =	vld [tilespmem:s26+$0x16AB0];
	v1 =	vmul.f32 v1, v0  }
0x942: {  	v3 =	vmul.f32 v3, v2;
	v0 =	vld [tilespmem:s26+$0xAAC0]  }
0x943: {  	v4 =	vmul.f32 v5, v4;
	v2 =	vld [tilespmem:s26+$0x16AC0];
	[tilespmem:s26+$0xAAF0] =	vst v1  }
0x944: {  	v5 =	vmul.f32 v7, v6;
	[tilespmem:s26+$0xAA80] =	vst v3;
	v1 =	vld [tilespmem:s26+$0xAAD0]  }
0x945: {  	[tilespmem:s26+$0xAA90] =	vst v4;
	v3 =	vld [tilespmem:s26+$0x16AD0]  }
0x946: {  	s2 =	simm.s32 $0x1000;
	s28 =	simm.s32 $0x0;
	[tilespmem:s26+$0xAAA0] =	vst v5;
	v5 =	vmul.f32 v9, v8;
	v4 =	vld [tilespmem:s26+$0xAAE0]  }
.LBB2_125:
0x947: {  	s29 =	sshra.s32 s2, $0x2;
	v6 =	vld [tilespmem:s26+$0x16AE0]  }
0x948: {  	s28 =	sadd.s32 $0x80, s28;
	v7 =	vld [tilespmem:s29+$0xAAF0];
	[tilespmem:s26+$0xAAB0] =	vst v5;
	v0 =	vmul.f32 v2, v0  }
0x949: {  	p1 =	slt.u32 s28, $0x280;
	v2 =	vld [tilespmem:s29+$0x16AF0]  }
0x94a: {  	v5 =	vld [tilespmem:s29+$0xAA80];
	[tilespmem:s26+$0xAAC0] =	vst v0;
	v0 =	vmul.f32 v3, v1  }
0x94b: {  	v1 =	vld [tilespmem:s29+$0x16A80]  }
0x94c: {  	v3 =	vld [tilespmem:s29+$0xAA90];
	[tilespmem:s26+$0xAAD0] =	vst v0;
	v0 =	vmul.f32 v6, v4  }
0x94d: {  	v4 =	vld [tilespmem:s29+$0x16A90]  }
0x94e: {  	v6 =	vld [tilespmem:s29+$0xAAA0];
	v2 =	vmul.f32 v2, v7;
	[tilespmem:s26+$0xAAE0] =	vst v0;
	s26 =	smov.u32 s29  }
0x94f: {  	v7 =	vld [tilespmem:s26+$0x16AA0]  }
0x950: {  	v0 =	vmul.f32 v1, v5;
	v5 =	vld [tilespmem:s26+$0xAAB0];
	[tilespmem:s26+$0xAAF0] =	vst v2  }
0x951: {  	v8 =	vld [tilespmem:s26+$0x16AB0]  }
.Ltmp63:
0x952: {  	[tilespmem:s26+$0xAA80] =	vst v0;
	v1 =	vmul.f32 v4, v3;
	v0 =	vld [tilespmem:s26+$0xAAC0];
	(pc) =	sbr.rel @p1 .LBB2_125-.Ltmp63, $4  }
0x953: {  	v2 =	vld [tilespmem:s26+$0x16AC0]  }
0x954: {  	[tilespmem:s26+$0xAA90] =	vst v1;
	v4 =	vmul.f32 v7, v6;
	v1 =	vld [tilespmem:s26+$0xAAD0]  }
0x955: {  	v3 =	vld [tilespmem:s26+$0x16AD0]  }
0x956: {  	s2 =	sadd.s32 $0x1000, s2;
	[tilespmem:s26+$0xAAA0] =	vst v4;
	v5 =	vmul.f32 v8, v5;
	v4 =	vld [tilespmem:s26+$0xAAE0]  }
0x957: {  	v6 =	vld [tilespmem:s26+$0x16AE0];
	_ =	sdelay $0x2  }
0x958: {  	v0 =	vmul.f32 v2, v0  }
0x959: {  	[tilespmem:s26+$0xAAB0] =	vst v5;
	v1 =	vmul.f32 v3, v1  }
0x95a: {  	[tilespmem:s26+$0xAAC0] =	vst v0;
	v0 =	vmul.f32 v6, v4  }
0x95b: {  	[tilespmem:s26+$0xAAD0] =	vst v1  }
0x95c: {  	[tilespmem:s26+$0xAAE0] =	vst v0;
	s26 =	simm.s32 $0x0  }
0x95d: {  	v0 =	vld [tilespmem:s26+$0xAB70]  }
0x95e: {  	v1 =	vld [tilespmem:s26+$0x16B70]  }
0x95f: {  	v2 =	vld [tilespmem:s26+$0xAB00]  }
0x960: {  	v3 =	vld [tilespmem:s26+$0x16B00]  }
0x961: {  	v4 =	vld [tilespmem:s26+$0xAB10]  }
0x962: {  	v5 =	vld [tilespmem:s26+$0x16B10]  }
0x963: {  	v6 =	vld [tilespmem:s26+$0xAB20]  }
0x964: {  	v7 =	vld [tilespmem:s26+$0x16B20]  }
0x965: {  	v8 =	vld [tilespmem:s26+$0xAB30]  }
0x966: {  	v9 =	vld [tilespmem:s26+$0x16B30];
	v1 =	vmul.f32 v1, v0  }
0x967: {  	v3 =	vmul.f32 v3, v2;
	v0 =	vld [tilespmem:s26+$0xAB40]  }
0x968: {  	v4 =	vmul.f32 v5, v4;
	v2 =	vld [tilespmem:s26+$0x16B40];
	[tilespmem:s26+$0xAB70] =	vst v1  }
0x969: {  	v5 =	vmul.f32 v7, v6;
	[tilespmem:s26+$0xAB00] =	vst v3;
	v1 =	vld [tilespmem:s26+$0xAB50]  }
0x96a: {  	[tilespmem:s26+$0xAB10] =	vst v4;
	v3 =	vld [tilespmem:s26+$0x16B50]  }
0x96b: {  	s29 =	simm.s32 $0x0;
	s2 =	simm.s32 $0x1000;
	s28 =	simm.s32 $0x0;
	[tilespmem:s26+$0xAB20] =	vst v5;
	v5 =	vmul.f32 v9, v8;
	v4 =	vld [tilespmem:s26+$0xAB60]  }
.LBB2_127:
0x96c: {  	s30 =	sshra.s32 s2, $0x2;
	v6 =	vld [tilespmem:s28+$0x16B60]  }
0x96d: {  	s29 =	sadd.s32 $0x80, s29;
	v7 =	vld [tilespmem:s30+$0xAB70];
	[tilespmem:s28+$0xAB30] =	vst v5;
	v0 =	vmul.f32 v2, v0  }
0x96e: {  	p1 =	slt.u32 s29, $0x280;
	v2 =	vld [tilespmem:s30+$0x16B70]  }
0x96f: {  	v5 =	vld [tilespmem:s30+$0xAB00];
	[tilespmem:s28+$0xAB40] =	vst v0;
	v0 =	vmul.f32 v3, v1  }
0x970: {  	v1 =	vld [tilespmem:s30+$0x16B00]  }
0x971: {  	v3 =	vld [tilespmem:s30+$0xAB10];
	[tilespmem:s28+$0xAB50] =	vst v0;
	v0 =	vmul.f32 v6, v4  }
0x972: {  	v4 =	vld [tilespmem:s30+$0x16B10]  }
0x973: {  	v6 =	vld [tilespmem:s30+$0xAB20];
	v2 =	vmul.f32 v2, v7;
	[tilespmem:s28+$0xAB60] =	vst v0;
	s28 =	smov.u32 s30  }
0x974: {  	v7 =	vld [tilespmem:s28+$0x16B20]  }
0x975: {  	v0 =	vmul.f32 v1, v5;
	v5 =	vld [tilespmem:s28+$0xAB30];
	[tilespmem:s28+$0xAB70] =	vst v2  }
0x976: {  	v8 =	vld [tilespmem:s28+$0x16B30]  }
.Ltmp64:
0x977: {  	[tilespmem:s28+$0xAB00] =	vst v0;
	v1 =	vmul.f32 v4, v3;
	v0 =	vld [tilespmem:s28+$0xAB40];
	(pc) =	sbr.rel @p1 .LBB2_127-.Ltmp64, $4  }
0x978: {  	v2 =	vld [tilespmem:s28+$0x16B40]  }
0x979: {  	[tilespmem:s28+$0xAB10] =	vst v1;
	v4 =	vmul.f32 v7, v6;
	v1 =	vld [tilespmem:s28+$0xAB50]  }
0x97a: {  	v3 =	vld [tilespmem:s28+$0x16B50]  }
0x97b: {  	s2 =	sadd.s32 $0x1000, s2;
	[tilespmem:s28+$0xAB20] =	vst v4;
	v5 =	vmul.f32 v8, v5;
	v4 =	vld [tilespmem:s28+$0xAB60]  }
0x97c: {  	v6 =	vld [tilespmem:s28+$0x16B60];
	_ =	sdelay $0x2  }
0x97d: {  	v0 =	vmul.f32 v2, v0  }
0x97e: {  	[tilespmem:s28+$0xAB30] =	vst v5;
	v1 =	vmul.f32 v3, v1  }
0x97f: {  	[tilespmem:s28+$0xAB40] =	vst v0;
	v0 =	vmul.f32 v6, v4  }
0x980: {  	[tilespmem:s28+$0xAB50] =	vst v1  }
0x981: {  	[tilespmem:s28+$0xAB60] =	vst v0  }
0x982: {  	v0 =	vld [tilespmem:s26+$0xABF0]  }
0x983: {  	v1 =	vld [tilespmem:s26+$0x16BF0]  }
0x984: {  	v2 =	vld [tilespmem:s26+$0xAB80]  }
0x985: {  	v3 =	vld [tilespmem:s26+$0x16B80]  }
0x986: {  	v4 =	vld [tilespmem:s26+$0xAB90]  }
0x987: {  	v5 =	vld [tilespmem:s26+$0x16B90]  }
0x988: {  	v6 =	vld [tilespmem:s26+$0xABA0]  }
0x989: {  	v7 =	vld [tilespmem:s26+$0x16BA0]  }
0x98a: {  	v8 =	vld [tilespmem:s26+$0xABB0]  }
0x98b: {  	v9 =	vld [tilespmem:s26+$0x16BB0];
	v1 =	vmul.f32 v1, v0  }
0x98c: {  	v3 =	vmul.f32 v3, v2;
	v0 =	vld [tilespmem:s26+$0xABC0]  }
0x98d: {  	v4 =	vmul.f32 v5, v4;
	v2 =	vld [tilespmem:s26+$0x16BC0];
	[tilespmem:s26+$0xABF0] =	vst v1  }
0x98e: {  	v5 =	vmul.f32 v7, v6;
	[tilespmem:s26+$0xAB80] =	vst v3;
	v1 =	vld [tilespmem:s26+$0xABD0]  }
0x98f: {  	[tilespmem:s26+$0xAB90] =	vst v4;
	v3 =	vld [tilespmem:s26+$0x16BD0]  }
0x990: {  	s2 =	simm.s32 $0x1000;
	s28 =	simm.s32 $0x0;
	[tilespmem:s26+$0xABA0] =	vst v5;
	v5 =	vmul.f32 v9, v8;
	v4 =	vld [tilespmem:s26+$0xABE0]  }
.LBB2_129:
0x991: {  	s29 =	sshra.s32 s2, $0x2;
	v6 =	vld [tilespmem:s26+$0x16BE0]  }
0x992: {  	s28 =	sadd.s32 $0x80, s28;
	v7 =	vld [tilespmem:s29+$0xABF0];
	[tilespmem:s26+$0xABB0] =	vst v5;
	v0 =	vmul.f32 v2, v0  }
0x993: {  	p1 =	slt.u32 s28, $0x280;
	v2 =	vld [tilespmem:s29+$0x16BF0]  }
0x994: {  	v5 =	vld [tilespmem:s29+$0xAB80];
	[tilespmem:s26+$0xABC0] =	vst v0;
	v0 =	vmul.f32 v3, v1  }
0x995: {  	v1 =	vld [tilespmem:s29+$0x16B80]  }
0x996: {  	v3 =	vld [tilespmem:s29+$0xAB90];
	[tilespmem:s26+$0xABD0] =	vst v0;
	v0 =	vmul.f32 v6, v4  }
0x997: {  	v4 =	vld [tilespmem:s29+$0x16B90]  }
0x998: {  	v6 =	vld [tilespmem:s29+$0xABA0];
	v2 =	vmul.f32 v2, v7;
	[tilespmem:s26+$0xABE0] =	vst v0;
	s26 =	smov.u32 s29  }
0x999: {  	v7 =	vld [tilespmem:s26+$0x16BA0]  }
0x99a: {  	v0 =	vmul.f32 v1, v5;
	v5 =	vld [tilespmem:s26+$0xABB0];
	[tilespmem:s26+$0xABF0] =	vst v2  }
0x99b: {  	v8 =	vld [tilespmem:s26+$0x16BB0]  }
.Ltmp65:
0x99c: {  	[tilespmem:s26+$0xAB80] =	vst v0;
	v1 =	vmul.f32 v4, v3;
	v0 =	vld [tilespmem:s26+$0xABC0];
	(pc) =	sbr.rel @p1 .LBB2_129-.Ltmp65, $4  }
0x99d: {  	v2 =	vld [tilespmem:s26+$0x16BC0]  }
0x99e: {  	[tilespmem:s26+$0xAB90] =	vst v1;
	v4 =	vmul.f32 v7, v6;
	v1 =	vld [tilespmem:s26+$0xABD0]  }
0x99f: {  	v3 =	vld [tilespmem:s26+$0x16BD0]  }
0x9a0: {  	s2 =	sadd.s32 $0x1000, s2;
	[tilespmem:s26+$0xABA0] =	vst v4;
	v5 =	vmul.f32 v8, v5;
	v4 =	vld [tilespmem:s26+$0xABE0]  }
0x9a1: {  	v6 =	vld [tilespmem:s26+$0x16BE0];
	_ =	sdelay $0x2  }
0x9a2: {  	v0 =	vmul.f32 v2, v0  }
.Ltmp66:
0x9a3: {  	[tilespmem:s26+$0xABB0] =	vst v5;
	v1 =	vmul.f32 v3, v1;
	(pc) =	sbr.rel @p0 .LBB2_132-.Ltmp66, $4  }
0x9a4: {  	[tilespmem:s26+$0xABC0] =	vst v0;
	v63 =	vmul.f32 v6, v4  }
0x9a5: {  	[tilespmem:s26+$0xABD0] =	vst v1  }
0x9a6: {  	s2 =	sadd.s32 s4, s25;
	[tilespmem:s26+$0xABE0] =	vst v63  }
0x9a7: {  	[hbm4b:s2+s6] =	stream.linear.scatter [tilespmem:s16], [sflag:$0x6], $0x6000, $0x38;
	[tilespmem:$0x18000] =	vst v63  }
0x9a8: {  	s2 =	sadd.s32 s24, s12  }
.Ltmp67:
0x9a9: {  	s2 =	sshrl.u32 s2, $0x3;
	(pc) =	sbr.rel .LBB2_2-.Ltmp67, $3  }
0x9aa: {  	s2 =	smul.u32 $0x300, s2;
	_ =	sdelay $0x1  }
0x9ab: {  	s23 =	sadd.s32 $0x1, s23;
	s2 =	sadd.s32 s3, s2  }
0x9ac: {  	[tilespmem:s15], [sflag:$0x4] =	stream.linear.gather [hbm4b:s2+s6], $0x6000, $0x38;
	[tilespmem:$0x18000] =	vst v63  }
.LBB2_133:
0x9ad: {  	_ =	sfence.sel $0x180000  }
0x9ae: {  	[bflag:$0x0] =	sbarrier.arrive $0xFFFF  }
0x9af: {  	_ =	strace $0x90000047  }
0x9b0: {  	[bflag:$0x2] =	sbarrier.arrive $0xFFFF  }
0x9b1: {  	p0 =	sne.s32 s0, $0x0;
	s0 =	rddreg [dreg:$0x3]  }
0x9b2: {  	s0 =	sadd.s32 @!p0 $0x100000, s0  }
0x9b3: {  	[sflag:s0] =	ssyncadd.tile.s32 @!p0 $0x1;
	_ =	shalt  }
.Lfunc_end2:
_tile_overlayer_lowered:
.L_overlay_start_2:
0x9b4: {  	(tag) =	ssettag $0x2  }
0x9b5: {  	s0 =	rddreg [dreg:$0x0];
	s2 =	stileid.u32  }
0x9b6: {  	s1 =	rddreg [dreg:$0x1];
	p0 =	sne.s32 s2, $0x0  }
0x9b7: {  	s3 =	rddreg [dreg:$0x2];
	[bflag:$0x3] =	sbarrier.arrive $0xFFFF;
	s2 =	simm.s32 @!p0 $0x1C07  }
0x9b8: {  	[timem:s3], [sflag:s2] =	dma.local @!p0 [hbm:s0], s1  }
0x9b9: {  	s0 =	simm.s32 @!p0 $0x7  }
0x9ba: {  	_ =	swait.ge @!p0 [sflag:s0], s1  }
0x9bb: {  	s1 =	ssub.s32 @!p0 $0x0, s1;
	[sflag:s0] =	ssyncset.done @!p0 $0x0  }
0x9bc: {  	[sflag:s0] =	ssyncadd.s32 @!p0 s1  }
0x9bd: {  	[bflag:$0x3] =	sbarrier.arrive $0xFFFF  }
0x9be: {  	_ =	shalt  }

</sc_bundles>
